<compile_context>
chip_gen: v7x
topology: tpu7x:2x2x1
jax: 0.10.2.dev20260603
libtpu: 0.0.44.dev20260713+nightly
codegen_flags: <defaults>
</compile_context>

<pallas_src>
import functools

import jax
import jax.numpy as jnp
from jax import lax
from jax.experimental import pallas as pl
from jax.experimental.pallas import tpu as pltpu
from jax.experimental.pallas import tpu_sc as plsc

NC = 2
NS = 16
NW = NC * NS
L = 16
D = 32

S = 16
DESC = 80
NDESC = 10
NORM_UNROLL = 2


def _rsqrt_nr(s):
    i = plsc.bitcast(s, jnp.int32)
    i = jnp.int32(0x5F3759DF) - lax.shift_right_logical(i, 1)
    y = plsc.bitcast(i, jnp.float32)
    for _ in range(3):
        y = y * (1.5 - 0.5 * s * y * y)
    return y


@functools.cache
def _build(b, l):
    rows_per_w = b // NW
    steps = rows_per_w // S
    assert b % NW == 0 and rows_per_w % S == 0 and steps % 2 == 0

    mesh = plsc.VectorSubcoreMesh(
        core_axis_name="c", subcore_axis_name="s", num_cores=NC, num_subcores=NS
    )

    @functools.partial(
        pl.kernel,
        out_type=jax.ShapeDtypeStruct((l, D // 8, b // 128, 8, 128), jnp.float32),
        mesh=mesh,
        compiler_params=pltpu.CompilerParams(
            needs_layout_passes=False, use_tc_tiling_on_sc=False
        ),
        scratch_types=[
            pltpu.VMEM((2, S * l), jnp.int32),
            pltpu.VMEM((2, S * l, D), jnp.float32),
            pltpu.VMEM((2, l, D // 8, 8, S), jnp.float32),
            pltpu.SemaphoreType.DMA,
            pltpu.SemaphoreType.DMA,
            pltpu.SemaphoreType.DMA,
            pltpu.SemaphoreType.DMA,
        ],
    )
    def gather_norm(
        x_hbm, table_hbm, out_hbm, idx_v, rows_v, blk_v, g0, g1, w0, w1
    ):
        wid = lax.axis_index("s") * NC + lax.axis_index("c")
        base = wid * rows_per_w
        lane = lax.iota(jnp.int32, L)
        gsems = (g0, g1)
        wsems = (w0, w1)

        def fire(t, p):
            row0 = base + t * S
            pltpu.sync_copy(x_hbm.at[pl.ds(row0 * l, S * l)], idx_v.at[p])
            for i in range(NDESC):
                pltpu.async_copy(
                    table_hbm.at[idx_v.at[p, pl.ds(i * DESC, DESC)]],
                    rows_v.at[p, pl.ds(i * DESC, DESC)], gsems[p],
                )

        def drain_gather(t, p):
            for i in range(NDESC):
                pltpu.make_async_copy(
                    table_hbm.at[idx_v.at[p, pl.ds(i * DESC, DESC)]],
                    rows_v.at[p, pl.ds(i * DESC, DESC)], gsems[p],
                ).wait()

        dd = [jnp.bitwise_and(jnp.int32(d) + lane, D - 1) for d in range(D)]
        dt_c = [lax.shift_right_logical(v, 3) for v in dd]
        dm_c = [jnp.bitwise_and(v, 7) for v in dd]

        def norm(t, p):
            rows_p = rows_v.at[p]
            blk_p = blk_v.at[p]
            lane_l = lane * l

            def one(j):
                rv = lane_l + j
                jv = jnp.full((L,), j, jnp.int32)
                cols = [plsc.load_gather(rows_p, [rv, dd[d]]) for d in range(D)]
                sq = [c * c for c in cols]
                while len(sq) > 1:
                    sq = [a + b for a, b in zip(sq[::2], sq[1::2])]
                y = _rsqrt_nr(sq[0])
                for d, c in enumerate(cols):
                    plsc.store_scatter(blk_p, [jv, dt_c[d], dm_c[d], lane], c * y)

            def body(j2, carry):
                for u in range(NORM_UNROLL):
                    one(j2 * NORM_UNROLL + u)
                return carry

            lax.fori_loop(0, l // NORM_UNROLL, body, 0)

        def _write_dst(t):
            row0 = base + t * S
            return out_hbm.at[:, :, row0 // 128, :, pl.ds(row0 % 128, S)]

        def write(t, p):
            pltpu.async_copy(blk_v.at[p], _write_dst(t), wsems[p])

        def drain_write(t, p):
            pltpu.make_async_copy(blk_v.at[p], _write_dst(t), wsems[p]).wait()

        fire(0, 0)

        def pair(t2, carry):
            for p in (0, 1):
                t = t2 * 2 + p
                drain_gather(t, p)

                @pl.when(t + 1 < steps)
                def _():
                    fire(t + 1, 1 - p)

                @pl.when(t >= 2)
                def _():
                    drain_write(t - 2, p)

                norm(t, p)
                write(t, p)
            return carry

        lax.fori_loop(0, steps // 2, pair, 0)
        drain_write(steps - 2, 0)
        drain_write(steps - 1, 1)

    return gather_norm


def kernel(x, table):
    b, l = x.shape
    n, d = table.shape
    xf, tf = lax.optimization_barrier(
        (x.astype(jnp.int32).reshape(-1), table.reshape(n * d // 128, 128))
    )
    out5 = _build(b, l)(xf, tf.reshape(n, d))
    out_t = out5.transpose(0, 1, 3, 2, 4).reshape(l, D, b)
    return out_t.transpose(2, 0, 1)

# --- scband reference (transcript-rebuilt; emitter-appended) ---
"""Pipeline reference for scband-task-embedding-43705587204698 (READ-ONLY COPY).

The authoritative reference and input builder live on the scoring server;
editing this copy changes nothing except your own understanding.
"""

import jax, jax.numpy as jnp
import numpy as np

NUM_TASKS = 1000000
EMBED_DIM = 32

def setup_inputs(seed: int = 0) -> dict:
    key = jax.random.key(seed)
    k1, k2 = jax.random.split(key)
    x = jax.random.randint(k1, (16384, 50), 0, NUM_TASKS, dtype=jnp.int64 if jax.config.jax_enable_x64 else jnp.int32)
    table = jax.random.normal(k2, (NUM_TASKS, EMBED_DIM), dtype=jnp.float32) * 0.02
    return {"x": x, "table": table}

def reference(x, table):
    # nn.Embed lookup -> gather rows
    emb = jnp.take(table, x, axis=0)  # [B, L, D]
    norm = jnp.linalg.norm(emb, axis=-1, keepdims=True)
    return emb / (norm + 1e-08)

if __name__ == "__main__":
    import jax
    _d = setup_inputs()
    print(jax.jit(kernel)(*tuple(_d.values())))

</pallas_src>

<mosaic_0001>
#map = affine_map<(d0, d1) -> (0)>
#map1 = affine_map<(d0, d1) -> (0, 0)>
#map2 = affine_map<(d0, d1) -> (0, 0, 0, 0, 0)>
module attributes {stable_mosaic.version = 14 : i64} {
  func.func @gather_norm(%arg0: i32, %arg1: i32, %arg2: memref<819200xi32, #tpu.memory_space<hbm>>, %arg3: memref<1000000x32xf32, #tpu.memory_space<hbm>>, %arg4: memref<50x4x128x8x128xf32, #tpu.memory_space<hbm>>, %arg5: memref<2x800xi32, #tpu.memory_space<vmem>>, %arg6: memref<2x800x32xf32, #tpu.memory_space<vmem>>, %arg7: memref<2x50x4x8x16xf32, #tpu.memory_space<vmem>>, %arg8: memref<!tpu.dma_semaphore, #tpu.memory_space<semaphore_mem>>, %arg9: memref<!tpu.dma_semaphore, #tpu.memory_space<semaphore_mem>>, %arg10: memref<!tpu.dma_semaphore, #tpu.memory_space<semaphore_mem>>, %arg11: memref<!tpu.dma_semaphore, #tpu.memory_space<semaphore_mem>>) attributes {dimension_semantics = [#tpu.dimension_semantics<core_parallel>, #tpu.dimension_semantics<subcore_parallel>], iteration_bounds = array<i64: 2, 16>, scalar_prefetch = 0 : i64, scratch_operands = 7 : i64, tpu.core_type = #tpu.core_type<sc_vector_subcore>, window_params = [{transform_indices = #map}, {transform_indices = #map1}, {transform_indices = #map2}]} {
    %mul3A = arith.constant 2 : i32
    %mul3A_0 = arith.muli %arg1, %mul3A : i32
    %add3A = arith.addi %mul3A_0, %arg0 : i32
    %mul3A_1 = arith.constant 512 : i32
    %mul3A_2 = arith.muli %add3A, %mul3A_1 : i32
    %iota3A = tpu.iota {dimensions = array<i32: 0>} : vector<16xi32>
    %add3A_3 = arith.constant 0 : i32
    %add3A_4 = vector.broadcast %add3A_3 : i32 to vector<16xi32>
    %add3A_5 = arith.addi %add3A_4, %iota3A : vector<16xi32>
    %and3A = arith.constant 31 : i32
    %and3A_6 = vector.broadcast %and3A : i32 to vector<16xi32>
    %and3A_7 = arith.andi %add3A_5, %and3A_6 : vector<16xi32>
    %add3A_8 = arith.constant 1 : i32
    %add3A_9 = vector.broadcast %add3A_8 : i32 to vector<16xi32>
    %add3A_10 = arith.addi %add3A_9, %iota3A : vector<16xi32>
    %and3A_11 = arith.constant 31 : i32
    %and3A_12 = vector.broadcast %and3A_11 : i32 to vector<16xi32>
    %and3A_13 = arith.andi %add3A_10, %and3A_12 : vector<16xi32>
    %add3A_14 = arith.constant 2 : i32
    %add3A_15 = vector.broadcast %add3A_14 : i32 to vector<16xi32>
    %add3A_16 = arith.addi %add3A_15, %iota3A : vector<16xi32>
    %and3A_17 = arith.constant 31 : i32
    %and3A_18 = vector.broadcast %and3A_17 : i32 to vector<16xi32>
    %and3A_19 = arith.andi %add3A_16, %and3A_18 : vector<16xi32>
    %add3A_20 = arith.constant 3 : i32
    %add3A_21 = vector.broadcast %add3A_20 : i32 to vector<16xi32>
    %add3A_22 = arith.addi %add3A_21, %iota3A : vector<16xi32>
    %and3A_23 = arith.constant 31 : i32
    %and3A_24 = vector.broadcast %and3A_23 : i32 to vector<16xi32>
    %and3A_25 = arith.andi %add3A_22, %and3A_24 : vector<16xi32>
    %add3A_26 = arith.constant 4 : i32
    %add3A_27 = vector.broadcast %add3A_26 : i32 to vector<16xi32>
    %add3A_28 = arith.addi %add3A_27, %iota3A : vector<16xi32>
    %and3A_29 = arith.constant 31 : i32
    %and3A_30 = vector.broadcast %and3A_29 : i32 to vector<16xi32>
    %and3A_31 = arith.andi %add3A_28, %and3A_30 : vector<16xi32>
    %add3A_32 = arith.constant 5 : i32
    %add3A_33 = vector.broadcast %add3A_32 : i32 to vector<16xi32>
    %add3A_34 = arith.addi %add3A_33, %iota3A : vector<16xi32>
    %and3A_35 = arith.constant 31 : i32
    %and3A_36 = vector.broadcast %and3A_35 : i32 to vector<16xi32>
    %and3A_37 = arith.andi %add3A_34, %and3A_36 : vector<16xi32>
    %add3A_38 = arith.constant 6 : i32
    %add3A_39 = vector.broadcast %add3A_38 : i32 to vector<16xi32>
    %add3A_40 = arith.addi %add3A_39, %iota3A : vector<16xi32>
    %and3A_41 = arith.constant 31 : i32
    %and3A_42 = vector.broadcast %and3A_41 : i32 to vector<16xi32>
    %and3A_43 = arith.andi %add3A_40, %and3A_42 : vector<16xi32>
    %add3A_44 = arith.constant 7 : i32
    %add3A_45 = vector.broadcast %add3A_44 : i32 to vector<16xi32>
    %add3A_46 = arith.addi %add3A_45, %iota3A : vector<16xi32>
    %and3A_47 = arith.constant 31 : i32
    %and3A_48 = vector.broadcast %and3A_47 : i32 to vector<16xi32>
    %and3A_49 = arith.andi %add3A_46, %and3A_48 : vector<16xi32>
    %add3A_50 = arith.constant 8 : i32
    %add3A_51 = vector.broadcast %add3A_50 : i32 to vector<16xi32>
    %add3A_52 = arith.addi %add3A_51, %iota3A : vector<16xi32>
    %and3A_53 = arith.constant 31 : i32
    %and3A_54 = vector.broadcast %and3A_53 : i32 to vector<16xi32>
    %and3A_55 = arith.andi %add3A_52, %and3A_54 : vector<16xi32>
    %add3A_56 = arith.constant 9 : i32
    %add3A_57 = vector.broadcast %add3A_56 : i32 to vector<16xi32>
    %add3A_58 = arith.addi %add3A_57, %iota3A : vector<16xi32>
    %and3A_59 = arith.constant 31 : i32
    %and3A_60 = vector.broadcast %and3A_59 : i32 to vector<16xi32>
    %and3A_61 = arith.andi %add3A_58, %and3A_60 : vector<16xi32>
    %add3A_62 = arith.constant 10 : i32
    %add3A_63 = vector.broadcast %add3A_62 : i32 to vector<16xi32>
    %add3A_64 = arith.addi %add3A_63, %iota3A : vector<16xi32>
    %and3A_65 = arith.constant 31 : i32
    %and3A_66 = vector.broadcast %and3A_65 : i32 to vector<16xi32>
    %and3A_67 = arith.andi %add3A_64, %and3A_66 : vector<16xi32>
    %add3A_68 = arith.constant 11 : i32
    %add3A_69 = vector.broadcast %add3A_68 : i32 to vector<16xi32>
    %add3A_70 = arith.addi %add3A_69, %iota3A : vector<16xi32>
    %and3A_71 = arith.constant 31 : i32
    %and3A_72 = vector.broadcast %and3A_71 : i32 to vector<16xi32>
    %and3A_73 = arith.andi %add3A_70, %and3A_72 : vector<16xi32>
    %add3A_74 = arith.constant 12 : i32
    %add3A_75 = vector.broadcast %add3A_74 : i32 to vector<16xi32>
    %add3A_76 = arith.addi %add3A_75, %iota3A : vector<16xi32>
    %and3A_77 = arith.constant 31 : i32
    %and3A_78 = vector.broadcast %and3A_77 : i32 to vector<16xi32>
    %and3A_79 = arith.andi %add3A_76, %and3A_78 : vector<16xi32>
    %add3A_80 = arith.constant 13 : i32
    %add3A_81 = vector.broadcast %add3A_80 : i32 to vector<16xi32>
    %add3A_82 = arith.addi %add3A_81, %iota3A : vector<16xi32>
    %and3A_83 = arith.constant 31 : i32
    %and3A_84 = vector.broadcast %and3A_83 : i32 to vector<16xi32>
    %and3A_85 = arith.andi %add3A_82, %and3A_84 : vector<16xi32>
    %add3A_86 = arith.constant 14 : i32
    %add3A_87 = vector.broadcast %add3A_86 : i32 to vector<16xi32>
    %add3A_88 = arith.addi %add3A_87, %iota3A : vector<16xi32>
    %and3A_89 = arith.constant 31 : i32
    %and3A_90 = vector.broadcast %and3A_89 : i32 to vector<16xi32>
    %and3A_91 = arith.andi %add3A_88, %and3A_90 : vector<16xi32>
    %add3A_92 = arith.constant 15 : i32
    %add3A_93 = vector.broadcast %add3A_92 : i32 to vector<16xi32>
    %add3A_94 = arith.addi %add3A_93, %iota3A : vector<16xi32>
    %and3A_95 = arith.constant 31 : i32
    %and3A_96 = vector.broadcast %and3A_95 : i32 to vector<16xi32>
    %and3A_97 = arith.andi %add3A_94, %and3A_96 : vector<16xi32>
    %add3A_98 = arith.constant 16 : i32
    %add3A_99 = vector.broadcast %add3A_98 : i32 to vector<16xi32>
    %add3A_100 = arith.addi %add3A_99, %iota3A : vector<16xi32>
    %and3A_101 = arith.constant 31 : i32
    %and3A_102 = vector.broadcast %and3A_101 : i32 to vector<16xi32>
    %and3A_103 = arith.andi %add3A_100, %and3A_102 : vector<16xi32>
    %add3A_104 = arith.constant 17 : i32
    %add3A_105 = vector.broadcast %add3A_104 : i32 to vector<16xi32>
    %add3A_106 = arith.addi %add3A_105, %iota3A : vector<16xi32>
    %and3A_107 = arith.constant 31 : i32
    %and3A_108 = vector.broadcast %and3A_107 : i32 to vector<16xi32>
    %and3A_109 = arith.andi %add3A_106, %and3A_108 : vector<16xi32>
    %add3A_110 = arith.constant 18 : i32
    %add3A_111 = vector.broadcast %add3A_110 : i32 to vector<16xi32>
    %add3A_112 = arith.addi %add3A_111, %iota3A : vector<16xi32>
    %and3A_113 = arith.constant 31 : i32
    %and3A_114 = vector.broadcast %and3A_113 : i32 to vector<16xi32>
    %and3A_115 = arith.andi %add3A_112, %and3A_114 : vector<16xi32>
    %add3A_116 = arith.constant 19 : i32
    %add3A_117 = vector.broadcast %add3A_116 : i32 to vector<16xi32>
    %add3A_118 = arith.addi %add3A_117, %iota3A : vector<16xi32>
    %and3A_119 = arith.constant 31 : i32
    %and3A_120 = vector.broadcast %and3A_119 : i32 to vector<16xi32>
    %and3A_121 = arith.andi %add3A_118, %and3A_120 : vector<16xi32>
    %add3A_122 = arith.constant 20 : i32
    %add3A_123 = vector.broadcast %add3A_122 : i32 to vector<16xi32>
    %add3A_124 = arith.addi %add3A_123, %iota3A : vector<16xi32>
    %and3A_125 = arith.constant 31 : i32
    %and3A_126 = vector.broadcast %and3A_125 : i32 to vector<16xi32>
    %and3A_127 = arith.andi %add3A_124, %and3A_126 : vector<16xi32>
    %add3A_128 = arith.constant 21 : i32
    %add3A_129 = vector.broadcast %add3A_128 : i32 to vector<16xi32>
    %add3A_130 = arith.addi %add3A_129, %iota3A : vector<16xi32>
    %and3A_131 = arith.constant 31 : i32
    %and3A_132 = vector.broadcast %and3A_131 : i32 to vector<16xi32>
    %and3A_133 = arith.andi %add3A_130, %and3A_132 : vector<16xi32>
    %add3A_134 = arith.constant 22 : i32
    %add3A_135 = vector.broadcast %add3A_134 : i32 to vector<16xi32>
    %add3A_136 = arith.addi %add3A_135, %iota3A : vector<16xi32>
    %and3A_137 = arith.constant 31 : i32
    %and3A_138 = vector.broadcast %and3A_137 : i32 to vector<16xi32>
    %and3A_139 = arith.andi %add3A_136, %and3A_138 : vector<16xi32>
    %add3A_140 = arith.constant 23 : i32
    %add3A_141 = vector.broadcast %add3A_140 : i32 to vector<16xi32>
    %add3A_142 = arith.addi %add3A_141, %iota3A : vector<16xi32>
    %and3A_143 = arith.constant 31 : i32
    %and3A_144 = vector.broadcast %and3A_143 : i32 to vector<16xi32>
    %and3A_145 = arith.andi %add3A_142, %and3A_144 : vector<16xi32>
    %add3A_146 = arith.constant 24 : i32
    %add3A_147 = vector.broadcast %add3A_146 : i32 to vector<16xi32>
    %add3A_148 = arith.addi %add3A_147, %iota3A : vector<16xi32>
    %and3A_149 = arith.constant 31 : i32
    %and3A_150 = vector.broadcast %and3A_149 : i32 to vector<16xi32>
    %and3A_151 = arith.andi %add3A_148, %and3A_150 : vector<16xi32>
    %add3A_152 = arith.constant 25 : i32
    %add3A_153 = vector.broadcast %add3A_152 : i32 to vector<16xi32>
    %add3A_154 = arith.addi %add3A_153, %iota3A : vector<16xi32>
    %and3A_155 = arith.constant 31 : i32
    %and3A_156 = vector.broadcast %and3A_155 : i32 to vector<16xi32>
    %and3A_157 = arith.andi %add3A_154, %and3A_156 : vector<16xi32>
    %add3A_158 = arith.constant 26 : i32
    %add3A_159 = vector.broadcast %add3A_158 : i32 to vector<16xi32>
    %add3A_160 = arith.addi %add3A_159, %iota3A : vector<16xi32>
    %and3A_161 = arith.constant 31 : i32
    %and3A_162 = vector.broadcast %and3A_161 : i32 to vector<16xi32>
    %and3A_163 = arith.andi %add3A_160, %and3A_162 : vector<16xi32>
    %add3A_164 = arith.constant 27 : i32
    %add3A_165 = vector.broadcast %add3A_164 : i32 to vector<16xi32>
    %add3A_166 = arith.addi %add3A_165, %iota3A : vector<16xi32>
    %and3A_167 = arith.constant 31 : i32
    %and3A_168 = vector.broadcast %and3A_167 : i32 to vector<16xi32>
    %and3A_169 = arith.andi %add3A_166, %and3A_168 : vector<16xi32>
    %add3A_170 = arith.constant 28 : i32
    %add3A_171 = vector.broadcast %add3A_170 : i32 to vector<16xi32>
    %add3A_172 = arith.addi %add3A_171, %iota3A : vector<16xi32>
    %and3A_173 = arith.constant 31 : i32
    %and3A_174 = vector.broadcast %and3A_173 : i32 to vector<16xi32>
    %and3A_175 = arith.andi %add3A_172, %and3A_174 : vector<16xi32>
    %add3A_176 = arith.constant 29 : i32
    %add3A_177 = vector.broadcast %add3A_176 : i32 to vector<16xi32>
    %add3A_178 = arith.addi %add3A_177, %iota3A : vector<16xi32>
    %and3A_179 = arith.constant 31 : i32
    %and3A_180 = vector.broadcast %and3A_179 : i32 to vector<16xi32>
    %and3A_181 = arith.andi %add3A_178, %and3A_180 : vector<16xi32>
    %add3A_182 = arith.constant 30 : i32
    %add3A_183 = vector.broadcast %add3A_182 : i32 to vector<16xi32>
    %add3A_184 = arith.addi %add3A_183, %iota3A : vector<16xi32>
    %and3A_185 = arith.constant 31 : i32
    %and3A_186 = vector.broadcast %and3A_185 : i32 to vector<16xi32>
    %and3A_187 = arith.andi %add3A_184, %and3A_186 : vector<16xi32>
    %add3A_188 = arith.constant 31 : i32
    %add3A_189 = vector.broadcast %add3A_188 : i32 to vector<16xi32>
    %add3A_190 = arith.addi %add3A_189, %iota3A : vector<16xi32>
    %and3A_191 = arith.constant 31 : i32
    %and3A_192 = vector.broadcast %and3A_191 : i32 to vector<16xi32>
    %and3A_193 = arith.andi %add3A_190, %and3A_192 : vector<16xi32>
    %shift_right_logical3A = arith.constant 3 : i32
    %shift_right_logical3A_194 = vector.broadcast %shift_right_logical3A : i32 to vector<16xi32>
    %shift_right_logical3A_195 = arith.shrui %and3A_7, %shift_right_logical3A_194 : vector<16xi32>
    %shift_right_logical3A_196 = arith.constant 3 : i32
    %shift_right_logical3A_197 = vector.broadcast %shift_right_logical3A_196 : i32 to vector<16xi32>
    %shift_right_logical3A_198 = arith.shrui %and3A_13, %shift_right_logical3A_197 : vector<16xi32>
    %shift_right_logical3A_199 = arith.constant 3 : i32
    %shift_right_logical3A_200 = vector.broadcast %shift_right_logical3A_199 : i32 to vector<16xi32>
    %shift_right_logical3A_201 = arith.shrui %and3A_19, %shift_right_logical3A_200 : vector<16xi32>
    %shift_right_logical3A_202 = arith.constant 3 : i32
    %shift_right_logical3A_203 = vector.broadcast %shift_right_logical3A_202 : i32 to vector<16xi32>
    %shift_right_logical3A_204 = arith.shrui %and3A_25, %shift_right_logical3A_203 : vector<16xi32>
    %shift_right_logical3A_205 = arith.constant 3 : i32
    %shift_right_logical3A_206 = vector.broadcast %shift_right_logical3A_205 : i32 to vector<16xi32>
    %shift_right_logical3A_207 = arith.shrui %and3A_31, %shift_right_logical3A_206 : vector<16xi32>
    %shift_right_logical3A_208 = arith.constant 3 : i32
    %shift_right_logical3A_209 = vector.broadcast %shift_right_logical3A_208 : i32 to vector<16xi32>
    %shift_right_logical3A_210 = arith.shrui %and3A_37, %shift_right_logical3A_209 : vector<16xi32>
    %shift_right_logical3A_211 = arith.constant 3 : i32
    %shift_right_logical3A_212 = vector.broadcast %shift_right_logical3A_211 : i32 to vector<16xi32>
    %shift_right_logical3A_213 = arith.shrui %and3A_43, %shift_right_logical3A_212 : vector<16xi32>
    %shift_right_logical3A_214 = arith.constant 3 : i32
    %shift_right_logical3A_215 = vector.broadcast %shift_right_logical3A_214 : i32 to vector<16xi32>
    %shift_right_logical3A_216 = arith.shrui %and3A_49, %shift_right_logical3A_215 : vector<16xi32>
    %shift_right_logical3A_217 = arith.constant 3 : i32
    %shift_right_logical3A_218 = vector.broadcast %shift_right_logical3A_217 : i32 to vector<16xi32>
    %shift_right_logical3A_219 = arith.shrui %and3A_55, %shift_right_logical3A_218 : vector<16xi32>
    %shift_right_logical3A_220 = arith.constant 3 : i32
    %shift_right_logical3A_221 = vector.broadcast %shift_right_logical3A_220 : i32 to vector<16xi32>
    %shift_right_logical3A_222 = arith.shrui %and3A_61, %shift_right_logical3A_221 : vector<16xi32>
    %shift_right_logical3A_223 = arith.constant 3 : i32
    %shift_right_logical3A_224 = vector.broadcast %shift_right_logical3A_223 : i32 to vector<16xi32>
    %shift_right_logical3A_225 = arith.shrui %and3A_67, %shift_right_logical3A_224 : vector<16xi32>
    %shift_right_logical3A_226 = arith.constant 3 : i32
    %shift_right_logical3A_227 = vector.broadcast %shift_right_logical3A_226 : i32 to vector<16xi32>
    %shift_right_logical3A_228 = arith.shrui %and3A_73, %shift_right_logical3A_227 : vector<16xi32>
    %shift_right_logical3A_229 = arith.constant 3 : i32
    %shift_right_logical3A_230 = vector.broadcast %shift_right_logical3A_229 : i32 to vector<16xi32>
    %shift_right_logical3A_231 = arith.shrui %and3A_79, %shift_right_logical3A_230 : vector<16xi32>
    %shift_right_logical3A_232 = arith.constant 3 : i32
    %shift_right_logical3A_233 = vector.broadcast %shift_right_logical3A_232 : i32 to vector<16xi32>
    %shift_right_logical3A_234 = arith.shrui %and3A_85, %shift_right_logical3A_233 : vector<16xi32>
    %shift_right_logical3A_235 = arith.constant 3 : i32
    %shift_right_logical3A_236 = vector.broadcast %shift_right_logical3A_235 : i32 to vector<16xi32>
    %shift_right_logical3A_237 = arith.shrui %and3A_91, %shift_right_logical3A_236 : vector<16xi32>
    %shift_right_logical3A_238 = arith.constant 3 : i32
    %shift_right_logical3A_239 = vector.broadcast %shift_right_logical3A_238 : i32 to vector<16xi32>
    %shift_right_logical3A_240 = arith.shrui %and3A_97, %shift_right_logical3A_239 : vector<16xi32>
    %shift_right_logical3A_241 = arith.constant 3 : i32
    %shift_right_logical3A_242 = vector.broadcast %shift_right_logical3A_241 : i32 to vector<16xi32>
    %shift_right_logical3A_243 = arith.shrui %and3A_103, %shift_right_logical3A_242 : vector<16xi32>
    %shift_right_logical3A_244 = arith.constant 3 : i32
    %shift_right_logical3A_245 = vector.broadcast %shift_right_logical3A_244 : i32 to vector<16xi32>
    %shift_right_logical3A_246 = arith.shrui %and3A_109, %shift_right_logical3A_245 : vector<16xi32>
    %shift_right_logical3A_247 = arith.constant 3 : i32
    %shift_right_logical3A_248 = vector.broadcast %shift_right_logical3A_247 : i32 to vector<16xi32>
    %shift_right_logical3A_249 = arith.shrui %and3A_115, %shift_right_logical3A_248 : vector<16xi32>
    %shift_right_logical3A_250 = arith.constant 3 : i32
    %shift_right_logical3A_251 = vector.broadcast %shift_right_logical3A_250 : i32 to vector<16xi32>
    %shift_right_logical3A_252 = arith.shrui %and3A_121, %shift_right_logical3A_251 : vector<16xi32>
    %shift_right_logical3A_253 = arith.constant 3 : i32
    %shift_right_logical3A_254 = vector.broadcast %shift_right_logical3A_253 : i32 to vector<16xi32>
    %shift_right_logical3A_255 = arith.shrui %and3A_127, %shift_right_logical3A_254 : vector<16xi32>
    %shift_right_logical3A_256 = arith.constant 3 : i32
    %shift_right_logical3A_257 = vector.broadcast %shift_right_logical3A_256 : i32 to vector<16xi32>
    %shift_right_logical3A_258 = arith.shrui %and3A_133, %shift_right_logical3A_257 : vector<16xi32>
    %shift_right_logical3A_259 = arith.constant 3 : i32
    %shift_right_logical3A_260 = vector.broadcast %shift_right_logical3A_259 : i32 to vector<16xi32>
    %shift_right_logical3A_261 = arith.shrui %and3A_139, %shift_right_logical3A_260 : vector<16xi32>
    %shift_right_logical3A_262 = arith.constant 3 : i32
    %shift_right_logical3A_263 = vector.broadcast %shift_right_logical3A_262 : i32 to vector<16xi32>
    %shift_right_logical3A_264 = arith.shrui %and3A_145, %shift_right_logical3A_263 : vector<16xi32>
    %shift_right_logical3A_265 = arith.constant 3 : i32
    %shift_right_logical3A_266 = vector.broadcast %shift_right_logical3A_265 : i32 to vector<16xi32>
    %shift_right_logical3A_267 = arith.shrui %and3A_151, %shift_right_logical3A_266 : vector<16xi32>
    %shift_right_logical3A_268 = arith.constant 3 : i32
    %shift_right_logical3A_269 = vector.broadcast %shift_right_logical3A_268 : i32 to vector<16xi32>
    %shift_right_logical3A_270 = arith.shrui %and3A_157, %shift_right_logical3A_269 : vector<16xi32>
    %shift_right_logical3A_271 = arith.constant 3 : i32
    %shift_right_logical3A_272 = vector.broadcast %shift_right_logical3A_271 : i32 to vector<16xi32>
    %shift_right_logical3A_273 = arith.shrui %and3A_163, %shift_right_logical3A_272 : vector<16xi32>
    %shift_right_logical3A_274 = arith.constant 3 : i32
    %shift_right_logical3A_275 = vector.broadcast %shift_right_logical3A_274 : i32 to vector<16xi32>
    %shift_right_logical3A_276 = arith.shrui %and3A_169, %shift_right_logical3A_275 : vector<16xi32>
    %shift_right_logical3A_277 = arith.constant 3 : i32
    %shift_right_logical3A_278 = vector.broadcast %shift_right_logical3A_277 : i32 to vector<16xi32>
    %shift_right_logical3A_279 = arith.shrui %and3A_175, %shift_right_logical3A_278 : vector<16xi32>
    %shift_right_logical3A_280 = arith.constant 3 : i32
    %shift_right_logical3A_281 = vector.broadcast %shift_right_logical3A_280 : i32 to vector<16xi32>
    %shift_right_logical3A_282 = arith.shrui %and3A_181, %shift_right_logical3A_281 : vector<16xi32>
    %shift_right_logical3A_283 = arith.constant 3 : i32
    %shift_right_logical3A_284 = vector.broadcast %shift_right_logical3A_283 : i32 to vector<16xi32>
    %shift_right_logical3A_285 = arith.shrui %and3A_187, %shift_right_logical3A_284 : vector<16xi32>
    %shift_right_logical3A_286 = arith.constant 3 : i32
    %shift_right_logical3A_287 = vector.broadcast %shift_right_logical3A_286 : i32 to vector<16xi32>
    %shift_right_logical3A_288 = arith.shrui %and3A_193, %shift_right_logical3A_287 : vector<16xi32>
    %and3A_289 = arith.constant 7 : i32
    %and3A_290 = vector.broadcast %and3A_289 : i32 to vector<16xi32>
    %and3A_291 = arith.andi %and3A_7, %and3A_290 : vector<16xi32>
    %and3A_292 = arith.constant 7 : i32
    %and3A_293 = vector.broadcast %and3A_292 : i32 to vector<16xi32>
    %and3A_294 = arith.andi %and3A_13, %and3A_293 : vector<16xi32>
    %and3A_295 = arith.constant 7 : i32
    %and3A_296 = vector.broadcast %and3A_295 : i32 to vector<16xi32>
    %and3A_297 = arith.andi %and3A_19, %and3A_296 : vector<16xi32>
    %and3A_298 = arith.constant 7 : i32
    %and3A_299 = vector.broadcast %and3A_298 : i32 to vector<16xi32>
    %and3A_300 = arith.andi %and3A_25, %and3A_299 : vector<16xi32>
    %and3A_301 = arith.constant 7 : i32
    %and3A_302 = vector.broadcast %and3A_301 : i32 to vector<16xi32>
    %and3A_303 = arith.andi %and3A_31, %and3A_302 : vector<16xi32>
    %and3A_304 = arith.constant 7 : i32
    %and3A_305 = vector.broadcast %and3A_304 : i32 to vector<16xi32>
    %and3A_306 = arith.andi %and3A_37, %and3A_305 : vector<16xi32>
    %and3A_307 = arith.constant 7 : i32
    %and3A_308 = vector.broadcast %and3A_307 : i32 to vector<16xi32>
    %and3A_309 = arith.andi %and3A_43, %and3A_308 : vector<16xi32>
    %and3A_310 = arith.constant 7 : i32
    %and3A_311 = vector.broadcast %and3A_310 : i32 to vector<16xi32>
    %and3A_312 = arith.andi %and3A_49, %and3A_311 : vector<16xi32>
    %and3A_313 = arith.constant 7 : i32
    %and3A_314 = vector.broadcast %and3A_313 : i32 to vector<16xi32>
    %and3A_315 = arith.andi %and3A_55, %and3A_314 : vector<16xi32>
    %and3A_316 = arith.constant 7 : i32
    %and3A_317 = vector.broadcast %and3A_316 : i32 to vector<16xi32>
    %and3A_318 = arith.andi %and3A_61, %and3A_317 : vector<16xi32>
    %and3A_319 = arith.constant 7 : i32
    %and3A_320 = vector.broadcast %and3A_319 : i32 to vector<16xi32>
    %and3A_321 = arith.andi %and3A_67, %and3A_320 : vector<16xi32>
    %and3A_322 = arith.constant 7 : i32
    %and3A_323 = vector.broadcast %and3A_322 : i32 to vector<16xi32>
    %and3A_324 = arith.andi %and3A_73, %and3A_323 : vector<16xi32>
    %and3A_325 = arith.constant 7 : i32
    %and3A_326 = vector.broadcast %and3A_325 : i32 to vector<16xi32>
    %and3A_327 = arith.andi %and3A_79, %and3A_326 : vector<16xi32>
    %and3A_328 = arith.constant 7 : i32
    %and3A_329 = vector.broadcast %and3A_328 : i32 to vector<16xi32>
    %and3A_330 = arith.andi %and3A_85, %and3A_329 : vector<16xi32>
    %and3A_331 = arith.constant 7 : i32
    %and3A_332 = vector.broadcast %and3A_331 : i32 to vector<16xi32>
    %and3A_333 = arith.andi %and3A_91, %and3A_332 : vector<16xi32>
    %and3A_334 = arith.constant 7 : i32
    %and3A_335 = vector.broadcast %and3A_334 : i32 to vector<16xi32>
    %and3A_336 = arith.andi %and3A_97, %and3A_335 : vector<16xi32>
    %and3A_337 = arith.constant 7 : i32
    %and3A_338 = vector.broadcast %and3A_337 : i32 to vector<16xi32>
    %and3A_339 = arith.andi %and3A_103, %and3A_338 : vector<16xi32>
    %and3A_340 = arith.constant 7 : i32
    %and3A_341 = vector.broadcast %and3A_340 : i32 to vector<16xi32>
    %and3A_342 = arith.andi %and3A_109, %and3A_341 : vector<16xi32>
    %and3A_343 = arith.constant 7 : i32
    %and3A_344 = vector.broadcast %and3A_343 : i32 to vector<16xi32>
    %and3A_345 = arith.andi %and3A_115, %and3A_344 : vector<16xi32>
    %and3A_346 = arith.constant 7 : i32
    %and3A_347 = vector.broadcast %and3A_346 : i32 to vector<16xi32>
    %and3A_348 = arith.andi %and3A_121, %and3A_347 : vector<16xi32>
    %and3A_349 = arith.constant 7 : i32
    %and3A_350 = vector.broadcast %and3A_349 : i32 to vector<16xi32>
    %and3A_351 = arith.andi %and3A_127, %and3A_350 : vector<16xi32>
    %and3A_352 = arith.constant 7 : i32
    %and3A_353 = vector.broadcast %and3A_352 : i32 to vector<16xi32>
    %and3A_354 = arith.andi %and3A_133, %and3A_353 : vector<16xi32>
    %and3A_355 = arith.constant 7 : i32
    %and3A_356 = vector.broadcast %and3A_355 : i32 to vector<16xi32>
    %and3A_357 = arith.andi %and3A_139, %and3A_356 : vector<16xi32>
    %and3A_358 = arith.constant 7 : i32
    %and3A_359 = vector.broadcast %and3A_358 : i32 to vector<16xi32>
    %and3A_360 = arith.andi %and3A_145, %and3A_359 : vector<16xi32>
    %and3A_361 = arith.constant 7 : i32
    %and3A_362 = vector.broadcast %and3A_361 : i32 to vector<16xi32>
    %and3A_363 = arith.andi %and3A_151, %and3A_362 : vector<16xi32>
    %and3A_364 = arith.constant 7 : i32
    %and3A_365 = vector.broadcast %and3A_364 : i32 to vector<16xi32>
    %and3A_366 = arith.andi %and3A_157, %and3A_365 : vector<16xi32>
    %and3A_367 = arith.constant 7 : i32
    %and3A_368 = vector.broadcast %and3A_367 : i32 to vector<16xi32>
    %and3A_369 = arith.andi %and3A_163, %and3A_368 : vector<16xi32>
    %and3A_370 = arith.constant 7 : i32
    %and3A_371 = vector.broadcast %and3A_370 : i32 to vector<16xi32>
    %and3A_372 = arith.andi %and3A_169, %and3A_371 : vector<16xi32>
    %and3A_373 = arith.constant 7 : i32
    %and3A_374 = vector.broadcast %and3A_373 : i32 to vector<16xi32>
    %and3A_375 = arith.andi %and3A_175, %and3A_374 : vector<16xi32>
    %and3A_376 = arith.constant 7 : i32
    %and3A_377 = vector.broadcast %and3A_376 : i32 to vector<16xi32>
    %and3A_378 = arith.andi %and3A_181, %and3A_377 : vector<16xi32>
    %and3A_379 = arith.constant 7 : i32
    %and3A_380 = vector.broadcast %and3A_379 : i32 to vector<16xi32>
    %and3A_381 = arith.andi %and3A_187, %and3A_380 : vector<16xi32>
    %and3A_382 = arith.constant 7 : i32
    %and3A_383 = vector.broadcast %and3A_382 : i32 to vector<16xi32>
    %and3A_384 = arith.andi %and3A_193, %and3A_383 : vector<16xi32>
    %add3A_385 = arith.constant 0 : i32
    %add3A_386 = arith.addi %mul3A_2, %add3A_385 : i32
    %mul3A_387 = arith.constant 50 : i32
    %mul3A_388 = arith.muli %add3A_386, %mul3A_387 : i32
    %run_scoped3A = arith.constant 0 : i32
    "tpu.region"() ({
      %run_scoped3A_633 = tpu.sem_alloc : memref<!tpu.dma_semaphore, #tpu.memory_space<semaphore_mem>>
      %dma_start3A_634 = arith.constant 0 : i32
      %dma_start3A_635 = tpu.memref_slice %arg5[%run_scoped3A, %dma_start3A_634] : memref<2x800xi32, #tpu.memory_space<vmem>> -> memref<1x800xi32, #tpu.memory_space<vmem>>
      %dma_start3A_636 = tpu.memref_squeeze %dma_start3A_635 : memref<1x800xi32, #tpu.memory_space<vmem>> -> memref<800xi32, #tpu.memory_space<vmem>>
      %dma_start3A_637 = tpu.memref_slice %arg2[%mul3A_388] : memref<819200xi32, #tpu.memory_space<hbm>> -> memref<800xi32, #tpu.memory_space<hbm>>
      %dma_start3A_638 = arith.constant 0 : i32
      %dma_start3A_639 = tpu.memref_slice %arg5[%run_scoped3A, %dma_start3A_638] : memref<2x800xi32, #tpu.memory_space<vmem>> -> memref<1x800xi32, #tpu.memory_space<vmem>>
      %dma_start3A_640 = tpu.memref_squeeze %dma_start3A_639 : memref<1x800xi32, #tpu.memory_space<vmem>> -> memref<800xi32, #tpu.memory_space<vmem>>
      %dma_start3A_641 = tpu.memref_slice %arg2[%mul3A_388] : memref<819200xi32, #tpu.memory_space<hbm>> -> memref<800xi32, #tpu.memory_space<hbm>>
      tpu.enqueue_dma source(%dma_start3A_641 : memref<800xi32, #tpu.memory_space<hbm>>) target(%dma_start3A_640 : memref<800xi32, #tpu.memory_space<vmem>>) target_semaphore(%run_scoped3A_633 : memref<!tpu.dma_semaphore, #tpu.memory_space<semaphore_mem>>)
      %dma_wait3A_642 = arith.constant 0 : i32
      %dma_wait3A_643 = tpu.memref_slice %arg5[%run_scoped3A, %dma_wait3A_642] : memref<2x800xi32, #tpu.memory_space<vmem>> -> memref<1x800xi32, #tpu.memory_space<vmem>>
      %dma_wait3A_644 = tpu.memref_squeeze %dma_wait3A_643 : memref<1x800xi32, #tpu.memory_space<vmem>> -> memref<800xi32, #tpu.memory_space<vmem>>
      %dma_wait3A_645 = tpu.memref_slice %arg2[%mul3A_388] : memref<819200xi32, #tpu.memory_space<hbm>> -> memref<800xi32, #tpu.memory_space<hbm>>
      %dma_wait3A_646 = arith.constant 0 : i32
      %dma_wait3A_647 = tpu.memref_slice %arg5[%run_scoped3A, %dma_wait3A_646] : memref<2x800xi32, #tpu.memory_space<vmem>> -> memref<1x800xi32, #tpu.memory_space<vmem>>
      %dma_wait3A_648 = tpu.memref_squeeze %dma_wait3A_647 : memref<1x800xi32, #tpu.memory_space<vmem>> -> memref<800xi32, #tpu.memory_space<vmem>>
      %dma_wait3A_649 = tpu.memref_slice %arg2[%mul3A_388] : memref<819200xi32, #tpu.memory_space<hbm>> -> memref<800xi32, #tpu.memory_space<hbm>>
      tpu.wait_dma2 semaphore(%run_scoped3A_633 : memref<!tpu.dma_semaphore, #tpu.memory_space<semaphore_mem>>) src(%dma_wait3A_649 : memref<800xi32, #tpu.memory_space<hbm>>) dst(%dma_wait3A_648 : memref<800xi32, #tpu.memory_space<vmem>>)
      tpu.yield
    }) : () -> ()
    %dma_start3A = arith.constant 0 : i32
    %dma_start3A_389 = arith.constant 0 : i32
    %dma_start3A_390 = arith.constant 0 : i32
    %dma_start3A_391 = arith.constant 0 : i32
    %dma_start3A_392 = tpu.memref_slice %arg6[%dma_start3A_389, %dma_start3A_390, %dma_start3A_391] : memref<2x800x32xf32, #tpu.memory_space<vmem>> -> memref<1x80x32xf32, #tpu.memory_space<vmem>>
    %dma_start3A_393 = tpu.memref_squeeze %dma_start3A_392 : memref<1x80x32xf32, #tpu.memory_space<vmem>> -> memref<80x32xf32, #tpu.memory_space<vmem>>
    %dma_start3A_394 = arith.constant 0 : i32
    %dma_start3A_395 = tpu.memref_slice %arg5[%dma_start3A, %dma_start3A_394] : memref<2x800xi32, #tpu.memory_space<vmem>> -> memref<1x80xi32, #tpu.memory_space<vmem>>
    %dma_start3A_396 = tpu.memref_squeeze %dma_start3A_395 : memref<1x80xi32, #tpu.memory_space<vmem>> -> memref<80xi32, #tpu.memory_space<vmem>>
    %dma_start3A_397 = arith.constant 0 : i32
    %dma_start3A_398 = arith.constant 0 : i32
    %dma_start3A_399 = tpu.memref_slice %arg3[%dma_start3A_397, %dma_start3A_398] : memref<1000000x32xf32, #tpu.memory_space<hbm>> -> memref<1000000x32xf32, #tpu.memory_space<hbm>>
    tpu.enqueue_indirect_dma source(%dma_start3A_399 : memref<1000000x32xf32, #tpu.memory_space<hbm>>) target(%dma_start3A_393 : memref<80x32xf32, #tpu.memory_space<vmem>>) offsets(%dma_start3A_396 : memref<80xi32, #tpu.memory_space<vmem>>) semaphore(%arg8 : memref<!tpu.dma_semaphore, #tpu.memory_space<semaphore_mem>>)
    %dma_start3A_400 = arith.constant 0 : i32
    %dma_start3A_401 = arith.constant 0 : i32
    %dma_start3A_402 = arith.constant 80 : i32
    %dma_start3A_403 = arith.constant 0 : i32
    %dma_start3A_404 = tpu.memref_slice %arg6[%dma_start3A_401, %dma_start3A_402, %dma_start3A_403] : memref<2x800x32xf32, #tpu.memory_space<vmem>> -> memref<1x80x32xf32, #tpu.memory_space<vmem>>
    %dma_start3A_405 = tpu.memref_squeeze %dma_start3A_404 : memref<1x80x32xf32, #tpu.memory_space<vmem>> -> memref<80x32xf32, #tpu.memory_space<vmem>>
    %dma_start3A_406 = arith.constant 80 : i32
    %dma_start3A_407 = tpu.memref_slice %arg5[%dma_start3A_400, %dma_start3A_406] : memref<2x800xi32, #tpu.memory_space<vmem>> -> memref<1x80xi32, #tpu.memory_space<vmem>>
    %dma_start3A_408 = tpu.memref_squeeze %dma_start3A_407 : memref<1x80xi32, #tpu.memory_space<vmem>> -> memref<80xi32, #tpu.memory_space<vmem>>
    %dma_start3A_409 = arith.constant 0 : i32
    %dma_start3A_410 = arith.constant 0 : i32
    %dma_start3A_411 = tpu.memref_slice %arg3[%dma_start3A_409, %dma_start3A_410] : memref<1000000x32xf32, #tpu.memory_space<hbm>> -> memref<1000000x32xf32, #tpu.memory_space<hbm>>
    tpu.enqueue_indirect_dma source(%dma_start3A_411 : memref<1000000x32xf32, #tpu.memory_space<hbm>>) target(%dma_start3A_405 : memref<80x32xf32, #tpu.memory_space<vmem>>) offsets(%dma_start3A_408 : memref<80xi32, #tpu.memory_space<vmem>>) semaphore(%arg8 : memref<!tpu.dma_semaphore, #tpu.memory_space<semaphore_mem>>)
    %dma_start3A_412 = arith.constant 0 : i32
    %dma_start3A_413 = arith.constant 0 : i32
    %dma_start3A_414 = arith.constant 160 : i32
    %dma_start3A_415 = arith.constant 0 : i32
    %dma_start3A_416 = tpu.memref_slice %arg6[%dma_start3A_413, %dma_start3A_414, %dma_start3A_415] : memref<2x800x32xf32, #tpu.memory_space<vmem>> -> memref<1x80x32xf32, #tpu.memory_space<vmem>>
    %dma_start3A_417 = tpu.memref_squeeze %dma_start3A_416 : memref<1x80x32xf32, #tpu.memory_space<vmem>> -> memref<80x32xf32, #tpu.memory_space<vmem>>
    %dma_start3A_418 = arith.constant 160 : i32
    %dma_start3A_419 = tpu.memref_slice %arg5[%dma_start3A_412, %dma_start3A_418] : memref<2x800xi32, #tpu.memory_space<vmem>> -> memref<1x80xi32, #tpu.memory_space<vmem>>
    %dma_start3A_420 = tpu.memref_squeeze %dma_start3A_419 : memref<1x80xi32, #tpu.memory_space<vmem>> -> memref<80xi32, #tpu.memory_space<vmem>>
    %dma_start3A_421 = arith.constant 0 : i32
    %dma_start3A_422 = arith.constant 0 : i32
    %dma_start3A_423 = tpu.memref_slice %arg3[%dma_start3A_421, %dma_start3A_422] : memref<1000000x32xf32, #tpu.memory_space<hbm>> -> memref<1000000x32xf32, #tpu.memory_space<hbm>>
    tpu.enqueue_indirect_dma source(%dma_start3A_423 : memref<1000000x32xf32, #tpu.memory_space<hbm>>) target(%dma_start3A_417 : memref<80x32xf32, #tpu.memory_space<vmem>>) offsets(%dma_start3A_420 : memref<80xi32, #tpu.memory_space<vmem>>) semaphore(%arg8 : memref<!tpu.dma_semaphore, #tpu.memory_space<semaphore_mem>>)
    %dma_start3A_424 = arith.constant 0 : i32
    %dma_start3A_425 = arith.constant 0 : i32
    %dma_start3A_426 = arith.constant 240 : i32
    %dma_start3A_427 = arith.constant 0 : i32
    %dma_start3A_428 = tpu.memref_slice %arg6[%dma_start3A_425, %dma_start3A_426, %dma_start3A_427] : memref<2x800x32xf32, #tpu.memory_space<vmem>> -> memref<1x80x32xf32, #tpu.memory_space<vmem>>
    %dma_start3A_429 = tpu.memref_squeeze %dma_start3A_428 : memref<1x80x32xf32, #tpu.memory_space<vmem>> -> memref<80x32xf32, #tpu.memory_space<vmem>>
    %dma_start3A_430 = arith.constant 240 : i32
    %dma_start3A_431 = tpu.memref_slice %arg5[%dma_start3A_424, %dma_start3A_430] : memref<2x800xi32, #tpu.memory_space<vmem>> -> memref<1x80xi32, #tpu.memory_space<vmem>>
    %dma_start3A_432 = tpu.memref_squeeze %dma_start3A_431 : memref<1x80xi32, #tpu.memory_space<vmem>> -> memref<80xi32, #tpu.memory_space<vmem>>
    %dma_start3A_433 = arith.constant 0 : i32
    %dma_start3A_434 = arith.constant 0 : i32
    %dma_start3A_435 = tpu.memref_slice %arg3[%dma_start3A_433, %dma_start3A_434] : memref<1000000x32xf32, #tpu.memory_space<hbm>> -> memref<1000000x32xf32, #tpu.memory_space<hbm>>
    tpu.enqueue_indirect_dma source(%dma_start3A_435 : memref<1000000x32xf32, #tpu.memory_space<hbm>>) target(%dma_start3A_429 : memref<80x32xf32, #tpu.memory_space<vmem>>) offsets(%dma_start3A_432 : memref<80xi32, #tpu.memory_space<vmem>>) semaphore(%arg8 : memref<!tpu.dma_semaphore, #tpu.memory_space<semaphore_mem>>)
    %dma_start3A_436 = arith.constant 0 : i32
    %dma_start3A_437 = arith.constant 0 : i32
    %dma_start3A_438 = arith.constant 320 : i32
    %dma_start3A_439 = arith.constant 0 : i32
    %dma_start3A_440 = tpu.memref_slice %arg6[%dma_start3A_437, %dma_start3A_438, %dma_start3A_439] : memref<2x800x32xf32, #tpu.memory_space<vmem>> -> memref<1x80x32xf32, #tpu.memory_space<vmem>>
    %dma_start3A_441 = tpu.memref_squeeze %dma_start3A_440 : memref<1x80x32xf32, #tpu.memory_space<vmem>> -> memref<80x32xf32, #tpu.memory_space<vmem>>
    %dma_start3A_442 = arith.constant 320 : i32
    %dma_start3A_443 = tpu.memref_slice %arg5[%dma_start3A_436, %dma_start3A_442] : memref<2x800xi32, #tpu.memory_space<vmem>> -> memref<1x80xi32, #tpu.memory_space<vmem>>
    %dma_start3A_444 = tpu.memref_squeeze %dma_start3A_443 : memref<1x80xi32, #tpu.memory_space<vmem>> -> memref<80xi32, #tpu.memory_space<vmem>>
    %dma_start3A_445 = arith.constant 0 : i32
    %dma_start3A_446 = arith.constant 0 : i32
    %dma_start3A_447 = tpu.memref_slice %arg3[%dma_start3A_445, %dma_start3A_446] : memref<1000000x32xf32, #tpu.memory_space<hbm>> -> memref<1000000x32xf32, #tpu.memory_space<hbm>>
    tpu.enqueue_indirect_dma source(%dma_start3A_447 : memref<1000000x32xf32, #tpu.memory_space<hbm>>) target(%dma_start3A_441 : memref<80x32xf32, #tpu.memory_space<vmem>>) offsets(%dma_start3A_444 : memref<80xi32, #tpu.memory_space<vmem>>) semaphore(%arg8 : memref<!tpu.dma_semaphore, #tpu.memory_space<semaphore_mem>>)
    %dma_start3A_448 = arith.constant 0 : i32
    %dma_start3A_449 = arith.constant 0 : i32
    %dma_start3A_450 = arith.constant 400 : i32
    %dma_start3A_451 = arith.constant 0 : i32
    %dma_start3A_452 = tpu.memref_slice %arg6[%dma_start3A_449, %dma_start3A_450, %dma_start3A_451] : memref<2x800x32xf32, #tpu.memory_space<vmem>> -> memref<1x80x32xf32, #tpu.memory_space<vmem>>
    %dma_start3A_453 = tpu.memref_squeeze %dma_start3A_452 : memref<1x80x32xf32, #tpu.memory_space<vmem>> -> memref<80x32xf32, #tpu.memory_space<vmem>>
    %dma_start3A_454 = arith.constant 400 : i32
    %dma_start3A_455 = tpu.memref_slice %arg5[%dma_start3A_448, %dma_start3A_454] : memref<2x800xi32, #tpu.memory_space<vmem>> -> memref<1x80xi32, #tpu.memory_space<vmem>>
    %dma_start3A_456 = tpu.memref_squeeze %dma_start3A_455 : memref<1x80xi32, #tpu.memory_space<vmem>> -> memref<80xi32, #tpu.memory_space<vmem>>
    %dma_start3A_457 = arith.constant 0 : i32
    %dma_start3A_458 = arith.constant 0 : i32
    %dma_start3A_459 = tpu.memref_slice %arg3[%dma_start3A_457, %dma_start3A_458] : memref<1000000x32xf32, #tpu.memory_space<hbm>> -> memref<1000000x32xf32, #tpu.memory_space<hbm>>
    tpu.enqueue_indirect_dma source(%dma_start3A_459 : memref<1000000x32xf32, #tpu.memory_space<hbm>>) target(%dma_start3A_453 : memref<80x32xf32, #tpu.memory_space<vmem>>) offsets(%dma_start3A_456 : memref<80xi32, #tpu.memory_space<vmem>>) semaphore(%arg8 : memref<!tpu.dma_semaphore, #tpu.memory_space<semaphore_mem>>)
    %dma_start3A_460 = arith.constant 0 : i32
    %dma_start3A_461 = arith.constant 0 : i32
    %dma_start3A_462 = arith.constant 480 : i32
    %dma_start3A_463 = arith.constant 0 : i32
    %dma_start3A_464 = tpu.memref_slice %arg6[%dma_start3A_461, %dma_start3A_462, %dma_start3A_463] : memref<2x800x32xf32, #tpu.memory_space<vmem>> -> memref<1x80x32xf32, #tpu.memory_space<vmem>>
    %dma_start3A_465 = tpu.memref_squeeze %dma_start3A_464 : memref<1x80x32xf32, #tpu.memory_space<vmem>> -> memref<80x32xf32, #tpu.memory_space<vmem>>
    %dma_start3A_466 = arith.constant 480 : i32
    %dma_start3A_467 = tpu.memref_slice %arg5[%dma_start3A_460, %dma_start3A_466] : memref<2x800xi32, #tpu.memory_space<vmem>> -> memref<1x80xi32, #tpu.memory_space<vmem>>
    %dma_start3A_468 = tpu.memref_squeeze %dma_start3A_467 : memref<1x80xi32, #tpu.memory_space<vmem>> -> memref<80xi32, #tpu.memory_space<vmem>>
    %dma_start3A_469 = arith.constant 0 : i32
    %dma_start3A_470 = arith.constant 0 : i32
    %dma_start3A_471 = tpu.memref_slice %arg3[%dma_start3A_469, %dma_start3A_470] : memref<1000000x32xf32, #tpu.memory_space<hbm>> -> memref<1000000x32xf32, #tpu.memory_space<hbm>>
    tpu.enqueue_indirect_dma source(%dma_start3A_471 : memref<1000000x32xf32, #tpu.memory_space<hbm>>) target(%dma_start3A_465 : memref<80x32xf32, #tpu.memory_space<vmem>>) offsets(%dma_start3A_468 : memref<80xi32, #tpu.memory_space<vmem>>) semaphore(%arg8 : memref<!tpu.dma_semaphore, #tpu.memory_space<semaphore_mem>>)
    %dma_start3A_472 = arith.constant 0 : i32
    %dma_start3A_473 = arith.constant 0 : i32
    %dma_start3A_474 = arith.constant 560 : i32
    %dma_start3A_475 = arith.constant 0 : i32
    %dma_start3A_476 = tpu.memref_slice %arg6[%dma_start3A_473, %dma_start3A_474, %dma_start3A_475] : memref<2x800x32xf32, #tpu.memory_space<vmem>> -> memref<1x80x32xf32, #tpu.memory_space<vmem>>
    %dma_start3A_477 = tpu.memref_squeeze %dma_start3A_476 : memref<1x80x32xf32, #tpu.memory_space<vmem>> -> memref<80x32xf32, #tpu.memory_space<vmem>>
    %dma_start3A_478 = arith.constant 560 : i32
    %dma_start3A_479 = tpu.memref_slice %arg5[%dma_start3A_472, %dma_start3A_478] : memref<2x800xi32, #tpu.memory_space<vmem>> -> memref<1x80xi32, #tpu.memory_space<vmem>>
    %dma_start3A_480 = tpu.memref_squeeze %dma_start3A_479 : memref<1x80xi32, #tpu.memory_space<vmem>> -> memref<80xi32, #tpu.memory_space<vmem>>
    %dma_start3A_481 = arith.constant 0 : i32
    %dma_start3A_482 = arith.constant 0 : i32
    %dma_start3A_483 = tpu.memref_slice %arg3[%dma_start3A_481, %dma_start3A_482] : memref<1000000x32xf32, #tpu.memory_space<hbm>> -> memref<1000000x32xf32, #tpu.memory_space<hbm>>
    tpu.enqueue_indirect_dma source(%dma_start3A_483 : memref<1000000x32xf32, #tpu.memory_space<hbm>>) target(%dma_start3A_477 : memref<80x32xf32, #tpu.memory_space<vmem>>) offsets(%dma_start3A_480 : memref<80xi32, #tpu.memory_space<vmem>>) semaphore(%arg8 : memref<!tpu.dma_semaphore, #tpu.memory_space<semaphore_mem>>)
    %dma_start3A_484 = arith.constant 0 : i32
    %dma_start3A_485 = arith.constant 0 : i32
    %dma_start3A_486 = arith.constant 640 : i32
    %dma_start3A_487 = arith.constant 0 : i32
    %dma_start3A_488 = tpu.memref_slice %arg6[%dma_start3A_485, %dma_start3A_486, %dma_start3A_487] : memref<2x800x32xf32, #tpu.memory_space<vmem>> -> memref<1x80x32xf32, #tpu.memory_space<vmem>>
    %dma_start3A_489 = tpu.memref_squeeze %dma_start3A_488 : memref<1x80x32xf32, #tpu.memory_space<vmem>> -> memref<80x32xf32, #tpu.memory_space<vmem>>
    %dma_start3A_490 = arith.constant 640 : i32
    %dma_start3A_491 = tpu.memref_slice %arg5[%dma_start3A_484, %dma_start3A_490] : memref<2x800xi32, #tpu.memory_space<vmem>> -> memref<1x80xi32, #tpu.memory_space<vmem>>
    %dma_start3A_492 = tpu.memref_squeeze %dma_start3A_491 : memref<1x80xi32, #tpu.memory_space<vmem>> -> memref<80xi32, #tpu.memory_space<vmem>>
    %dma_start3A_493 = arith.constant 0 : i32
    %dma_start3A_494 = arith.constant 0 : i32
    %dma_start3A_495 = tpu.memref_slice %arg3[%dma_start3A_493, %dma_start3A_494] : memref<1000000x32xf32, #tpu.memory_space<hbm>> -> memref<1000000x32xf32, #tpu.memory_space<hbm>>
    tpu.enqueue_indirect_dma source(%dma_start3A_495 : memref<1000000x32xf32, #tpu.memory_space<hbm>>) target(%dma_start3A_489 : memref<80x32xf32, #tpu.memory_space<vmem>>) offsets(%dma_start3A_492 : memref<80xi32, #tpu.memory_space<vmem>>) semaphore(%arg8 : memref<!tpu.dma_semaphore, #tpu.memory_space<semaphore_mem>>)
    %dma_start3A_496 = arith.constant 0 : i32
    %dma_start3A_497 = arith.constant 0 : i32
    %dma_start3A_498 = arith.constant 720 : i32
    %dma_start3A_499 = arith.constant 0 : i32
    %dma_start3A_500 = tpu.memref_slice %arg6[%dma_start3A_497, %dma_start3A_498, %dma_start3A_499] : memref<2x800x32xf32, #tpu.memory_space<vmem>> -> memref<1x80x32xf32, #tpu.memory_space<vmem>>
    %dma_start3A_501 = tpu.memref_squeeze %dma_start3A_500 : memref<1x80x32xf32, #tpu.memory_space<vmem>> -> memref<80x32xf32, #tpu.memory_space<vmem>>
    %dma_start3A_502 = arith.constant 720 : i32
    %dma_start3A_503 = tpu.memref_slice %arg5[%dma_start3A_496, %dma_start3A_502] : memref<2x800xi32, #tpu.memory_space<vmem>> -> memref<1x80xi32, #tpu.memory_space<vmem>>
    %dma_start3A_504 = tpu.memref_squeeze %dma_start3A_503 : memref<1x80xi32, #tpu.memory_space<vmem>> -> memref<80xi32, #tpu.memory_space<vmem>>
    %dma_start3A_505 = arith.constant 0 : i32
    %dma_start3A_506 = arith.constant 0 : i32
    %dma_start3A_507 = tpu.memref_slice %arg3[%dma_start3A_505, %dma_start3A_506] : memref<1000000x32xf32, #tpu.memory_space<hbm>> -> memref<1000000x32xf32, #tpu.memory_space<hbm>>
    tpu.enqueue_indirect_dma source(%dma_start3A_507 : memref<1000000x32xf32, #tpu.memory_space<hbm>>) target(%dma_start3A_501 : memref<80x32xf32, #tpu.memory_space<vmem>>) offsets(%dma_start3A_504 : memref<80xi32, #tpu.memory_space<vmem>>) semaphore(%arg8 : memref<!tpu.dma_semaphore, #tpu.memory_space<semaphore_mem>>)
    %scan3A = arith.constant 0 : i32
    %scan3A_508 = arith.constant 0 : i32
    %scan3A_509 = arith.constant 16 : i32
    %scan3A_510 = arith.addi %scan3A_508, %scan3A_509 : i32
    %scan3A_511 = arith.constant 1 : i32
    scf.for %scan3A_633 = %scan3A_508 to %scan3A_510 step %scan3A_511  : i32 {
      %mul3A_634 = arith.constant 2 : i32
      %mul3A_635 = arith.muli %scan3A_633, %mul3A_634 : i32
      %add3A_636 = arith.constant 0 : i32
      %add3A_637 = arith.addi %mul3A_635, %add3A_636 : i32
      %dma_wait3A_638 = arith.constant 0 : i32
      %dma_wait3A_639 = arith.constant 0 : i32
      %dma_wait3A_640 = arith.constant 0 : i32
      %dma_wait3A_641 = arith.constant 0 : i32
      %dma_wait3A_642 = tpu.memref_slice %arg6[%dma_wait3A_639, %dma_wait3A_640, %dma_wait3A_641] : memref<2x800x32xf32, #tpu.memory_space<vmem>> -> memref<1x80x32xf32, #tpu.memory_space<vmem>>
      %dma_wait3A_643 = tpu.memref_squeeze %dma_wait3A_642 : memref<1x80x32xf32, #tpu.memory_space<vmem>> -> memref<80x32xf32, #tpu.memory_space<vmem>>
      %dma_wait3A_644 = arith.constant 0 : i32
      %dma_wait3A_645 = tpu.memref_slice %arg5[%dma_wait3A_638, %dma_wait3A_644] : memref<2x800xi32, #tpu.memory_space<vmem>> -> memref<1x80xi32, #tpu.memory_space<vmem>>
      %dma_wait3A_646 = tpu.memref_squeeze %dma_wait3A_645 : memref<1x80xi32, #tpu.memory_space<vmem>> -> memref<80xi32, #tpu.memory_space<vmem>>
      %dma_wait3A_647 = arith.constant 0 : i32
      %dma_wait3A_648 = arith.constant 0 : i32
      %dma_wait3A_649 = tpu.memref_slice %arg3[%dma_wait3A_647, %dma_wait3A_648] : memref<1000000x32xf32, #tpu.memory_space<hbm>> -> memref<1000000x32xf32, #tpu.memory_space<hbm>>
      tpu.wait_indirect_dma semaphore(%arg8 : memref<!tpu.dma_semaphore, #tpu.memory_space<semaphore_mem>>) src(%dma_wait3A_649 : memref<1000000x32xf32, #tpu.memory_space<hbm>>) dst(%dma_wait3A_643 : memref<80x32xf32, #tpu.memory_space<vmem>>)
      %dma_wait3A_650 = arith.constant 0 : i32
      %dma_wait3A_651 = arith.constant 0 : i32
      %dma_wait3A_652 = arith.constant 80 : i32
      %dma_wait3A_653 = arith.constant 0 : i32
      %dma_wait3A_654 = tpu.memref_slice %arg6[%dma_wait3A_651, %dma_wait3A_652, %dma_wait3A_653] : memref<2x800x32xf32, #tpu.memory_space<vmem>> -> memref<1x80x32xf32, #tpu.memory_space<vmem>>
      %dma_wait3A_655 = tpu.memref_squeeze %dma_wait3A_654 : memref<1x80x32xf32, #tpu.memory_space<vmem>> -> memref<80x32xf32, #tpu.memory_space<vmem>>
      %dma_wait3A_656 = arith.constant 80 : i32
      %dma_wait3A_657 = tpu.memref_slice %arg5[%dma_wait3A_650, %dma_wait3A_656] : memref<2x800xi32, #tpu.memory_space<vmem>> -> memref<1x80xi32, #tpu.memory_space<vmem>>
      %dma_wait3A_658 = tpu.memref_squeeze %dma_wait3A_657 : memref<1x80xi32, #tpu.memory_space<vmem>> -> memref<80xi32, #tpu.memory_space<vmem>>
      %dma_wait3A_659 = arith.constant 0 : i32
      %dma_wait3A_660 = arith.constant 0 : i32
      %dma_wait3A_661 = tpu.memref_slice %arg3[%dma_wait3A_659, %dma_wait3A_660] : memref<1000000x32xf32, #tpu.memory_space<hbm>> -> memref<1000000x32xf32, #tpu.memory_space<hbm>>
      tpu.wait_indirect_dma semaphore(%arg8 : memref<!tpu.dma_semaphore, #tpu.memory_space<semaphore_mem>>) src(%dma_wait3A_661 : memref<1000000x32xf32, #tpu.memory_space<hbm>>) dst(%dma_wait3A_655 : memref<80x32xf32, #tpu.memory_space<vmem>>)
      %dma_wait3A_662 = arith.constant 0 : i32
      %dma_wait3A_663 = arith.constant 0 : i32
      %dma_wait3A_664 = arith.constant 160 : i32
      %dma_wait3A_665 = arith.constant 0 : i32
      %dma_wait3A_666 = tpu.memref_slice %arg6[%dma_wait3A_663, %dma_wait3A_664, %dma_wait3A_665] : memref<2x800x32xf32, #tpu.memory_space<vmem>> -> memref<1x80x32xf32, #tpu.memory_space<vmem>>
      %dma_wait3A_667 = tpu.memref_squeeze %dma_wait3A_666 : memref<1x80x32xf32, #tpu.memory_space<vmem>> -> memref<80x32xf32, #tpu.memory_space<vmem>>
      %dma_wait3A_668 = arith.constant 160 : i32
      %dma_wait3A_669 = tpu.memref_slice %arg5[%dma_wait3A_662, %dma_wait3A_668] : memref<2x800xi32, #tpu.memory_space<vmem>> -> memref<1x80xi32, #tpu.memory_space<vmem>>
      %dma_wait3A_670 = tpu.memref_squeeze %dma_wait3A_669 : memref<1x80xi32, #tpu.memory_space<vmem>> -> memref<80xi32, #tpu.memory_space<vmem>>
      %dma_wait3A_671 = arith.constant 0 : i32
      %dma_wait3A_672 = arith.constant 0 : i32
      %dma_wait3A_673 = tpu.memref_slice %arg3[%dma_wait3A_671, %dma_wait3A_672] : memref<1000000x32xf32, #tpu.memory_space<hbm>> -> memref<1000000x32xf32, #tpu.memory_space<hbm>>
      tpu.wait_indirect_dma semaphore(%arg8 : memref<!tpu.dma_semaphore, #tpu.memory_space<semaphore_mem>>) src(%dma_wait3A_673 : memref<1000000x32xf32, #tpu.memory_space<hbm>>) dst(%dma_wait3A_667 : memref<80x32xf32, #tpu.memory_space<vmem>>)
      %dma_wait3A_674 = arith.constant 0 : i32
      %dma_wait3A_675 = arith.constant 0 : i32
      %dma_wait3A_676 = arith.constant 240 : i32
      %dma_wait3A_677 = arith.constant 0 : i32
      %dma_wait3A_678 = tpu.memref_slice %arg6[%dma_wait3A_675, %dma_wait3A_676, %dma_wait3A_677] : memref<2x800x32xf32, #tpu.memory_space<vmem>> -> memref<1x80x32xf32, #tpu.memory_space<vmem>>
      %dma_wait3A_679 = tpu.memref_squeeze %dma_wait3A_678 : memref<1x80x32xf32, #tpu.memory_space<vmem>> -> memref<80x32xf32, #tpu.memory_space<vmem>>
      %dma_wait3A_680 = arith.constant 240 : i32
      %dma_wait3A_681 = tpu.memref_slice %arg5[%dma_wait3A_674, %dma_wait3A_680] : memref<2x800xi32, #tpu.memory_space<vmem>> -> memref<1x80xi32, #tpu.memory_space<vmem>>
      %dma_wait3A_682 = tpu.memref_squeeze %dma_wait3A_681 : memref<1x80xi32, #tpu.memory_space<vmem>> -> memref<80xi32, #tpu.memory_space<vmem>>
      %dma_wait3A_683 = arith.constant 0 : i32
      %dma_wait3A_684 = arith.constant 0 : i32
      %dma_wait3A_685 = tpu.memref_slice %arg3[%dma_wait3A_683, %dma_wait3A_684] : memref<1000000x32xf32, #tpu.memory_space<hbm>> -> memref<1000000x32xf32, #tpu.memory_space<hbm>>
      tpu.wait_indirect_dma semaphore(%arg8 : memref<!tpu.dma_semaphore, #tpu.memory_space<semaphore_mem>>) src(%dma_wait3A_685 : memref<1000000x32xf32, #tpu.memory_space<hbm>>) dst(%dma_wait3A_679 : memref<80x32xf32, #tpu.memory_space<vmem>>)
      %dma_wait3A_686 = arith.constant 0 : i32
      %dma_wait3A_687 = arith.constant 0 : i32
      %dma_wait3A_688 = arith.constant 320 : i32
      %dma_wait3A_689 = arith.constant 0 : i32
      %dma_wait3A_690 = tpu.memref_slice %arg6[%dma_wait3A_687, %dma_wait3A_688, %dma_wait3A_689] : memref<2x800x32xf32, #tpu.memory_space<vmem>> -> memref<1x80x32xf32, #tpu.memory_space<vmem>>
      %dma_wait3A_691 = tpu.memref_squeeze %dma_wait3A_690 : memref<1x80x32xf32, #tpu.memory_space<vmem>> -> memref<80x32xf32, #tpu.memory_space<vmem>>
      %dma_wait3A_692 = arith.constant 320 : i32
      %dma_wait3A_693 = tpu.memref_slice %arg5[%dma_wait3A_686, %dma_wait3A_692] : memref<2x800xi32, #tpu.memory_space<vmem>> -> memref<1x80xi32, #tpu.memory_space<vmem>>
      %dma_wait3A_694 = tpu.memref_squeeze %dma_wait3A_693 : memref<1x80xi32, #tpu.memory_space<vmem>> -> memref<80xi32, #tpu.memory_space<vmem>>
      %dma_wait3A_695 = arith.constant 0 : i32
      %dma_wait3A_696 = arith.constant 0 : i32
      %dma_wait3A_697 = tpu.memref_slice %arg3[%dma_wait3A_695, %dma_wait3A_696] : memref<1000000x32xf32, #tpu.memory_space<hbm>> -> memref<1000000x32xf32, #tpu.memory_space<hbm>>
      tpu.wait_indirect_dma semaphore(%arg8 : memref<!tpu.dma_semaphore, #tpu.memory_space<semaphore_mem>>) src(%dma_wait3A_697 : memref<1000000x32xf32, #tpu.memory_space<hbm>>) dst(%dma_wait3A_691 : memref<80x32xf32, #tpu.memory_space<vmem>>)
      %dma_wait3A_698 = arith.constant 0 : i32
      %dma_wait3A_699 = arith.constant 0 : i32
      %dma_wait3A_700 = arith.constant 400 : i32
      %dma_wait3A_701 = arith.constant 0 : i32
      %dma_wait3A_702 = tpu.memref_slice %arg6[%dma_wait3A_699, %dma_wait3A_700, %dma_wait3A_701] : memref<2x800x32xf32, #tpu.memory_space<vmem>> -> memref<1x80x32xf32, #tpu.memory_space<vmem>>
      %dma_wait3A_703 = tpu.memref_squeeze %dma_wait3A_702 : memref<1x80x32xf32, #tpu.memory_space<vmem>> -> memref<80x32xf32, #tpu.memory_space<vmem>>
      %dma_wait3A_704 = arith.constant 400 : i32
      %dma_wait3A_705 = tpu.memref_slice %arg5[%dma_wait3A_698, %dma_wait3A_704] : memref<2x800xi32, #tpu.memory_space<vmem>> -> memref<1x80xi32, #tpu.memory_space<vmem>>
      %dma_wait3A_706 = tpu.memref_squeeze %dma_wait3A_705 : memref<1x80xi32, #tpu.memory_space<vmem>> -> memref<80xi32, #tpu.memory_space<vmem>>
      %dma_wait3A_707 = arith.constant 0 : i32
      %dma_wait3A_708 = arith.constant 0 : i32
      %dma_wait3A_709 = tpu.memref_slice %arg3[%dma_wait3A_707, %dma_wait3A_708] : memref<1000000x32xf32, #tpu.memory_space<hbm>> -> memref<1000000x32xf32, #tpu.memory_space<hbm>>
      tpu.wait_indirect_dma semaphore(%arg8 : memref<!tpu.dma_semaphore, #tpu.memory_space<semaphore_mem>>) src(%dma_wait3A_709 : memref<1000000x32xf32, #tpu.memory_space<hbm>>) dst(%dma_wait3A_703 : memref<80x32xf32, #tpu.memory_space<vmem>>)
      %dma_wait3A_710 = arith.constant 0 : i32
      %dma_wait3A_711 = arith.constant 0 : i32
      %dma_wait3A_712 = arith.constant 480 : i32
      %dma_wait3A_713 = arith.constant 0 : i32
      %dma_wait3A_714 = tpu.memref_slice %arg6[%dma_wait3A_711, %dma_wait3A_712, %dma_wait3A_713] : memref<2x800x32xf32, #tpu.memory_space<vmem>> -> memref<1x80x32xf32, #tpu.memory_space<vmem>>
      %dma_wait3A_715 = tpu.memref_squeeze %dma_wait3A_714 : memref<1x80x32xf32, #tpu.memory_space<vmem>> -> memref<80x32xf32, #tpu.memory_space<vmem>>
      %dma_wait3A_716 = arith.constant 480 : i32
      %dma_wait3A_717 = tpu.memref_slice %arg5[%dma_wait3A_710, %dma_wait3A_716] : memref<2x800xi32, #tpu.memory_space<vmem>> -> memref<1x80xi32, #tpu.memory_space<vmem>>
      %dma_wait3A_718 = tpu.memref_squeeze %dma_wait3A_717 : memref<1x80xi32, #tpu.memory_space<vmem>> -> memref<80xi32, #tpu.memory_space<vmem>>
      %dma_wait3A_719 = arith.constant 0 : i32
      %dma_wait3A_720 = arith.constant 0 : i32
      %dma_wait3A_721 = tpu.memref_slice %arg3[%dma_wait3A_719, %dma_wait3A_720] : memref<1000000x32xf32, #tpu.memory_space<hbm>> -> memref<1000000x32xf32, #tpu.memory_space<hbm>>
      tpu.wait_indirect_dma semaphore(%arg8 : memref<!tpu.dma_semaphore, #tpu.memory_space<semaphore_mem>>) src(%dma_wait3A_721 : memref<1000000x32xf32, #tpu.memory_space<hbm>>) dst(%dma_wait3A_715 : memref<80x32xf32, #tpu.memory_space<vmem>>)
      %dma_wait3A_722 = arith.constant 0 : i32
      %dma_wait3A_723 = arith.constant 0 : i32
      %dma_wait3A_724 = arith.constant 560 : i32
      %dma_wait3A_725 = arith.constant 0 : i32
      %dma_wait3A_726 = tpu.memref_slice %arg6[%dma_wait3A_723, %dma_wait3A_724, %dma_wait3A_725] : memref<2x800x32xf32, #tpu.memory_space<vmem>> -> memref<1x80x32xf32, #tpu.memory_space<vmem>>
      %dma_wait3A_727 = tpu.memref_squeeze %dma_wait3A_726 : memref<1x80x32xf32, #tpu.memory_space<vmem>> -> memref<80x32xf32, #tpu.memory_space<vmem>>
      %dma_wait3A_728 = arith.constant 560 : i32
      %dma_wait3A_729 = tpu.memref_slice %arg5[%dma_wait3A_722, %dma_wait3A_728] : memref<2x800xi32, #tpu.memory_space<vmem>> -> memref<1x80xi32, #tpu.memory_space<vmem>>
      %dma_wait3A_730 = tpu.memref_squeeze %dma_wait3A_729 : memref<1x80xi32, #tpu.memory_space<vmem>> -> memref<80xi32, #tpu.memory_space<vmem>>
      %dma_wait3A_731 = arith.constant 0 : i32
      %dma_wait3A_732 = arith.constant 0 : i32
      %dma_wait3A_733 = tpu.memref_slice %arg3[%dma_wait3A_731, %dma_wait3A_732] : memref<1000000x32xf32, #tpu.memory_space<hbm>> -> memref<1000000x32xf32, #tpu.memory_space<hbm>>
      tpu.wait_indirect_dma semaphore(%arg8 : memref<!tpu.dma_semaphore, #tpu.memory_space<semaphore_mem>>) src(%dma_wait3A_733 : memref<1000000x32xf32, #tpu.memory_space<hbm>>) dst(%dma_wait3A_727 : memref<80x32xf32, #tpu.memory_space<vmem>>)
      %dma_wait3A_734 = arith.constant 0 : i32
      %dma_wait3A_735 = arith.constant 0 : i32
      %dma_wait3A_736 = arith.constant 640 : i32
      %dma_wait3A_737 = arith.constant 0 : i32
      %dma_wait3A_738 = tpu.memref_slice %arg6[%dma_wait3A_735, %dma_wait3A_736, %dma_wait3A_737] : memref<2x800x32xf32, #tpu.memory_space<vmem>> -> memref<1x80x32xf32, #tpu.memory_space<vmem>>
      %dma_wait3A_739 = tpu.memref_squeeze %dma_wait3A_738 : memref<1x80x32xf32, #tpu.memory_space<vmem>> -> memref<80x32xf32, #tpu.memory_space<vmem>>
      %dma_wait3A_740 = arith.constant 640 : i32
      %dma_wait3A_741 = tpu.memref_slice %arg5[%dma_wait3A_734, %dma_wait3A_740] : memref<2x800xi32, #tpu.memory_space<vmem>> -> memref<1x80xi32, #tpu.memory_space<vmem>>
      %dma_wait3A_742 = tpu.memref_squeeze %dma_wait3A_741 : memref<1x80xi32, #tpu.memory_space<vmem>> -> memref<80xi32, #tpu.memory_space<vmem>>
      %dma_wait3A_743 = arith.constant 0 : i32
      %dma_wait3A_744 = arith.constant 0 : i32
      %dma_wait3A_745 = tpu.memref_slice %arg3[%dma_wait3A_743, %dma_wait3A_744] : memref<1000000x32xf32, #tpu.memory_space<hbm>> -> memref<1000000x32xf32, #tpu.memory_space<hbm>>
      tpu.wait_indirect_dma semaphore(%arg8 : memref<!tpu.dma_semaphore, #tpu.memory_space<semaphore_mem>>) src(%dma_wait3A_745 : memref<1000000x32xf32, #tpu.memory_space<hbm>>) dst(%dma_wait3A_739 : memref<80x32xf32, #tpu.memory_space<vmem>>)
      %dma_wait3A_746 = arith.constant 0 : i32
      %dma_wait3A_747 = arith.constant 0 : i32
      %dma_wait3A_748 = arith.constant 720 : i32
      %dma_wait3A_749 = arith.constant 0 : i32
      %dma_wait3A_750 = tpu.memref_slice %arg6[%dma_wait3A_747, %dma_wait3A_748, %dma_wait3A_749] : memref<2x800x32xf32, #tpu.memory_space<vmem>> -> memref<1x80x32xf32, #tpu.memory_space<vmem>>
      %dma_wait3A_751 = tpu.memref_squeeze %dma_wait3A_750 : memref<1x80x32xf32, #tpu.memory_space<vmem>> -> memref<80x32xf32, #tpu.memory_space<vmem>>
      %dma_wait3A_752 = arith.constant 720 : i32
      %dma_wait3A_753 = tpu.memref_slice %arg5[%dma_wait3A_746, %dma_wait3A_752] : memref<2x800xi32, #tpu.memory_space<vmem>> -> memref<1x80xi32, #tpu.memory_space<vmem>>
      %dma_wait3A_754 = tpu.memref_squeeze %dma_wait3A_753 : memref<1x80xi32, #tpu.memory_space<vmem>> -> memref<80xi32, #tpu.memory_space<vmem>>
      %dma_wait3A_755 = arith.constant 0 : i32
      %dma_wait3A_756 = arith.constant 0 : i32
      %dma_wait3A_757 = tpu.memref_slice %arg3[%dma_wait3A_755, %dma_wait3A_756] : memref<1000000x32xf32, #tpu.memory_space<hbm>> -> memref<1000000x32xf32, #tpu.memory_space<hbm>>
      tpu.wait_indirect_dma semaphore(%arg8 : memref<!tpu.dma_semaphore, #tpu.memory_space<semaphore_mem>>) src(%dma_wait3A_757 : memref<1000000x32xf32, #tpu.memory_space<hbm>>) dst(%dma_wait3A_751 : memref<80x32xf32, #tpu.memory_space<vmem>>)
      %add3A_758 = arith.constant 1 : i32
      %add3A_759 = arith.addi %add3A_637, %add3A_758 : i32
      %lt3A_760 = arith.constant 32 : i32
      %lt3A_761 = arith.cmpi slt, %add3A_759, %lt3A_760 : i32
      %convert_element_type3A = arith.extui %lt3A_761 : i1 to i32
      %cond3A = arith.constant 0 : i32
      %cond3A_762 = arith.cmpi ne, %convert_element_type3A, %cond3A : i32
      scf.if %cond3A_762 {
        %add3A_1057 = arith.constant 1 : i32
        %add3A_1058 = arith.addi %add3A_637, %add3A_1057 : i32
        %mul3A_1059 = arith.constant 16 : i32
        %mul3A_1060 = arith.muli %add3A_1058, %mul3A_1059 : i32
        %add3A_1061 = arith.addi %mul3A_2, %mul3A_1060 : i32
        %mul3A_1062 = arith.constant 50 : i32
        %mul3A_1063 = arith.muli %add3A_1061, %mul3A_1062 : i32
        %run_scoped3A_1064 = arith.constant 1 : i32
        "tpu.region"() ({
          %run_scoped3A_1185 = tpu.sem_alloc : memref<!tpu.dma_semaphore, #tpu.memory_space<semaphore_mem>>
          %dma_start3A_1186 = arith.constant 0 : i32
          %dma_start3A_1187 = tpu.memref_slice %arg5[%run_scoped3A_1064, %dma_start3A_1186] : memref<2x800xi32, #tpu.memory_space<vmem>> -> memref<1x800xi32, #tpu.memory_space<vmem>>
          %dma_start3A_1188 = tpu.memref_squeeze %dma_start3A_1187 : memref<1x800xi32, #tpu.memory_space<vmem>> -> memref<800xi32, #tpu.memory_space<vmem>>
          %dma_start3A_1189 = tpu.memref_slice %arg2[%mul3A_1063] : memref<819200xi32, #tpu.memory_space<hbm>> -> memref<800xi32, #tpu.memory_space<hbm>>
          %dma_start3A_1190 = arith.constant 0 : i32
          %dma_start3A_1191 = tpu.memref_slice %arg5[%run_scoped3A_1064, %dma_start3A_1190] : memref<2x800xi32, #tpu.memory_space<vmem>> -> memref<1x800xi32, #tpu.memory_space<vmem>>
          %dma_start3A_1192 = tpu.memref_squeeze %dma_start3A_1191 : memref<1x800xi32, #tpu.memory_space<vmem>> -> memref<800xi32, #tpu.memory_space<vmem>>
          %dma_start3A_1193 = tpu.memref_slice %arg2[%mul3A_1063] : memref<819200xi32, #tpu.memory_space<hbm>> -> memref<800xi32, #tpu.memory_space<hbm>>
          tpu.enqueue_dma source(%dma_start3A_1193 : memref<800xi32, #tpu.memory_space<hbm>>) target(%dma_start3A_1192 : memref<800xi32, #tpu.memory_space<vmem>>) target_semaphore(%run_scoped3A_1185 : memref<!tpu.dma_semaphore, #tpu.memory_space<semaphore_mem>>)
          %dma_wait3A_1194 = arith.constant 0 : i32
          %dma_wait3A_1195 = tpu.memref_slice %arg5[%run_scoped3A_1064, %dma_wait3A_1194] : memref<2x800xi32, #tpu.memory_space<vmem>> -> memref<1x800xi32, #tpu.memory_space<vmem>>
          %dma_wait3A_1196 = tpu.memref_squeeze %dma_wait3A_1195 : memref<1x800xi32, #tpu.memory_space<vmem>> -> memref<800xi32, #tpu.memory_space<vmem>>
          %dma_wait3A_1197 = tpu.memref_slice %arg2[%mul3A_1063] : memref<819200xi32, #tpu.memory_space<hbm>> -> memref<800xi32, #tpu.memory_space<hbm>>
          %dma_wait3A_1198 = arith.constant 0 : i32
          %dma_wait3A_1199 = tpu.memref_slice %arg5[%run_scoped3A_1064, %dma_wait3A_1198] : memref<2x800xi32, #tpu.memory_space<vmem>> -> memref<1x800xi32, #tpu.memory_space<vmem>>
          %dma_wait3A_1200 = tpu.memref_squeeze %dma_wait3A_1199 : memref<1x800xi32, #tpu.memory_space<vmem>> -> memref<800xi32, #tpu.memory_space<vmem>>
          %dma_wait3A_1201 = tpu.memref_slice %arg2[%mul3A_1063] : memref<819200xi32, #tpu.memory_space<hbm>> -> memref<800xi32, #tpu.memory_space<hbm>>
          tpu.wait_dma2 semaphore(%run_scoped3A_1185 : memref<!tpu.dma_semaphore, #tpu.memory_space<semaphore_mem>>) src(%dma_wait3A_1201 : memref<800xi32, #tpu.memory_space<hbm>>) dst(%dma_wait3A_1200 : memref<800xi32, #tpu.memory_space<vmem>>)
          tpu.yield
        }) : () -> ()
        %dma_start3A_1065 = arith.constant 1 : i32
        %dma_start3A_1066 = arith.constant 1 : i32
        %dma_start3A_1067 = arith.constant 0 : i32
        %dma_start3A_1068 = arith.constant 0 : i32
        %dma_start3A_1069 = tpu.memref_slice %arg6[%dma_start3A_1066, %dma_start3A_1067, %dma_start3A_1068] : memref<2x800x32xf32, #tpu.memory_space<vmem>> -> memref<1x80x32xf32, #tpu.memory_space<vmem>>
        %dma_start3A_1070 = tpu.memref_squeeze %dma_start3A_1069 : memref<1x80x32xf32, #tpu.memory_space<vmem>> -> memref<80x32xf32, #tpu.memory_space<vmem>>
        %dma_start3A_1071 = arith.constant 0 : i32
        %dma_start3A_1072 = tpu.memref_slice %arg5[%dma_start3A_1065, %dma_start3A_1071] : memref<2x800xi32, #tpu.memory_space<vmem>> -> memref<1x80xi32, #tpu.memory_space<vmem>>
        %dma_start3A_1073 = tpu.memref_squeeze %dma_start3A_1072 : memref<1x80xi32, #tpu.memory_space<vmem>> -> memref<80xi32, #tpu.memory_space<vmem>>
        %dma_start3A_1074 = arith.constant 0 : i32
        %dma_start3A_1075 = arith.constant 0 : i32
        %dma_start3A_1076 = tpu.memref_slice %arg3[%dma_start3A_1074, %dma_start3A_1075] : memref<1000000x32xf32, #tpu.memory_space<hbm>> -> memref<1000000x32xf32, #tpu.memory_space<hbm>>
        tpu.enqueue_indirect_dma source(%dma_start3A_1076 : memref<1000000x32xf32, #tpu.memory_space<hbm>>) target(%dma_start3A_1070 : memref<80x32xf32, #tpu.memory_space<vmem>>) offsets(%dma_start3A_1073 : memref<80xi32, #tpu.memory_space<vmem>>) semaphore(%arg9 : memref<!tpu.dma_semaphore, #tpu.memory_space<semaphore_mem>>)
        %dma_start3A_1077 = arith.constant 1 : i32
        %dma_start3A_1078 = arith.constant 1 : i32
        %dma_start3A_1079 = arith.constant 80 : i32
        %dma_start3A_1080 = arith.constant 0 : i32
        %dma_start3A_1081 = tpu.memref_slice %arg6[%dma_start3A_1078, %dma_start3A_1079, %dma_start3A_1080] : memref<2x800x32xf32, #tpu.memory_space<vmem>> -> memref<1x80x32xf32, #tpu.memory_space<vmem>>
        %dma_start3A_1082 = tpu.memref_squeeze %dma_start3A_1081 : memref<1x80x32xf32, #tpu.memory_space<vmem>> -> memref<80x32xf32, #tpu.memory_space<vmem>>
        %dma_start3A_1083 = arith.constant 80 : i32
        %dma_start3A_1084 = tpu.memref_slice %arg5[%dma_start3A_1077, %dma_start3A_1083] : memref<2x800xi32, #tpu.memory_space<vmem>> -> memref<1x80xi32, #tpu.memory_space<vmem>>
        %dma_start3A_1085 = tpu.memref_squeeze %dma_start3A_1084 : memref<1x80xi32, #tpu.memory_space<vmem>> -> memref<80xi32, #tpu.memory_space<vmem>>
        %dma_start3A_1086 = arith.constant 0 : i32
        %dma_start3A_1087 = arith.constant 0 : i32
        %dma_start3A_1088 = tpu.memref_slice %arg3[%dma_start3A_1086, %dma_start3A_1087] : memref<1000000x32xf32, #tpu.memory_space<hbm>> -> memref<1000000x32xf32, #tpu.memory_space<hbm>>
        tpu.enqueue_indirect_dma source(%dma_start3A_1088 : memref<1000000x32xf32, #tpu.memory_space<hbm>>) target(%dma_start3A_1082 : memref<80x32xf32, #tpu.memory_space<vmem>>) offsets(%dma_start3A_1085 : memref<80xi32, #tpu.memory_space<vmem>>) semaphore(%arg9 : memref<!tpu.dma_semaphore, #tpu.memory_space<semaphore_mem>>)
        %dma_start3A_1089 = arith.constant 1 : i32
        %dma_start3A_1090 = arith.constant 1 : i32
        %dma_start3A_1091 = arith.constant 160 : i32
        %dma_start3A_1092 = arith.constant 0 : i32
        %dma_start3A_1093 = tpu.memref_slice %arg6[%dma_start3A_1090, %dma_start3A_1091, %dma_start3A_1092] : memref<2x800x32xf32, #tpu.memory_space<vmem>> -> memref<1x80x32xf32, #tpu.memory_space<vmem>>
        %dma_start3A_1094 = tpu.memref_squeeze %dma_start3A_1093 : memref<1x80x32xf32, #tpu.memory_space<vmem>> -> memref<80x32xf32, #tpu.memory_space<vmem>>
        %dma_start3A_1095 = arith.constant 160 : i32
        %dma_start3A_1096 = tpu.memref_slice %arg5[%dma_start3A_1089, %dma_start3A_1095] : memref<2x800xi32, #tpu.memory_space<vmem>> -> memref<1x80xi32, #tpu.memory_space<vmem>>
        %dma_start3A_1097 = tpu.memref_squeeze %dma_start3A_1096 : memref<1x80xi32, #tpu.memory_space<vmem>> -> memref<80xi32, #tpu.memory_space<vmem>>
        %dma_start3A_1098 = arith.constant 0 : i32
        %dma_start3A_1099 = arith.constant 0 : i32
        %dma_start3A_1100 = tpu.memref_slice %arg3[%dma_start3A_1098, %dma_start3A_1099] : memref<1000000x32xf32, #tpu.memory_space<hbm>> -> memref<1000000x32xf32, #tpu.memory_space<hbm>>
        tpu.enqueue_indirect_dma source(%dma_start3A_1100 : memref<1000000x32xf32, #tpu.memory_space<hbm>>) target(%dma_start3A_1094 : memref<80x32xf32, #tpu.memory_space<vmem>>) offsets(%dma_start3A_1097 : memref<80xi32, #tpu.memory_space<vmem>>) semaphore(%arg9 : memref<!tpu.dma_semaphore, #tpu.memory_space<semaphore_mem>>)
        %dma_start3A_1101 = arith.constant 1 : i32
        %dma_start3A_1102 = arith.constant 1 : i32
        %dma_start3A_1103 = arith.constant 240 : i32
        %dma_start3A_1104 = arith.constant 0 : i32
        %dma_start3A_1105 = tpu.memref_slice %arg6[%dma_start3A_1102, %dma_start3A_1103, %dma_start3A_1104] : memref<2x800x32xf32, #tpu.memory_space<vmem>> -> memref<1x80x32xf32, #tpu.memory_space<vmem>>
        %dma_start3A_1106 = tpu.memref_squeeze %dma_start3A_1105 : memref<1x80x32xf32, #tpu.memory_space<vmem>> -> memref<80x32xf32, #tpu.memory_space<vmem>>
        %dma_start3A_1107 = arith.constant 240 : i32
        %dma_start3A_1108 = tpu.memref_slice %arg5[%dma_start3A_1101, %dma_start3A_1107] : memref<2x800xi32, #tpu.memory_space<vmem>> -> memref<1x80xi32, #tpu.memory_space<vmem>>
        %dma_start3A_1109 = tpu.memref_squeeze %dma_start3A_1108 : memref<1x80xi32, #tpu.memory_space<vmem>> -> memref<80xi32, #tpu.memory_space<vmem>>
        %dma_start3A_1110 = arith.constant 0 : i32
        %dma_start3A_1111 = arith.constant 0 : i32
        %dma_start3A_1112 = tpu.memref_slice %arg3[%dma_start3A_1110, %dma_start3A_1111] : memref<1000000x32xf32, #tpu.memory_space<hbm>> -> memref<1000000x32xf32, #tpu.memory_space<hbm>>
        tpu.enqueue_indirect_dma source(%dma_start3A_1112 : memref<1000000x32xf32, #tpu.memory_space<hbm>>) target(%dma_start3A_1106 : memref<80x32xf32, #tpu.memory_space<vmem>>) offsets(%dma_start3A_1109 : memref<80xi32, #tpu.memory_space<vmem>>) semaphore(%arg9 : memref<!tpu.dma_semaphore, #tpu.memory_space<semaphore_mem>>)
        %dma_start3A_1113 = arith.constant 1 : i32
        %dma_start3A_1114 = arith.constant 1 : i32
        %dma_start3A_1115 = arith.constant 320 : i32
        %dma_start3A_1116 = arith.constant 0 : i32
        %dma_start3A_1117 = tpu.memref_slice %arg6[%dma_start3A_1114, %dma_start3A_1115, %dma_start3A_1116] : memref<2x800x32xf32, #tpu.memory_space<vmem>> -> memref<1x80x32xf32, #tpu.memory_space<vmem>>
        %dma_start3A_1118 = tpu.memref_squeeze %dma_start3A_1117 : memref<1x80x32xf32, #tpu.memory_space<vmem>> -> memref<80x32xf32, #tpu.memory_space<vmem>>
        %dma_start3A_1119 = arith.constant 320 : i32
        %dma_start3A_1120 = tpu.memref_slice %arg5[%dma_start3A_1113, %dma_start3A_1119] : memref<2x800xi32, #tpu.memory_space<vmem>> -> memref<1x80xi32, #tpu.memory_space<vmem>>
        %dma_start3A_1121 = tpu.memref_squeeze %dma_start3A_1120 : memref<1x80xi32, #tpu.memory_space<vmem>> -> memref<80xi32, #tpu.memory_space<vmem>>
        %dma_start3A_1122 = arith.constant 0 : i32
        %dma_start3A_1123 = arith.constant 0 : i32
        %dma_start3A_1124 = tpu.memref_slice %arg3[%dma_start3A_1122, %dma_start3A_1123] : memref<1000000x32xf32, #tpu.memory_space<hbm>> -> memref<1000000x32xf32, #tpu.memory_space<hbm>>
        tpu.enqueue_indirect_dma source(%dma_start3A_1124 : memref<1000000x32xf32, #tpu.memory_space<hbm>>) target(%dma_start3A_1118 : memref<80x32xf32, #tpu.memory_space<vmem>>) offsets(%dma_start3A_1121 : memref<80xi32, #tpu.memory_space<vmem>>) semaphore(%arg9 : memref<!tpu.dma_semaphore, #tpu.memory_space<semaphore_mem>>)
        %dma_start3A_1125 = arith.constant 1 : i32
        %dma_start3A_1126 = arith.constant 1 : i32
        %dma_start3A_1127 = arith.constant 400 : i32
        %dma_start3A_1128 = arith.constant 0 : i32
        %dma_start3A_1129 = tpu.memref_slice %arg6[%dma_start3A_1126, %dma_start3A_1127, %dma_start3A_1128] : memref<2x800x32xf32, #tpu.memory_space<vmem>> -> memref<1x80x32xf32, #tpu.memory_space<vmem>>
        %dma_start3A_1130 = tpu.memref_squeeze %dma_start3A_1129 : memref<1x80x32xf32, #tpu.memory_space<vmem>> -> memref<80x32xf32, #tpu.memory_space<vmem>>
        %dma_start3A_1131 = arith.constant 400 : i32
        %dma_start3A_1132 = tpu.memref_slice %arg5[%dma_start3A_1125, %dma_start3A_1131] : memref<2x800xi32, #tpu.memory_space<vmem>> -> memref<1x80xi32, #tpu.memory_space<vmem>>
        %dma_start3A_1133 = tpu.memref_squeeze %dma_start3A_1132 : memref<1x80xi32, #tpu.memory_space<vmem>> -> memref<80xi32, #tpu.memory_space<vmem>>
        %dma_start3A_1134 = arith.constant 0 : i32
        %dma_start3A_1135 = arith.constant 0 : i32
        %dma_start3A_1136 = tpu.memref_slice %arg3[%dma_start3A_1134, %dma_start3A_1135] : memref<1000000x32xf32, #tpu.memory_space<hbm>> -> memref<1000000x32xf32, #tpu.memory_space<hbm>>
        tpu.enqueue_indirect_dma source(%dma_start3A_1136 : memref<1000000x32xf32, #tpu.memory_space<hbm>>) target(%dma_start3A_1130 : memref<80x32xf32, #tpu.memory_space<vmem>>) offsets(%dma_start3A_1133 : memref<80xi32, #tpu.memory_space<vmem>>) semaphore(%arg9 : memref<!tpu.dma_semaphore, #tpu.memory_space<semaphore_mem>>)
        %dma_start3A_1137 = arith.constant 1 : i32
        %dma_start3A_1138 = arith.constant 1 : i32
        %dma_start3A_1139 = arith.constant 480 : i32
        %dma_start3A_1140 = arith.constant 0 : i32
        %dma_start3A_1141 = tpu.memref_slice %arg6[%dma_start3A_1138, %dma_start3A_1139, %dma_start3A_1140] : memref<2x800x32xf32, #tpu.memory_space<vmem>> -> memref<1x80x32xf32, #tpu.memory_space<vmem>>
        %dma_start3A_1142 = tpu.memref_squeeze %dma_start3A_1141 : memref<1x80x32xf32, #tpu.memory_space<vmem>> -> memref<80x32xf32, #tpu.memory_space<vmem>>
        %dma_start3A_1143 = arith.constant 480 : i32
        %dma_start3A_1144 = tpu.memref_slice %arg5[%dma_start3A_1137, %dma_start3A_1143] : memref<2x800xi32, #tpu.memory_space<vmem>> -> memref<1x80xi32, #tpu.memory_space<vmem>>
        %dma_start3A_1145 = tpu.memref_squeeze %dma_start3A_1144 : memref<1x80xi32, #tpu.memory_space<vmem>> -> memref<80xi32, #tpu.memory_space<vmem>>
        %dma_start3A_1146 = arith.constant 0 : i32
        %dma_start3A_1147 = arith.constant 0 : i32
        %dma_start3A_1148 = tpu.memref_slice %arg3[%dma_start3A_1146, %dma_start3A_1147] : memref<1000000x32xf32, #tpu.memory_space<hbm>> -> memref<1000000x32xf32, #tpu.memory_space<hbm>>
        tpu.enqueue_indirect_dma source(%dma_start3A_1148 : memref<1000000x32xf32, #tpu.memory_space<hbm>>) target(%dma_start3A_1142 : memref<80x32xf32, #tpu.memory_space<vmem>>) offsets(%dma_start3A_1145 : memref<80xi32, #tpu.memory_space<vmem>>) semaphore(%arg9 : memref<!tpu.dma_semaphore, #tpu.memory_space<semaphore_mem>>)
        %dma_start3A_1149 = arith.constant 1 : i32
        %dma_start3A_1150 = arith.constant 1 : i32
        %dma_start3A_1151 = arith.constant 560 : i32
        %dma_start3A_1152 = arith.constant 0 : i32
        %dma_start3A_1153 = tpu.memref_slice %arg6[%dma_start3A_1150, %dma_start3A_1151, %dma_start3A_1152] : memref<2x800x32xf32, #tpu.memory_space<vmem>> -> memref<1x80x32xf32, #tpu.memory_space<vmem>>
        %dma_start3A_1154 = tpu.memref_squeeze %dma_start3A_1153 : memref<1x80x32xf32, #tpu.memory_space<vmem>> -> memref<80x32xf32, #tpu.memory_space<vmem>>
        %dma_start3A_1155 = arith.constant 560 : i32
        %dma_start3A_1156 = tpu.memref_slice %arg5[%dma_start3A_1149, %dma_start3A_1155] : memref<2x800xi32, #tpu.memory_space<vmem>> -> memref<1x80xi32, #tpu.memory_space<vmem>>
        %dma_start3A_1157 = tpu.memref_squeeze %dma_start3A_1156 : memref<1x80xi32, #tpu.memory_space<vmem>> -> memref<80xi32, #tpu.memory_space<vmem>>
        %dma_start3A_1158 = arith.constant 0 : i32
        %dma_start3A_1159 = arith.constant 0 : i32
        %dma_start3A_1160 = tpu.memref_slice %arg3[%dma_start3A_1158, %dma_start3A_1159] : memref<1000000x32xf32, #tpu.memory_space<hbm>> -> memref<1000000x32xf32, #tpu.memory_space<hbm>>
        tpu.enqueue_indirect_dma source(%dma_start3A_1160 : memref<1000000x32xf32, #tpu.memory_space<hbm>>) target(%dma_start3A_1154 : memref<80x32xf32, #tpu.memory_space<vmem>>) offsets(%dma_start3A_1157 : memref<80xi32, #tpu.memory_space<vmem>>) semaphore(%arg9 : memref<!tpu.dma_semaphore, #tpu.memory_space<semaphore_mem>>)
        %dma_start3A_1161 = arith.constant 1 : i32
        %dma_start3A_1162 = arith.constant 1 : i32
        %dma_start3A_1163 = arith.constant 640 : i32
        %dma_start3A_1164 = arith.constant 0 : i32
        %dma_start3A_1165 = tpu.memref_slice %arg6[%dma_start3A_1162, %dma_start3A_1163, %dma_start3A_1164] : memref<2x800x32xf32, #tpu.memory_space<vmem>> -> memref<1x80x32xf32, #tpu.memory_space<vmem>>
        %dma_start3A_1166 = tpu.memref_squeeze %dma_start3A_1165 : memref<1x80x32xf32, #tpu.memory_space<vmem>> -> memref<80x32xf32, #tpu.memory_space<vmem>>
        %dma_start3A_1167 = arith.constant 640 : i32
        %dma_start3A_1168 = tpu.memref_slice %arg5[%dma_start3A_1161, %dma_start3A_1167] : memref<2x800xi32, #tpu.memory_space<vmem>> -> memref<1x80xi32, #tpu.memory_space<vmem>>
        %dma_start3A_1169 = tpu.memref_squeeze %dma_start3A_1168 : memref<1x80xi32, #tpu.memory_space<vmem>> -> memref<80xi32, #tpu.memory_space<vmem>>
        %dma_start3A_1170 = arith.constant 0 : i32
        %dma_start3A_1171 = arith.constant 0 : i32
        %dma_start3A_1172 = tpu.memref_slice %arg3[%dma_start3A_1170, %dma_start3A_1171] : memref<1000000x32xf32, #tpu.memory_space<hbm>> -> memref<1000000x32xf32, #tpu.memory_space<hbm>>
        tpu.enqueue_indirect_dma source(%dma_start3A_1172 : memref<1000000x32xf32, #tpu.memory_space<hbm>>) target(%dma_start3A_1166 : memref<80x32xf32, #tpu.memory_space<vmem>>) offsets(%dma_start3A_1169 : memref<80xi32, #tpu.memory_space<vmem>>) semaphore(%arg9 : memref<!tpu.dma_semaphore, #tpu.memory_space<semaphore_mem>>)
        %dma_start3A_1173 = arith.constant 1 : i32
        %dma_start3A_1174 = arith.constant 1 : i32
        %dma_start3A_1175 = arith.constant 720 : i32
        %dma_start3A_1176 = arith.constant 0 : i32
        %dma_start3A_1177 = tpu.memref_slice %arg6[%dma_start3A_1174, %dma_start3A_1175, %dma_start3A_1176] : memref<2x800x32xf32, #tpu.memory_space<vmem>> -> memref<1x80x32xf32, #tpu.memory_space<vmem>>
        %dma_start3A_1178 = tpu.memref_squeeze %dma_start3A_1177 : memref<1x80x32xf32, #tpu.memory_space<vmem>> -> memref<80x32xf32, #tpu.memory_space<vmem>>
        %dma_start3A_1179 = arith.constant 720 : i32
        %dma_start3A_1180 = tpu.memref_slice %arg5[%dma_start3A_1173, %dma_start3A_1179] : memref<2x800xi32, #tpu.memory_space<vmem>> -> memref<1x80xi32, #tpu.memory_space<vmem>>
        %dma_start3A_1181 = tpu.memref_squeeze %dma_start3A_1180 : memref<1x80xi32, #tpu.memory_space<vmem>> -> memref<80xi32, #tpu.memory_space<vmem>>
        %dma_start3A_1182 = arith.constant 0 : i32
        %dma_start3A_1183 = arith.constant 0 : i32
        %dma_start3A_1184 = tpu.memref_slice %arg3[%dma_start3A_1182, %dma_start3A_1183] : memref<1000000x32xf32, #tpu.memory_space<hbm>> -> memref<1000000x32xf32, #tpu.memory_space<hbm>>
        tpu.enqueue_indirect_dma source(%dma_start3A_1184 : memref<1000000x32xf32, #tpu.memory_space<hbm>>) target(%dma_start3A_1178 : memref<80x32xf32, #tpu.memory_space<vmem>>) offsets(%dma_start3A_1181 : memref<80xi32, #tpu.memory_space<vmem>>) semaphore(%arg9 : memref<!tpu.dma_semaphore, #tpu.memory_space<semaphore_mem>>)
      } else {
      }
      %ge3A = arith.constant 2 : i32
      %ge3A_763 = arith.cmpi sge, %add3A_637, %ge3A : i32
      %convert_element_type3A_764 = arith.extui %ge3A_763 : i1 to i32
      %cond3A_765 = arith.constant 0 : i32
      %cond3A_766 = arith.cmpi ne, %convert_element_type3A_764, %cond3A_765 : i32
      scf.if %cond3A_766 {
        %sub3A_1057 = arith.constant 2 : i32
        %sub3A_1058 = arith.subi %add3A_637, %sub3A_1057 : i32
        %mul3A_1059 = arith.constant 16 : i32
        %mul3A_1060 = arith.muli %sub3A_1058, %mul3A_1059 : i32
        %add3A_1061 = arith.addi %mul3A_2, %mul3A_1060 : i32
        %jit3A_1062 = arith.constant 128 : i32
        %div3A_1063 = arith.divsi %add3A_1061, %jit3A_1062 : i32
        %sign3A_1064 = arith.constant 0 : i32
        %sign3A_1065 = arith.cmpi sgt, %add3A_1061, %sign3A_1064 : i32
        %sign3A_1066 = arith.extui %sign3A_1065 : i1 to i32
        %sign3A_1067 = arith.constant 0 : i32
        %sign3A_1068 = arith.cmpi slt, %add3A_1061, %sign3A_1067 : i32
        %sign3A_1069 = arith.extui %sign3A_1068 : i1 to i32
        %sign3A_1070 = arith.subi %sign3A_1066, %sign3A_1069 : i32
        %sign3A_1071 = arith.constant 0 : i32
        %sign3A_1072 = arith.cmpi sgt, %jit3A_1062, %sign3A_1071 : i32
        %sign3A_1073 = arith.extui %sign3A_1072 : i1 to i32
        %sign3A_1074 = arith.constant 0 : i32
        %sign3A_1075 = arith.cmpi slt, %jit3A_1062, %sign3A_1074 : i32
        %sign3A_1076 = arith.extui %sign3A_1075 : i1 to i32
        %sign3A_1077 = arith.subi %sign3A_1073, %sign3A_1076 : i32
        %ne3A_1078 = arith.cmpi ne, %sign3A_1070, %sign3A_1077 : i32
        %rem3A_1079 = arith.remsi %add3A_1061, %jit3A_1062 : i32
        %ne3A_1080 = arith.constant 0 : i32
        %ne3A_1081 = arith.cmpi ne, %rem3A_1079, %ne3A_1080 : i32
        %and3A_1082 = arith.andi %ne3A_1078, %ne3A_1081 : i1
        %sub3A_1083 = arith.constant 1 : i32
        %sub3A_1084 = arith.subi %div3A_1063, %sub3A_1083 : i32
        %select_n3A_1085 = arith.select %and3A_1082, %sub3A_1084, %div3A_1063 : i32
        %jit3A_1086 = arith.constant 128 : i32
        %eq3A_1087 = arith.constant 0 : i32
        %eq3A_1088 = arith.cmpi eq, %jit3A_1086, %eq3A_1087 : i32
        %jit3A_1089 = arith.constant 1 : i32
        %select_n3A_1090 = arith.select %eq3A_1088, %jit3A_1089, %jit3A_1086 : i32
        %rem3A_1091 = arith.remsi %add3A_1061, %select_n3A_1090 : i32
        %ne3A_1092 = arith.constant 0 : i32
        %ne3A_1093 = arith.cmpi ne, %rem3A_1091, %ne3A_1092 : i32
        %lt3A_1094 = arith.constant 0 : i32
        %lt3A_1095 = arith.cmpi slt, %rem3A_1091, %lt3A_1094 : i32
        %lt3A_1096 = arith.constant 0 : i32
        %lt3A_1097 = arith.cmpi slt, %select_n3A_1090, %lt3A_1096 : i32
        %ne3A_1098 = arith.xori %lt3A_1095, %lt3A_1097 : i1
        %and3A_1099 = arith.andi %ne3A_1098, %ne3A_1093 : i1
        %add3A_1100 = arith.addi %rem3A_1091, %select_n3A_1090 : i32
        %select_n3A_1101 = arith.select %and3A_1099, %add3A_1100, %rem3A_1091 : i32
        %dma_wait3A_1102 = arith.constant 0 : i32
        %dma_wait3A_1103 = arith.constant 0 : i32
        %dma_wait3A_1104 = arith.constant 0 : i32
        %dma_wait3A_1105 = arith.constant 0 : i32
        %dma_wait3A_1106 = arith.constant 0 : i32
        %dma_wait3A_1107 = tpu.memref_slice %arg7[%dma_wait3A_1102, %dma_wait3A_1103, %dma_wait3A_1104, %dma_wait3A_1105, %dma_wait3A_1106] : memref<2x50x4x8x16xf32, #tpu.memory_space<vmem>> -> memref<1x50x4x8x16xf32, #tpu.memory_space<vmem>>
        %dma_wait3A_1108 = tpu.memref_squeeze %dma_wait3A_1107 : memref<1x50x4x8x16xf32, #tpu.memory_space<vmem>> -> memref<50x4x8x16xf32, #tpu.memory_space<vmem>>
        %dma_wait3A_1109 = arith.constant 0 : i32
        %dma_wait3A_1110 = arith.constant 0 : i32
        %dma_wait3A_1111 = arith.constant 0 : i32
        %dma_wait3A_1112 = tpu.memref_slice %arg4[%dma_wait3A_1109, %dma_wait3A_1110, %select_n3A_1085, %dma_wait3A_1111, %select_n3A_1101] : memref<50x4x128x8x128xf32, #tpu.memory_space<hbm>> -> memref<50x4x1x8x16xf32, #tpu.memory_space<hbm>>
        %dma_wait3A_1113 = tpu.memref_squeeze %dma_wait3A_1112 : memref<50x4x1x8x16xf32, #tpu.memory_space<hbm>> -> memref<50x4x8x16xf32, #tpu.memory_space<hbm>>
        %dma_wait3A_1114 = arith.constant 0 : i32
        %dma_wait3A_1115 = arith.constant 0 : i32
        %dma_wait3A_1116 = arith.constant 0 : i32
        %dma_wait3A_1117 = tpu.memref_slice %arg4[%dma_wait3A_1114, %dma_wait3A_1115, %select_n3A_1085, %dma_wait3A_1116, %select_n3A_1101] : memref<50x4x128x8x128xf32, #tpu.memory_space<hbm>> -> memref<50x4x1x8x16xf32, #tpu.memory_space<hbm>>
        %dma_wait3A_1118 = tpu.memref_squeeze %dma_wait3A_1117 : memref<50x4x1x8x16xf32, #tpu.memory_space<hbm>> -> memref<50x4x8x16xf32, #tpu.memory_space<hbm>>
        %dma_wait3A_1119 = arith.constant 0 : i32
        %dma_wait3A_1120 = arith.constant 0 : i32
        %dma_wait3A_1121 = arith.constant 0 : i32
        %dma_wait3A_1122 = arith.constant 0 : i32
        %dma_wait3A_1123 = tpu.memref_slice %arg7[%dma_wait3A_1102, %dma_wait3A_1119, %dma_wait3A_1120, %dma_wait3A_1121, %dma_wait3A_1122] : memref<2x50x4x8x16xf32, #tpu.memory_space<vmem>> -> memref<1x50x4x8x16xf32, #tpu.memory_space<vmem>>
        %dma_wait3A_1124 = tpu.memref_squeeze %dma_wait3A_1123 : memref<1x50x4x8x16xf32, #tpu.memory_space<vmem>> -> memref<50x4x8x16xf32, #tpu.memory_space<vmem>>
        tpu.wait_dma2 semaphore(%arg10 : memref<!tpu.dma_semaphore, #tpu.memory_space<semaphore_mem>>) src(%dma_wait3A_1124 : memref<50x4x8x16xf32, #tpu.memory_space<vmem>>) dst(%dma_wait3A_1118 : memref<50x4x8x16xf32, #tpu.memory_space<hbm>>)
      } else {
      }
      %mul3A_767 = arith.constant 50 : i32
      %mul3A_768 = vector.broadcast %mul3A_767 : i32 to vector<16xi32>
      %mul3A_769 = arith.muli %iota3A, %mul3A_768 : vector<16xi32>
      %scan3A_770 = arith.constant 0 : i32
      %scan3A_771 = arith.constant 0 : i32
      %scan3A_772 = arith.constant 0 : i32
      %scan3A_773 = arith.constant 0 : i32
      %scan3A_774 = arith.constant 25 : i32
      %scan3A_775 = arith.addi %scan3A_773, %scan3A_774 : i32
      %scan3A_776 = arith.constant 1 : i32
      scf.for %scan3A_1057 = %scan3A_773 to %scan3A_775 step %scan3A_776  : i32 {
        %mul3A_1058 = arith.constant 2 : i32
        %mul3A_1059 = arith.muli %scan3A_1057, %mul3A_1058 : i32
        %add3A_1060 = arith.constant 0 : i32
        %add3A_1061 = arith.addi %mul3A_1059, %add3A_1060 : i32
        %add3A_1062 = vector.broadcast %add3A_1061 : i32 to vector<16xi32>
        %add3A_1063 = arith.addi %mul3A_769, %add3A_1062 : vector<16xi32>
        %broadcast_in_dim3A = vector.broadcast %add3A_1061 : i32 to vector<16xi32>
        %gather3A = arith.constant 0 : i32
        %gather3A_1064 = arith.constant 0 : i32
        %gather3A_1065 = tpu.memref_slice %arg6[%scan3A_771, %gather3A, %gather3A_1064] : memref<2x800x32xf32, #tpu.memory_space<vmem>> -> memref<1x800x32xf32, #tpu.memory_space<vmem>>
        %gather3A_1066 = tpu.memref_squeeze %gather3A_1065 : memref<1x800x32xf32, #tpu.memory_space<vmem>> -> memref<800x32xf32, #tpu.memory_space<vmem>>
        %gather3A_1067 = tpu.vector_load_idx %gather3A_1066[%add3A_1063, %and3A_7] : memref<800x32xf32, #tpu.memory_space<vmem>>[vector<16xi32>, vector<16xi32>], vector<16xf32>,
        %gather3A_1068 = arith.constant 0 : i32
        %gather3A_1069 = arith.constant 0 : i32
        %gather3A_1070 = tpu.memref_slice %arg6[%scan3A_771, %gather3A_1068, %gather3A_1069] : memref<2x800x32xf32, #tpu.memory_space<vmem>> -> memref<1x800x32xf32, #tpu.memory_space<vmem>>
        %gather3A_1071 = tpu.memref_squeeze %gather3A_1070 : memref<1x800x32xf32, #tpu.memory_space<vmem>> -> memref<800x32xf32, #tpu.memory_space<vmem>>
        %gather3A_1072 = tpu.vector_load_idx %gather3A_1071[%add3A_1063, %and3A_13] : memref<800x32xf32, #tpu.memory_space<vmem>>[vector<16xi32>, vector<16xi32>], vector<16xf32>,
        %gather3A_1073 = arith.constant 0 : i32
        %gather3A_1074 = arith.constant 0 : i32
        %gather3A_1075 = tpu.memref_slice %arg6[%scan3A_771, %gather3A_1073, %gather3A_1074] : memref<2x800x32xf32, #tpu.memory_space<vmem>> -> memref<1x800x32xf32, #tpu.memory_space<vmem>>
        %gather3A_1076 = tpu.memref_squeeze %gather3A_1075 : memref<1x800x32xf32, #tpu.memory_space<vmem>> -> memref<800x32xf32, #tpu.memory_space<vmem>>
        %gather3A_1077 = tpu.vector_load_idx %gather3A_1076[%add3A_1063, %and3A_19] : memref<800x32xf32, #tpu.memory_space<vmem>>[vector<16xi32>, vector<16xi32>], vector<16xf32>,
        %gather3A_1078 = arith.constant 0 : i32
        %gather3A_1079 = arith.constant 0 : i32
        %gather3A_1080 = tpu.memref_slice %arg6[%scan3A_771, %gather3A_1078, %gather3A_1079] : memref<2x800x32xf32, #tpu.memory_space<vmem>> -> memref<1x800x32xf32, #tpu.memory_space<vmem>>
        %gather3A_1081 = tpu.memref_squeeze %gather3A_1080 : memref<1x800x32xf32, #tpu.memory_space<vmem>> -> memref<800x32xf32, #tpu.memory_space<vmem>>
        %gather3A_1082 = tpu.vector_load_idx %gather3A_1081[%add3A_1063, %and3A_25] : memref<800x32xf32, #tpu.memory_space<vmem>>[vector<16xi32>, vector<16xi32>], vector<16xf32>,
        %gather3A_1083 = arith.constant 0 : i32
        %gather3A_1084 = arith.constant 0 : i32
        %gather3A_1085 = tpu.memref_slice %arg6[%scan3A_771, %gather3A_1083, %gather3A_1084] : memref<2x800x32xf32, #tpu.memory_space<vmem>> -> memref<1x800x32xf32, #tpu.memory_space<vmem>>
        %gather3A_1086 = tpu.memref_squeeze %gather3A_1085 : memref<1x800x32xf32, #tpu.memory_space<vmem>> -> memref<800x32xf32, #tpu.memory_space<vmem>>
        %gather3A_1087 = tpu.vector_load_idx %gather3A_1086[%add3A_1063, %and3A_31] : memref<800x32xf32, #tpu.memory_space<vmem>>[vector<16xi32>, vector<16xi32>], vector<16xf32>,
        %gather3A_1088 = arith.constant 0 : i32
        %gather3A_1089 = arith.constant 0 : i32
        %gather3A_1090 = tpu.memref_slice %arg6[%scan3A_771, %gather3A_1088, %gather3A_1089] : memref<2x800x32xf32, #tpu.memory_space<vmem>> -> memref<1x800x32xf32, #tpu.memory_space<vmem>>
        %gather3A_1091 = tpu.memref_squeeze %gather3A_1090 : memref<1x800x32xf32, #tpu.memory_space<vmem>> -> memref<800x32xf32, #tpu.memory_space<vmem>>
        %gather3A_1092 = tpu.vector_load_idx %gather3A_1091[%add3A_1063, %and3A_37] : memref<800x32xf32, #tpu.memory_space<vmem>>[vector<16xi32>, vector<16xi32>], vector<16xf32>,
        %gather3A_1093 = arith.constant 0 : i32
        %gather3A_1094 = arith.constant 0 : i32
        %gather3A_1095 = tpu.memref_slice %arg6[%scan3A_771, %gather3A_1093, %gather3A_1094] : memref<2x800x32xf32, #tpu.memory_space<vmem>> -> memref<1x800x32xf32, #tpu.memory_space<vmem>>
        %gather3A_1096 = tpu.memref_squeeze %gather3A_1095 : memref<1x800x32xf32, #tpu.memory_space<vmem>> -> memref<800x32xf32, #tpu.memory_space<vmem>>
        %gather3A_1097 = tpu.vector_load_idx %gather3A_1096[%add3A_1063, %and3A_43] : memref<800x32xf32, #tpu.memory_space<vmem>>[vector<16xi32>, vector<16xi32>], vector<16xf32>,
        %gather3A_1098 = arith.constant 0 : i32
        %gather3A_1099 = arith.constant 0 : i32
        %gather3A_1100 = tpu.memref_slice %arg6[%scan3A_771, %gather3A_1098, %gather3A_1099] : memref<2x800x32xf32, #tpu.memory_space<vmem>> -> memref<1x800x32xf32, #tpu.memory_space<vmem>>
        %gather3A_1101 = tpu.memref_squeeze %gather3A_1100 : memref<1x800x32xf32, #tpu.memory_space<vmem>> -> memref<800x32xf32, #tpu.memory_space<vmem>>
        %gather3A_1102 = tpu.vector_load_idx %gather3A_1101[%add3A_1063, %and3A_49] : memref<800x32xf32, #tpu.memory_space<vmem>>[vector<16xi32>, vector<16xi32>], vector<16xf32>,
        %gather3A_1103 = arith.constant 0 : i32
        %gather3A_1104 = arith.constant 0 : i32
        %gather3A_1105 = tpu.memref_slice %arg6[%scan3A_771, %gather3A_1103, %gather3A_1104] : memref<2x800x32xf32, #tpu.memory_space<vmem>> -> memref<1x800x32xf32, #tpu.memory_space<vmem>>
        %gather3A_1106 = tpu.memref_squeeze %gather3A_1105 : memref<1x800x32xf32, #tpu.memory_space<vmem>> -> memref<800x32xf32, #tpu.memory_space<vmem>>
        %gather3A_1107 = tpu.vector_load_idx %gather3A_1106[%add3A_1063, %and3A_55] : memref<800x32xf32, #tpu.memory_space<vmem>>[vector<16xi32>, vector<16xi32>], vector<16xf32>,
        %gather3A_1108 = arith.constant 0 : i32
        %gather3A_1109 = arith.constant 0 : i32
        %gather3A_1110 = tpu.memref_slice %arg6[%scan3A_771, %gather3A_1108, %gather3A_1109] : memref<2x800x32xf32, #tpu.memory_space<vmem>> -> memref<1x800x32xf32, #tpu.memory_space<vmem>>
        %gather3A_1111 = tpu.memref_squeeze %gather3A_1110 : memref<1x800x32xf32, #tpu.memory_space<vmem>> -> memref<800x32xf32, #tpu.memory_space<vmem>>
        %gather3A_1112 = tpu.vector_load_idx %gather3A_1111[%add3A_1063, %and3A_61] : memref<800x32xf32, #tpu.memory_space<vmem>>[vector<16xi32>, vector<16xi32>], vector<16xf32>,
        %gather3A_1113 = arith.constant 0 : i32
        %gather3A_1114 = arith.constant 0 : i32
        %gather3A_1115 = tpu.memref_slice %arg6[%scan3A_771, %gather3A_1113, %gather3A_1114] : memref<2x800x32xf32, #tpu.memory_space<vmem>> -> memref<1x800x32xf32, #tpu.memory_space<vmem>>
        %gather3A_1116 = tpu.memref_squeeze %gather3A_1115 : memref<1x800x32xf32, #tpu.memory_space<vmem>> -> memref<800x32xf32, #tpu.memory_space<vmem>>
        %gather3A_1117 = tpu.vector_load_idx %gather3A_1116[%add3A_1063, %and3A_67] : memref<800x32xf32, #tpu.memory_space<vmem>>[vector<16xi32>, vector<16xi32>], vector<16xf32>,
        %gather3A_1118 = arith.constant 0 : i32
        %gather3A_1119 = arith.constant 0 : i32
        %gather3A_1120 = tpu.memref_slice %arg6[%scan3A_771, %gather3A_1118, %gather3A_1119] : memref<2x800x32xf32, #tpu.memory_space<vmem>> -> memref<1x800x32xf32, #tpu.memory_space<vmem>>
        %gather3A_1121 = tpu.memref_squeeze %gather3A_1120 : memref<1x800x32xf32, #tpu.memory_space<vmem>> -> memref<800x32xf32, #tpu.memory_space<vmem>>
        %gather3A_1122 = tpu.vector_load_idx %gather3A_1121[%add3A_1063, %and3A_73] : memref<800x32xf32, #tpu.memory_space<vmem>>[vector<16xi32>, vector<16xi32>], vector<16xf32>,
        %gather3A_1123 = arith.constant 0 : i32
        %gather3A_1124 = arith.constant 0 : i32
        %gather3A_1125 = tpu.memref_slice %arg6[%scan3A_771, %gather3A_1123, %gather3A_1124] : memref<2x800x32xf32, #tpu.memory_space<vmem>> -> memref<1x800x32xf32, #tpu.memory_space<vmem>>
        %gather3A_1126 = tpu.memref_squeeze %gather3A_1125 : memref<1x800x32xf32, #tpu.memory_space<vmem>> -> memref<800x32xf32, #tpu.memory_space<vmem>>
        %gather3A_1127 = tpu.vector_load_idx %gather3A_1126[%add3A_1063, %and3A_79] : memref<800x32xf32, #tpu.memory_space<vmem>>[vector<16xi32>, vector<16xi32>], vector<16xf32>,
        %gather3A_1128 = arith.constant 0 : i32
        %gather3A_1129 = arith.constant 0 : i32
        %gather3A_1130 = tpu.memref_slice %arg6[%scan3A_771, %gather3A_1128, %gather3A_1129] : memref<2x800x32xf32, #tpu.memory_space<vmem>> -> memref<1x800x32xf32, #tpu.memory_space<vmem>>
        %gather3A_1131 = tpu.memref_squeeze %gather3A_1130 : memref<1x800x32xf32, #tpu.memory_space<vmem>> -> memref<800x32xf32, #tpu.memory_space<vmem>>
        %gather3A_1132 = tpu.vector_load_idx %gather3A_1131[%add3A_1063, %and3A_85] : memref<800x32xf32, #tpu.memory_space<vmem>>[vector<16xi32>, vector<16xi32>], vector<16xf32>,
        %gather3A_1133 = arith.constant 0 : i32
        %gather3A_1134 = arith.constant 0 : i32
        %gather3A_1135 = tpu.memref_slice %arg6[%scan3A_771, %gather3A_1133, %gather3A_1134] : memref<2x800x32xf32, #tpu.memory_space<vmem>> -> memref<1x800x32xf32, #tpu.memory_space<vmem>>
        %gather3A_1136 = tpu.memref_squeeze %gather3A_1135 : memref<1x800x32xf32, #tpu.memory_space<vmem>> -> memref<800x32xf32, #tpu.memory_space<vmem>>
        %gather3A_1137 = tpu.vector_load_idx %gather3A_1136[%add3A_1063, %and3A_91] : memref<800x32xf32, #tpu.memory_space<vmem>>[vector<16xi32>, vector<16xi32>], vector<16xf32>,
        %gather3A_1138 = arith.constant 0 : i32
        %gather3A_1139 = arith.constant 0 : i32
        %gather3A_1140 = tpu.memref_slice %arg6[%scan3A_771, %gather3A_1138, %gather3A_1139] : memref<2x800x32xf32, #tpu.memory_space<vmem>> -> memref<1x800x32xf32, #tpu.memory_space<vmem>>
        %gather3A_1141 = tpu.memref_squeeze %gather3A_1140 : memref<1x800x32xf32, #tpu.memory_space<vmem>> -> memref<800x32xf32, #tpu.memory_space<vmem>>
        %gather3A_1142 = tpu.vector_load_idx %gather3A_1141[%add3A_1063, %and3A_97] : memref<800x32xf32, #tpu.memory_space<vmem>>[vector<16xi32>, vector<16xi32>], vector<16xf32>,
        %gather3A_1143 = arith.constant 0 : i32
        %gather3A_1144 = arith.constant 0 : i32
        %gather3A_1145 = tpu.memref_slice %arg6[%scan3A_771, %gather3A_1143, %gather3A_1144] : memref<2x800x32xf32, #tpu.memory_space<vmem>> -> memref<1x800x32xf32, #tpu.memory_space<vmem>>
        %gather3A_1146 = tpu.memref_squeeze %gather3A_1145 : memref<1x800x32xf32, #tpu.memory_space<vmem>> -> memref<800x32xf32, #tpu.memory_space<vmem>>
        %gather3A_1147 = tpu.vector_load_idx %gather3A_1146[%add3A_1063, %and3A_103] : memref<800x32xf32, #tpu.memory_space<vmem>>[vector<16xi32>, vector<16xi32>], vector<16xf32>,
        %gather3A_1148 = arith.constant 0 : i32
        %gather3A_1149 = arith.constant 0 : i32
        %gather3A_1150 = tpu.memref_slice %arg6[%scan3A_771, %gather3A_1148, %gather3A_1149] : memref<2x800x32xf32, #tpu.memory_space<vmem>> -> memref<1x800x32xf32, #tpu.memory_space<vmem>>
        %gather3A_1151 = tpu.memref_squeeze %gather3A_1150 : memref<1x800x32xf32, #tpu.memory_space<vmem>> -> memref<800x32xf32, #tpu.memory_space<vmem>>
        %gather3A_1152 = tpu.vector_load_idx %gather3A_1151[%add3A_1063, %and3A_109] : memref<800x32xf32, #tpu.memory_space<vmem>>[vector<16xi32>, vector<16xi32>], vector<16xf32>,
        %gather3A_1153 = arith.constant 0 : i32
        %gather3A_1154 = arith.constant 0 : i32
        %gather3A_1155 = tpu.memref_slice %arg6[%scan3A_771, %gather3A_1153, %gather3A_1154] : memref<2x800x32xf32, #tpu.memory_space<vmem>> -> memref<1x800x32xf32, #tpu.memory_space<vmem>>
        %gather3A_1156 = tpu.memref_squeeze %gather3A_1155 : memref<1x800x32xf32, #tpu.memory_space<vmem>> -> memref<800x32xf32, #tpu.memory_space<vmem>>
        %gather3A_1157 = tpu.vector_load_idx %gather3A_1156[%add3A_1063, %and3A_115] : memref<800x32xf32, #tpu.memory_space<vmem>>[vector<16xi32>, vector<16xi32>], vector<16xf32>,
        %gather3A_1158 = arith.constant 0 : i32
        %gather3A_1159 = arith.constant 0 : i32
        %gather3A_1160 = tpu.memref_slice %arg6[%scan3A_771, %gather3A_1158, %gather3A_1159] : memref<2x800x32xf32, #tpu.memory_space<vmem>> -> memref<1x800x32xf32, #tpu.memory_space<vmem>>
        %gather3A_1161 = tpu.memref_squeeze %gather3A_1160 : memref<1x800x32xf32, #tpu.memory_space<vmem>> -> memref<800x32xf32, #tpu.memory_space<vmem>>
        %gather3A_1162 = tpu.vector_load_idx %gather3A_1161[%add3A_1063, %and3A_121] : memref<800x32xf32, #tpu.memory_space<vmem>>[vector<16xi32>, vector<16xi32>], vector<16xf32>,
        %gather3A_1163 = arith.constant 0 : i32
        %gather3A_1164 = arith.constant 0 : i32
        %gather3A_1165 = tpu.memref_slice %arg6[%scan3A_771, %gather3A_1163, %gather3A_1164] : memref<2x800x32xf32, #tpu.memory_space<vmem>> -> memref<1x800x32xf32, #tpu.memory_space<vmem>>
        %gather3A_1166 = tpu.memref_squeeze %gather3A_1165 : memref<1x800x32xf32, #tpu.memory_space<vmem>> -> memref<800x32xf32, #tpu.memory_space<vmem>>
        %gather3A_1167 = tpu.vector_load_idx %gather3A_1166[%add3A_1063, %and3A_127] : memref<800x32xf32, #tpu.memory_space<vmem>>[vector<16xi32>, vector<16xi32>], vector<16xf32>,
        %gather3A_1168 = arith.constant 0 : i32
        %gather3A_1169 = arith.constant 0 : i32
        %gather3A_1170 = tpu.memref_slice %arg6[%scan3A_771, %gather3A_1168, %gather3A_1169] : memref<2x800x32xf32, #tpu.memory_space<vmem>> -> memref<1x800x32xf32, #tpu.memory_space<vmem>>
        %gather3A_1171 = tpu.memref_squeeze %gather3A_1170 : memref<1x800x32xf32, #tpu.memory_space<vmem>> -> memref<800x32xf32, #tpu.memory_space<vmem>>
        %gather3A_1172 = tpu.vector_load_idx %gather3A_1171[%add3A_1063, %and3A_133] : memref<800x32xf32, #tpu.memory_space<vmem>>[vector<16xi32>, vector<16xi32>], vector<16xf32>,
        %gather3A_1173 = arith.constant 0 : i32
        %gather3A_1174 = arith.constant 0 : i32
        %gather3A_1175 = tpu.memref_slice %arg6[%scan3A_771, %gather3A_1173, %gather3A_1174] : memref<2x800x32xf32, #tpu.memory_space<vmem>> -> memref<1x800x32xf32, #tpu.memory_space<vmem>>
        %gather3A_1176 = tpu.memref_squeeze %gather3A_1175 : memref<1x800x32xf32, #tpu.memory_space<vmem>> -> memref<800x32xf32, #tpu.memory_space<vmem>>
        %gather3A_1177 = tpu.vector_load_idx %gather3A_1176[%add3A_1063, %and3A_139] : memref<800x32xf32, #tpu.memory_space<vmem>>[vector<16xi32>, vector<16xi32>], vector<16xf32>,
        %gather3A_1178 = arith.constant 0 : i32
        %gather3A_1179 = arith.constant 0 : i32
        %gather3A_1180 = tpu.memref_slice %arg6[%scan3A_771, %gather3A_1178, %gather3A_1179] : memref<2x800x32xf32, #tpu.memory_space<vmem>> -> memref<1x800x32xf32, #tpu.memory_space<vmem>>
        %gather3A_1181 = tpu.memref_squeeze %gather3A_1180 : memref<1x800x32xf32, #tpu.memory_space<vmem>> -> memref<800x32xf32, #tpu.memory_space<vmem>>
        %gather3A_1182 = tpu.vector_load_idx %gather3A_1181[%add3A_1063, %and3A_145] : memref<800x32xf32, #tpu.memory_space<vmem>>[vector<16xi32>, vector<16xi32>], vector<16xf32>,
        %gather3A_1183 = arith.constant 0 : i32
        %gather3A_1184 = arith.constant 0 : i32
        %gather3A_1185 = tpu.memref_slice %arg6[%scan3A_771, %gather3A_1183, %gather3A_1184] : memref<2x800x32xf32, #tpu.memory_space<vmem>> -> memref<1x800x32xf32, #tpu.memory_space<vmem>>
        %gather3A_1186 = tpu.memref_squeeze %gather3A_1185 : memref<1x800x32xf32, #tpu.memory_space<vmem>> -> memref<800x32xf32, #tpu.memory_space<vmem>>
        %gather3A_1187 = tpu.vector_load_idx %gather3A_1186[%add3A_1063, %and3A_151] : memref<800x32xf32, #tpu.memory_space<vmem>>[vector<16xi32>, vector<16xi32>], vector<16xf32>,
        %gather3A_1188 = arith.constant 0 : i32
        %gather3A_1189 = arith.constant 0 : i32
        %gather3A_1190 = tpu.memref_slice %arg6[%scan3A_771, %gather3A_1188, %gather3A_1189] : memref<2x800x32xf32, #tpu.memory_space<vmem>> -> memref<1x800x32xf32, #tpu.memory_space<vmem>>
        %gather3A_1191 = tpu.memref_squeeze %gather3A_1190 : memref<1x800x32xf32, #tpu.memory_space<vmem>> -> memref<800x32xf32, #tpu.memory_space<vmem>>
        %gather3A_1192 = tpu.vector_load_idx %gather3A_1191[%add3A_1063, %and3A_157] : memref<800x32xf32, #tpu.memory_space<vmem>>[vector<16xi32>, vector<16xi32>], vector<16xf32>,
        %gather3A_1193 = arith.constant 0 : i32
        %gather3A_1194 = arith.constant 0 : i32
        %gather3A_1195 = tpu.memref_slice %arg6[%scan3A_771, %gather3A_1193, %gather3A_1194] : memref<2x800x32xf32, #tpu.memory_space<vmem>> -> memref<1x800x32xf32, #tpu.memory_space<vmem>>
        %gather3A_1196 = tpu.memref_squeeze %gather3A_1195 : memref<1x800x32xf32, #tpu.memory_space<vmem>> -> memref<800x32xf32, #tpu.memory_space<vmem>>
        %gather3A_1197 = tpu.vector_load_idx %gather3A_1196[%add3A_1063, %and3A_163] : memref<800x32xf32, #tpu.memory_space<vmem>>[vector<16xi32>, vector<16xi32>], vector<16xf32>,
        %gather3A_1198 = arith.constant 0 : i32
        %gather3A_1199 = arith.constant 0 : i32
        %gather3A_1200 = tpu.memref_slice %arg6[%scan3A_771, %gather3A_1198, %gather3A_1199] : memref<2x800x32xf32, #tpu.memory_space<vmem>> -> memref<1x800x32xf32, #tpu.memory_space<vmem>>
        %gather3A_1201 = tpu.memref_squeeze %gather3A_1200 : memref<1x800x32xf32, #tpu.memory_space<vmem>> -> memref<800x32xf32, #tpu.memory_space<vmem>>
        %gather3A_1202 = tpu.vector_load_idx %gather3A_1201[%add3A_1063, %and3A_169] : memref<800x32xf32, #tpu.memory_space<vmem>>[vector<16xi32>, vector<16xi32>], vector<16xf32>,
        %gather3A_1203 = arith.constant 0 : i32
        %gather3A_1204 = arith.constant 0 : i32
        %gather3A_1205 = tpu.memref_slice %arg6[%scan3A_771, %gather3A_1203, %gather3A_1204] : memref<2x800x32xf32, #tpu.memory_space<vmem>> -> memref<1x800x32xf32, #tpu.memory_space<vmem>>
        %gather3A_1206 = tpu.memref_squeeze %gather3A_1205 : memref<1x800x32xf32, #tpu.memory_space<vmem>> -> memref<800x32xf32, #tpu.memory_space<vmem>>
        %gather3A_1207 = tpu.vector_load_idx %gather3A_1206[%add3A_1063, %and3A_175] : memref<800x32xf32, #tpu.memory_space<vmem>>[vector<16xi32>, vector<16xi32>], vector<16xf32>,
        %gather3A_1208 = arith.constant 0 : i32
        %gather3A_1209 = arith.constant 0 : i32
        %gather3A_1210 = tpu.memref_slice %arg6[%scan3A_771, %gather3A_1208, %gather3A_1209] : memref<2x800x32xf32, #tpu.memory_space<vmem>> -> memref<1x800x32xf32, #tpu.memory_space<vmem>>
        %gather3A_1211 = tpu.memref_squeeze %gather3A_1210 : memref<1x800x32xf32, #tpu.memory_space<vmem>> -> memref<800x32xf32, #tpu.memory_space<vmem>>
        %gather3A_1212 = tpu.vector_load_idx %gather3A_1211[%add3A_1063, %and3A_181] : memref<800x32xf32, #tpu.memory_space<vmem>>[vector<16xi32>, vector<16xi32>], vector<16xf32>,
        %gather3A_1213 = arith.constant 0 : i32
        %gather3A_1214 = arith.constant 0 : i32
        %gather3A_1215 = tpu.memref_slice %arg6[%scan3A_771, %gather3A_1213, %gather3A_1214] : memref<2x800x32xf32, #tpu.memory_space<vmem>> -> memref<1x800x32xf32, #tpu.memory_space<vmem>>
        %gather3A_1216 = tpu.memref_squeeze %gather3A_1215 : memref<1x800x32xf32, #tpu.memory_space<vmem>> -> memref<800x32xf32, #tpu.memory_space<vmem>>
        %gather3A_1217 = tpu.vector_load_idx %gather3A_1216[%add3A_1063, %and3A_187] : memref<800x32xf32, #tpu.memory_space<vmem>>[vector<16xi32>, vector<16xi32>], vector<16xf32>,
        %gather3A_1218 = arith.constant 0 : i32
        %gather3A_1219 = arith.constant 0 : i32
        %gather3A_1220 = tpu.memref_slice %arg6[%scan3A_771, %gather3A_1218, %gather3A_1219] : memref<2x800x32xf32, #tpu.memory_space<vmem>> -> memref<1x800x32xf32, #tpu.memory_space<vmem>>
        %gather3A_1221 = tpu.memref_squeeze %gather3A_1220 : memref<1x800x32xf32, #tpu.memory_space<vmem>> -> memref<800x32xf32, #tpu.memory_space<vmem>>
        %gather3A_1222 = tpu.vector_load_idx %gather3A_1221[%add3A_1063, %and3A_193] : memref<800x32xf32, #tpu.memory_space<vmem>>[vector<16xi32>, vector<16xi32>], vector<16xf32>,
        %mul3A_1223 = arith.mulf %gather3A_1067, %gather3A_1067 : vector<16xf32>
        %mul3A_1224 = arith.mulf %gather3A_1072, %gather3A_1072 : vector<16xf32>
        %mul3A_1225 = arith.mulf %gather3A_1077, %gather3A_1077 : vector<16xf32>
        %mul3A_1226 = arith.mulf %gather3A_1082, %gather3A_1082 : vector<16xf32>
        %mul3A_1227 = arith.mulf %gather3A_1087, %gather3A_1087 : vector<16xf32>
        %mul3A_1228 = arith.mulf %gather3A_1092, %gather3A_1092 : vector<16xf32>
        %mul3A_1229 = arith.mulf %gather3A_1097, %gather3A_1097 : vector<16xf32>
        %mul3A_1230 = arith.mulf %gather3A_1102, %gather3A_1102 : vector<16xf32>
        %mul3A_1231 = arith.mulf %gather3A_1107, %gather3A_1107 : vector<16xf32>
        %mul3A_1232 = arith.mulf %gather3A_1112, %gather3A_1112 : vector<16xf32>
        %mul3A_1233 = arith.mulf %gather3A_1117, %gather3A_1117 : vector<16xf32>
        %mul3A_1234 = arith.mulf %gather3A_1122, %gather3A_1122 : vector<16xf32>
        %mul3A_1235 = arith.mulf %gather3A_1127, %gather3A_1127 : vector<16xf32>
        %mul3A_1236 = arith.mulf %gather3A_1132, %gather3A_1132 : vector<16xf32>
        %mul3A_1237 = arith.mulf %gather3A_1137, %gather3A_1137 : vector<16xf32>
        %mul3A_1238 = arith.mulf %gather3A_1142, %gather3A_1142 : vector<16xf32>
        %mul3A_1239 = arith.mulf %gather3A_1147, %gather3A_1147 : vector<16xf32>
        %mul3A_1240 = arith.mulf %gather3A_1152, %gather3A_1152 : vector<16xf32>
        %mul3A_1241 = arith.mulf %gather3A_1157, %gather3A_1157 : vector<16xf32>
        %mul3A_1242 = arith.mulf %gather3A_1162, %gather3A_1162 : vector<16xf32>
        %mul3A_1243 = arith.mulf %gather3A_1167, %gather3A_1167 : vector<16xf32>
        %mul3A_1244 = arith.mulf %gather3A_1172, %gather3A_1172 : vector<16xf32>
        %mul3A_1245 = arith.mulf %gather3A_1177, %gather3A_1177 : vector<16xf32>
        %mul3A_1246 = arith.mulf %gather3A_1182, %gather3A_1182 : vector<16xf32>
        %mul3A_1247 = arith.mulf %gather3A_1187, %gather3A_1187 : vector<16xf32>
        %mul3A_1248 = arith.mulf %gather3A_1192, %gather3A_1192 : vector<16xf32>
        %mul3A_1249 = arith.mulf %gather3A_1197, %gather3A_1197 : vector<16xf32>
        %mul3A_1250 = arith.mulf %gather3A_1202, %gather3A_1202 : vector<16xf32>
        %mul3A_1251 = arith.mulf %gather3A_1207, %gather3A_1207 : vector<16xf32>
        %mul3A_1252 = arith.mulf %gather3A_1212, %gather3A_1212 : vector<16xf32>
        %mul3A_1253 = arith.mulf %gather3A_1217, %gather3A_1217 : vector<16xf32>
        %mul3A_1254 = arith.mulf %gather3A_1222, %gather3A_1222 : vector<16xf32>
        %add3A_1255 = arith.addf %mul3A_1223, %mul3A_1224 : vector<16xf32>
        %add3A_1256 = arith.addf %mul3A_1225, %mul3A_1226 : vector<16xf32>
        %add3A_1257 = arith.addf %mul3A_1227, %mul3A_1228 : vector<16xf32>
        %add3A_1258 = arith.addf %mul3A_1229, %mul3A_1230 : vector<16xf32>
        %add3A_1259 = arith.addf %mul3A_1231, %mul3A_1232 : vector<16xf32>
        %add3A_1260 = arith.addf %mul3A_1233, %mul3A_1234 : vector<16xf32>
        %add3A_1261 = arith.addf %mul3A_1235, %mul3A_1236 : vector<16xf32>
        %add3A_1262 = arith.addf %mul3A_1237, %mul3A_1238 : vector<16xf32>
        %add3A_1263 = arith.addf %mul3A_1239, %mul3A_1240 : vector<16xf32>
        %add3A_1264 = arith.addf %mul3A_1241, %mul3A_1242 : vector<16xf32>
        %add3A_1265 = arith.addf %mul3A_1243, %mul3A_1244 : vector<16xf32>
        %add3A_1266 = arith.addf %mul3A_1245, %mul3A_1246 : vector<16xf32>
        %add3A_1267 = arith.addf %mul3A_1247, %mul3A_1248 : vector<16xf32>
        %add3A_1268 = arith.addf %mul3A_1249, %mul3A_1250 : vector<16xf32>
        %add3A_1269 = arith.addf %mul3A_1251, %mul3A_1252 : vector<16xf32>
        %add3A_1270 = arith.addf %mul3A_1253, %mul3A_1254 : vector<16xf32>
        %add3A_1271 = arith.addf %add3A_1255, %add3A_1256 : vector<16xf32>
        %add3A_1272 = arith.addf %add3A_1257, %add3A_1258 : vector<16xf32>
        %add3A_1273 = arith.addf %add3A_1259, %add3A_1260 : vector<16xf32>
        %add3A_1274 = arith.addf %add3A_1261, %add3A_1262 : vector<16xf32>
        %add3A_1275 = arith.addf %add3A_1263, %add3A_1264 : vector<16xf32>
        %add3A_1276 = arith.addf %add3A_1265, %add3A_1266 : vector<16xf32>
        %add3A_1277 = arith.addf %add3A_1267, %add3A_1268 : vector<16xf32>
        %add3A_1278 = arith.addf %add3A_1269, %add3A_1270 : vector<16xf32>
        %add3A_1279 = arith.addf %add3A_1271, %add3A_1272 : vector<16xf32>
        %add3A_1280 = arith.addf %add3A_1273, %add3A_1274 : vector<16xf32>
        %add3A_1281 = arith.addf %add3A_1275, %add3A_1276 : vector<16xf32>
        %add3A_1282 = arith.addf %add3A_1277, %add3A_1278 : vector<16xf32>
        %add3A_1283 = arith.addf %add3A_1279, %add3A_1280 : vector<16xf32>
        %add3A_1284 = arith.addf %add3A_1281, %add3A_1282 : vector<16xf32>
        %add3A_1285 = arith.addf %add3A_1283, %add3A_1284 : vector<16xf32>
        %bitcast3A = vector.bitcast %add3A_1285 : vector<16xf32> to vector<16xi32>
        %shift_right_logical3A_1286 = arith.constant 1 : i32
        %shift_right_logical3A_1287 = vector.broadcast %shift_right_logical3A_1286 : i32 to vector<16xi32>
        %shift_right_logical3A_1288 = arith.shrui %bitcast3A, %shift_right_logical3A_1287 : vector<16xi32>
        %sub3A_1289 = arith.constant 1597463007 : i32
        %sub3A_1290 = vector.broadcast %sub3A_1289 : i32 to vector<16xi32>
        %sub3A_1291 = arith.subi %sub3A_1290, %shift_right_logical3A_1288 : vector<16xi32>
        %bitcast3A_1292 = vector.bitcast %sub3A_1291 : vector<16xi32> to vector<16xf32>
        %mul3A_1293 = arith.constant 5.000000e-01 : f32
        %mul3A_1294 = vector.broadcast %mul3A_1293 : f32 to vector<16xf32>
        %mul3A_1295 = arith.mulf %mul3A_1294, %add3A_1285 : vector<16xf32>
        %mul3A_1296 = arith.mulf %mul3A_1295, %bitcast3A_1292 : vector<16xf32>
        %mul3A_1297 = arith.mulf %mul3A_1296, %bitcast3A_1292 : vector<16xf32>
        %sub3A_1298 = arith.constant 1.500000e+00 : f32
        %sub3A_1299 = vector.broadcast %sub3A_1298 : f32 to vector<16xf32>
        %sub3A_1300 = arith.subf %sub3A_1299, %mul3A_1297 : vector<16xf32>
        %mul3A_1301 = arith.mulf %bitcast3A_1292, %sub3A_1300 : vector<16xf32>
        %mul3A_1302 = arith.constant 5.000000e-01 : f32
        %mul3A_1303 = vector.broadcast %mul3A_1302 : f32 to vector<16xf32>
        %mul3A_1304 = arith.mulf %mul3A_1303, %add3A_1285 : vector<16xf32>
        %mul3A_1305 = arith.mulf %mul3A_1304, %mul3A_1301 : vector<16xf32>
        %mul3A_1306 = arith.mulf %mul3A_1305, %mul3A_1301 : vector<16xf32>
        %sub3A_1307 = arith.constant 1.500000e+00 : f32
        %sub3A_1308 = vector.broadcast %sub3A_1307 : f32 to vector<16xf32>
        %sub3A_1309 = arith.subf %sub3A_1308, %mul3A_1306 : vector<16xf32>
        %mul3A_1310 = arith.mulf %mul3A_1301, %sub3A_1309 : vector<16xf32>
        %mul3A_1311 = arith.constant 5.000000e-01 : f32
        %mul3A_1312 = vector.broadcast %mul3A_1311 : f32 to vector<16xf32>
        %mul3A_1313 = arith.mulf %mul3A_1312, %add3A_1285 : vector<16xf32>
        %mul3A_1314 = arith.mulf %mul3A_1313, %mul3A_1310 : vector<16xf32>
        %mul3A_1315 = arith.mulf %mul3A_1314, %mul3A_1310 : vector<16xf32>
        %sub3A_1316 = arith.constant 1.500000e+00 : f32
        %sub3A_1317 = vector.broadcast %sub3A_1316 : f32 to vector<16xf32>
        %sub3A_1318 = arith.subf %sub3A_1317, %mul3A_1315 : vector<16xf32>
        %mul3A_1319 = arith.mulf %mul3A_1310, %sub3A_1318 : vector<16xf32>
        %mul3A_1320 = arith.mulf %gather3A_1067, %mul3A_1319 : vector<16xf32>
        %scatter3A = arith.constant 0 : i32
        %scatter3A_1321 = arith.constant 0 : i32
        %scatter3A_1322 = arith.constant 0 : i32
        %scatter3A_1323 = arith.constant 0 : i32
        %scatter3A_1324 = tpu.memref_slice %arg7[%scan3A_772, %scatter3A, %scatter3A_1321, %scatter3A_1322, %scatter3A_1323] : memref<2x50x4x8x16xf32, #tpu.memory_space<vmem>> -> memref<1x50x4x8x16xf32, #tpu.memory_space<vmem>>
        %scatter3A_1325 = tpu.memref_squeeze %scatter3A_1324 : memref<1x50x4x8x16xf32, #tpu.memory_space<vmem>> -> memref<50x4x8x16xf32, #tpu.memory_space<vmem>>
        tpu.vector_store_idx %scatter3A_1325[%broadcast_in_dim3A, %shift_right_logical3A_195, %and3A_291, %iota3A], %mul3A_1320 : memref<50x4x8x16xf32, #tpu.memory_space<vmem>>[vector<16xi32>, vector<16xi32>, vector<16xi32>, vector<16xi32>], vector<16xf32>,
        %mul3A_1326 = arith.mulf %gather3A_1072, %mul3A_1319 : vector<16xf32>
        %scatter3A_1327 = arith.constant 0 : i32
        %scatter3A_1328 = arith.constant 0 : i32
        %scatter3A_1329 = arith.constant 0 : i32
        %scatter3A_1330 = arith.constant 0 : i32
        %scatter3A_1331 = tpu.memref_slice %arg7[%scan3A_772, %scatter3A_1327, %scatter3A_1328, %scatter3A_1329, %scatter3A_1330] : memref<2x50x4x8x16xf32, #tpu.memory_space<vmem>> -> memref<1x50x4x8x16xf32, #tpu.memory_space<vmem>>
        %scatter3A_1332 = tpu.memref_squeeze %scatter3A_1331 : memref<1x50x4x8x16xf32, #tpu.memory_space<vmem>> -> memref<50x4x8x16xf32, #tpu.memory_space<vmem>>
        tpu.vector_store_idx %scatter3A_1332[%broadcast_in_dim3A, %shift_right_logical3A_198, %and3A_294, %iota3A], %mul3A_1326 : memref<50x4x8x16xf32, #tpu.memory_space<vmem>>[vector<16xi32>, vector<16xi32>, vector<16xi32>, vector<16xi32>], vector<16xf32>,
        %mul3A_1333 = arith.mulf %gather3A_1077, %mul3A_1319 : vector<16xf32>
        %scatter3A_1334 = arith.constant 0 : i32
        %scatter3A_1335 = arith.constant 0 : i32
        %scatter3A_1336 = arith.constant 0 : i32
        %scatter3A_1337 = arith.constant 0 : i32
        %scatter3A_1338 = tpu.memref_slice %arg7[%scan3A_772, %scatter3A_1334, %scatter3A_1335, %scatter3A_1336, %scatter3A_1337] : memref<2x50x4x8x16xf32, #tpu.memory_space<vmem>> -> memref<1x50x4x8x16xf32, #tpu.memory_space<vmem>>
        %scatter3A_1339 = tpu.memref_squeeze %scatter3A_1338 : memref<1x50x4x8x16xf32, #tpu.memory_space<vmem>> -> memref<50x4x8x16xf32, #tpu.memory_space<vmem>>
        tpu.vector_store_idx %scatter3A_1339[%broadcast_in_dim3A, %shift_right_logical3A_201, %and3A_297, %iota3A], %mul3A_1333 : memref<50x4x8x16xf32, #tpu.memory_space<vmem>>[vector<16xi32>, vector<16xi32>, vector<16xi32>, vector<16xi32>], vector<16xf32>,
        %mul3A_1340 = arith.mulf %gather3A_1082, %mul3A_1319 : vector<16xf32>
        %scatter3A_1341 = arith.constant 0 : i32
        %scatter3A_1342 = arith.constant 0 : i32
        %scatter3A_1343 = arith.constant 0 : i32
        %scatter3A_1344 = arith.constant 0 : i32
        %scatter3A_1345 = tpu.memref_slice %arg7[%scan3A_772, %scatter3A_1341, %scatter3A_1342, %scatter3A_1343, %scatter3A_1344] : memref<2x50x4x8x16xf32, #tpu.memory_space<vmem>> -> memref<1x50x4x8x16xf32, #tpu.memory_space<vmem>>
        %scatter3A_1346 = tpu.memref_squeeze %scatter3A_1345 : memref<1x50x4x8x16xf32, #tpu.memory_space<vmem>> -> memref<50x4x8x16xf32, #tpu.memory_space<vmem>>
        tpu.vector_store_idx %scatter3A_1346[%broadcast_in_dim3A, %shift_right_logical3A_204, %and3A_300, %iota3A], %mul3A_1340 : memref<50x4x8x16xf32, #tpu.memory_space<vmem>>[vector<16xi32>, vector<16xi32>, vector<16xi32>, vector<16xi32>], vector<16xf32>,
        %mul3A_1347 = arith.mulf %gather3A_1087, %mul3A_1319 : vector<16xf32>
        %scatter3A_1348 = arith.constant 0 : i32
        %scatter3A_1349 = arith.constant 0 : i32
        %scatter3A_1350 = arith.constant 0 : i32
        %scatter3A_1351 = arith.constant 0 : i32
        %scatter3A_1352 = tpu.memref_slice %arg7[%scan3A_772, %scatter3A_1348, %scatter3A_1349, %scatter3A_1350, %scatter3A_1351] : memref<2x50x4x8x16xf32, #tpu.memory_space<vmem>> -> memref<1x50x4x8x16xf32, #tpu.memory_space<vmem>>
        %scatter3A_1353 = tpu.memref_squeeze %scatter3A_1352 : memref<1x50x4x8x16xf32, #tpu.memory_space<vmem>> -> memref<50x4x8x16xf32, #tpu.memory_space<vmem>>
        tpu.vector_store_idx %scatter3A_1353[%broadcast_in_dim3A, %shift_right_logical3A_207, %and3A_303, %iota3A], %mul3A_1347 : memref<50x4x8x16xf32, #tpu.memory_space<vmem>>[vector<16xi32>, vector<16xi32>, vector<16xi32>, vector<16xi32>], vector<16xf32>,
        %mul3A_1354 = arith.mulf %gather3A_1092, %mul3A_1319 : vector<16xf32>
        %scatter3A_1355 = arith.constant 0 : i32
        %scatter3A_1356 = arith.constant 0 : i32
        %scatter3A_1357 = arith.constant 0 : i32
        %scatter3A_1358 = arith.constant 0 : i32
        %scatter3A_1359 = tpu.memref_slice %arg7[%scan3A_772, %scatter3A_1355, %scatter3A_1356, %scatter3A_1357, %scatter3A_1358] : memref<2x50x4x8x16xf32, #tpu.memory_space<vmem>> -> memref<1x50x4x8x16xf32, #tpu.memory_space<vmem>>
        %scatter3A_1360 = tpu.memref_squeeze %scatter3A_1359 : memref<1x50x4x8x16xf32, #tpu.memory_space<vmem>> -> memref<50x4x8x16xf32, #tpu.memory_space<vmem>>
        tpu.vector_store_idx %scatter3A_1360[%broadcast_in_dim3A, %shift_right_logical3A_210, %and3A_306, %iota3A], %mul3A_1354 : memref<50x4x8x16xf32, #tpu.memory_space<vmem>>[vector<16xi32>, vector<16xi32>, vector<16xi32>, vector<16xi32>], vector<16xf32>,
        %mul3A_1361 = arith.mulf %gather3A_1097, %mul3A_1319 : vector<16xf32>
        %scatter3A_1362 = arith.constant 0 : i32
        %scatter3A_1363 = arith.constant 0 : i32
        %scatter3A_1364 = arith.constant 0 : i32
        %scatter3A_1365 = arith.constant 0 : i32
        %scatter3A_1366 = tpu.memref_slice %arg7[%scan3A_772, %scatter3A_1362, %scatter3A_1363, %scatter3A_1364, %scatter3A_1365] : memref<2x50x4x8x16xf32, #tpu.memory_space<vmem>> -> memref<1x50x4x8x16xf32, #tpu.memory_space<vmem>>
        %scatter3A_1367 = tpu.memref_squeeze %scatter3A_1366 : memref<1x50x4x8x16xf32, #tpu.memory_space<vmem>> -> memref<50x4x8x16xf32, #tpu.memory_space<vmem>>
        tpu.vector_store_idx %scatter3A_1367[%broadcast_in_dim3A, %shift_right_logical3A_213, %and3A_309, %iota3A], %mul3A_1361 : memref<50x4x8x16xf32, #tpu.memory_space<vmem>>[vector<16xi32>, vector<16xi32>, vector<16xi32>, vector<16xi32>], vector<16xf32>,
        %mul3A_1368 = arith.mulf %gather3A_1102, %mul3A_1319 : vector<16xf32>
        %scatter3A_1369 = arith.constant 0 : i32
        %scatter3A_1370 = arith.constant 0 : i32
        %scatter3A_1371 = arith.constant 0 : i32
        %scatter3A_1372 = arith.constant 0 : i32
        %scatter3A_1373 = tpu.memref_slice %arg7[%scan3A_772, %scatter3A_1369, %scatter3A_1370, %scatter3A_1371, %scatter3A_1372] : memref<2x50x4x8x16xf32, #tpu.memory_space<vmem>> -> memref<1x50x4x8x16xf32, #tpu.memory_space<vmem>>
        %scatter3A_1374 = tpu.memref_squeeze %scatter3A_1373 : memref<1x50x4x8x16xf32, #tpu.memory_space<vmem>> -> memref<50x4x8x16xf32, #tpu.memory_space<vmem>>
        tpu.vector_store_idx %scatter3A_1374[%broadcast_in_dim3A, %shift_right_logical3A_216, %and3A_312, %iota3A], %mul3A_1368 : memref<50x4x8x16xf32, #tpu.memory_space<vmem>>[vector<16xi32>, vector<16xi32>, vector<16xi32>, vector<16xi32>], vector<16xf32>,
        %mul3A_1375 = arith.mulf %gather3A_1107, %mul3A_1319 : vector<16xf32>
        %scatter3A_1376 = arith.constant 0 : i32
        %scatter3A_1377 = arith.constant 0 : i32
        %scatter3A_1378 = arith.constant 0 : i32
        %scatter3A_1379 = arith.constant 0 : i32
        %scatter3A_1380 = tpu.memref_slice %arg7[%scan3A_772, %scatter3A_1376, %scatter3A_1377, %scatter3A_1378, %scatter3A_1379] : memref<2x50x4x8x16xf32, #tpu.memory_space<vmem>> -> memref<1x50x4x8x16xf32, #tpu.memory_space<vmem>>
        %scatter3A_1381 = tpu.memref_squeeze %scatter3A_1380 : memref<1x50x4x8x16xf32, #tpu.memory_space<vmem>> -> memref<50x4x8x16xf32, #tpu.memory_space<vmem>>
        tpu.vector_store_idx %scatter3A_1381[%broadcast_in_dim3A, %shift_right_logical3A_219, %and3A_315, %iota3A], %mul3A_1375 : memref<50x4x8x16xf32, #tpu.memory_space<vmem>>[vector<16xi32>, vector<16xi32>, vector<16xi32>, vector<16xi32>], vector<16xf32>,
        %mul3A_1382 = arith.mulf %gather3A_1112, %mul3A_1319 : vector<16xf32>
        %scatter3A_1383 = arith.constant 0 : i32
        %scatter3A_1384 = arith.constant 0 : i32
        %scatter3A_1385 = arith.constant 0 : i32
        %scatter3A_1386 = arith.constant 0 : i32
        %scatter3A_1387 = tpu.memref_slice %arg7[%scan3A_772, %scatter3A_1383, %scatter3A_1384, %scatter3A_1385, %scatter3A_1386] : memref<2x50x4x8x16xf32, #tpu.memory_space<vmem>> -> memref<1x50x4x8x16xf32, #tpu.memory_space<vmem>>
        %scatter3A_1388 = tpu.memref_squeeze %scatter3A_1387 : memref<1x50x4x8x16xf32, #tpu.memory_space<vmem>> -> memref<50x4x8x16xf32, #tpu.memory_space<vmem>>
        tpu.vector_store_idx %scatter3A_1388[%broadcast_in_dim3A, %shift_right_logical3A_222, %and3A_318, %iota3A], %mul3A_1382 : memref<50x4x8x16xf32, #tpu.memory_space<vmem>>[vector<16xi32>, vector<16xi32>, vector<16xi32>, vector<16xi32>], vector<16xf32>,
        %mul3A_1389 = arith.mulf %gather3A_1117, %mul3A_1319 : vector<16xf32>
        %scatter3A_1390 = arith.constant 0 : i32
        %scatter3A_1391 = arith.constant 0 : i32
        %scatter3A_1392 = arith.constant 0 : i32
        %scatter3A_1393 = arith.constant 0 : i32
        %scatter3A_1394 = tpu.memref_slice %arg7[%scan3A_772, %scatter3A_1390, %scatter3A_1391, %scatter3A_1392, %scatter3A_1393] : memref<2x50x4x8x16xf32, #tpu.memory_space<vmem>> -> memref<1x50x4x8x16xf32, #tpu.memory_space<vmem>>
        %scatter3A_1395 = tpu.memref_squeeze %scatter3A_1394 : memref<1x50x4x8x16xf32, #tpu.memory_space<vmem>> -> memref<50x4x8x16xf32, #tpu.memory_space<vmem>>
        tpu.vector_store_idx %scatter3A_1395[%broadcast_in_dim3A, %shift_right_logical3A_225, %and3A_321, %iota3A], %mul3A_1389 : memref<50x4x8x16xf32, #tpu.memory_space<vmem>>[vector<16xi32>, vector<16xi32>, vector<16xi32>, vector<16xi32>], vector<16xf32>,
        %mul3A_1396 = arith.mulf %gather3A_1122, %mul3A_1319 : vector<16xf32>
        %scatter3A_1397 = arith.constant 0 : i32
        %scatter3A_1398 = arith.constant 0 : i32
        %scatter3A_1399 = arith.constant 0 : i32
        %scatter3A_1400 = arith.constant 0 : i32
        %scatter3A_1401 = tpu.memref_slice %arg7[%scan3A_772, %scatter3A_1397, %scatter3A_1398, %scatter3A_1399, %scatter3A_1400] : memref<2x50x4x8x16xf32, #tpu.memory_space<vmem>> -> memref<1x50x4x8x16xf32, #tpu.memory_space<vmem>>
        %scatter3A_1402 = tpu.memref_squeeze %scatter3A_1401 : memref<1x50x4x8x16xf32, #tpu.memory_space<vmem>> -> memref<50x4x8x16xf32, #tpu.memory_space<vmem>>
        tpu.vector_store_idx %scatter3A_1402[%broadcast_in_dim3A, %shift_right_logical3A_228, %and3A_324, %iota3A], %mul3A_1396 : memref<50x4x8x16xf32, #tpu.memory_space<vmem>>[vector<16xi32>, vector<16xi32>, vector<16xi32>, vector<16xi32>], vector<16xf32>,
        %mul3A_1403 = arith.mulf %gather3A_1127, %mul3A_1319 : vector<16xf32>
        %scatter3A_1404 = arith.constant 0 : i32
        %scatter3A_1405 = arith.constant 0 : i32
        %scatter3A_1406 = arith.constant 0 : i32
        %scatter3A_1407 = arith.constant 0 : i32
        %scatter3A_1408 = tpu.memref_slice %arg7[%scan3A_772, %scatter3A_1404, %scatter3A_1405, %scatter3A_1406, %scatter3A_1407] : memref<2x50x4x8x16xf32, #tpu.memory_space<vmem>> -> memref<1x50x4x8x16xf32, #tpu.memory_space<vmem>>
        %scatter3A_1409 = tpu.memref_squeeze %scatter3A_1408 : memref<1x50x4x8x16xf32, #tpu.memory_space<vmem>> -> memref<50x4x8x16xf32, #tpu.memory_space<vmem>>
        tpu.vector_store_idx %scatter3A_1409[%broadcast_in_dim3A, %shift_right_logical3A_231, %and3A_327, %iota3A], %mul3A_1403 : memref<50x4x8x16xf32, #tpu.memory_space<vmem>>[vector<16xi32>, vector<16xi32>, vector<16xi32>, vector<16xi32>], vector<16xf32>,
        %mul3A_1410 = arith.mulf %gather3A_1132, %mul3A_1319 : vector<16xf32>
        %scatter3A_1411 = arith.constant 0 : i32
        %scatter3A_1412 = arith.constant 0 : i32
        %scatter3A_1413 = arith.constant 0 : i32
        %scatter3A_1414 = arith.constant 0 : i32
        %scatter3A_1415 = tpu.memref_slice %arg7[%scan3A_772, %scatter3A_1411, %scatter3A_1412, %scatter3A_1413, %scatter3A_1414] : memref<2x50x4x8x16xf32, #tpu.memory_space<vmem>> -> memref<1x50x4x8x16xf32, #tpu.memory_space<vmem>>
        %scatter3A_1416 = tpu.memref_squeeze %scatter3A_1415 : memref<1x50x4x8x16xf32, #tpu.memory_space<vmem>> -> memref<50x4x8x16xf32, #tpu.memory_space<vmem>>
        tpu.vector_store_idx %scatter3A_1416[%broadcast_in_dim3A, %shift_right_logical3A_234, %and3A_330, %iota3A], %mul3A_1410 : memref<50x4x8x16xf32, #tpu.memory_space<vmem>>[vector<16xi32>, vector<16xi32>, vector<16xi32>, vector<16xi32>], vector<16xf32>,
        %mul3A_1417 = arith.mulf %gather3A_1137, %mul3A_1319 : vector<16xf32>
        %scatter3A_1418 = arith.constant 0 : i32
        %scatter3A_1419 = arith.constant 0 : i32
        %scatter3A_1420 = arith.constant 0 : i32
        %scatter3A_1421 = arith.constant 0 : i32
        %scatter3A_1422 = tpu.memref_slice %arg7[%scan3A_772, %scatter3A_1418, %scatter3A_1419, %scatter3A_1420, %scatter3A_1421] : memref<2x50x4x8x16xf32, #tpu.memory_space<vmem>> -> memref<1x50x4x8x16xf32, #tpu.memory_space<vmem>>
        %scatter3A_1423 = tpu.memref_squeeze %scatter3A_1422 : memref<1x50x4x8x16xf32, #tpu.memory_space<vmem>> -> memref<50x4x8x16xf32, #tpu.memory_space<vmem>>
        tpu.vector_store_idx %scatter3A_1423[%broadcast_in_dim3A, %shift_right_logical3A_237, %and3A_333, %iota3A], %mul3A_1417 : memref<50x4x8x16xf32, #tpu.memory_space<vmem>>[vector<16xi32>, vector<16xi32>, vector<16xi32>, vector<16xi32>], vector<16xf32>,
        %mul3A_1424 = arith.mulf %gather3A_1142, %mul3A_1319 : vector<16xf32>
        %scatter3A_1425 = arith.constant 0 : i32
        %scatter3A_1426 = arith.constant 0 : i32
        %scatter3A_1427 = arith.constant 0 : i32
        %scatter3A_1428 = arith.constant 0 : i32
        %scatter3A_1429 = tpu.memref_slice %arg7[%scan3A_772, %scatter3A_1425, %scatter3A_1426, %scatter3A_1427, %scatter3A_1428] : memref<2x50x4x8x16xf32, #tpu.memory_space<vmem>> -> memref<1x50x4x8x16xf32, #tpu.memory_space<vmem>>
        %scatter3A_1430 = tpu.memref_squeeze %scatter3A_1429 : memref<1x50x4x8x16xf32, #tpu.memory_space<vmem>> -> memref<50x4x8x16xf32, #tpu.memory_space<vmem>>
        tpu.vector_store_idx %scatter3A_1430[%broadcast_in_dim3A, %shift_right_logical3A_240, %and3A_336, %iota3A], %mul3A_1424 : memref<50x4x8x16xf32, #tpu.memory_space<vmem>>[vector<16xi32>, vector<16xi32>, vector<16xi32>, vector<16xi32>], vector<16xf32>,
        %mul3A_1431 = arith.mulf %gather3A_1147, %mul3A_1319 : vector<16xf32>
        %scatter3A_1432 = arith.constant 0 : i32
        %scatter3A_1433 = arith.constant 0 : i32
        %scatter3A_1434 = arith.constant 0 : i32
        %scatter3A_1435 = arith.constant 0 : i32
        %scatter3A_1436 = tpu.memref_slice %arg7[%scan3A_772, %scatter3A_1432, %scatter3A_1433, %scatter3A_1434, %scatter3A_1435] : memref<2x50x4x8x16xf32, #tpu.memory_space<vmem>> -> memref<1x50x4x8x16xf32, #tpu.memory_space<vmem>>
        %scatter3A_1437 = tpu.memref_squeeze %scatter3A_1436 : memref<1x50x4x8x16xf32, #tpu.memory_space<vmem>> -> memref<50x4x8x16xf32, #tpu.memory_space<vmem>>
        tpu.vector_store_idx %scatter3A_1437[%broadcast_in_dim3A, %shift_right_logical3A_243, %and3A_339, %iota3A], %mul3A_1431 : memref<50x4x8x16xf32, #tpu.memory_space<vmem>>[vector<16xi32>, vector<16xi32>, vector<16xi32>, vector<16xi32>], vector<16xf32>,
        %mul3A_1438 = arith.mulf %gather3A_1152, %mul3A_1319 : vector<16xf32>
        %scatter3A_1439 = arith.constant 0 : i32
        %scatter3A_1440 = arith.constant 0 : i32
        %scatter3A_1441 = arith.constant 0 : i32
        %scatter3A_1442 = arith.constant 0 : i32
        %scatter3A_1443 = tpu.memref_slice %arg7[%scan3A_772, %scatter3A_1439, %scatter3A_1440, %scatter3A_1441, %scatter3A_1442] : memref<2x50x4x8x16xf32, #tpu.memory_space<vmem>> -> memref<1x50x4x8x16xf32, #tpu.memory_space<vmem>>
        %scatter3A_1444 = tpu.memref_squeeze %scatter3A_1443 : memref<1x50x4x8x16xf32, #tpu.memory_space<vmem>> -> memref<50x4x8x16xf32, #tpu.memory_space<vmem>>
        tpu.vector_store_idx %scatter3A_1444[%broadcast_in_dim3A, %shift_right_logical3A_246, %and3A_342, %iota3A], %mul3A_1438 : memref<50x4x8x16xf32, #tpu.memory_space<vmem>>[vector<16xi32>, vector<16xi32>, vector<16xi32>, vector<16xi32>], vector<16xf32>,
        %mul3A_1445 = arith.mulf %gather3A_1157, %mul3A_1319 : vector<16xf32>
        %scatter3A_1446 = arith.constant 0 : i32
        %scatter3A_1447 = arith.constant 0 : i32
        %scatter3A_1448 = arith.constant 0 : i32
        %scatter3A_1449 = arith.constant 0 : i32
        %scatter3A_1450 = tpu.memref_slice %arg7[%scan3A_772, %scatter3A_1446, %scatter3A_1447, %scatter3A_1448, %scatter3A_1449] : memref<2x50x4x8x16xf32, #tpu.memory_space<vmem>> -> memref<1x50x4x8x16xf32, #tpu.memory_space<vmem>>
        %scatter3A_1451 = tpu.memref_squeeze %scatter3A_1450 : memref<1x50x4x8x16xf32, #tpu.memory_space<vmem>> -> memref<50x4x8x16xf32, #tpu.memory_space<vmem>>
        tpu.vector_store_idx %scatter3A_1451[%broadcast_in_dim3A, %shift_right_logical3A_249, %and3A_345, %iota3A], %mul3A_1445 : memref<50x4x8x16xf32, #tpu.memory_space<vmem>>[vector<16xi32>, vector<16xi32>, vector<16xi32>, vector<16xi32>], vector<16xf32>,
        %mul3A_1452 = arith.mulf %gather3A_1162, %mul3A_1319 : vector<16xf32>
        %scatter3A_1453 = arith.constant 0 : i32
        %scatter3A_1454 = arith.constant 0 : i32
        %scatter3A_1455 = arith.constant 0 : i32
        %scatter3A_1456 = arith.constant 0 : i32
        %scatter3A_1457 = tpu.memref_slice %arg7[%scan3A_772, %scatter3A_1453, %scatter3A_1454, %scatter3A_1455, %scatter3A_1456] : memref<2x50x4x8x16xf32, #tpu.memory_space<vmem>> -> memref<1x50x4x8x16xf32, #tpu.memory_space<vmem>>
        %scatter3A_1458 = tpu.memref_squeeze %scatter3A_1457 : memref<1x50x4x8x16xf32, #tpu.memory_space<vmem>> -> memref<50x4x8x16xf32, #tpu.memory_space<vmem>>
        tpu.vector_store_idx %scatter3A_1458[%broadcast_in_dim3A, %shift_right_logical3A_252, %and3A_348, %iota3A], %mul3A_1452 : memref<50x4x8x16xf32, #tpu.memory_space<vmem>>[vector<16xi32>, vector<16xi32>, vector<16xi32>, vector<16xi32>], vector<16xf32>,
        %mul3A_1459 = arith.mulf %gather3A_1167, %mul3A_1319 : vector<16xf32>
        %scatter3A_1460 = arith.constant 0 : i32
        %scatter3A_1461 = arith.constant 0 : i32
        %scatter3A_1462 = arith.constant 0 : i32
        %scatter3A_1463 = arith.constant 0 : i32
        %scatter3A_1464 = tpu.memref_slice %arg7[%scan3A_772, %scatter3A_1460, %scatter3A_1461, %scatter3A_1462, %scatter3A_1463] : memref<2x50x4x8x16xf32, #tpu.memory_space<vmem>> -> memref<1x50x4x8x16xf32, #tpu.memory_space<vmem>>
        %scatter3A_1465 = tpu.memref_squeeze %scatter3A_1464 : memref<1x50x4x8x16xf32, #tpu.memory_space<vmem>> -> memref<50x4x8x16xf32, #tpu.memory_space<vmem>>
        tpu.vector_store_idx %scatter3A_1465[%broadcast_in_dim3A, %shift_right_logical3A_255, %and3A_351, %iota3A], %mul3A_1459 : memref<50x4x8x16xf32, #tpu.memory_space<vmem>>[vector<16xi32>, vector<16xi32>, vector<16xi32>, vector<16xi32>], vector<16xf32>,
        %mul3A_1466 = arith.mulf %gather3A_1172, %mul3A_1319 : vector<16xf32>
        %scatter3A_1467 = arith.constant 0 : i32
        %scatter3A_1468 = arith.constant 0 : i32
        %scatter3A_1469 = arith.constant 0 : i32
        %scatter3A_1470 = arith.constant 0 : i32
        %scatter3A_1471 = tpu.memref_slice %arg7[%scan3A_772, %scatter3A_1467, %scatter3A_1468, %scatter3A_1469, %scatter3A_1470] : memref<2x50x4x8x16xf32, #tpu.memory_space<vmem>> -> memref<1x50x4x8x16xf32, #tpu.memory_space<vmem>>
        %scatter3A_1472 = tpu.memref_squeeze %scatter3A_1471 : memref<1x50x4x8x16xf32, #tpu.memory_space<vmem>> -> memref<50x4x8x16xf32, #tpu.memory_space<vmem>>
        tpu.vector_store_idx %scatter3A_1472[%broadcast_in_dim3A, %shift_right_logical3A_258, %and3A_354, %iota3A], %mul3A_1466 : memref<50x4x8x16xf32, #tpu.memory_space<vmem>>[vector<16xi32>, vector<16xi32>, vector<16xi32>, vector<16xi32>], vector<16xf32>,
        %mul3A_1473 = arith.mulf %gather3A_1177, %mul3A_1319 : vector<16xf32>
        %scatter3A_1474 = arith.constant 0 : i32
        %scatter3A_1475 = arith.constant 0 : i32
        %scatter3A_1476 = arith.constant 0 : i32
        %scatter3A_1477 = arith.constant 0 : i32
        %scatter3A_1478 = tpu.memref_slice %arg7[%scan3A_772, %scatter3A_1474, %scatter3A_1475, %scatter3A_1476, %scatter3A_1477] : memref<2x50x4x8x16xf32, #tpu.memory_space<vmem>> -> memref<1x50x4x8x16xf32, #tpu.memory_space<vmem>>
        %scatter3A_1479 = tpu.memref_squeeze %scatter3A_1478 : memref<1x50x4x8x16xf32, #tpu.memory_space<vmem>> -> memref<50x4x8x16xf32, #tpu.memory_space<vmem>>
        tpu.vector_store_idx %scatter3A_1479[%broadcast_in_dim3A, %shift_right_logical3A_261, %and3A_357, %iota3A], %mul3A_1473 : memref<50x4x8x16xf32, #tpu.memory_space<vmem>>[vector<16xi32>, vector<16xi32>, vector<16xi32>, vector<16xi32>], vector<16xf32>,
        %mul3A_1480 = arith.mulf %gather3A_1182, %mul3A_1319 : vector<16xf32>
        %scatter3A_1481 = arith.constant 0 : i32
        %scatter3A_1482 = arith.constant 0 : i32
        %scatter3A_1483 = arith.constant 0 : i32
        %scatter3A_1484 = arith.constant 0 : i32
        %scatter3A_1485 = tpu.memref_slice %arg7[%scan3A_772, %scatter3A_1481, %scatter3A_1482, %scatter3A_1483, %scatter3A_1484] : memref<2x50x4x8x16xf32, #tpu.memory_space<vmem>> -> memref<1x50x4x8x16xf32, #tpu.memory_space<vmem>>
        %scatter3A_1486 = tpu.memref_squeeze %scatter3A_1485 : memref<1x50x4x8x16xf32, #tpu.memory_space<vmem>> -> memref<50x4x8x16xf32, #tpu.memory_space<vmem>>
        tpu.vector_store_idx %scatter3A_1486[%broadcast_in_dim3A, %shift_right_logical3A_264, %and3A_360, %iota3A], %mul3A_1480 : memref<50x4x8x16xf32, #tpu.memory_space<vmem>>[vector<16xi32>, vector<16xi32>, vector<16xi32>, vector<16xi32>], vector<16xf32>,
        %mul3A_1487 = arith.mulf %gather3A_1187, %mul3A_1319 : vector<16xf32>
        %scatter3A_1488 = arith.constant 0 : i32
        %scatter3A_1489 = arith.constant 0 : i32
        %scatter3A_1490 = arith.constant 0 : i32
        %scatter3A_1491 = arith.constant 0 : i32
        %scatter3A_1492 = tpu.memref_slice %arg7[%scan3A_772, %scatter3A_1488, %scatter3A_1489, %scatter3A_1490, %scatter3A_1491] : memref<2x50x4x8x16xf32, #tpu.memory_space<vmem>> -> memref<1x50x4x8x16xf32, #tpu.memory_space<vmem>>
        %scatter3A_1493 = tpu.memref_squeeze %scatter3A_1492 : memref<1x50x4x8x16xf32, #tpu.memory_space<vmem>> -> memref<50x4x8x16xf32, #tpu.memory_space<vmem>>
        tpu.vector_store_idx %scatter3A_1493[%broadcast_in_dim3A, %shift_right_logical3A_267, %and3A_363, %iota3A], %mul3A_1487 : memref<50x4x8x16xf32, #tpu.memory_space<vmem>>[vector<16xi32>, vector<16xi32>, vector<16xi32>, vector<16xi32>], vector<16xf32>,
        %mul3A_1494 = arith.mulf %gather3A_1192, %mul3A_1319 : vector<16xf32>
        %scatter3A_1495 = arith.constant 0 : i32
        %scatter3A_1496 = arith.constant 0 : i32
        %scatter3A_1497 = arith.constant 0 : i32
        %scatter3A_1498 = arith.constant 0 : i32
        %scatter3A_1499 = tpu.memref_slice %arg7[%scan3A_772, %scatter3A_1495, %scatter3A_1496, %scatter3A_1497, %scatter3A_1498] : memref<2x50x4x8x16xf32, #tpu.memory_space<vmem>> -> memref<1x50x4x8x16xf32, #tpu.memory_space<vmem>>
        %scatter3A_1500 = tpu.memref_squeeze %scatter3A_1499 : memref<1x50x4x8x16xf32, #tpu.memory_space<vmem>> -> memref<50x4x8x16xf32, #tpu.memory_space<vmem>>
        tpu.vector_store_idx %scatter3A_1500[%broadcast_in_dim3A, %shift_right_logical3A_270, %and3A_366, %iota3A], %mul3A_1494 : memref<50x4x8x16xf32, #tpu.memory_space<vmem>>[vector<16xi32>, vector<16xi32>, vector<16xi32>, vector<16xi32>], vector<16xf32>,
        %mul3A_1501 = arith.mulf %gather3A_1197, %mul3A_1319 : vector<16xf32>
        %scatter3A_1502 = arith.constant 0 : i32
        %scatter3A_1503 = arith.constant 0 : i32
        %scatter3A_1504 = arith.constant 0 : i32
        %scatter3A_1505 = arith.constant 0 : i32
        %scatter3A_1506 = tpu.memref_slice %arg7[%scan3A_772, %scatter3A_1502, %scatter3A_1503, %scatter3A_1504, %scatter3A_1505] : memref<2x50x4x8x16xf32, #tpu.memory_space<vmem>> -> memref<1x50x4x8x16xf32, #tpu.memory_space<vmem>>
        %scatter3A_1507 = tpu.memref_squeeze %scatter3A_1506 : memref<1x50x4x8x16xf32, #tpu.memory_space<vmem>> -> memref<50x4x8x16xf32, #tpu.memory_space<vmem>>
        tpu.vector_store_idx %scatter3A_1507[%broadcast_in_dim3A, %shift_right_logical3A_273, %and3A_369, %iota3A], %mul3A_1501 : memref<50x4x8x16xf32, #tpu.memory_space<vmem>>[vector<16xi32>, vector<16xi32>, vector<16xi32>, vector<16xi32>], vector<16xf32>,
        %mul3A_1508 = arith.mulf %gather3A_1202, %mul3A_1319 : vector<16xf32>
        %scatter3A_1509 = arith.constant 0 : i32
        %scatter3A_1510 = arith.constant 0 : i32
        %scatter3A_1511 = arith.constant 0 : i32
        %scatter3A_1512 = arith.constant 0 : i32
        %scatter3A_1513 = tpu.memref_slice %arg7[%scan3A_772, %scatter3A_1509, %scatter3A_1510, %scatter3A_1511, %scatter3A_1512] : memref<2x50x4x8x16xf32, #tpu.memory_space<vmem>> -> memref<1x50x4x8x16xf32, #tpu.memory_space<vmem>>
        %scatter3A_1514 = tpu.memref_squeeze %scatter3A_1513 : memref<1x50x4x8x16xf32, #tpu.memory_space<vmem>> -> memref<50x4x8x16xf32, #tpu.memory_space<vmem>>
        tpu.vector_store_idx %scatter3A_1514[%broadcast_in_dim3A, %shift_right_logical3A_276, %and3A_372, %iota3A], %mul3A_1508 : memref<50x4x8x16xf32, #tpu.memory_space<vmem>>[vector<16xi32>, vector<16xi32>, vector<16xi32>, vector<16xi32>], vector<16xf32>,
        %mul3A_1515 = arith.mulf %gather3A_1207, %mul3A_1319 : vector<16xf32>
        %scatter3A_1516 = arith.constant 0 : i32
        %scatter3A_1517 = arith.constant 0 : i32
        %scatter3A_1518 = arith.constant 0 : i32
        %scatter3A_1519 = arith.constant 0 : i32
        %scatter3A_1520 = tpu.memref_slice %arg7[%scan3A_772, %scatter3A_1516, %scatter3A_1517, %scatter3A_1518, %scatter3A_1519] : memref<2x50x4x8x16xf32, #tpu.memory_space<vmem>> -> memref<1x50x4x8x16xf32, #tpu.memory_space<vmem>>
        %scatter3A_1521 = tpu.memref_squeeze %scatter3A_1520 : memref<1x50x4x8x16xf32, #tpu.memory_space<vmem>> -> memref<50x4x8x16xf32, #tpu.memory_space<vmem>>
        tpu.vector_store_idx %scatter3A_1521[%broadcast_in_dim3A, %shift_right_logical3A_279, %and3A_375, %iota3A], %mul3A_1515 : memref<50x4x8x16xf32, #tpu.memory_space<vmem>>[vector<16xi32>, vector<16xi32>, vector<16xi32>, vector<16xi32>], vector<16xf32>,
        %mul3A_1522 = arith.mulf %gather3A_1212, %mul3A_1319 : vector<16xf32>
        %scatter3A_1523 = arith.constant 0 : i32
        %scatter3A_1524 = arith.constant 0 : i32
        %scatter3A_1525 = arith.constant 0 : i32
        %scatter3A_1526 = arith.constant 0 : i32
        %scatter3A_1527 = tpu.memref_slice %arg7[%scan3A_772, %scatter3A_1523, %scatter3A_1524, %scatter3A_1525, %scatter3A_1526] : memref<2x50x4x8x16xf32, #tpu.memory_space<vmem>> -> memref<1x50x4x8x16xf32, #tpu.memory_space<vmem>>
        %scatter3A_1528 = tpu.memref_squeeze %scatter3A_1527 : memref<1x50x4x8x16xf32, #tpu.memory_space<vmem>> -> memref<50x4x8x16xf32, #tpu.memory_space<vmem>>
        tpu.vector_store_idx %scatter3A_1528[%broadcast_in_dim3A, %shift_right_logical3A_282, %and3A_378, %iota3A], %mul3A_1522 : memref<50x4x8x16xf32, #tpu.memory_space<vmem>>[vector<16xi32>, vector<16xi32>, vector<16xi32>, vector<16xi32>], vector<16xf32>,
        %mul3A_1529 = arith.mulf %gather3A_1217, %mul3A_1319 : vector<16xf32>
        %scatter3A_1530 = arith.constant 0 : i32
        %scatter3A_1531 = arith.constant 0 : i32
        %scatter3A_1532 = arith.constant 0 : i32
        %scatter3A_1533 = arith.constant 0 : i32
        %scatter3A_1534 = tpu.memref_slice %arg7[%scan3A_772, %scatter3A_1530, %scatter3A_1531, %scatter3A_1532, %scatter3A_1533] : memref<2x50x4x8x16xf32, #tpu.memory_space<vmem>> -> memref<1x50x4x8x16xf32, #tpu.memory_space<vmem>>
        %scatter3A_1535 = tpu.memref_squeeze %scatter3A_1534 : memref<1x50x4x8x16xf32, #tpu.memory_space<vmem>> -> memref<50x4x8x16xf32, #tpu.memory_space<vmem>>
        tpu.vector_store_idx %scatter3A_1535[%broadcast_in_dim3A, %shift_right_logical3A_285, %and3A_381, %iota3A], %mul3A_1529 : memref<50x4x8x16xf32, #tpu.memory_space<vmem>>[vector<16xi32>, vector<16xi32>, vector<16xi32>, vector<16xi32>], vector<16xf32>,
        %mul3A_1536 = arith.mulf %gather3A_1222, %mul3A_1319 : vector<16xf32>
        %scatter3A_1537 = arith.constant 0 : i32
        %scatter3A_1538 = arith.constant 0 : i32
        %scatter3A_1539 = arith.constant 0 : i32
        %scatter3A_1540 = arith.constant 0 : i32
        %scatter3A_1541 = tpu.memref_slice %arg7[%scan3A_772, %scatter3A_1537, %scatter3A_1538, %scatter3A_1539, %scatter3A_1540] : memref<2x50x4x8x16xf32, #tpu.memory_space<vmem>> -> memref<1x50x4x8x16xf32, #tpu.memory_space<vmem>>
        %scatter3A_1542 = tpu.memref_squeeze %scatter3A_1541 : memref<1x50x4x8x16xf32, #tpu.memory_space<vmem>> -> memref<50x4x8x16xf32, #tpu.memory_space<vmem>>
        tpu.vector_store_idx %scatter3A_1542[%broadcast_in_dim3A, %shift_right_logical3A_288, %and3A_384, %iota3A], %mul3A_1536 : memref<50x4x8x16xf32, #tpu.memory_space<vmem>>[vector<16xi32>, vector<16xi32>, vector<16xi32>, vector<16xi32>], vector<16xf32>,
        %mul3A_1543 = arith.constant 2 : i32
        %mul3A_1544 = arith.muli %scan3A_1057, %mul3A_1543 : i32
        %add3A_1545 = arith.constant 1 : i32
        %add3A_1546 = arith.addi %mul3A_1544, %add3A_1545 : i32
        %add3A_1547 = vector.broadcast %add3A_1546 : i32 to vector<16xi32>
        %add3A_1548 = arith.addi %mul3A_769, %add3A_1547 : vector<16xi32>
        %broadcast_in_dim3A_1549 = vector.broadcast %add3A_1546 : i32 to vector<16xi32>
        %gather3A_1550 = arith.constant 0 : i32
        %gather3A_1551 = arith.constant 0 : i32
        %gather3A_1552 = tpu.memref_slice %arg6[%scan3A_771, %gather3A_1550, %gather3A_1551] : memref<2x800x32xf32, #tpu.memory_space<vmem>> -> memref<1x800x32xf32, #tpu.memory_space<vmem>>
        %gather3A_1553 = tpu.memref_squeeze %gather3A_1552 : memref<1x800x32xf32, #tpu.memory_space<vmem>> -> memref<800x32xf32, #tpu.memory_space<vmem>>
        %gather3A_1554 = tpu.vector_load_idx %gather3A_1553[%add3A_1548, %and3A_7] : memref<800x32xf32, #tpu.memory_space<vmem>>[vector<16xi32>, vector<16xi32>], vector<16xf32>,
        %gather3A_1555 = arith.constant 0 : i32
        %gather3A_1556 = arith.constant 0 : i32
        %gather3A_1557 = tpu.memref_slice %arg6[%scan3A_771, %gather3A_1555, %gather3A_1556] : memref<2x800x32xf32, #tpu.memory_space<vmem>> -> memref<1x800x32xf32, #tpu.memory_space<vmem>>
        %gather3A_1558 = tpu.memref_squeeze %gather3A_1557 : memref<1x800x32xf32, #tpu.memory_space<vmem>> -> memref<800x32xf32, #tpu.memory_space<vmem>>
        %gather3A_1559 = tpu.vector_load_idx %gather3A_1558[%add3A_1548, %and3A_13] : memref<800x32xf32, #tpu.memory_space<vmem>>[vector<16xi32>, vector<16xi32>], vector<16xf32>,
        %gather3A_1560 = arith.constant 0 : i32
        %gather3A_1561 = arith.constant 0 : i32
        %gather3A_1562 = tpu.memref_slice %arg6[%scan3A_771, %gather3A_1560, %gather3A_1561] : memref<2x800x32xf32, #tpu.memory_space<vmem>> -> memref<1x800x32xf32, #tpu.memory_space<vmem>>
        %gather3A_1563 = tpu.memref_squeeze %gather3A_1562 : memref<1x800x32xf32, #tpu.memory_space<vmem>> -> memref<800x32xf32, #tpu.memory_space<vmem>>
        %gather3A_1564 = tpu.vector_load_idx %gather3A_1563[%add3A_1548, %and3A_19] : memref<800x32xf32, #tpu.memory_space<vmem>>[vector<16xi32>, vector<16xi32>], vector<16xf32>,
        %gather3A_1565 = arith.constant 0 : i32
        %gather3A_1566 = arith.constant 0 : i32
        %gather3A_1567 = tpu.memref_slice %arg6[%scan3A_771, %gather3A_1565, %gather3A_1566] : memref<2x800x32xf32, #tpu.memory_space<vmem>> -> memref<1x800x32xf32, #tpu.memory_space<vmem>>
        %gather3A_1568 = tpu.memref_squeeze %gather3A_1567 : memref<1x800x32xf32, #tpu.memory_space<vmem>> -> memref<800x32xf32, #tpu.memory_space<vmem>>
        %gather3A_1569 = tpu.vector_load_idx %gather3A_1568[%add3A_1548, %and3A_25] : memref<800x32xf32, #tpu.memory_space<vmem>>[vector<16xi32>, vector<16xi32>], vector<16xf32>,
        %gather3A_1570 = arith.constant 0 : i32
        %gather3A_1571 = arith.constant 0 : i32
        %gather3A_1572 = tpu.memref_slice %arg6[%scan3A_771, %gather3A_1570, %gather3A_1571] : memref<2x800x32xf32, #tpu.memory_space<vmem>> -> memref<1x800x32xf32, #tpu.memory_space<vmem>>
        %gather3A_1573 = tpu.memref_squeeze %gather3A_1572 : memref<1x800x32xf32, #tpu.memory_space<vmem>> -> memref<800x32xf32, #tpu.memory_space<vmem>>
        %gather3A_1574 = tpu.vector_load_idx %gather3A_1573[%add3A_1548, %and3A_31] : memref<800x32xf32, #tpu.memory_space<vmem>>[vector<16xi32>, vector<16xi32>], vector<16xf32>,
        %gather3A_1575 = arith.constant 0 : i32
        %gather3A_1576 = arith.constant 0 : i32
        %gather3A_1577 = tpu.memref_slice %arg6[%scan3A_771, %gather3A_1575, %gather3A_1576] : memref<2x800x32xf32, #tpu.memory_space<vmem>> -> memref<1x800x32xf32, #tpu.memory_space<vmem>>
        %gather3A_1578 = tpu.memref_squeeze %gather3A_1577 : memref<1x800x32xf32, #tpu.memory_space<vmem>> -> memref<800x32xf32, #tpu.memory_space<vmem>>
        %gather3A_1579 = tpu.vector_load_idx %gather3A_1578[%add3A_1548, %and3A_37] : memref<800x32xf32, #tpu.memory_space<vmem>>[vector<16xi32>, vector<16xi32>], vector<16xf32>,
        %gather3A_1580 = arith.constant 0 : i32
        %gather3A_1581 = arith.constant 0 : i32
        %gather3A_1582 = tpu.memref_slice %arg6[%scan3A_771, %gather3A_1580, %gather3A_1581] : memref<2x800x32xf32, #tpu.memory_space<vmem>> -> memref<1x800x32xf32, #tpu.memory_space<vmem>>
        %gather3A_1583 = tpu.memref_squeeze %gather3A_1582 : memref<1x800x32xf32, #tpu.memory_space<vmem>> -> memref<800x32xf32, #tpu.memory_space<vmem>>
        %gather3A_1584 = tpu.vector_load_idx %gather3A_1583[%add3A_1548, %and3A_43] : memref<800x32xf32, #tpu.memory_space<vmem>>[vector<16xi32>, vector<16xi32>], vector<16xf32>,
        %gather3A_1585 = arith.constant 0 : i32
        %gather3A_1586 = arith.constant 0 : i32
        %gather3A_1587 = tpu.memref_slice %arg6[%scan3A_771, %gather3A_1585, %gather3A_1586] : memref<2x800x32xf32, #tpu.memory_space<vmem>> -> memref<1x800x32xf32, #tpu.memory_space<vmem>>
        %gather3A_1588 = tpu.memref_squeeze %gather3A_1587 : memref<1x800x32xf32, #tpu.memory_space<vmem>> -> memref<800x32xf32, #tpu.memory_space<vmem>>
        %gather3A_1589 = tpu.vector_load_idx %gather3A_1588[%add3A_1548, %and3A_49] : memref<800x32xf32, #tpu.memory_space<vmem>>[vector<16xi32>, vector<16xi32>], vector<16xf32>,
        %gather3A_1590 = arith.constant 0 : i32
        %gather3A_1591 = arith.constant 0 : i32
        %gather3A_1592 = tpu.memref_slice %arg6[%scan3A_771, %gather3A_1590, %gather3A_1591] : memref<2x800x32xf32, #tpu.memory_space<vmem>> -> memref<1x800x32xf32, #tpu.memory_space<vmem>>
        %gather3A_1593 = tpu.memref_squeeze %gather3A_1592 : memref<1x800x32xf32, #tpu.memory_space<vmem>> -> memref<800x32xf32, #tpu.memory_space<vmem>>
        %gather3A_1594 = tpu.vector_load_idx %gather3A_1593[%add3A_1548, %and3A_55] : memref<800x32xf32, #tpu.memory_space<vmem>>[vector<16xi32>, vector<16xi32>], vector<16xf32>,
        %gather3A_1595 = arith.constant 0 : i32
        %gather3A_1596 = arith.constant 0 : i32
        %gather3A_1597 = tpu.memref_slice %arg6[%scan3A_771, %gather3A_1595, %gather3A_1596] : memref<2x800x32xf32, #tpu.memory_space<vmem>> -> memref<1x800x32xf32, #tpu.memory_space<vmem>>
        %gather3A_1598 = tpu.memref_squeeze %gather3A_1597 : memref<1x800x32xf32, #tpu.memory_space<vmem>> -> memref<800x32xf32, #tpu.memory_space<vmem>>
        %gather3A_1599 = tpu.vector_load_idx %gather3A_1598[%add3A_1548, %and3A_61] : memref<800x32xf32, #tpu.memory_space<vmem>>[vector<16xi32>, vector<16xi32>], vector<16xf32>,
        %gather3A_1600 = arith.constant 0 : i32
        %gather3A_1601 = arith.constant 0 : i32
        %gather3A_1602 = tpu.memref_slice %arg6[%scan3A_771, %gather3A_1600, %gather3A_1601] : memref<2x800x32xf32, #tpu.memory_space<vmem>> -> memref<1x800x32xf32, #tpu.memory_space<vmem>>
        %gather3A_1603 = tpu.memref_squeeze %gather3A_1602 : memref<1x800x32xf32, #tpu.memory_space<vmem>> -> memref<800x32xf32, #tpu.memory_space<vmem>>
        %gather3A_1604 = tpu.vector_load_idx %gather3A_1603[%add3A_1548, %and3A_67] : memref<800x32xf32, #tpu.memory_space<vmem>>[vector<16xi32>, vector<16xi32>], vector<16xf32>,
        %gather3A_1605 = arith.constant 0 : i32
        %gather3A_1606 = arith.constant 0 : i32
        %gather3A_1607 = tpu.memref_slice %arg6[%scan3A_771, %gather3A_1605, %gather3A_1606] : memref<2x800x32xf32, #tpu.memory_space<vmem>> -> memref<1x800x32xf32, #tpu.memory_space<vmem>>
        %gather3A_1608 = tpu.memref_squeeze %gather3A_1607 : memref<1x800x32xf32, #tpu.memory_space<vmem>> -> memref<800x32xf32, #tpu.memory_space<vmem>>
        %gather3A_1609 = tpu.vector_load_idx %gather3A_1608[%add3A_1548, %and3A_73] : memref<800x32xf32, #tpu.memory_space<vmem>>[vector<16xi32>, vector<16xi32>], vector<16xf32>,
        %gather3A_1610 = arith.constant 0 : i32
        %gather3A_1611 = arith.constant 0 : i32
        %gather3A_1612 = tpu.memref_slice %arg6[%scan3A_771, %gather3A_1610, %gather3A_1611] : memref<2x800x32xf32, #tpu.memory_space<vmem>> -> memref<1x800x32xf32, #tpu.memory_space<vmem>>
        %gather3A_1613 = tpu.memref_squeeze %gather3A_1612 : memref<1x800x32xf32, #tpu.memory_space<vmem>> -> memref<800x32xf32, #tpu.memory_space<vmem>>
        %gather3A_1614 = tpu.vector_load_idx %gather3A_1613[%add3A_1548, %and3A_79] : memref<800x32xf32, #tpu.memory_space<vmem>>[vector<16xi32>, vector<16xi32>], vector<16xf32>,
        %gather3A_1615 = arith.constant 0 : i32
        %gather3A_1616 = arith.constant 0 : i32
        %gather3A_1617 = tpu.memref_slice %arg6[%scan3A_771, %gather3A_1615, %gather3A_1616] : memref<2x800x32xf32, #tpu.memory_space<vmem>> -> memref<1x800x32xf32, #tpu.memory_space<vmem>>
        %gather3A_1618 = tpu.memref_squeeze %gather3A_1617 : memref<1x800x32xf32, #tpu.memory_space<vmem>> -> memref<800x32xf32, #tpu.memory_space<vmem>>
        %gather3A_1619 = tpu.vector_load_idx %gather3A_1618[%add3A_1548, %and3A_85] : memref<800x32xf32, #tpu.memory_space<vmem>>[vector<16xi32>, vector<16xi32>], vector<16xf32>,
        %gather3A_1620 = arith.constant 0 : i32
        %gather3A_1621 = arith.constant 0 : i32
        %gather3A_1622 = tpu.memref_slice %arg6[%scan3A_771, %gather3A_1620, %gather3A_1621] : memref<2x800x32xf32, #tpu.memory_space<vmem>> -> memref<1x800x32xf32, #tpu.memory_space<vmem>>
        %gather3A_1623 = tpu.memref_squeeze %gather3A_1622 : memref<1x800x32xf32, #tpu.memory_space<vmem>> -> memref<800x32xf32, #tpu.memory_space<vmem>>
        %gather3A_1624 = tpu.vector_load_idx %gather3A_1623[%add3A_1548, %and3A_91] : memref<800x32xf32, #tpu.memory_space<vmem>>[vector<16xi32>, vector<16xi32>], vector<16xf32>,
        %gather3A_1625 = arith.constant 0 : i32
        %gather3A_1626 = arith.constant 0 : i32
        %gather3A_1627 = tpu.memref_slice %arg6[%scan3A_771, %gather3A_1625, %gather3A_1626] : memref<2x800x32xf32, #tpu.memory_space<vmem>> -> memref<1x800x32xf32, #tpu.memory_space<vmem>>
        %gather3A_1628 = tpu.memref_squeeze %gather3A_1627 : memref<1x800x32xf32, #tpu.memory_space<vmem>> -> memref<800x32xf32, #tpu.memory_space<vmem>>
        %gather3A_1629 = tpu.vector_load_idx %gather3A_1628[%add3A_1548, %and3A_97] : memref<800x32xf32, #tpu.memory_space<vmem>>[vector<16xi32>, vector<16xi32>], vector<16xf32>,
        %gather3A_1630 = arith.constant 0 : i32
        %gather3A_1631 = arith.constant 0 : i32
        %gather3A_1632 = tpu.memref_slice %arg6[%scan3A_771, %gather3A_1630, %gather3A_1631] : memref<2x800x32xf32, #tpu.memory_space<vmem>> -> memref<1x800x32xf32, #tpu.memory_space<vmem>>
        %gather3A_1633 = tpu.memref_squeeze %gather3A_1632 : memref<1x800x32xf32, #tpu.memory_space<vmem>> -> memref<800x32xf32, #tpu.memory_space<vmem>>
        %gather3A_1634 = tpu.vector_load_idx %gather3A_1633[%add3A_1548, %and3A_103] : memref<800x32xf32, #tpu.memory_space<vmem>>[vector<16xi32>, vector<16xi32>], vector<16xf32>,
        %gather3A_1635 = arith.constant 0 : i32
        %gather3A_1636 = arith.constant 0 : i32
        %gather3A_1637 = tpu.memref_slice %arg6[%scan3A_771, %gather3A_1635, %gather3A_1636] : memref<2x800x32xf32, #tpu.memory_space<vmem>> -> memref<1x800x32xf32, #tpu.memory_space<vmem>>
        %gather3A_1638 = tpu.memref_squeeze %gather3A_1637 : memref<1x800x32xf32, #tpu.memory_space<vmem>> -> memref<800x32xf32, #tpu.memory_space<vmem>>
        %gather3A_1639 = tpu.vector_load_idx %gather3A_1638[%add3A_1548, %and3A_109] : memref<800x32xf32, #tpu.memory_space<vmem>>[vector<16xi32>, vector<16xi32>], vector<16xf32>,
        %gather3A_1640 = arith.constant 0 : i32
        %gather3A_1641 = arith.constant 0 : i32
        %gather3A_1642 = tpu.memref_slice %arg6[%scan3A_771, %gather3A_1640, %gather3A_1641] : memref<2x800x32xf32, #tpu.memory_space<vmem>> -> memref<1x800x32xf32, #tpu.memory_space<vmem>>
        %gather3A_1643 = tpu.memref_squeeze %gather3A_1642 : memref<1x800x32xf32, #tpu.memory_space<vmem>> -> memref<800x32xf32, #tpu.memory_space<vmem>>
        %gather3A_1644 = tpu.vector_load_idx %gather3A_1643[%add3A_1548, %and3A_115] : memref<800x32xf32, #tpu.memory_space<vmem>>[vector<16xi32>, vector<16xi32>], vector<16xf32>,
        %gather3A_1645 = arith.constant 0 : i32
        %gather3A_1646 = arith.constant 0 : i32
        %gather3A_1647 = tpu.memref_slice %arg6[%scan3A_771, %gather3A_1645, %gather3A_1646] : memref<2x800x32xf32, #tpu.memory_space<vmem>> -> memref<1x800x32xf32, #tpu.memory_space<vmem>>
        %gather3A_1648 = tpu.memref_squeeze %gather3A_1647 : memref<1x800x32xf32, #tpu.memory_space<vmem>> -> memref<800x32xf32, #tpu.memory_space<vmem>>
        %gather3A_1649 = tpu.vector_load_idx %gather3A_1648[%add3A_1548, %and3A_121] : memref<800x32xf32, #tpu.memory_space<vmem>>[vector<16xi32>, vector<16xi32>], vector<16xf32>,
        %gather3A_1650 = arith.constant 0 : i32
        %gather3A_1651 = arith.constant 0 : i32
        %gather3A_1652 = tpu.memref_slice %arg6[%scan3A_771, %gather3A_1650, %gather3A_1651] : memref<2x800x32xf32, #tpu.memory_space<vmem>> -> memref<1x800x32xf32, #tpu.memory_space<vmem>>
        %gather3A_1653 = tpu.memref_squeeze %gather3A_1652 : memref<1x800x32xf32, #tpu.memory_space<vmem>> -> memref<800x32xf32, #tpu.memory_space<vmem>>
        %gather3A_1654 = tpu.vector_load_idx %gather3A_1653[%add3A_1548, %and3A_127] : memref<800x32xf32, #tpu.memory_space<vmem>>[vector<16xi32>, vector<16xi32>], vector<16xf32>,
        %gather3A_1655 = arith.constant 0 : i32
        %gather3A_1656 = arith.constant 0 : i32
        %gather3A_1657 = tpu.memref_slice %arg6[%scan3A_771, %gather3A_1655, %gather3A_1656] : memref<2x800x32xf32, #tpu.memory_space<vmem>> -> memref<1x800x32xf32, #tpu.memory_space<vmem>>
        %gather3A_1658 = tpu.memref_squeeze %gather3A_1657 : memref<1x800x32xf32, #tpu.memory_space<vmem>> -> memref<800x32xf32, #tpu.memory_space<vmem>>
        %gather3A_1659 = tpu.vector_load_idx %gather3A_1658[%add3A_1548, %and3A_133] : memref<800x32xf32, #tpu.memory_space<vmem>>[vector<16xi32>, vector<16xi32>], vector<16xf32>,
        %gather3A_1660 = arith.constant 0 : i32
        %gather3A_1661 = arith.constant 0 : i32
        %gather3A_1662 = tpu.memref_slice %arg6[%scan3A_771, %gather3A_1660, %gather3A_1661] : memref<2x800x32xf32, #tpu.memory_space<vmem>> -> memref<1x800x32xf32, #tpu.memory_space<vmem>>
        %gather3A_1663 = tpu.memref_squeeze %gather3A_1662 : memref<1x800x32xf32, #tpu.memory_space<vmem>> -> memref<800x32xf32, #tpu.memory_space<vmem>>
        %gather3A_1664 = tpu.vector_load_idx %gather3A_1663[%add3A_1548, %and3A_139] : memref<800x32xf32, #tpu.memory_space<vmem>>[vector<16xi32>, vector<16xi32>], vector<16xf32>,
        %gather3A_1665 = arith.constant 0 : i32
        %gather3A_1666 = arith.constant 0 : i32
        %gather3A_1667 = tpu.memref_slice %arg6[%scan3A_771, %gather3A_1665, %gather3A_1666] : memref<2x800x32xf32, #tpu.memory_space<vmem>> -> memref<1x800x32xf32, #tpu.memory_space<vmem>>
        %gather3A_1668 = tpu.memref_squeeze %gather3A_1667 : memref<1x800x32xf32, #tpu.memory_space<vmem>> -> memref<800x32xf32, #tpu.memory_space<vmem>>
        %gather3A_1669 = tpu.vector_load_idx %gather3A_1668[%add3A_1548, %and3A_145] : memref<800x32xf32, #tpu.memory_space<vmem>>[vector<16xi32>, vector<16xi32>], vector<16xf32>,
        %gather3A_1670 = arith.constant 0 : i32
        %gather3A_1671 = arith.constant 0 : i32
        %gather3A_1672 = tpu.memref_slice %arg6[%scan3A_771, %gather3A_1670, %gather3A_1671] : memref<2x800x32xf32, #tpu.memory_space<vmem>> -> memref<1x800x32xf32, #tpu.memory_space<vmem>>
        %gather3A_1673 = tpu.memref_squeeze %gather3A_1672 : memref<1x800x32xf32, #tpu.memory_space<vmem>> -> memref<800x32xf32, #tpu.memory_space<vmem>>
        %gather3A_1674 = tpu.vector_load_idx %gather3A_1673[%add3A_1548, %and3A_151] : memref<800x32xf32, #tpu.memory_space<vmem>>[vector<16xi32>, vector<16xi32>], vector<16xf32>,
        %gather3A_1675 = arith.constant 0 : i32
        %gather3A_1676 = arith.constant 0 : i32
        %gather3A_1677 = tpu.memref_slice %arg6[%scan3A_771, %gather3A_1675, %gather3A_1676] : memref<2x800x32xf32, #tpu.memory_space<vmem>> -> memref<1x800x32xf32, #tpu.memory_space<vmem>>
        %gather3A_1678 = tpu.memref_squeeze %gather3A_1677 : memref<1x800x32xf32, #tpu.memory_space<vmem>> -> memref<800x32xf32, #tpu.memory_space<vmem>>
        %gather3A_1679 = tpu.vector_load_idx %gather3A_1678[%add3A_1548, %and3A_157] : memref<800x32xf32, #tpu.memory_space<vmem>>[vector<16xi32>, vector<16xi32>], vector<16xf32>,
        %gather3A_1680 = arith.constant 0 : i32
        %gather3A_1681 = arith.constant 0 : i32
        %gather3A_1682 = tpu.memref_slice %arg6[%scan3A_771, %gather3A_1680, %gather3A_1681] : memref<2x800x32xf32, #tpu.memory_space<vmem>> -> memref<1x800x32xf32, #tpu.memory_space<vmem>>
        %gather3A_1683 = tpu.memref_squeeze %gather3A_1682 : memref<1x800x32xf32, #tpu.memory_space<vmem>> -> memref<800x32xf32, #tpu.memory_space<vmem>>
        %gather3A_1684 = tpu.vector_load_idx %gather3A_1683[%add3A_1548, %and3A_163] : memref<800x32xf32, #tpu.memory_space<vmem>>[vector<16xi32>, vector<16xi32>], vector<16xf32>,
        %gather3A_1685 = arith.constant 0 : i32
        %gather3A_1686 = arith.constant 0 : i32
        %gather3A_1687 = tpu.memref_slice %arg6[%scan3A_771, %gather3A_1685, %gather3A_1686] : memref<2x800x32xf32, #tpu.memory_space<vmem>> -> memref<1x800x32xf32, #tpu.memory_space<vmem>>
        %gather3A_1688 = tpu.memref_squeeze %gather3A_1687 : memref<1x800x32xf32, #tpu.memory_space<vmem>> -> memref<800x32xf32, #tpu.memory_space<vmem>>
        %gather3A_1689 = tpu.vector_load_idx %gather3A_1688[%add3A_1548, %and3A_169] : memref<800x32xf32, #tpu.memory_space<vmem>>[vector<16xi32>, vector<16xi32>], vector<16xf32>,
        %gather3A_1690 = arith.constant 0 : i32
        %gather3A_1691 = arith.constant 0 : i32
        %gather3A_1692 = tpu.memref_slice %arg6[%scan3A_771, %gather3A_1690, %gather3A_1691] : memref<2x800x32xf32, #tpu.memory_space<vmem>> -> memref<1x800x32xf32, #tpu.memory_space<vmem>>
        %gather3A_1693 = tpu.memref_squeeze %gather3A_1692 : memref<1x800x32xf32, #tpu.memory_space<vmem>> -> memref<800x32xf32, #tpu.memory_space<vmem>>
        %gather3A_1694 = tpu.vector_load_idx %gather3A_1693[%add3A_1548, %and3A_175] : memref<800x32xf32, #tpu.memory_space<vmem>>[vector<16xi32>, vector<16xi32>], vector<16xf32>,
        %gather3A_1695 = arith.constant 0 : i32
        %gather3A_1696 = arith.constant 0 : i32
        %gather3A_1697 = tpu.memref_slice %arg6[%scan3A_771, %gather3A_1695, %gather3A_1696] : memref<2x800x32xf32, #tpu.memory_space<vmem>> -> memref<1x800x32xf32, #tpu.memory_space<vmem>>
        %gather3A_1698 = tpu.memref_squeeze %gather3A_1697 : memref<1x800x32xf32, #tpu.memory_space<vmem>> -> memref<800x32xf32, #tpu.memory_space<vmem>>
        %gather3A_1699 = tpu.vector_load_idx %gather3A_1698[%add3A_1548, %and3A_181] : memref<800x32xf32, #tpu.memory_space<vmem>>[vector<16xi32>, vector<16xi32>], vector<16xf32>,
        %gather3A_1700 = arith.constant 0 : i32
        %gather3A_1701 = arith.constant 0 : i32
        %gather3A_1702 = tpu.memref_slice %arg6[%scan3A_771, %gather3A_1700, %gather3A_1701] : memref<2x800x32xf32, #tpu.memory_space<vmem>> -> memref<1x800x32xf32, #tpu.memory_space<vmem>>
        %gather3A_1703 = tpu.memref_squeeze %gather3A_1702 : memref<1x800x32xf32, #tpu.memory_space<vmem>> -> memref<800x32xf32, #tpu.memory_space<vmem>>
        %gather3A_1704 = tpu.vector_load_idx %gather3A_1703[%add3A_1548, %and3A_187] : memref<800x32xf32, #tpu.memory_space<vmem>>[vector<16xi32>, vector<16xi32>], vector<16xf32>,
        %gather3A_1705 = arith.constant 0 : i32
        %gather3A_1706 = arith.constant 0 : i32
        %gather3A_1707 = tpu.memref_slice %arg6[%scan3A_771, %gather3A_1705, %gather3A_1706] : memref<2x800x32xf32, #tpu.memory_space<vmem>> -> memref<1x800x32xf32, #tpu.memory_space<vmem>>
        %gather3A_1708 = tpu.memref_squeeze %gather3A_1707 : memref<1x800x32xf32, #tpu.memory_space<vmem>> -> memref<800x32xf32, #tpu.memory_space<vmem>>
        %gather3A_1709 = tpu.vector_load_idx %gather3A_1708[%add3A_1548, %and3A_193] : memref<800x32xf32, #tpu.memory_space<vmem>>[vector<16xi32>, vector<16xi32>], vector<16xf32>,
        %mul3A_1710 = arith.mulf %gather3A_1554, %gather3A_1554 : vector<16xf32>
        %mul3A_1711 = arith.mulf %gather3A_1559, %gather3A_1559 : vector<16xf32>
        %mul3A_1712 = arith.mulf %gather3A_1564, %gather3A_1564 : vector<16xf32>
        %mul3A_1713 = arith.mulf %gather3A_1569, %gather3A_1569 : vector<16xf32>
        %mul3A_1714 = arith.mulf %gather3A_1574, %gather3A_1574 : vector<16xf32>
        %mul3A_1715 = arith.mulf %gather3A_1579, %gather3A_1579 : vector<16xf32>
        %mul3A_1716 = arith.mulf %gather3A_1584, %gather3A_1584 : vector<16xf32>
        %mul3A_1717 = arith.mulf %gather3A_1589, %gather3A_1589 : vector<16xf32>
        %mul3A_1718 = arith.mulf %gather3A_1594, %gather3A_1594 : vector<16xf32>
        %mul3A_1719 = arith.mulf %gather3A_1599, %gather3A_1599 : vector<16xf32>
        %mul3A_1720 = arith.mulf %gather3A_1604, %gather3A_1604 : vector<16xf32>
        %mul3A_1721 = arith.mulf %gather3A_1609, %gather3A_1609 : vector<16xf32>
        %mul3A_1722 = arith.mulf %gather3A_1614, %gather3A_1614 : vector<16xf32>
        %mul3A_1723 = arith.mulf %gather3A_1619, %gather3A_1619 : vector<16xf32>
        %mul3A_1724 = arith.mulf %gather3A_1624, %gather3A_1624 : vector<16xf32>
        %mul3A_1725 = arith.mulf %gather3A_1629, %gather3A_1629 : vector<16xf32>
        %mul3A_1726 = arith.mulf %gather3A_1634, %gather3A_1634 : vector<16xf32>
        %mul3A_1727 = arith.mulf %gather3A_1639, %gather3A_1639 : vector<16xf32>
        %mul3A_1728 = arith.mulf %gather3A_1644, %gather3A_1644 : vector<16xf32>
        %mul3A_1729 = arith.mulf %gather3A_1649, %gather3A_1649 : vector<16xf32>
        %mul3A_1730 = arith.mulf %gather3A_1654, %gather3A_1654 : vector<16xf32>
        %mul3A_1731 = arith.mulf %gather3A_1659, %gather3A_1659 : vector<16xf32>
        %mul3A_1732 = arith.mulf %gather3A_1664, %gather3A_1664 : vector<16xf32>
        %mul3A_1733 = arith.mulf %gather3A_1669, %gather3A_1669 : vector<16xf32>
        %mul3A_1734 = arith.mulf %gather3A_1674, %gather3A_1674 : vector<16xf32>
        %mul3A_1735 = arith.mulf %gather3A_1679, %gather3A_1679 : vector<16xf32>
        %mul3A_1736 = arith.mulf %gather3A_1684, %gather3A_1684 : vector<16xf32>
        %mul3A_1737 = arith.mulf %gather3A_1689, %gather3A_1689 : vector<16xf32>
        %mul3A_1738 = arith.mulf %gather3A_1694, %gather3A_1694 : vector<16xf32>
        %mul3A_1739 = arith.mulf %gather3A_1699, %gather3A_1699 : vector<16xf32>
        %mul3A_1740 = arith.mulf %gather3A_1704, %gather3A_1704 : vector<16xf32>
        %mul3A_1741 = arith.mulf %gather3A_1709, %gather3A_1709 : vector<16xf32>
        %add3A_1742 = arith.addf %mul3A_1710, %mul3A_1711 : vector<16xf32>
        %add3A_1743 = arith.addf %mul3A_1712, %mul3A_1713 : vector<16xf32>
        %add3A_1744 = arith.addf %mul3A_1714, %mul3A_1715 : vector<16xf32>
        %add3A_1745 = arith.addf %mul3A_1716, %mul3A_1717 : vector<16xf32>
        %add3A_1746 = arith.addf %mul3A_1718, %mul3A_1719 : vector<16xf32>
        %add3A_1747 = arith.addf %mul3A_1720, %mul3A_1721 : vector<16xf32>
        %add3A_1748 = arith.addf %mul3A_1722, %mul3A_1723 : vector<16xf32>
        %add3A_1749 = arith.addf %mul3A_1724, %mul3A_1725 : vector<16xf32>
        %add3A_1750 = arith.addf %mul3A_1726, %mul3A_1727 : vector<16xf32>
        %add3A_1751 = arith.addf %mul3A_1728, %mul3A_1729 : vector<16xf32>
        %add3A_1752 = arith.addf %mul3A_1730, %mul3A_1731 : vector<16xf32>
        %add3A_1753 = arith.addf %mul3A_1732, %mul3A_1733 : vector<16xf32>
        %add3A_1754 = arith.addf %mul3A_1734, %mul3A_1735 : vector<16xf32>
        %add3A_1755 = arith.addf %mul3A_1736, %mul3A_1737 : vector<16xf32>
        %add3A_1756 = arith.addf %mul3A_1738, %mul3A_1739 : vector<16xf32>
        %add3A_1757 = arith.addf %mul3A_1740, %mul3A_1741 : vector<16xf32>
        %add3A_1758 = arith.addf %add3A_1742, %add3A_1743 : vector<16xf32>
        %add3A_1759 = arith.addf %add3A_1744, %add3A_1745 : vector<16xf32>
        %add3A_1760 = arith.addf %add3A_1746, %add3A_1747 : vector<16xf32>
        %add3A_1761 = arith.addf %add3A_1748, %add3A_1749 : vector<16xf32>
        %add3A_1762 = arith.addf %add3A_1750, %add3A_1751 : vector<16xf32>
        %add3A_1763 = arith.addf %add3A_1752, %add3A_1753 : vector<16xf32>
        %add3A_1764 = arith.addf %add3A_1754, %add3A_1755 : vector<16xf32>
        %add3A_1765 = arith.addf %add3A_1756, %add3A_1757 : vector<16xf32>
        %add3A_1766 = arith.addf %add3A_1758, %add3A_1759 : vector<16xf32>
        %add3A_1767 = arith.addf %add3A_1760, %add3A_1761 : vector<16xf32>
        %add3A_1768 = arith.addf %add3A_1762, %add3A_1763 : vector<16xf32>
        %add3A_1769 = arith.addf %add3A_1764, %add3A_1765 : vector<16xf32>
        %add3A_1770 = arith.addf %add3A_1766, %add3A_1767 : vector<16xf32>
        %add3A_1771 = arith.addf %add3A_1768, %add3A_1769 : vector<16xf32>
        %add3A_1772 = arith.addf %add3A_1770, %add3A_1771 : vector<16xf32>
        %bitcast3A_1773 = vector.bitcast %add3A_1772 : vector<16xf32> to vector<16xi32>
        %shift_right_logical3A_1774 = arith.constant 1 : i32
        %shift_right_logical3A_1775 = vector.broadcast %shift_right_logical3A_1774 : i32 to vector<16xi32>
        %shift_right_logical3A_1776 = arith.shrui %bitcast3A_1773, %shift_right_logical3A_1775 : vector<16xi32>
        %sub3A_1777 = arith.constant 1597463007 : i32
        %sub3A_1778 = vector.broadcast %sub3A_1777 : i32 to vector<16xi32>
        %sub3A_1779 = arith.subi %sub3A_1778, %shift_right_logical3A_1776 : vector<16xi32>
        %bitcast3A_1780 = vector.bitcast %sub3A_1779 : vector<16xi32> to vector<16xf32>
        %mul3A_1781 = arith.constant 5.000000e-01 : f32
        %mul3A_1782 = vector.broadcast %mul3A_1781 : f32 to vector<16xf32>
        %mul3A_1783 = arith.mulf %mul3A_1782, %add3A_1772 : vector<16xf32>
        %mul3A_1784 = arith.mulf %mul3A_1783, %bitcast3A_1780 : vector<16xf32>
        %mul3A_1785 = arith.mulf %mul3A_1784, %bitcast3A_1780 : vector<16xf32>
        %sub3A_1786 = arith.constant 1.500000e+00 : f32
        %sub3A_1787 = vector.broadcast %sub3A_1786 : f32 to vector<16xf32>
        %sub3A_1788 = arith.subf %sub3A_1787, %mul3A_1785 : vector<16xf32>
        %mul3A_1789 = arith.mulf %bitcast3A_1780, %sub3A_1788 : vector<16xf32>
        %mul3A_1790 = arith.constant 5.000000e-01 : f32
        %mul3A_1791 = vector.broadcast %mul3A_1790 : f32 to vector<16xf32>
        %mul3A_1792 = arith.mulf %mul3A_1791, %add3A_1772 : vector<16xf32>
        %mul3A_1793 = arith.mulf %mul3A_1792, %mul3A_1789 : vector<16xf32>
        %mul3A_1794 = arith.mulf %mul3A_1793, %mul3A_1789 : vector<16xf32>
        %sub3A_1795 = arith.constant 1.500000e+00 : f32
        %sub3A_1796 = vector.broadcast %sub3A_1795 : f32 to vector<16xf32>
        %sub3A_1797 = arith.subf %sub3A_1796, %mul3A_1794 : vector<16xf32>
        %mul3A_1798 = arith.mulf %mul3A_1789, %sub3A_1797 : vector<16xf32>
        %mul3A_1799 = arith.constant 5.000000e-01 : f32
        %mul3A_1800 = vector.broadcast %mul3A_1799 : f32 to vector<16xf32>
        %mul3A_1801 = arith.mulf %mul3A_1800, %add3A_1772 : vector<16xf32>
        %mul3A_1802 = arith.mulf %mul3A_1801, %mul3A_1798 : vector<16xf32>
        %mul3A_1803 = arith.mulf %mul3A_1802, %mul3A_1798 : vector<16xf32>
        %sub3A_1804 = arith.constant 1.500000e+00 : f32
        %sub3A_1805 = vector.broadcast %sub3A_1804 : f32 to vector<16xf32>
        %sub3A_1806 = arith.subf %sub3A_1805, %mul3A_1803 : vector<16xf32>
        %mul3A_1807 = arith.mulf %mul3A_1798, %sub3A_1806 : vector<16xf32>
        %mul3A_1808 = arith.mulf %gather3A_1554, %mul3A_1807 : vector<16xf32>
        %scatter3A_1809 = arith.constant 0 : i32
        %scatter3A_1810 = arith.constant 0 : i32
        %scatter3A_1811 = arith.constant 0 : i32
        %scatter3A_1812 = arith.constant 0 : i32
        %scatter3A_1813 = tpu.memref_slice %arg7[%scan3A_772, %scatter3A_1809, %scatter3A_1810, %scatter3A_1811, %scatter3A_1812] : memref<2x50x4x8x16xf32, #tpu.memory_space<vmem>> -> memref<1x50x4x8x16xf32, #tpu.memory_space<vmem>>
        %scatter3A_1814 = tpu.memref_squeeze %scatter3A_1813 : memref<1x50x4x8x16xf32, #tpu.memory_space<vmem>> -> memref<50x4x8x16xf32, #tpu.memory_space<vmem>>
        tpu.vector_store_idx %scatter3A_1814[%broadcast_in_dim3A_1549, %shift_right_logical3A_195, %and3A_291, %iota3A], %mul3A_1808 : memref<50x4x8x16xf32, #tpu.memory_space<vmem>>[vector<16xi32>, vector<16xi32>, vector<16xi32>, vector<16xi32>], vector<16xf32>,
        %mul3A_1815 = arith.mulf %gather3A_1559, %mul3A_1807 : vector<16xf32>
        %scatter3A_1816 = arith.constant 0 : i32
        %scatter3A_1817 = arith.constant 0 : i32
        %scatter3A_1818 = arith.constant 0 : i32
        %scatter3A_1819 = arith.constant 0 : i32
        %scatter3A_1820 = tpu.memref_slice %arg7[%scan3A_772, %scatter3A_1816, %scatter3A_1817, %scatter3A_1818, %scatter3A_1819] : memref<2x50x4x8x16xf32, #tpu.memory_space<vmem>> -> memref<1x50x4x8x16xf32, #tpu.memory_space<vmem>>
        %scatter3A_1821 = tpu.memref_squeeze %scatter3A_1820 : memref<1x50x4x8x16xf32, #tpu.memory_space<vmem>> -> memref<50x4x8x16xf32, #tpu.memory_space<vmem>>
        tpu.vector_store_idx %scatter3A_1821[%broadcast_in_dim3A_1549, %shift_right_logical3A_198, %and3A_294, %iota3A], %mul3A_1815 : memref<50x4x8x16xf32, #tpu.memory_space<vmem>>[vector<16xi32>, vector<16xi32>, vector<16xi32>, vector<16xi32>], vector<16xf32>,
        %mul3A_1822 = arith.mulf %gather3A_1564, %mul3A_1807 : vector<16xf32>
        %scatter3A_1823 = arith.constant 0 : i32
        %scatter3A_1824 = arith.constant 0 : i32
        %scatter3A_1825 = arith.constant 0 : i32
        %scatter3A_1826 = arith.constant 0 : i32
        %scatter3A_1827 = tpu.memref_slice %arg7[%scan3A_772, %scatter3A_1823, %scatter3A_1824, %scatter3A_1825, %scatter3A_1826] : memref<2x50x4x8x16xf32, #tpu.memory_space<vmem>> -> memref<1x50x4x8x16xf32, #tpu.memory_space<vmem>>
        %scatter3A_1828 = tpu.memref_squeeze %scatter3A_1827 : memref<1x50x4x8x16xf32, #tpu.memory_space<vmem>> -> memref<50x4x8x16xf32, #tpu.memory_space<vmem>>
        tpu.vector_store_idx %scatter3A_1828[%broadcast_in_dim3A_1549, %shift_right_logical3A_201, %and3A_297, %iota3A], %mul3A_1822 : memref<50x4x8x16xf32, #tpu.memory_space<vmem>>[vector<16xi32>, vector<16xi32>, vector<16xi32>, vector<16xi32>], vector<16xf32>,
        %mul3A_1829 = arith.mulf %gather3A_1569, %mul3A_1807 : vector<16xf32>
        %scatter3A_1830 = arith.constant 0 : i32
        %scatter3A_1831 = arith.constant 0 : i32
        %scatter3A_1832 = arith.constant 0 : i32
        %scatter3A_1833 = arith.constant 0 : i32
        %scatter3A_1834 = tpu.memref_slice %arg7[%scan3A_772, %scatter3A_1830, %scatter3A_1831, %scatter3A_1832, %scatter3A_1833] : memref<2x50x4x8x16xf32, #tpu.memory_space<vmem>> -> memref<1x50x4x8x16xf32, #tpu.memory_space<vmem>>
        %scatter3A_1835 = tpu.memref_squeeze %scatter3A_1834 : memref<1x50x4x8x16xf32, #tpu.memory_space<vmem>> -> memref<50x4x8x16xf32, #tpu.memory_space<vmem>>
        tpu.vector_store_idx %scatter3A_1835[%broadcast_in_dim3A_1549, %shift_right_logical3A_204, %and3A_300, %iota3A], %mul3A_1829 : memref<50x4x8x16xf32, #tpu.memory_space<vmem>>[vector<16xi32>, vector<16xi32>, vector<16xi32>, vector<16xi32>], vector<16xf32>,
        %mul3A_1836 = arith.mulf %gather3A_1574, %mul3A_1807 : vector<16xf32>
        %scatter3A_1837 = arith.constant 0 : i32
        %scatter3A_1838 = arith.constant 0 : i32
        %scatter3A_1839 = arith.constant 0 : i32
        %scatter3A_1840 = arith.constant 0 : i32
        %scatter3A_1841 = tpu.memref_slice %arg7[%scan3A_772, %scatter3A_1837, %scatter3A_1838, %scatter3A_1839, %scatter3A_1840] : memref<2x50x4x8x16xf32, #tpu.memory_space<vmem>> -> memref<1x50x4x8x16xf32, #tpu.memory_space<vmem>>
        %scatter3A_1842 = tpu.memref_squeeze %scatter3A_1841 : memref<1x50x4x8x16xf32, #tpu.memory_space<vmem>> -> memref<50x4x8x16xf32, #tpu.memory_space<vmem>>
        tpu.vector_store_idx %scatter3A_1842[%broadcast_in_dim3A_1549, %shift_right_logical3A_207, %and3A_303, %iota3A], %mul3A_1836 : memref<50x4x8x16xf32, #tpu.memory_space<vmem>>[vector<16xi32>, vector<16xi32>, vector<16xi32>, vector<16xi32>], vector<16xf32>,
        %mul3A_1843 = arith.mulf %gather3A_1579, %mul3A_1807 : vector<16xf32>
        %scatter3A_1844 = arith.constant 0 : i32
        %scatter3A_1845 = arith.constant 0 : i32
        %scatter3A_1846 = arith.constant 0 : i32
        %scatter3A_1847 = arith.constant 0 : i32
        %scatter3A_1848 = tpu.memref_slice %arg7[%scan3A_772, %scatter3A_1844, %scatter3A_1845, %scatter3A_1846, %scatter3A_1847] : memref<2x50x4x8x16xf32, #tpu.memory_space<vmem>> -> memref<1x50x4x8x16xf32, #tpu.memory_space<vmem>>
        %scatter3A_1849 = tpu.memref_squeeze %scatter3A_1848 : memref<1x50x4x8x16xf32, #tpu.memory_space<vmem>> -> memref<50x4x8x16xf32, #tpu.memory_space<vmem>>
        tpu.vector_store_idx %scatter3A_1849[%broadcast_in_dim3A_1549, %shift_right_logical3A_210, %and3A_306, %iota3A], %mul3A_1843 : memref<50x4x8x16xf32, #tpu.memory_space<vmem>>[vector<16xi32>, vector<16xi32>, vector<16xi32>, vector<16xi32>], vector<16xf32>,
        %mul3A_1850 = arith.mulf %gather3A_1584, %mul3A_1807 : vector<16xf32>
        %scatter3A_1851 = arith.constant 0 : i32
        %scatter3A_1852 = arith.constant 0 : i32
        %scatter3A_1853 = arith.constant 0 : i32
        %scatter3A_1854 = arith.constant 0 : i32
        %scatter3A_1855 = tpu.memref_slice %arg7[%scan3A_772, %scatter3A_1851, %scatter3A_1852, %scatter3A_1853, %scatter3A_1854] : memref<2x50x4x8x16xf32, #tpu.memory_space<vmem>> -> memref<1x50x4x8x16xf32, #tpu.memory_space<vmem>>
        %scatter3A_1856 = tpu.memref_squeeze %scatter3A_1855 : memref<1x50x4x8x16xf32, #tpu.memory_space<vmem>> -> memref<50x4x8x16xf32, #tpu.memory_space<vmem>>
        tpu.vector_store_idx %scatter3A_1856[%broadcast_in_dim3A_1549, %shift_right_logical3A_213, %and3A_309, %iota3A], %mul3A_1850 : memref<50x4x8x16xf32, #tpu.memory_space<vmem>>[vector<16xi32>, vector<16xi32>, vector<16xi32>, vector<16xi32>], vector<16xf32>,
        %mul3A_1857 = arith.mulf %gather3A_1589, %mul3A_1807 : vector<16xf32>
        %scatter3A_1858 = arith.constant 0 : i32
        %scatter3A_1859 = arith.constant 0 : i32
        %scatter3A_1860 = arith.constant 0 : i32
        %scatter3A_1861 = arith.constant 0 : i32
        %scatter3A_1862 = tpu.memref_slice %arg7[%scan3A_772, %scatter3A_1858, %scatter3A_1859, %scatter3A_1860, %scatter3A_1861] : memref<2x50x4x8x16xf32, #tpu.memory_space<vmem>> -> memref<1x50x4x8x16xf32, #tpu.memory_space<vmem>>
        %scatter3A_1863 = tpu.memref_squeeze %scatter3A_1862 : memref<1x50x4x8x16xf32, #tpu.memory_space<vmem>> -> memref<50x4x8x16xf32, #tpu.memory_space<vmem>>
        tpu.vector_store_idx %scatter3A_1863[%broadcast_in_dim3A_1549, %shift_right_logical3A_216, %and3A_312, %iota3A], %mul3A_1857 : memref<50x4x8x16xf32, #tpu.memory_space<vmem>>[vector<16xi32>, vector<16xi32>, vector<16xi32>, vector<16xi32>], vector<16xf32>,
        %mul3A_1864 = arith.mulf %gather3A_1594, %mul3A_1807 : vector<16xf32>
        %scatter3A_1865 = arith.constant 0 : i32
        %scatter3A_1866 = arith.constant 0 : i32
        %scatter3A_1867 = arith.constant 0 : i32
        %scatter3A_1868 = arith.constant 0 : i32
        %scatter3A_1869 = tpu.memref_slice %arg7[%scan3A_772, %scatter3A_1865, %scatter3A_1866, %scatter3A_1867, %scatter3A_1868] : memref<2x50x4x8x16xf32, #tpu.memory_space<vmem>> -> memref<1x50x4x8x16xf32, #tpu.memory_space<vmem>>
        %scatter3A_1870 = tpu.memref_squeeze %scatter3A_1869 : memref<1x50x4x8x16xf32, #tpu.memory_space<vmem>> -> memref<50x4x8x16xf32, #tpu.memory_space<vmem>>
        tpu.vector_store_idx %scatter3A_1870[%broadcast_in_dim3A_1549, %shift_right_logical3A_219, %and3A_315, %iota3A], %mul3A_1864 : memref<50x4x8x16xf32, #tpu.memory_space<vmem>>[vector<16xi32>, vector<16xi32>, vector<16xi32>, vector<16xi32>], vector<16xf32>,
        %mul3A_1871 = arith.mulf %gather3A_1599, %mul3A_1807 : vector<16xf32>
        %scatter3A_1872 = arith.constant 0 : i32
        %scatter3A_1873 = arith.constant 0 : i32
        %scatter3A_1874 = arith.constant 0 : i32
        %scatter3A_1875 = arith.constant 0 : i32
        %scatter3A_1876 = tpu.memref_slice %arg7[%scan3A_772, %scatter3A_1872, %scatter3A_1873, %scatter3A_1874, %scatter3A_1875] : memref<2x50x4x8x16xf32, #tpu.memory_space<vmem>> -> memref<1x50x4x8x16xf32, #tpu.memory_space<vmem>>
        %scatter3A_1877 = tpu.memref_squeeze %scatter3A_1876 : memref<1x50x4x8x16xf32, #tpu.memory_space<vmem>> -> memref<50x4x8x16xf32, #tpu.memory_space<vmem>>
        tpu.vector_store_idx %scatter3A_1877[%broadcast_in_dim3A_1549, %shift_right_logical3A_222, %and3A_318, %iota3A], %mul3A_1871 : memref<50x4x8x16xf32, #tpu.memory_space<vmem>>[vector<16xi32>, vector<16xi32>, vector<16xi32>, vector<16xi32>], vector<16xf32>,
        %mul3A_1878 = arith.mulf %gather3A_1604, %mul3A_1807 : vector<16xf32>
        %scatter3A_1879 = arith.constant 0 : i32
        %scatter3A_1880 = arith.constant 0 : i32
        %scatter3A_1881 = arith.constant 0 : i32
        %scatter3A_1882 = arith.constant 0 : i32
        %scatter3A_1883 = tpu.memref_slice %arg7[%scan3A_772, %scatter3A_1879, %scatter3A_1880, %scatter3A_1881, %scatter3A_1882] : memref<2x50x4x8x16xf32, #tpu.memory_space<vmem>> -> memref<1x50x4x8x16xf32, #tpu.memory_space<vmem>>
        %scatter3A_1884 = tpu.memref_squeeze %scatter3A_1883 : memref<1x50x4x8x16xf32, #tpu.memory_space<vmem>> -> memref<50x4x8x16xf32, #tpu.memory_space<vmem>>
        tpu.vector_store_idx %scatter3A_1884[%broadcast_in_dim3A_1549, %shift_right_logical3A_225, %and3A_321, %iota3A], %mul3A_1878 : memref<50x4x8x16xf32, #tpu.memory_space<vmem>>[vector<16xi32>, vector<16xi32>, vector<16xi32>, vector<16xi32>], vector<16xf32>,
        %mul3A_1885 = arith.mulf %gather3A_1609, %mul3A_1807 : vector<16xf32>
        %scatter3A_1886 = arith.constant 0 : i32
        %scatter3A_1887 = arith.constant 0 : i32
        %scatter3A_1888 = arith.constant 0 : i32
        %scatter3A_1889 = arith.constant 0 : i32
        %scatter3A_1890 = tpu.memref_slice %arg7[%scan3A_772, %scatter3A_1886, %scatter3A_1887, %scatter3A_1888, %scatter3A_1889] : memref<2x50x4x8x16xf32, #tpu.memory_space<vmem>> -> memref<1x50x4x8x16xf32, #tpu.memory_space<vmem>>
        %scatter3A_1891 = tpu.memref_squeeze %scatter3A_1890 : memref<1x50x4x8x16xf32, #tpu.memory_space<vmem>> -> memref<50x4x8x16xf32, #tpu.memory_space<vmem>>
        tpu.vector_store_idx %scatter3A_1891[%broadcast_in_dim3A_1549, %shift_right_logical3A_228, %and3A_324, %iota3A], %mul3A_1885 : memref<50x4x8x16xf32, #tpu.memory_space<vmem>>[vector<16xi32>, vector<16xi32>, vector<16xi32>, vector<16xi32>], vector<16xf32>,
        %mul3A_1892 = arith.mulf %gather3A_1614, %mul3A_1807 : vector<16xf32>
        %scatter3A_1893 = arith.constant 0 : i32
        %scatter3A_1894 = arith.constant 0 : i32
        %scatter3A_1895 = arith.constant 0 : i32
        %scatter3A_1896 = arith.constant 0 : i32
        %scatter3A_1897 = tpu.memref_slice %arg7[%scan3A_772, %scatter3A_1893, %scatter3A_1894, %scatter3A_1895, %scatter3A_1896] : memref<2x50x4x8x16xf32, #tpu.memory_space<vmem>> -> memref<1x50x4x8x16xf32, #tpu.memory_space<vmem>>
        %scatter3A_1898 = tpu.memref_squeeze %scatter3A_1897 : memref<1x50x4x8x16xf32, #tpu.memory_space<vmem>> -> memref<50x4x8x16xf32, #tpu.memory_space<vmem>>
        tpu.vector_store_idx %scatter3A_1898[%broadcast_in_dim3A_1549, %shift_right_logical3A_231, %and3A_327, %iota3A], %mul3A_1892 : memref<50x4x8x16xf32, #tpu.memory_space<vmem>>[vector<16xi32>, vector<16xi32>, vector<16xi32>, vector<16xi32>], vector<16xf32>,
        %mul3A_1899 = arith.mulf %gather3A_1619, %mul3A_1807 : vector<16xf32>
        %scatter3A_1900 = arith.constant 0 : i32
        %scatter3A_1901 = arith.constant 0 : i32
        %scatter3A_1902 = arith.constant 0 : i32
        %scatter3A_1903 = arith.constant 0 : i32
        %scatter3A_1904 = tpu.memref_slice %arg7[%scan3A_772, %scatter3A_1900, %scatter3A_1901, %scatter3A_1902, %scatter3A_1903] : memref<2x50x4x8x16xf32, #tpu.memory_space<vmem>> -> memref<1x50x4x8x16xf32, #tpu.memory_space<vmem>>
        %scatter3A_1905 = tpu.memref_squeeze %scatter3A_1904 : memref<1x50x4x8x16xf32, #tpu.memory_space<vmem>> -> memref<50x4x8x16xf32, #tpu.memory_space<vmem>>
        tpu.vector_store_idx %scatter3A_1905[%broadcast_in_dim3A_1549, %shift_right_logical3A_234, %and3A_330, %iota3A], %mul3A_1899 : memref<50x4x8x16xf32, #tpu.memory_space<vmem>>[vector<16xi32>, vector<16xi32>, vector<16xi32>, vector<16xi32>], vector<16xf32>,
        %mul3A_1906 = arith.mulf %gather3A_1624, %mul3A_1807 : vector<16xf32>
        %scatter3A_1907 = arith.constant 0 : i32
        %scatter3A_1908 = arith.constant 0 : i32
        %scatter3A_1909 = arith.constant 0 : i32
        %scatter3A_1910 = arith.constant 0 : i32
        %scatter3A_1911 = tpu.memref_slice %arg7[%scan3A_772, %scatter3A_1907, %scatter3A_1908, %scatter3A_1909, %scatter3A_1910] : memref<2x50x4x8x16xf32, #tpu.memory_space<vmem>> -> memref<1x50x4x8x16xf32, #tpu.memory_space<vmem>>
        %scatter3A_1912 = tpu.memref_squeeze %scatter3A_1911 : memref<1x50x4x8x16xf32, #tpu.memory_space<vmem>> -> memref<50x4x8x16xf32, #tpu.memory_space<vmem>>
        tpu.vector_store_idx %scatter3A_1912[%broadcast_in_dim3A_1549, %shift_right_logical3A_237, %and3A_333, %iota3A], %mul3A_1906 : memref<50x4x8x16xf32, #tpu.memory_space<vmem>>[vector<16xi32>, vector<16xi32>, vector<16xi32>, vector<16xi32>], vector<16xf32>,
        %mul3A_1913 = arith.mulf %gather3A_1629, %mul3A_1807 : vector<16xf32>
        %scatter3A_1914 = arith.constant 0 : i32
        %scatter3A_1915 = arith.constant 0 : i32
        %scatter3A_1916 = arith.constant 0 : i32
        %scatter3A_1917 = arith.constant 0 : i32
        %scatter3A_1918 = tpu.memref_slice %arg7[%scan3A_772, %scatter3A_1914, %scatter3A_1915, %scatter3A_1916, %scatter3A_1917] : memref<2x50x4x8x16xf32, #tpu.memory_space<vmem>> -> memref<1x50x4x8x16xf32, #tpu.memory_space<vmem>>
        %scatter3A_1919 = tpu.memref_squeeze %scatter3A_1918 : memref<1x50x4x8x16xf32, #tpu.memory_space<vmem>> -> memref<50x4x8x16xf32, #tpu.memory_space<vmem>>
        tpu.vector_store_idx %scatter3A_1919[%broadcast_in_dim3A_1549, %shift_right_logical3A_240, %and3A_336, %iota3A], %mul3A_1913 : memref<50x4x8x16xf32, #tpu.memory_space<vmem>>[vector<16xi32>, vector<16xi32>, vector<16xi32>, vector<16xi32>], vector<16xf32>,
        %mul3A_1920 = arith.mulf %gather3A_1634, %mul3A_1807 : vector<16xf32>
        %scatter3A_1921 = arith.constant 0 : i32
        %scatter3A_1922 = arith.constant 0 : i32
        %scatter3A_1923 = arith.constant 0 : i32
        %scatter3A_1924 = arith.constant 0 : i32
        %scatter3A_1925 = tpu.memref_slice %arg7[%scan3A_772, %scatter3A_1921, %scatter3A_1922, %scatter3A_1923, %scatter3A_1924] : memref<2x50x4x8x16xf32, #tpu.memory_space<vmem>> -> memref<1x50x4x8x16xf32, #tpu.memory_space<vmem>>
        %scatter3A_1926 = tpu.memref_squeeze %scatter3A_1925 : memref<1x50x4x8x16xf32, #tpu.memory_space<vmem>> -> memref<50x4x8x16xf32, #tpu.memory_space<vmem>>
        tpu.vector_store_idx %scatter3A_1926[%broadcast_in_dim3A_1549, %shift_right_logical3A_243, %and3A_339, %iota3A], %mul3A_1920 : memref<50x4x8x16xf32, #tpu.memory_space<vmem>>[vector<16xi32>, vector<16xi32>, vector<16xi32>, vector<16xi32>], vector<16xf32>,
        %mul3A_1927 = arith.mulf %gather3A_1639, %mul3A_1807 : vector<16xf32>
        %scatter3A_1928 = arith.constant 0 : i32
        %scatter3A_1929 = arith.constant 0 : i32
        %scatter3A_1930 = arith.constant 0 : i32
        %scatter3A_1931 = arith.constant 0 : i32
        %scatter3A_1932 = tpu.memref_slice %arg7[%scan3A_772, %scatter3A_1928, %scatter3A_1929, %scatter3A_1930, %scatter3A_1931] : memref<2x50x4x8x16xf32, #tpu.memory_space<vmem>> -> memref<1x50x4x8x16xf32, #tpu.memory_space<vmem>>
        %scatter3A_1933 = tpu.memref_squeeze %scatter3A_1932 : memref<1x50x4x8x16xf32, #tpu.memory_space<vmem>> -> memref<50x4x8x16xf32, #tpu.memory_space<vmem>>
        tpu.vector_store_idx %scatter3A_1933[%broadcast_in_dim3A_1549, %shift_right_logical3A_246, %and3A_342, %iota3A], %mul3A_1927 : memref<50x4x8x16xf32, #tpu.memory_space<vmem>>[vector<16xi32>, vector<16xi32>, vector<16xi32>, vector<16xi32>], vector<16xf32>,
        %mul3A_1934 = arith.mulf %gather3A_1644, %mul3A_1807 : vector<16xf32>
        %scatter3A_1935 = arith.constant 0 : i32
        %scatter3A_1936 = arith.constant 0 : i32
        %scatter3A_1937 = arith.constant 0 : i32
        %scatter3A_1938 = arith.constant 0 : i32
        %scatter3A_1939 = tpu.memref_slice %arg7[%scan3A_772, %scatter3A_1935, %scatter3A_1936, %scatter3A_1937, %scatter3A_1938] : memref<2x50x4x8x16xf32, #tpu.memory_space<vmem>> -> memref<1x50x4x8x16xf32, #tpu.memory_space<vmem>>
        %scatter3A_1940 = tpu.memref_squeeze %scatter3A_1939 : memref<1x50x4x8x16xf32, #tpu.memory_space<vmem>> -> memref<50x4x8x16xf32, #tpu.memory_space<vmem>>
        tpu.vector_store_idx %scatter3A_1940[%broadcast_in_dim3A_1549, %shift_right_logical3A_249, %and3A_345, %iota3A], %mul3A_1934 : memref<50x4x8x16xf32, #tpu.memory_space<vmem>>[vector<16xi32>, vector<16xi32>, vector<16xi32>, vector<16xi32>], vector<16xf32>,
        %mul3A_1941 = arith.mulf %gather3A_1649, %mul3A_1807 : vector<16xf32>
        %scatter3A_1942 = arith.constant 0 : i32
        %scatter3A_1943 = arith.constant 0 : i32
        %scatter3A_1944 = arith.constant 0 : i32
        %scatter3A_1945 = arith.constant 0 : i32
        %scatter3A_1946 = tpu.memref_slice %arg7[%scan3A_772, %scatter3A_1942, %scatter3A_1943, %scatter3A_1944, %scatter3A_1945] : memref<2x50x4x8x16xf32, #tpu.memory_space<vmem>> -> memref<1x50x4x8x16xf32, #tpu.memory_space<vmem>>
        %scatter3A_1947 = tpu.memref_squeeze %scatter3A_1946 : memref<1x50x4x8x16xf32, #tpu.memory_space<vmem>> -> memref<50x4x8x16xf32, #tpu.memory_space<vmem>>
        tpu.vector_store_idx %scatter3A_1947[%broadcast_in_dim3A_1549, %shift_right_logical3A_252, %and3A_348, %iota3A], %mul3A_1941 : memref<50x4x8x16xf32, #tpu.memory_space<vmem>>[vector<16xi32>, vector<16xi32>, vector<16xi32>, vector<16xi32>], vector<16xf32>,
        %mul3A_1948 = arith.mulf %gather3A_1654, %mul3A_1807 : vector<16xf32>
        %scatter3A_1949 = arith.constant 0 : i32
        %scatter3A_1950 = arith.constant 0 : i32
        %scatter3A_1951 = arith.constant 0 : i32
        %scatter3A_1952 = arith.constant 0 : i32
        %scatter3A_1953 = tpu.memref_slice %arg7[%scan3A_772, %scatter3A_1949, %scatter3A_1950, %scatter3A_1951, %scatter3A_1952] : memref<2x50x4x8x16xf32, #tpu.memory_space<vmem>> -> memref<1x50x4x8x16xf32, #tpu.memory_space<vmem>>
        %scatter3A_1954 = tpu.memref_squeeze %scatter3A_1953 : memref<1x50x4x8x16xf32, #tpu.memory_space<vmem>> -> memref<50x4x8x16xf32, #tpu.memory_space<vmem>>
        tpu.vector_store_idx %scatter3A_1954[%broadcast_in_dim3A_1549, %shift_right_logical3A_255, %and3A_351, %iota3A], %mul3A_1948 : memref<50x4x8x16xf32, #tpu.memory_space<vmem>>[vector<16xi32>, vector<16xi32>, vector<16xi32>, vector<16xi32>], vector<16xf32>,
        %mul3A_1955 = arith.mulf %gather3A_1659, %mul3A_1807 : vector<16xf32>
        %scatter3A_1956 = arith.constant 0 : i32
        %scatter3A_1957 = arith.constant 0 : i32
        %scatter3A_1958 = arith.constant 0 : i32
        %scatter3A_1959 = arith.constant 0 : i32
        %scatter3A_1960 = tpu.memref_slice %arg7[%scan3A_772, %scatter3A_1956, %scatter3A_1957, %scatter3A_1958, %scatter3A_1959] : memref<2x50x4x8x16xf32, #tpu.memory_space<vmem>> -> memref<1x50x4x8x16xf32, #tpu.memory_space<vmem>>
        %scatter3A_1961 = tpu.memref_squeeze %scatter3A_1960 : memref<1x50x4x8x16xf32, #tpu.memory_space<vmem>> -> memref<50x4x8x16xf32, #tpu.memory_space<vmem>>
        tpu.vector_store_idx %scatter3A_1961[%broadcast_in_dim3A_1549, %shift_right_logical3A_258, %and3A_354, %iota3A], %mul3A_1955 : memref<50x4x8x16xf32, #tpu.memory_space<vmem>>[vector<16xi32>, vector<16xi32>, vector<16xi32>, vector<16xi32>], vector<16xf32>,
        %mul3A_1962 = arith.mulf %gather3A_1664, %mul3A_1807 : vector<16xf32>
        %scatter3A_1963 = arith.constant 0 : i32
        %scatter3A_1964 = arith.constant 0 : i32
        %scatter3A_1965 = arith.constant 0 : i32
        %scatter3A_1966 = arith.constant 0 : i32
        %scatter3A_1967 = tpu.memref_slice %arg7[%scan3A_772, %scatter3A_1963, %scatter3A_1964, %scatter3A_1965, %scatter3A_1966] : memref<2x50x4x8x16xf32, #tpu.memory_space<vmem>> -> memref<1x50x4x8x16xf32, #tpu.memory_space<vmem>>
        %scatter3A_1968 = tpu.memref_squeeze %scatter3A_1967 : memref<1x50x4x8x16xf32, #tpu.memory_space<vmem>> -> memref<50x4x8x16xf32, #tpu.memory_space<vmem>>
        tpu.vector_store_idx %scatter3A_1968[%broadcast_in_dim3A_1549, %shift_right_logical3A_261, %and3A_357, %iota3A], %mul3A_1962 : memref<50x4x8x16xf32, #tpu.memory_space<vmem>>[vector<16xi32>, vector<16xi32>, vector<16xi32>, vector<16xi32>], vector<16xf32>,
        %mul3A_1969 = arith.mulf %gather3A_1669, %mul3A_1807 : vector<16xf32>
        %scatter3A_1970 = arith.constant 0 : i32
        %scatter3A_1971 = arith.constant 0 : i32
        %scatter3A_1972 = arith.constant 0 : i32
        %scatter3A_1973 = arith.constant 0 : i32
        %scatter3A_1974 = tpu.memref_slice %arg7[%scan3A_772, %scatter3A_1970, %scatter3A_1971, %scatter3A_1972, %scatter3A_1973] : memref<2x50x4x8x16xf32, #tpu.memory_space<vmem>> -> memref<1x50x4x8x16xf32, #tpu.memory_space<vmem>>
        %scatter3A_1975 = tpu.memref_squeeze %scatter3A_1974 : memref<1x50x4x8x16xf32, #tpu.memory_space<vmem>> -> memref<50x4x8x16xf32, #tpu.memory_space<vmem>>
        tpu.vector_store_idx %scatter3A_1975[%broadcast_in_dim3A_1549, %shift_right_logical3A_264, %and3A_360, %iota3A], %mul3A_1969 : memref<50x4x8x16xf32, #tpu.memory_space<vmem>>[vector<16xi32>, vector<16xi32>, vector<16xi32>, vector<16xi32>], vector<16xf32>,
        %mul3A_1976 = arith.mulf %gather3A_1674, %mul3A_1807 : vector<16xf32>
        %scatter3A_1977 = arith.constant 0 : i32
        %scatter3A_1978 = arith.constant 0 : i32
        %scatter3A_1979 = arith.constant 0 : i32
        %scatter3A_1980 = arith.constant 0 : i32
        %scatter3A_1981 = tpu.memref_slice %arg7[%scan3A_772, %scatter3A_1977, %scatter3A_1978, %scatter3A_1979, %scatter3A_1980] : memref<2x50x4x8x16xf32, #tpu.memory_space<vmem>> -> memref<1x50x4x8x16xf32, #tpu.memory_space<vmem>>
        %scatter3A_1982 = tpu.memref_squeeze %scatter3A_1981 : memref<1x50x4x8x16xf32, #tpu.memory_space<vmem>> -> memref<50x4x8x16xf32, #tpu.memory_space<vmem>>
        tpu.vector_store_idx %scatter3A_1982[%broadcast_in_dim3A_1549, %shift_right_logical3A_267, %and3A_363, %iota3A], %mul3A_1976 : memref<50x4x8x16xf32, #tpu.memory_space<vmem>>[vector<16xi32>, vector<16xi32>, vector<16xi32>, vector<16xi32>], vector<16xf32>,
        %mul3A_1983 = arith.mulf %gather3A_1679, %mul3A_1807 : vector<16xf32>
        %scatter3A_1984 = arith.constant 0 : i32
        %scatter3A_1985 = arith.constant 0 : i32
        %scatter3A_1986 = arith.constant 0 : i32
        %scatter3A_1987 = arith.constant 0 : i32
        %scatter3A_1988 = tpu.memref_slice %arg7[%scan3A_772, %scatter3A_1984, %scatter3A_1985, %scatter3A_1986, %scatter3A_1987] : memref<2x50x4x8x16xf32, #tpu.memory_space<vmem>> -> memref<1x50x4x8x16xf32, #tpu.memory_space<vmem>>
        %scatter3A_1989 = tpu.memref_squeeze %scatter3A_1988 : memref<1x50x4x8x16xf32, #tpu.memory_space<vmem>> -> memref<50x4x8x16xf32, #tpu.memory_space<vmem>>
        tpu.vector_store_idx %scatter3A_1989[%broadcast_in_dim3A_1549, %shift_right_logical3A_270, %and3A_366, %iota3A], %mul3A_1983 : memref<50x4x8x16xf32, #tpu.memory_space<vmem>>[vector<16xi32>, vector<16xi32>, vector<16xi32>, vector<16xi32>], vector<16xf32>,
        %mul3A_1990 = arith.mulf %gather3A_1684, %mul3A_1807 : vector<16xf32>
        %scatter3A_1991 = arith.constant 0 : i32
        %scatter3A_1992 = arith.constant 0 : i32
        %scatter3A_1993 = arith.constant 0 : i32
        %scatter3A_1994 = arith.constant 0 : i32
        %scatter3A_1995 = tpu.memref_slice %arg7[%scan3A_772, %scatter3A_1991, %scatter3A_1992, %scatter3A_1993, %scatter3A_1994] : memref<2x50x4x8x16xf32, #tpu.memory_space<vmem>> -> memref<1x50x4x8x16xf32, #tpu.memory_space<vmem>>
        %scatter3A_1996 = tpu.memref_squeeze %scatter3A_1995 : memref<1x50x4x8x16xf32, #tpu.memory_space<vmem>> -> memref<50x4x8x16xf32, #tpu.memory_space<vmem>>
        tpu.vector_store_idx %scatter3A_1996[%broadcast_in_dim3A_1549, %shift_right_logical3A_273, %and3A_369, %iota3A], %mul3A_1990 : memref<50x4x8x16xf32, #tpu.memory_space<vmem>>[vector<16xi32>, vector<16xi32>, vector<16xi32>, vector<16xi32>], vector<16xf32>,
        %mul3A_1997 = arith.mulf %gather3A_1689, %mul3A_1807 : vector<16xf32>
        %scatter3A_1998 = arith.constant 0 : i32
        %scatter3A_1999 = arith.constant 0 : i32
        %scatter3A_2000 = arith.constant 0 : i32
        %scatter3A_2001 = arith.constant 0 : i32
        %scatter3A_2002 = tpu.memref_slice %arg7[%scan3A_772, %scatter3A_1998, %scatter3A_1999, %scatter3A_2000, %scatter3A_2001] : memref<2x50x4x8x16xf32, #tpu.memory_space<vmem>> -> memref<1x50x4x8x16xf32, #tpu.memory_space<vmem>>
        %scatter3A_2003 = tpu.memref_squeeze %scatter3A_2002 : memref<1x50x4x8x16xf32, #tpu.memory_space<vmem>> -> memref<50x4x8x16xf32, #tpu.memory_space<vmem>>
        tpu.vector_store_idx %scatter3A_2003[%broadcast_in_dim3A_1549, %shift_right_logical3A_276, %and3A_372, %iota3A], %mul3A_1997 : memref<50x4x8x16xf32, #tpu.memory_space<vmem>>[vector<16xi32>, vector<16xi32>, vector<16xi32>, vector<16xi32>], vector<16xf32>,
        %mul3A_2004 = arith.mulf %gather3A_1694, %mul3A_1807 : vector<16xf32>
        %scatter3A_2005 = arith.constant 0 : i32
        %scatter3A_2006 = arith.constant 0 : i32
        %scatter3A_2007 = arith.constant 0 : i32
        %scatter3A_2008 = arith.constant 0 : i32
        %scatter3A_2009 = tpu.memref_slice %arg7[%scan3A_772, %scatter3A_2005, %scatter3A_2006, %scatter3A_2007, %scatter3A_2008] : memref<2x50x4x8x16xf32, #tpu.memory_space<vmem>> -> memref<1x50x4x8x16xf32, #tpu.memory_space<vmem>>
        %scatter3A_2010 = tpu.memref_squeeze %scatter3A_2009 : memref<1x50x4x8x16xf32, #tpu.memory_space<vmem>> -> memref<50x4x8x16xf32, #tpu.memory_space<vmem>>
        tpu.vector_store_idx %scatter3A_2010[%broadcast_in_dim3A_1549, %shift_right_logical3A_279, %and3A_375, %iota3A], %mul3A_2004 : memref<50x4x8x16xf32, #tpu.memory_space<vmem>>[vector<16xi32>, vector<16xi32>, vector<16xi32>, vector<16xi32>], vector<16xf32>,
        %mul3A_2011 = arith.mulf %gather3A_1699, %mul3A_1807 : vector<16xf32>
        %scatter3A_2012 = arith.constant 0 : i32
        %scatter3A_2013 = arith.constant 0 : i32
        %scatter3A_2014 = arith.constant 0 : i32
        %scatter3A_2015 = arith.constant 0 : i32
        %scatter3A_2016 = tpu.memref_slice %arg7[%scan3A_772, %scatter3A_2012, %scatter3A_2013, %scatter3A_2014, %scatter3A_2015] : memref<2x50x4x8x16xf32, #tpu.memory_space<vmem>> -> memref<1x50x4x8x16xf32, #tpu.memory_space<vmem>>
        %scatter3A_2017 = tpu.memref_squeeze %scatter3A_2016 : memref<1x50x4x8x16xf32, #tpu.memory_space<vmem>> -> memref<50x4x8x16xf32, #tpu.memory_space<vmem>>
        tpu.vector_store_idx %scatter3A_2017[%broadcast_in_dim3A_1549, %shift_right_logical3A_282, %and3A_378, %iota3A], %mul3A_2011 : memref<50x4x8x16xf32, #tpu.memory_space<vmem>>[vector<16xi32>, vector<16xi32>, vector<16xi32>, vector<16xi32>], vector<16xf32>,
        %mul3A_2018 = arith.mulf %gather3A_1704, %mul3A_1807 : vector<16xf32>
        %scatter3A_2019 = arith.constant 0 : i32
        %scatter3A_2020 = arith.constant 0 : i32
        %scatter3A_2021 = arith.constant 0 : i32
        %scatter3A_2022 = arith.constant 0 : i32
        %scatter3A_2023 = tpu.memref_slice %arg7[%scan3A_772, %scatter3A_2019, %scatter3A_2020, %scatter3A_2021, %scatter3A_2022] : memref<2x50x4x8x16xf32, #tpu.memory_space<vmem>> -> memref<1x50x4x8x16xf32, #tpu.memory_space<vmem>>
        %scatter3A_2024 = tpu.memref_squeeze %scatter3A_2023 : memref<1x50x4x8x16xf32, #tpu.memory_space<vmem>> -> memref<50x4x8x16xf32, #tpu.memory_space<vmem>>
        tpu.vector_store_idx %scatter3A_2024[%broadcast_in_dim3A_1549, %shift_right_logical3A_285, %and3A_381, %iota3A], %mul3A_2018 : memref<50x4x8x16xf32, #tpu.memory_space<vmem>>[vector<16xi32>, vector<16xi32>, vector<16xi32>, vector<16xi32>], vector<16xf32>,
        %mul3A_2025 = arith.mulf %gather3A_1709, %mul3A_1807 : vector<16xf32>
        %scatter3A_2026 = arith.constant 0 : i32
        %scatter3A_2027 = arith.constant 0 : i32
        %scatter3A_2028 = arith.constant 0 : i32
        %scatter3A_2029 = arith.constant 0 : i32
        %scatter3A_2030 = tpu.memref_slice %arg7[%scan3A_772, %scatter3A_2026, %scatter3A_2027, %scatter3A_2028, %scatter3A_2029] : memref<2x50x4x8x16xf32, #tpu.memory_space<vmem>> -> memref<1x50x4x8x16xf32, #tpu.memory_space<vmem>>
        %scatter3A_2031 = tpu.memref_squeeze %scatter3A_2030 : memref<1x50x4x8x16xf32, #tpu.memory_space<vmem>> -> memref<50x4x8x16xf32, #tpu.memory_space<vmem>>
        tpu.vector_store_idx %scatter3A_2031[%broadcast_in_dim3A_1549, %shift_right_logical3A_288, %and3A_384, %iota3A], %mul3A_2025 : memref<50x4x8x16xf32, #tpu.memory_space<vmem>>[vector<16xi32>, vector<16xi32>, vector<16xi32>, vector<16xi32>], vector<16xf32>,
      }
      %scan3A_777 = arith.constant 25 : i32
      %mul3A_778 = arith.constant 16 : i32
      %mul3A_779 = arith.muli %add3A_637, %mul3A_778 : i32
      %add3A_780 = arith.addi %mul3A_2, %mul3A_779 : i32
      %jit3A_781 = arith.constant 128 : i32
      %div3A_782 = arith.divsi %add3A_780, %jit3A_781 : i32
      %sign3A_783 = arith.constant 0 : i32
      %sign3A_784 = arith.cmpi sgt, %add3A_780, %sign3A_783 : i32
      %sign3A_785 = arith.extui %sign3A_784 : i1 to i32
      %sign3A_786 = arith.constant 0 : i32
      %sign3A_787 = arith.cmpi slt, %add3A_780, %sign3A_786 : i32
      %sign3A_788 = arith.extui %sign3A_787 : i1 to i32
      %sign3A_789 = arith.subi %sign3A_785, %sign3A_788 : i32
      %sign3A_790 = arith.constant 0 : i32
      %sign3A_791 = arith.cmpi sgt, %jit3A_781, %sign3A_790 : i32
      %sign3A_792 = arith.extui %sign3A_791 : i1 to i32
      %sign3A_793 = arith.constant 0 : i32
      %sign3A_794 = arith.cmpi slt, %jit3A_781, %sign3A_793 : i32
      %sign3A_795 = arith.extui %sign3A_794 : i1 to i32
      %sign3A_796 = arith.subi %sign3A_792, %sign3A_795 : i32
      %ne3A_797 = arith.cmpi ne, %sign3A_789, %sign3A_796 : i32
      %rem3A_798 = arith.remsi %add3A_780, %jit3A_781 : i32
      %ne3A_799 = arith.constant 0 : i32
      %ne3A_800 = arith.cmpi ne, %rem3A_798, %ne3A_799 : i32
      %and3A_801 = arith.andi %ne3A_797, %ne3A_800 : i1
      %sub3A_802 = arith.constant 1 : i32
      %sub3A_803 = arith.subi %div3A_782, %sub3A_802 : i32
      %select_n3A_804 = arith.select %and3A_801, %sub3A_803, %div3A_782 : i32
      %jit3A_805 = arith.constant 128 : i32
      %eq3A_806 = arith.constant 0 : i32
      %eq3A_807 = arith.cmpi eq, %jit3A_805, %eq3A_806 : i32
      %jit3A_808 = arith.constant 1 : i32
      %select_n3A_809 = arith.select %eq3A_807, %jit3A_808, %jit3A_805 : i32
      %rem3A_810 = arith.remsi %add3A_780, %select_n3A_809 : i32
      %ne3A_811 = arith.constant 0 : i32
      %ne3A_812 = arith.cmpi ne, %rem3A_810, %ne3A_811 : i32
      %lt3A_813 = arith.constant 0 : i32
      %lt3A_814 = arith.cmpi slt, %rem3A_810, %lt3A_813 : i32
      %lt3A_815 = arith.constant 0 : i32
      %lt3A_816 = arith.cmpi slt, %select_n3A_809, %lt3A_815 : i32
      %ne3A_817 = arith.xori %lt3A_814, %lt3A_816 : i1
      %and3A_818 = arith.andi %ne3A_817, %ne3A_812 : i1
      %add3A_819 = arith.addi %rem3A_810, %select_n3A_809 : i32
      %select_n3A_820 = arith.select %and3A_818, %add3A_819, %rem3A_810 : i32
      %dma_start3A_821 = arith.constant 0 : i32
      %dma_start3A_822 = arith.constant 0 : i32
      %dma_start3A_823 = arith.constant 0 : i32
      %dma_start3A_824 = arith.constant 0 : i32
      %dma_start3A_825 = arith.constant 0 : i32
      %dma_start3A_826 = tpu.memref_slice %arg7[%dma_start3A_821, %dma_start3A_822, %dma_start3A_823, %dma_start3A_824, %dma_start3A_825] : memref<2x50x4x8x16xf32, #tpu.memory_space<vmem>> -> memref<1x50x4x8x16xf32, #tpu.memory_space<vmem>>
      %dma_start3A_827 = tpu.memref_squeeze %dma_start3A_826 : memref<1x50x4x8x16xf32, #tpu.memory_space<vmem>> -> memref<50x4x8x16xf32, #tpu.memory_space<vmem>>
      %dma_start3A_828 = arith.constant 0 : i32
      %dma_start3A_829 = arith.constant 0 : i32
      %dma_start3A_830 = arith.constant 0 : i32
      %dma_start3A_831 = tpu.memref_slice %arg4[%dma_start3A_828, %dma_start3A_829, %select_n3A_804, %dma_start3A_830, %select_n3A_820] : memref<50x4x128x8x128xf32, #tpu.memory_space<hbm>> -> memref<50x4x1x8x16xf32, #tpu.memory_space<hbm>>
      %dma_start3A_832 = tpu.memref_squeeze %dma_start3A_831 : memref<50x4x1x8x16xf32, #tpu.memory_space<hbm>> -> memref<50x4x8x16xf32, #tpu.memory_space<hbm>>
      %dma_start3A_833 = arith.constant 0 : i32
      %dma_start3A_834 = arith.constant 0 : i32
      %dma_start3A_835 = arith.constant 0 : i32
      %dma_start3A_836 = tpu.memref_slice %arg4[%dma_start3A_833, %dma_start3A_834, %select_n3A_804, %dma_start3A_835, %select_n3A_820] : memref<50x4x128x8x128xf32, #tpu.memory_space<hbm>> -> memref<50x4x1x8x16xf32, #tpu.memory_space<hbm>>
      %dma_start3A_837 = tpu.memref_squeeze %dma_start3A_836 : memref<50x4x1x8x16xf32, #tpu.memory_space<hbm>> -> memref<50x4x8x16xf32, #tpu.memory_space<hbm>>
      %dma_start3A_838 = arith.constant 0 : i32
      %dma_start3A_839 = arith.constant 0 : i32
      %dma_start3A_840 = arith.constant 0 : i32
      %dma_start3A_841 = arith.constant 0 : i32
      %dma_start3A_842 = tpu.memref_slice %arg7[%dma_start3A_821, %dma_start3A_838, %dma_start3A_839, %dma_start3A_840, %dma_start3A_841] : memref<2x50x4x8x16xf32, #tpu.memory_space<vmem>> -> memref<1x50x4x8x16xf32, #tpu.memory_space<vmem>>
      %dma_start3A_843 = tpu.memref_squeeze %dma_start3A_842 : memref<1x50x4x8x16xf32, #tpu.memory_space<vmem>> -> memref<50x4x8x16xf32, #tpu.memory_space<vmem>>
      tpu.enqueue_dma source(%dma_start3A_843 : memref<50x4x8x16xf32, #tpu.memory_space<vmem>>) target(%dma_start3A_837 : memref<50x4x8x16xf32, #tpu.memory_space<hbm>>) target_semaphore(%arg10 : memref<!tpu.dma_semaphore, #tpu.memory_space<semaphore_mem>>)
      %mul3A_844 = arith.constant 2 : i32
      %mul3A_845 = arith.muli %scan3A_633, %mul3A_844 : i32
      %add3A_846 = arith.constant 1 : i32
      %add3A_847 = arith.addi %mul3A_845, %add3A_846 : i32
      %dma_wait3A_848 = arith.constant 1 : i32
      %dma_wait3A_849 = arith.constant 1 : i32
      %dma_wait3A_850 = arith.constant 0 : i32
      %dma_wait3A_851 = arith.constant 0 : i32
      %dma_wait3A_852 = tpu.memref_slice %arg6[%dma_wait3A_849, %dma_wait3A_850, %dma_wait3A_851] : memref<2x800x32xf32, #tpu.memory_space<vmem>> -> memref<1x80x32xf32, #tpu.memory_space<vmem>>
      %dma_wait3A_853 = tpu.memref_squeeze %dma_wait3A_852 : memref<1x80x32xf32, #tpu.memory_space<vmem>> -> memref<80x32xf32, #tpu.memory_space<vmem>>
      %dma_wait3A_854 = arith.constant 0 : i32
      %dma_wait3A_855 = tpu.memref_slice %arg5[%dma_wait3A_848, %dma_wait3A_854] : memref<2x800xi32, #tpu.memory_space<vmem>> -> memref<1x80xi32, #tpu.memory_space<vmem>>
      %dma_wait3A_856 = tpu.memref_squeeze %dma_wait3A_855 : memref<1x80xi32, #tpu.memory_space<vmem>> -> memref<80xi32, #tpu.memory_space<vmem>>
      %dma_wait3A_857 = arith.constant 0 : i32
      %dma_wait3A_858 = arith.constant 0 : i32
      %dma_wait3A_859 = tpu.memref_slice %arg3[%dma_wait3A_857, %dma_wait3A_858] : memref<1000000x32xf32, #tpu.memory_space<hbm>> -> memref<1000000x32xf32, #tpu.memory_space<hbm>>
      tpu.wait_indirect_dma semaphore(%arg9 : memref<!tpu.dma_semaphore, #tpu.memory_space<semaphore_mem>>) src(%dma_wait3A_859 : memref<1000000x32xf32, #tpu.memory_space<hbm>>) dst(%dma_wait3A_853 : memref<80x32xf32, #tpu.memory_space<vmem>>)
      %dma_wait3A_860 = arith.constant 1 : i32
      %dma_wait3A_861 = arith.constant 1 : i32
      %dma_wait3A_862 = arith.constant 80 : i32
      %dma_wait3A_863 = arith.constant 0 : i32
      %dma_wait3A_864 = tpu.memref_slice %arg6[%dma_wait3A_861, %dma_wait3A_862, %dma_wait3A_863] : memref<2x800x32xf32, #tpu.memory_space<vmem>> -> memref<1x80x32xf32, #tpu.memory_space<vmem>>
      %dma_wait3A_865 = tpu.memref_squeeze %dma_wait3A_864 : memref<1x80x32xf32, #tpu.memory_space<vmem>> -> memref<80x32xf32, #tpu.memory_space<vmem>>
      %dma_wait3A_866 = arith.constant 80 : i32
      %dma_wait3A_867 = tpu.memref_slice %arg5[%dma_wait3A_860, %dma_wait3A_866] : memref<2x800xi32, #tpu.memory_space<vmem>> -> memref<1x80xi32, #tpu.memory_space<vmem>>
      %dma_wait3A_868 = tpu.memref_squeeze %dma_wait3A_867 : memref<1x80xi32, #tpu.memory_space<vmem>> -> memref<80xi32, #tpu.memory_space<vmem>>
      %dma_wait3A_869 = arith.constant 0 : i32
      %dma_wait3A_870 = arith.constant 0 : i32
      %dma_wait3A_871 = tpu.memref_slice %arg3[%dma_wait3A_869, %dma_wait3A_870] : memref<1000000x32xf32, #tpu.memory_space<hbm>> -> memref<1000000x32xf32, #tpu.memory_space<hbm>>
      tpu.wait_indirect_dma semaphore(%arg9 : memref<!tpu.dma_semaphore, #tpu.memory_space<semaphore_mem>>) src(%dma_wait3A_871 : memref<1000000x32xf32, #tpu.memory_space<hbm>>) dst(%dma_wait3A_865 : memref<80x32xf32, #tpu.memory_space<vmem>>)
      %dma_wait3A_872 = arith.constant 1 : i32
      %dma_wait3A_873 = arith.constant 1 : i32
      %dma_wait3A_874 = arith.constant 160 : i32
      %dma_wait3A_875 = arith.constant 0 : i32
      %dma_wait3A_876 = tpu.memref_slice %arg6[%dma_wait3A_873, %dma_wait3A_874, %dma_wait3A_875] : memref<2x800x32xf32, #tpu.memory_space<vmem>> -> memref<1x80x32xf32, #tpu.memory_space<vmem>>
      %dma_wait3A_877 = tpu.memref_squeeze %dma_wait3A_876 : memref<1x80x32xf32, #tpu.memory_space<vmem>> -> memref<80x32xf32, #tpu.memory_space<vmem>>
      %dma_wait3A_878 = arith.constant 160 : i32
      %dma_wait3A_879 = tpu.memref_slice %arg5[%dma_wait3A_872, %dma_wait3A_878] : memref<2x800xi32, #tpu.memory_space<vmem>> -> memref<1x80xi32, #tpu.memory_space<vmem>>
      %dma_wait3A_880 = tpu.memref_squeeze %dma_wait3A_879 : memref<1x80xi32, #tpu.memory_space<vmem>> -> memref<80xi32, #tpu.memory_space<vmem>>
      %dma_wait3A_881 = arith.constant 0 : i32
      %dma_wait3A_882 = arith.constant 0 : i32
      %dma_wait3A_883 = tpu.memref_slice %arg3[%dma_wait3A_881, %dma_wait3A_882] : memref<1000000x32xf32, #tpu.memory_space<hbm>> -> memref<1000000x32xf32, #tpu.memory_space<hbm>>
      tpu.wait_indirect_dma semaphore(%arg9 : memref<!tpu.dma_semaphore, #tpu.memory_space<semaphore_mem>>) src(%dma_wait3A_883 : memref<1000000x32xf32, #tpu.memory_space<hbm>>) dst(%dma_wait3A_877 : memref<80x32xf32, #tpu.memory_space<vmem>>)
      %dma_wait3A_884 = arith.constant 1 : i32
      %dma_wait3A_885 = arith.constant 1 : i32
      %dma_wait3A_886 = arith.constant 240 : i32
      %dma_wait3A_887 = arith.constant 0 : i32
      %dma_wait3A_888 = tpu.memref_slice %arg6[%dma_wait3A_885, %dma_wait3A_886, %dma_wait3A_887] : memref<2x800x32xf32, #tpu.memory_space<vmem>> -> memref<1x80x32xf32, #tpu.memory_space<vmem>>
      %dma_wait3A_889 = tpu.memref_squeeze %dma_wait3A_888 : memref<1x80x32xf32, #tpu.memory_space<vmem>> -> memref<80x32xf32, #tpu.memory_space<vmem>>
      %dma_wait3A_890 = arith.constant 240 : i32
      %dma_wait3A_891 = tpu.memref_slice %arg5[%dma_wait3A_884, %dma_wait3A_890] : memref<2x800xi32, #tpu.memory_space<vmem>> -> memref<1x80xi32, #tpu.memory_space<vmem>>
      %dma_wait3A_892 = tpu.memref_squeeze %dma_wait3A_891 : memref<1x80xi32, #tpu.memory_space<vmem>> -> memref<80xi32, #tpu.memory_space<vmem>>
      %dma_wait3A_893 = arith.constant 0 : i32
      %dma_wait3A_894 = arith.constant 0 : i32
      %dma_wait3A_895 = tpu.memref_slice %arg3[%dma_wait3A_893, %dma_wait3A_894] : memref<1000000x32xf32, #tpu.memory_space<hbm>> -> memref<1000000x32xf32, #tpu.memory_space<hbm>>
      tpu.wait_indirect_dma semaphore(%arg9 : memref<!tpu.dma_semaphore, #tpu.memory_space<semaphore_mem>>) src(%dma_wait3A_895 : memref<1000000x32xf32, #tpu.memory_space<hbm>>) dst(%dma_wait3A_889 : memref<80x32xf32, #tpu.memory_space<vmem>>)
      %dma_wait3A_896 = arith.constant 1 : i32
      %dma_wait3A_897 = arith.constant 1 : i32
      %dma_wait3A_898 = arith.constant 320 : i32
      %dma_wait3A_899 = arith.constant 0 : i32
      %dma_wait3A_900 = tpu.memref_slice %arg6[%dma_wait3A_897, %dma_wait3A_898, %dma_wait3A_899] : memref<2x800x32xf32, #tpu.memory_space<vmem>> -> memref<1x80x32xf32, #tpu.memory_space<vmem>>
      %dma_wait3A_901 = tpu.memref_squeeze %dma_wait3A_900 : memref<1x80x32xf32, #tpu.memory_space<vmem>> -> memref<80x32xf32, #tpu.memory_space<vmem>>
      %dma_wait3A_902 = arith.constant 320 : i32
      %dma_wait3A_903 = tpu.memref_slice %arg5[%dma_wait3A_896, %dma_wait3A_902] : memref<2x800xi32, #tpu.memory_space<vmem>> -> memref<1x80xi32, #tpu.memory_space<vmem>>
      %dma_wait3A_904 = tpu.memref_squeeze %dma_wait3A_903 : memref<1x80xi32, #tpu.memory_space<vmem>> -> memref<80xi32, #tpu.memory_space<vmem>>
      %dma_wait3A_905 = arith.constant 0 : i32
      %dma_wait3A_906 = arith.constant 0 : i32
      %dma_wait3A_907 = tpu.memref_slice %arg3[%dma_wait3A_905, %dma_wait3A_906] : memref<1000000x32xf32, #tpu.memory_space<hbm>> -> memref<1000000x32xf32, #tpu.memory_space<hbm>>
      tpu.wait_indirect_dma semaphore(%arg9 : memref<!tpu.dma_semaphore, #tpu.memory_space<semaphore_mem>>) src(%dma_wait3A_907 : memref<1000000x32xf32, #tpu.memory_space<hbm>>) dst(%dma_wait3A_901 : memref<80x32xf32, #tpu.memory_space<vmem>>)
      %dma_wait3A_908 = arith.constant 1 : i32
      %dma_wait3A_909 = arith.constant 1 : i32
      %dma_wait3A_910 = arith.constant 400 : i32
      %dma_wait3A_911 = arith.constant 0 : i32
      %dma_wait3A_912 = tpu.memref_slice %arg6[%dma_wait3A_909, %dma_wait3A_910, %dma_wait3A_911] : memref<2x800x32xf32, #tpu.memory_space<vmem>> -> memref<1x80x32xf32, #tpu.memory_space<vmem>>
      %dma_wait3A_913 = tpu.memref_squeeze %dma_wait3A_912 : memref<1x80x32xf32, #tpu.memory_space<vmem>> -> memref<80x32xf32, #tpu.memory_space<vmem>>
      %dma_wait3A_914 = arith.constant 400 : i32
      %dma_wait3A_915 = tpu.memref_slice %arg5[%dma_wait3A_908, %dma_wait3A_914] : memref<2x800xi32, #tpu.memory_space<vmem>> -> memref<1x80xi32, #tpu.memory_space<vmem>>
      %dma_wait3A_916 = tpu.memref_squeeze %dma_wait3A_915 : memref<1x80xi32, #tpu.memory_space<vmem>> -> memref<80xi32, #tpu.memory_space<vmem>>
      %dma_wait3A_917 = arith.constant 0 : i32
      %dma_wait3A_918 = arith.constant 0 : i32
      %dma_wait3A_919 = tpu.memref_slice %arg3[%dma_wait3A_917, %dma_wait3A_918] : memref<1000000x32xf32, #tpu.memory_space<hbm>> -> memref<1000000x32xf32, #tpu.memory_space<hbm>>
      tpu.wait_indirect_dma semaphore(%arg9 : memref<!tpu.dma_semaphore, #tpu.memory_space<semaphore_mem>>) src(%dma_wait3A_919 : memref<1000000x32xf32, #tpu.memory_space<hbm>>) dst(%dma_wait3A_913 : memref<80x32xf32, #tpu.memory_space<vmem>>)
      %dma_wait3A_920 = arith.constant 1 : i32
      %dma_wait3A_921 = arith.constant 1 : i32
      %dma_wait3A_922 = arith.constant 480 : i32
      %dma_wait3A_923 = arith.constant 0 : i32
      %dma_wait3A_924 = tpu.memref_slice %arg6[%dma_wait3A_921, %dma_wait3A_922, %dma_wait3A_923] : memref<2x800x32xf32, #tpu.memory_space<vmem>> -> memref<1x80x32xf32, #tpu.memory_space<vmem>>
      %dma_wait3A_925 = tpu.memref_squeeze %dma_wait3A_924 : memref<1x80x32xf32, #tpu.memory_space<vmem>> -> memref<80x32xf32, #tpu.memory_space<vmem>>
      %dma_wait3A_926 = arith.constant 480 : i32
      %dma_wait3A_927 = tpu.memref_slice %arg5[%dma_wait3A_920, %dma_wait3A_926] : memref<2x800xi32, #tpu.memory_space<vmem>> -> memref<1x80xi32, #tpu.memory_space<vmem>>
      %dma_wait3A_928 = tpu.memref_squeeze %dma_wait3A_927 : memref<1x80xi32, #tpu.memory_space<vmem>> -> memref<80xi32, #tpu.memory_space<vmem>>
      %dma_wait3A_929 = arith.constant 0 : i32
      %dma_wait3A_930 = arith.constant 0 : i32
      %dma_wait3A_931 = tpu.memref_slice %arg3[%dma_wait3A_929, %dma_wait3A_930] : memref<1000000x32xf32, #tpu.memory_space<hbm>> -> memref<1000000x32xf32, #tpu.memory_space<hbm>>
      tpu.wait_indirect_dma semaphore(%arg9 : memref<!tpu.dma_semaphore, #tpu.memory_space<semaphore_mem>>) src(%dma_wait3A_931 : memref<1000000x32xf32, #tpu.memory_space<hbm>>) dst(%dma_wait3A_925 : memref<80x32xf32, #tpu.memory_space<vmem>>)
      %dma_wait3A_932 = arith.constant 1 : i32
      %dma_wait3A_933 = arith.constant 1 : i32
      %dma_wait3A_934 = arith.constant 560 : i32
      %dma_wait3A_935 = arith.constant 0 : i32
      %dma_wait3A_936 = tpu.memref_slice %arg6[%dma_wait3A_933, %dma_wait3A_934, %dma_wait3A_935] : memref<2x800x32xf32, #tpu.memory_space<vmem>> -> memref<1x80x32xf32, #tpu.memory_space<vmem>>
      %dma_wait3A_937 = tpu.memref_squeeze %dma_wait3A_936 : memref<1x80x32xf32, #tpu.memory_space<vmem>> -> memref<80x32xf32, #tpu.memory_space<vmem>>
      %dma_wait3A_938 = arith.constant 560 : i32
      %dma_wait3A_939 = tpu.memref_slice %arg5[%dma_wait3A_932, %dma_wait3A_938] : memref<2x800xi32, #tpu.memory_space<vmem>> -> memref<1x80xi32, #tpu.memory_space<vmem>>
      %dma_wait3A_940 = tpu.memref_squeeze %dma_wait3A_939 : memref<1x80xi32, #tpu.memory_space<vmem>> -> memref<80xi32, #tpu.memory_space<vmem>>
      %dma_wait3A_941 = arith.constant 0 : i32
      %dma_wait3A_942 = arith.constant 0 : i32
      %dma_wait3A_943 = tpu.memref_slice %arg3[%dma_wait3A_941, %dma_wait3A_942] : memref<1000000x32xf32, #tpu.memory_space<hbm>> -> memref<1000000x32xf32, #tpu.memory_space<hbm>>
      tpu.wait_indirect_dma semaphore(%arg9 : memref<!tpu.dma_semaphore, #tpu.memory_space<semaphore_mem>>) src(%dma_wait3A_943 : memref<1000000x32xf32, #tpu.memory_space<hbm>>) dst(%dma_wait3A_937 : memref<80x32xf32, #tpu.memory_space<vmem>>)
      %dma_wait3A_944 = arith.constant 1 : i32
      %dma_wait3A_945 = arith.constant 1 : i32
      %dma_wait3A_946 = arith.constant 640 : i32
      %dma_wait3A_947 = arith.constant 0 : i32
      %dma_wait3A_948 = tpu.memref_slice %arg6[%dma_wait3A_945, %dma_wait3A_946, %dma_wait3A_947] : memref<2x800x32xf32, #tpu.memory_space<vmem>> -> memref<1x80x32xf32, #tpu.memory_space<vmem>>
      %dma_wait3A_949 = tpu.memref_squeeze %dma_wait3A_948 : memref<1x80x32xf32, #tpu.memory_space<vmem>> -> memref<80x32xf32, #tpu.memory_space<vmem>>
      %dma_wait3A_950 = arith.constant 640 : i32
      %dma_wait3A_951 = tpu.memref_slice %arg5[%dma_wait3A_944, %dma_wait3A_950] : memref<2x800xi32, #tpu.memory_space<vmem>> -> memref<1x80xi32, #tpu.memory_space<vmem>>
      %dma_wait3A_952 = tpu.memref_squeeze %dma_wait3A_951 : memref<1x80xi32, #tpu.memory_space<vmem>> -> memref<80xi32, #tpu.memory_space<vmem>>
      %dma_wait3A_953 = arith.constant 0 : i32
      %dma_wait3A_954 = arith.constant 0 : i32
      %dma_wait3A_955 = tpu.memref_slice %arg3[%dma_wait3A_953, %dma_wait3A_954] : memref<1000000x32xf32, #tpu.memory_space<hbm>> -> memref<1000000x32xf32, #tpu.memory_space<hbm>>
      tpu.wait_indirect_dma semaphore(%arg9 : memref<!tpu.dma_semaphore, #tpu.memory_space<semaphore_mem>>) src(%dma_wait3A_955 : memref<1000000x32xf32, #tpu.memory_space<hbm>>) dst(%dma_wait3A_949 : memref<80x32xf32, #tpu.memory_space<vmem>>)
      %dma_wait3A_956 = arith.constant 1 : i32
      %dma_wait3A_957 = arith.constant 1 : i32
      %dma_wait3A_958 = arith.constant 720 : i32
      %dma_wait3A_959 = arith.constant 0 : i32
      %dma_wait3A_960 = tpu.memref_slice %arg6[%dma_wait3A_957, %dma_wait3A_958, %dma_wait3A_959] : memref<2x800x32xf32, #tpu.memory_space<vmem>> -> memref<1x80x32xf32, #tpu.memory_space<vmem>>
      %dma_wait3A_961 = tpu.memref_squeeze %dma_wait3A_960 : memref<1x80x32xf32, #tpu.memory_space<vmem>> -> memref<80x32xf32, #tpu.memory_space<vmem>>
      %dma_wait3A_962 = arith.constant 720 : i32
      %dma_wait3A_963 = tpu.memref_slice %arg5[%dma_wait3A_956, %dma_wait3A_962] : memref<2x800xi32, #tpu.memory_space<vmem>> -> memref<1x80xi32, #tpu.memory_space<vmem>>
      %dma_wait3A_964 = tpu.memref_squeeze %dma_wait3A_963 : memref<1x80xi32, #tpu.memory_space<vmem>> -> memref<80xi32, #tpu.memory_space<vmem>>
      %dma_wait3A_965 = arith.constant 0 : i32
      %dma_wait3A_966 = arith.constant 0 : i32
      %dma_wait3A_967 = tpu.memref_slice %arg3[%dma_wait3A_965, %dma_wait3A_966] : memref<1000000x32xf32, #tpu.memory_space<hbm>> -> memref<1000000x32xf32, #tpu.memory_space<hbm>>
      tpu.wait_indirect_dma semaphore(%arg9 : memref<!tpu.dma_semaphore, #tpu.memory_space<semaphore_mem>>) src(%dma_wait3A_967 : memref<1000000x32xf32, #tpu.memory_space<hbm>>) dst(%dma_wait3A_961 : memref<80x32xf32, #tpu.memory_space<vmem>>)
      %add3A_968 = arith.constant 1 : i32
      %add3A_969 = arith.addi %add3A_847, %add3A_968 : i32
      %lt3A_970 = arith.constant 32 : i32
      %lt3A_971 = arith.cmpi slt, %add3A_969, %lt3A_970 : i32
      %convert_element_type3A_972 = arith.extui %lt3A_971 : i1 to i32
      %cond3A_973 = arith.constant 0 : i32
      %cond3A_974 = arith.cmpi ne, %convert_element_type3A_972, %cond3A_973 : i32
      scf.if %cond3A_974 {
        %add3A_1057 = arith.constant 1 : i32
        %add3A_1058 = arith.addi %add3A_847, %add3A_1057 : i32
        %mul3A_1059 = arith.constant 16 : i32
        %mul3A_1060 = arith.muli %add3A_1058, %mul3A_1059 : i32
        %add3A_1061 = arith.addi %mul3A_2, %mul3A_1060 : i32
        %mul3A_1062 = arith.constant 50 : i32
        %mul3A_1063 = arith.muli %add3A_1061, %mul3A_1062 : i32
        %run_scoped3A_1064 = arith.constant 0 : i32
        "tpu.region"() ({
          %run_scoped3A_1185 = tpu.sem_alloc : memref<!tpu.dma_semaphore, #tpu.memory_space<semaphore_mem>>
          %dma_start3A_1186 = arith.constant 0 : i32
          %dma_start3A_1187 = tpu.memref_slice %arg5[%run_scoped3A_1064, %dma_start3A_1186] : memref<2x800xi32, #tpu.memory_space<vmem>> -> memref<1x800xi32, #tpu.memory_space<vmem>>
          %dma_start3A_1188 = tpu.memref_squeeze %dma_start3A_1187 : memref<1x800xi32, #tpu.memory_space<vmem>> -> memref<800xi32, #tpu.memory_space<vmem>>
          %dma_start3A_1189 = tpu.memref_slice %arg2[%mul3A_1063] : memref<819200xi32, #tpu.memory_space<hbm>> -> memref<800xi32, #tpu.memory_space<hbm>>
          %dma_start3A_1190 = arith.constant 0 : i32
          %dma_start3A_1191 = tpu.memref_slice %arg5[%run_scoped3A_1064, %dma_start3A_1190] : memref<2x800xi32, #tpu.memory_space<vmem>> -> memref<1x800xi32, #tpu.memory_space<vmem>>
          %dma_start3A_1192 = tpu.memref_squeeze %dma_start3A_1191 : memref<1x800xi32, #tpu.memory_space<vmem>> -> memref<800xi32, #tpu.memory_space<vmem>>
          %dma_start3A_1193 = tpu.memref_slice %arg2[%mul3A_1063] : memref<819200xi32, #tpu.memory_space<hbm>> -> memref<800xi32, #tpu.memory_space<hbm>>
          tpu.enqueue_dma source(%dma_start3A_1193 : memref<800xi32, #tpu.memory_space<hbm>>) target(%dma_start3A_1192 : memref<800xi32, #tpu.memory_space<vmem>>) target_semaphore(%run_scoped3A_1185 : memref<!tpu.dma_semaphore, #tpu.memory_space<semaphore_mem>>)
          %dma_wait3A_1194 = arith.constant 0 : i32
          %dma_wait3A_1195 = tpu.memref_slice %arg5[%run_scoped3A_1064, %dma_wait3A_1194] : memref<2x800xi32, #tpu.memory_space<vmem>> -> memref<1x800xi32, #tpu.memory_space<vmem>>
          %dma_wait3A_1196 = tpu.memref_squeeze %dma_wait3A_1195 : memref<1x800xi32, #tpu.memory_space<vmem>> -> memref<800xi32, #tpu.memory_space<vmem>>
          %dma_wait3A_1197 = tpu.memref_slice %arg2[%mul3A_1063] : memref<819200xi32, #tpu.memory_space<hbm>> -> memref<800xi32, #tpu.memory_space<hbm>>
          %dma_wait3A_1198 = arith.constant 0 : i32
          %dma_wait3A_1199 = tpu.memref_slice %arg5[%run_scoped3A_1064, %dma_wait3A_1198] : memref<2x800xi32, #tpu.memory_space<vmem>> -> memref<1x800xi32, #tpu.memory_space<vmem>>
          %dma_wait3A_1200 = tpu.memref_squeeze %dma_wait3A_1199 : memref<1x800xi32, #tpu.memory_space<vmem>> -> memref<800xi32, #tpu.memory_space<vmem>>
          %dma_wait3A_1201 = tpu.memref_slice %arg2[%mul3A_1063] : memref<819200xi32, #tpu.memory_space<hbm>> -> memref<800xi32, #tpu.memory_space<hbm>>
          tpu.wait_dma2 semaphore(%run_scoped3A_1185 : memref<!tpu.dma_semaphore, #tpu.memory_space<semaphore_mem>>) src(%dma_wait3A_1201 : memref<800xi32, #tpu.memory_space<hbm>>) dst(%dma_wait3A_1200 : memref<800xi32, #tpu.memory_space<vmem>>)
          tpu.yield
        }) : () -> ()
        %dma_start3A_1065 = arith.constant 0 : i32
        %dma_start3A_1066 = arith.constant 0 : i32
        %dma_start3A_1067 = arith.constant 0 : i32
        %dma_start3A_1068 = arith.constant 0 : i32
        %dma_start3A_1069 = tpu.memref_slice %arg6[%dma_start3A_1066, %dma_start3A_1067, %dma_start3A_1068] : memref<2x800x32xf32, #tpu.memory_space<vmem>> -> memref<1x80x32xf32, #tpu.memory_space<vmem>>
        %dma_start3A_1070 = tpu.memref_squeeze %dma_start3A_1069 : memref<1x80x32xf32, #tpu.memory_space<vmem>> -> memref<80x32xf32, #tpu.memory_space<vmem>>
        %dma_start3A_1071 = arith.constant 0 : i32
        %dma_start3A_1072 = tpu.memref_slice %arg5[%dma_start3A_1065, %dma_start3A_1071] : memref<2x800xi32, #tpu.memory_space<vmem>> -> memref<1x80xi32, #tpu.memory_space<vmem>>
        %dma_start3A_1073 = tpu.memref_squeeze %dma_start3A_1072 : memref<1x80xi32, #tpu.memory_space<vmem>> -> memref<80xi32, #tpu.memory_space<vmem>>
        %dma_start3A_1074 = arith.constant 0 : i32
        %dma_start3A_1075 = arith.constant 0 : i32
        %dma_start3A_1076 = tpu.memref_slice %arg3[%dma_start3A_1074, %dma_start3A_1075] : memref<1000000x32xf32, #tpu.memory_space<hbm>> -> memref<1000000x32xf32, #tpu.memory_space<hbm>>
        tpu.enqueue_indirect_dma source(%dma_start3A_1076 : memref<1000000x32xf32, #tpu.memory_space<hbm>>) target(%dma_start3A_1070 : memref<80x32xf32, #tpu.memory_space<vmem>>) offsets(%dma_start3A_1073 : memref<80xi32, #tpu.memory_space<vmem>>) semaphore(%arg8 : memref<!tpu.dma_semaphore, #tpu.memory_space<semaphore_mem>>)
        %dma_start3A_1077 = arith.constant 0 : i32
        %dma_start3A_1078 = arith.constant 0 : i32
        %dma_start3A_1079 = arith.constant 80 : i32
        %dma_start3A_1080 = arith.constant 0 : i32
        %dma_start3A_1081 = tpu.memref_slice %arg6[%dma_start3A_1078, %dma_start3A_1079, %dma_start3A_1080] : memref<2x800x32xf32, #tpu.memory_space<vmem>> -> memref<1x80x32xf32, #tpu.memory_space<vmem>>
        %dma_start3A_1082 = tpu.memref_squeeze %dma_start3A_1081 : memref<1x80x32xf32, #tpu.memory_space<vmem>> -> memref<80x32xf32, #tpu.memory_space<vmem>>
        %dma_start3A_1083 = arith.constant 80 : i32
        %dma_start3A_1084 = tpu.memref_slice %arg5[%dma_start3A_1077, %dma_start3A_1083] : memref<2x800xi32, #tpu.memory_space<vmem>> -> memref<1x80xi32, #tpu.memory_space<vmem>>
        %dma_start3A_1085 = tpu.memref_squeeze %dma_start3A_1084 : memref<1x80xi32, #tpu.memory_space<vmem>> -> memref<80xi32, #tpu.memory_space<vmem>>
        %dma_start3A_1086 = arith.constant 0 : i32
        %dma_start3A_1087 = arith.constant 0 : i32
        %dma_start3A_1088 = tpu.memref_slice %arg3[%dma_start3A_1086, %dma_start3A_1087] : memref<1000000x32xf32, #tpu.memory_space<hbm>> -> memref<1000000x32xf32, #tpu.memory_space<hbm>>
        tpu.enqueue_indirect_dma source(%dma_start3A_1088 : memref<1000000x32xf32, #tpu.memory_space<hbm>>) target(%dma_start3A_1082 : memref<80x32xf32, #tpu.memory_space<vmem>>) offsets(%dma_start3A_1085 : memref<80xi32, #tpu.memory_space<vmem>>) semaphore(%arg8 : memref<!tpu.dma_semaphore, #tpu.memory_space<semaphore_mem>>)
        %dma_start3A_1089 = arith.constant 0 : i32
        %dma_start3A_1090 = arith.constant 0 : i32
        %dma_start3A_1091 = arith.constant 160 : i32
        %dma_start3A_1092 = arith.constant 0 : i32
        %dma_start3A_1093 = tpu.memref_slice %arg6[%dma_start3A_1090, %dma_start3A_1091, %dma_start3A_1092] : memref<2x800x32xf32, #tpu.memory_space<vmem>> -> memref<1x80x32xf32, #tpu.memory_space<vmem>>
        %dma_start3A_1094 = tpu.memref_squeeze %dma_start3A_1093 : memref<1x80x32xf32, #tpu.memory_space<vmem>> -> memref<80x32xf32, #tpu.memory_space<vmem>>
        %dma_start3A_1095 = arith.constant 160 : i32
        %dma_start3A_1096 = tpu.memref_slice %arg5[%dma_start3A_1089, %dma_start3A_1095] : memref<2x800xi32, #tpu.memory_space<vmem>> -> memref<1x80xi32, #tpu.memory_space<vmem>>
        %dma_start3A_1097 = tpu.memref_squeeze %dma_start3A_1096 : memref<1x80xi32, #tpu.memory_space<vmem>> -> memref<80xi32, #tpu.memory_space<vmem>>
        %dma_start3A_1098 = arith.constant 0 : i32
        %dma_start3A_1099 = arith.constant 0 : i32
        %dma_start3A_1100 = tpu.memref_slice %arg3[%dma_start3A_1098, %dma_start3A_1099] : memref<1000000x32xf32, #tpu.memory_space<hbm>> -> memref<1000000x32xf32, #tpu.memory_space<hbm>>
        tpu.enqueue_indirect_dma source(%dma_start3A_1100 : memref<1000000x32xf32, #tpu.memory_space<hbm>>) target(%dma_start3A_1094 : memref<80x32xf32, #tpu.memory_space<vmem>>) offsets(%dma_start3A_1097 : memref<80xi32, #tpu.memory_space<vmem>>) semaphore(%arg8 : memref<!tpu.dma_semaphore, #tpu.memory_space<semaphore_mem>>)
        %dma_start3A_1101 = arith.constant 0 : i32
        %dma_start3A_1102 = arith.constant 0 : i32
        %dma_start3A_1103 = arith.constant 240 : i32
        %dma_start3A_1104 = arith.constant 0 : i32
        %dma_start3A_1105 = tpu.memref_slice %arg6[%dma_start3A_1102, %dma_start3A_1103, %dma_start3A_1104] : memref<2x800x32xf32, #tpu.memory_space<vmem>> -> memref<1x80x32xf32, #tpu.memory_space<vmem>>
        %dma_start3A_1106 = tpu.memref_squeeze %dma_start3A_1105 : memref<1x80x32xf32, #tpu.memory_space<vmem>> -> memref<80x32xf32, #tpu.memory_space<vmem>>
        %dma_start3A_1107 = arith.constant 240 : i32
        %dma_start3A_1108 = tpu.memref_slice %arg5[%dma_start3A_1101, %dma_start3A_1107] : memref<2x800xi32, #tpu.memory_space<vmem>> -> memref<1x80xi32, #tpu.memory_space<vmem>>
        %dma_start3A_1109 = tpu.memref_squeeze %dma_start3A_1108 : memref<1x80xi32, #tpu.memory_space<vmem>> -> memref<80xi32, #tpu.memory_space<vmem>>
        %dma_start3A_1110 = arith.constant 0 : i32
        %dma_start3A_1111 = arith.constant 0 : i32
        %dma_start3A_1112 = tpu.memref_slice %arg3[%dma_start3A_1110, %dma_start3A_1111] : memref<1000000x32xf32, #tpu.memory_space<hbm>> -> memref<1000000x32xf32, #tpu.memory_space<hbm>>
        tpu.enqueue_indirect_dma source(%dma_start3A_1112 : memref<1000000x32xf32, #tpu.memory_space<hbm>>) target(%dma_start3A_1106 : memref<80x32xf32, #tpu.memory_space<vmem>>) offsets(%dma_start3A_1109 : memref<80xi32, #tpu.memory_space<vmem>>) semaphore(%arg8 : memref<!tpu.dma_semaphore, #tpu.memory_space<semaphore_mem>>)
        %dma_start3A_1113 = arith.constant 0 : i32
        %dma_start3A_1114 = arith.constant 0 : i32
        %dma_start3A_1115 = arith.constant 320 : i32
        %dma_start3A_1116 = arith.constant 0 : i32
        %dma_start3A_1117 = tpu.memref_slice %arg6[%dma_start3A_1114, %dma_start3A_1115, %dma_start3A_1116] : memref<2x800x32xf32, #tpu.memory_space<vmem>> -> memref<1x80x32xf32, #tpu.memory_space<vmem>>
        %dma_start3A_1118 = tpu.memref_squeeze %dma_start3A_1117 : memref<1x80x32xf32, #tpu.memory_space<vmem>> -> memref<80x32xf32, #tpu.memory_space<vmem>>
        %dma_start3A_1119 = arith.constant 320 : i32
        %dma_start3A_1120 = tpu.memref_slice %arg5[%dma_start3A_1113, %dma_start3A_1119] : memref<2x800xi32, #tpu.memory_space<vmem>> -> memref<1x80xi32, #tpu.memory_space<vmem>>
        %dma_start3A_1121 = tpu.memref_squeeze %dma_start3A_1120 : memref<1x80xi32, #tpu.memory_space<vmem>> -> memref<80xi32, #tpu.memory_space<vmem>>
        %dma_start3A_1122 = arith.constant 0 : i32
        %dma_start3A_1123 = arith.constant 0 : i32
        %dma_start3A_1124 = tpu.memref_slice %arg3[%dma_start3A_1122, %dma_start3A_1123] : memref<1000000x32xf32, #tpu.memory_space<hbm>> -> memref<1000000x32xf32, #tpu.memory_space<hbm>>
        tpu.enqueue_indirect_dma source(%dma_start3A_1124 : memref<1000000x32xf32, #tpu.memory_space<hbm>>) target(%dma_start3A_1118 : memref<80x32xf32, #tpu.memory_space<vmem>>) offsets(%dma_start3A_1121 : memref<80xi32, #tpu.memory_space<vmem>>) semaphore(%arg8 : memref<!tpu.dma_semaphore, #tpu.memory_space<semaphore_mem>>)
        %dma_start3A_1125 = arith.constant 0 : i32
        %dma_start3A_1126 = arith.constant 0 : i32
        %dma_start3A_1127 = arith.constant 400 : i32
        %dma_start3A_1128 = arith.constant 0 : i32
        %dma_start3A_1129 = tpu.memref_slice %arg6[%dma_start3A_1126, %dma_start3A_1127, %dma_start3A_1128] : memref<2x800x32xf32, #tpu.memory_space<vmem>> -> memref<1x80x32xf32, #tpu.memory_space<vmem>>
        %dma_start3A_1130 = tpu.memref_squeeze %dma_start3A_1129 : memref<1x80x32xf32, #tpu.memory_space<vmem>> -> memref<80x32xf32, #tpu.memory_space<vmem>>
        %dma_start3A_1131 = arith.constant 400 : i32
        %dma_start3A_1132 = tpu.memref_slice %arg5[%dma_start3A_1125, %dma_start3A_1131] : memref<2x800xi32, #tpu.memory_space<vmem>> -> memref<1x80xi32, #tpu.memory_space<vmem>>
        %dma_start3A_1133 = tpu.memref_squeeze %dma_start3A_1132 : memref<1x80xi32, #tpu.memory_space<vmem>> -> memref<80xi32, #tpu.memory_space<vmem>>
        %dma_start3A_1134 = arith.constant 0 : i32
        %dma_start3A_1135 = arith.constant 0 : i32
        %dma_start3A_1136 = tpu.memref_slice %arg3[%dma_start3A_1134, %dma_start3A_1135] : memref<1000000x32xf32, #tpu.memory_space<hbm>> -> memref<1000000x32xf32, #tpu.memory_space<hbm>>
        tpu.enqueue_indirect_dma source(%dma_start3A_1136 : memref<1000000x32xf32, #tpu.memory_space<hbm>>) target(%dma_start3A_1130 : memref<80x32xf32, #tpu.memory_space<vmem>>) offsets(%dma_start3A_1133 : memref<80xi32, #tpu.memory_space<vmem>>) semaphore(%arg8 : memref<!tpu.dma_semaphore, #tpu.memory_space<semaphore_mem>>)
        %dma_start3A_1137 = arith.constant 0 : i32
        %dma_start3A_1138 = arith.constant 0 : i32
        %dma_start3A_1139 = arith.constant 480 : i32
        %dma_start3A_1140 = arith.constant 0 : i32
        %dma_start3A_1141 = tpu.memref_slice %arg6[%dma_start3A_1138, %dma_start3A_1139, %dma_start3A_1140] : memref<2x800x32xf32, #tpu.memory_space<vmem>> -> memref<1x80x32xf32, #tpu.memory_space<vmem>>
        %dma_start3A_1142 = tpu.memref_squeeze %dma_start3A_1141 : memref<1x80x32xf32, #tpu.memory_space<vmem>> -> memref<80x32xf32, #tpu.memory_space<vmem>>
        %dma_start3A_1143 = arith.constant 480 : i32
        %dma_start3A_1144 = tpu.memref_slice %arg5[%dma_start3A_1137, %dma_start3A_1143] : memref<2x800xi32, #tpu.memory_space<vmem>> -> memref<1x80xi32, #tpu.memory_space<vmem>>
        %dma_start3A_1145 = tpu.memref_squeeze %dma_start3A_1144 : memref<1x80xi32, #tpu.memory_space<vmem>> -> memref<80xi32, #tpu.memory_space<vmem>>
        %dma_start3A_1146 = arith.constant 0 : i32
        %dma_start3A_1147 = arith.constant 0 : i32
        %dma_start3A_1148 = tpu.memref_slice %arg3[%dma_start3A_1146, %dma_start3A_1147] : memref<1000000x32xf32, #tpu.memory_space<hbm>> -> memref<1000000x32xf32, #tpu.memory_space<hbm>>
        tpu.enqueue_indirect_dma source(%dma_start3A_1148 : memref<1000000x32xf32, #tpu.memory_space<hbm>>) target(%dma_start3A_1142 : memref<80x32xf32, #tpu.memory_space<vmem>>) offsets(%dma_start3A_1145 : memref<80xi32, #tpu.memory_space<vmem>>) semaphore(%arg8 : memref<!tpu.dma_semaphore, #tpu.memory_space<semaphore_mem>>)
        %dma_start3A_1149 = arith.constant 0 : i32
        %dma_start3A_1150 = arith.constant 0 : i32
        %dma_start3A_1151 = arith.constant 560 : i32
        %dma_start3A_1152 = arith.constant 0 : i32
        %dma_start3A_1153 = tpu.memref_slice %arg6[%dma_start3A_1150, %dma_start3A_1151, %dma_start3A_1152] : memref<2x800x32xf32, #tpu.memory_space<vmem>> -> memref<1x80x32xf32, #tpu.memory_space<vmem>>
        %dma_start3A_1154 = tpu.memref_squeeze %dma_start3A_1153 : memref<1x80x32xf32, #tpu.memory_space<vmem>> -> memref<80x32xf32, #tpu.memory_space<vmem>>
        %dma_start3A_1155 = arith.constant 560 : i32
        %dma_start3A_1156 = tpu.memref_slice %arg5[%dma_start3A_1149, %dma_start3A_1155] : memref<2x800xi32, #tpu.memory_space<vmem>> -> memref<1x80xi32, #tpu.memory_space<vmem>>
        %dma_start3A_1157 = tpu.memref_squeeze %dma_start3A_1156 : memref<1x80xi32, #tpu.memory_space<vmem>> -> memref<80xi32, #tpu.memory_space<vmem>>
        %dma_start3A_1158 = arith.constant 0 : i32
        %dma_start3A_1159 = arith.constant 0 : i32
        %dma_start3A_1160 = tpu.memref_slice %arg3[%dma_start3A_1158, %dma_start3A_1159] : memref<1000000x32xf32, #tpu.memory_space<hbm>> -> memref<1000000x32xf32, #tpu.memory_space<hbm>>
        tpu.enqueue_indirect_dma source(%dma_start3A_1160 : memref<1000000x32xf32, #tpu.memory_space<hbm>>) target(%dma_start3A_1154 : memref<80x32xf32, #tpu.memory_space<vmem>>) offsets(%dma_start3A_1157 : memref<80xi32, #tpu.memory_space<vmem>>) semaphore(%arg8 : memref<!tpu.dma_semaphore, #tpu.memory_space<semaphore_mem>>)
        %dma_start3A_1161 = arith.constant 0 : i32
        %dma_start3A_1162 = arith.constant 0 : i32
        %dma_start3A_1163 = arith.constant 640 : i32
        %dma_start3A_1164 = arith.constant 0 : i32
        %dma_start3A_1165 = tpu.memref_slice %arg6[%dma_start3A_1162, %dma_start3A_1163, %dma_start3A_1164] : memref<2x800x32xf32, #tpu.memory_space<vmem>> -> memref<1x80x32xf32, #tpu.memory_space<vmem>>
        %dma_start3A_1166 = tpu.memref_squeeze %dma_start3A_1165 : memref<1x80x32xf32, #tpu.memory_space<vmem>> -> memref<80x32xf32, #tpu.memory_space<vmem>>
        %dma_start3A_1167 = arith.constant 640 : i32
        %dma_start3A_1168 = tpu.memref_slice %arg5[%dma_start3A_1161, %dma_start3A_1167] : memref<2x800xi32, #tpu.memory_space<vmem>> -> memref<1x80xi32, #tpu.memory_space<vmem>>
        %dma_start3A_1169 = tpu.memref_squeeze %dma_start3A_1168 : memref<1x80xi32, #tpu.memory_space<vmem>> -> memref<80xi32, #tpu.memory_space<vmem>>
        %dma_start3A_1170 = arith.constant 0 : i32
        %dma_start3A_1171 = arith.constant 0 : i32
        %dma_start3A_1172 = tpu.memref_slice %arg3[%dma_start3A_1170, %dma_start3A_1171] : memref<1000000x32xf32, #tpu.memory_space<hbm>> -> memref<1000000x32xf32, #tpu.memory_space<hbm>>
        tpu.enqueue_indirect_dma source(%dma_start3A_1172 : memref<1000000x32xf32, #tpu.memory_space<hbm>>) target(%dma_start3A_1166 : memref<80x32xf32, #tpu.memory_space<vmem>>) offsets(%dma_start3A_1169 : memref<80xi32, #tpu.memory_space<vmem>>) semaphore(%arg8 : memref<!tpu.dma_semaphore, #tpu.memory_space<semaphore_mem>>)
        %dma_start3A_1173 = arith.constant 0 : i32
        %dma_start3A_1174 = arith.constant 0 : i32
        %dma_start3A_1175 = arith.constant 720 : i32
        %dma_start3A_1176 = arith.constant 0 : i32
        %dma_start3A_1177 = tpu.memref_slice %arg6[%dma_start3A_1174, %dma_start3A_1175, %dma_start3A_1176] : memref<2x800x32xf32, #tpu.memory_space<vmem>> -> memref<1x80x32xf32, #tpu.memory_space<vmem>>
        %dma_start3A_1178 = tpu.memref_squeeze %dma_start3A_1177 : memref<1x80x32xf32, #tpu.memory_space<vmem>> -> memref<80x32xf32, #tpu.memory_space<vmem>>
        %dma_start3A_1179 = arith.constant 720 : i32
        %dma_start3A_1180 = tpu.memref_slice %arg5[%dma_start3A_1173, %dma_start3A_1179] : memref<2x800xi32, #tpu.memory_space<vmem>> -> memref<1x80xi32, #tpu.memory_space<vmem>>
        %dma_start3A_1181 = tpu.memref_squeeze %dma_start3A_1180 : memref<1x80xi32, #tpu.memory_space<vmem>> -> memref<80xi32, #tpu.memory_space<vmem>>
        %dma_start3A_1182 = arith.constant 0 : i32
        %dma_start3A_1183 = arith.constant 0 : i32
        %dma_start3A_1184 = tpu.memref_slice %arg3[%dma_start3A_1182, %dma_start3A_1183] : memref<1000000x32xf32, #tpu.memory_space<hbm>> -> memref<1000000x32xf32, #tpu.memory_space<hbm>>
        tpu.enqueue_indirect_dma source(%dma_start3A_1184 : memref<1000000x32xf32, #tpu.memory_space<hbm>>) target(%dma_start3A_1178 : memref<80x32xf32, #tpu.memory_space<vmem>>) offsets(%dma_start3A_1181 : memref<80xi32, #tpu.memory_space<vmem>>) semaphore(%arg8 : memref<!tpu.dma_semaphore, #tpu.memory_space<semaphore_mem>>)
      } else {
      }
      %ge3A_975 = arith.constant 2 : i32
      %ge3A_976 = arith.cmpi sge, %add3A_847, %ge3A_975 : i32
      %convert_element_type3A_977 = arith.extui %ge3A_976 : i1 to i32
      %cond3A_978 = arith.constant 0 : i32
      %cond3A_979 = arith.cmpi ne, %convert_element_type3A_977, %cond3A_978 : i32
      scf.if %cond3A_979 {
        %sub3A_1057 = arith.constant 2 : i32
        %sub3A_1058 = arith.subi %add3A_847, %sub3A_1057 : i32
        %mul3A_1059 = arith.constant 16 : i32
        %mul3A_1060 = arith.muli %sub3A_1058, %mul3A_1059 : i32
        %add3A_1061 = arith.addi %mul3A_2, %mul3A_1060 : i32
        %jit3A_1062 = arith.constant 128 : i32
        %div3A_1063 = arith.divsi %add3A_1061, %jit3A_1062 : i32
        %sign3A_1064 = arith.constant 0 : i32
        %sign3A_1065 = arith.cmpi sgt, %add3A_1061, %sign3A_1064 : i32
        %sign3A_1066 = arith.extui %sign3A_1065 : i1 to i32
        %sign3A_1067 = arith.constant 0 : i32
        %sign3A_1068 = arith.cmpi slt, %add3A_1061, %sign3A_1067 : i32
        %sign3A_1069 = arith.extui %sign3A_1068 : i1 to i32
        %sign3A_1070 = arith.subi %sign3A_1066, %sign3A_1069 : i32
        %sign3A_1071 = arith.constant 0 : i32
        %sign3A_1072 = arith.cmpi sgt, %jit3A_1062, %sign3A_1071 : i32
        %sign3A_1073 = arith.extui %sign3A_1072 : i1 to i32
        %sign3A_1074 = arith.constant 0 : i32
        %sign3A_1075 = arith.cmpi slt, %jit3A_1062, %sign3A_1074 : i32
        %sign3A_1076 = arith.extui %sign3A_1075 : i1 to i32
        %sign3A_1077 = arith.subi %sign3A_1073, %sign3A_1076 : i32
        %ne3A_1078 = arith.cmpi ne, %sign3A_1070, %sign3A_1077 : i32
        %rem3A_1079 = arith.remsi %add3A_1061, %jit3A_1062 : i32
        %ne3A_1080 = arith.constant 0 : i32
        %ne3A_1081 = arith.cmpi ne, %rem3A_1079, %ne3A_1080 : i32
        %and3A_1082 = arith.andi %ne3A_1078, %ne3A_1081 : i1
        %sub3A_1083 = arith.constant 1 : i32
        %sub3A_1084 = arith.subi %div3A_1063, %sub3A_1083 : i32
        %select_n3A_1085 = arith.select %and3A_1082, %sub3A_1084, %div3A_1063 : i32
        %jit3A_1086 = arith.constant 128 : i32
        %eq3A_1087 = arith.constant 0 : i32
        %eq3A_1088 = arith.cmpi eq, %jit3A_1086, %eq3A_1087 : i32
        %jit3A_1089 = arith.constant 1 : i32
        %select_n3A_1090 = arith.select %eq3A_1088, %jit3A_1089, %jit3A_1086 : i32
        %rem3A_1091 = arith.remsi %add3A_1061, %select_n3A_1090 : i32
        %ne3A_1092 = arith.constant 0 : i32
        %ne3A_1093 = arith.cmpi ne, %rem3A_1091, %ne3A_1092 : i32
        %lt3A_1094 = arith.constant 0 : i32
        %lt3A_1095 = arith.cmpi slt, %rem3A_1091, %lt3A_1094 : i32
        %lt3A_1096 = arith.constant 0 : i32
        %lt3A_1097 = arith.cmpi slt, %select_n3A_1090, %lt3A_1096 : i32
        %ne3A_1098 = arith.xori %lt3A_1095, %lt3A_1097 : i1
        %and3A_1099 = arith.andi %ne3A_1098, %ne3A_1093 : i1
        %add3A_1100 = arith.addi %rem3A_1091, %select_n3A_1090 : i32
        %select_n3A_1101 = arith.select %and3A_1099, %add3A_1100, %rem3A_1091 : i32
        %dma_wait3A_1102 = arith.constant 1 : i32
        %dma_wait3A_1103 = arith.constant 0 : i32
        %dma_wait3A_1104 = arith.constant 0 : i32
        %dma_wait3A_1105 = arith.constant 0 : i32
        %dma_wait3A_1106 = arith.constant 0 : i32
        %dma_wait3A_1107 = tpu.memref_slice %arg7[%dma_wait3A_1102, %dma_wait3A_1103, %dma_wait3A_1104, %dma_wait3A_1105, %dma_wait3A_1106] : memref<2x50x4x8x16xf32, #tpu.memory_space<vmem>> -> memref<1x50x4x8x16xf32, #tpu.memory_space<vmem>>
        %dma_wait3A_1108 = tpu.memref_squeeze %dma_wait3A_1107 : memref<1x50x4x8x16xf32, #tpu.memory_space<vmem>> -> memref<50x4x8x16xf32, #tpu.memory_space<vmem>>
        %dma_wait3A_1109 = arith.constant 0 : i32
        %dma_wait3A_1110 = arith.constant 0 : i32
        %dma_wait3A_1111 = arith.constant 0 : i32
        %dma_wait3A_1112 = tpu.memref_slice %arg4[%dma_wait3A_1109, %dma_wait3A_1110, %select_n3A_1085, %dma_wait3A_1111, %select_n3A_1101] : memref<50x4x128x8x128xf32, #tpu.memory_space<hbm>> -> memref<50x4x1x8x16xf32, #tpu.memory_space<hbm>>
        %dma_wait3A_1113 = tpu.memref_squeeze %dma_wait3A_1112 : memref<50x4x1x8x16xf32, #tpu.memory_space<hbm>> -> memref<50x4x8x16xf32, #tpu.memory_space<hbm>>
        %dma_wait3A_1114 = arith.constant 0 : i32
        %dma_wait3A_1115 = arith.constant 0 : i32
        %dma_wait3A_1116 = arith.constant 0 : i32
        %dma_wait3A_1117 = tpu.memref_slice %arg4[%dma_wait3A_1114, %dma_wait3A_1115, %select_n3A_1085, %dma_wait3A_1116, %select_n3A_1101] : memref<50x4x128x8x128xf32, #tpu.memory_space<hbm>> -> memref<50x4x1x8x16xf32, #tpu.memory_space<hbm>>
        %dma_wait3A_1118 = tpu.memref_squeeze %dma_wait3A_1117 : memref<50x4x1x8x16xf32, #tpu.memory_space<hbm>> -> memref<50x4x8x16xf32, #tpu.memory_space<hbm>>
        %dma_wait3A_1119 = arith.constant 0 : i32
        %dma_wait3A_1120 = arith.constant 0 : i32
        %dma_wait3A_1121 = arith.constant 0 : i32
        %dma_wait3A_1122 = arith.constant 0 : i32
        %dma_wait3A_1123 = tpu.memref_slice %arg7[%dma_wait3A_1102, %dma_wait3A_1119, %dma_wait3A_1120, %dma_wait3A_1121, %dma_wait3A_1122] : memref<2x50x4x8x16xf32, #tpu.memory_space<vmem>> -> memref<1x50x4x8x16xf32, #tpu.memory_space<vmem>>
        %dma_wait3A_1124 = tpu.memref_squeeze %dma_wait3A_1123 : memref<1x50x4x8x16xf32, #tpu.memory_space<vmem>> -> memref<50x4x8x16xf32, #tpu.memory_space<vmem>>
        tpu.wait_dma2 semaphore(%arg11 : memref<!tpu.dma_semaphore, #tpu.memory_space<semaphore_mem>>) src(%dma_wait3A_1124 : memref<50x4x8x16xf32, #tpu.memory_space<vmem>>) dst(%dma_wait3A_1118 : memref<50x4x8x16xf32, #tpu.memory_space<hbm>>)
      } else {
      }
      %mul3A_980 = arith.constant 50 : i32
      %mul3A_981 = vector.broadcast %mul3A_980 : i32 to vector<16xi32>
      %mul3A_982 = arith.muli %iota3A, %mul3A_981 : vector<16xi32>
      %scan3A_983 = arith.constant 0 : i32
      %scan3A_984 = arith.constant 1 : i32
      %scan3A_985 = arith.constant 1 : i32
      %scan3A_986 = arith.constant 0 : i32
      %scan3A_987 = arith.constant 25 : i32
      %scan3A_988 = arith.addi %scan3A_986, %scan3A_987 : i32
      %scan3A_989 = arith.constant 1 : i32
      scf.for %scan3A_1057 = %scan3A_986 to %scan3A_988 step %scan3A_989  : i32 {
        %mul3A_1058 = arith.constant 2 : i32
        %mul3A_1059 = arith.muli %scan3A_1057, %mul3A_1058 : i32
        %add3A_1060 = arith.constant 0 : i32
        %add3A_1061 = arith.addi %mul3A_1059, %add3A_1060 : i32
        %add3A_1062 = vector.broadcast %add3A_1061 : i32 to vector<16xi32>
        %add3A_1063 = arith.addi %mul3A_982, %add3A_1062 : vector<16xi32>
        %broadcast_in_dim3A = vector.broadcast %add3A_1061 : i32 to vector<16xi32>
        %gather3A = arith.constant 0 : i32
        %gather3A_1064 = arith.constant 0 : i32
        %gather3A_1065 = tpu.memref_slice %arg6[%scan3A_984, %gather3A, %gather3A_1064] : memref<2x800x32xf32, #tpu.memory_space<vmem>> -> memref<1x800x32xf32, #tpu.memory_space<vmem>>
        %gather3A_1066 = tpu.memref_squeeze %gather3A_1065 : memref<1x800x32xf32, #tpu.memory_space<vmem>> -> memref<800x32xf32, #tpu.memory_space<vmem>>
        %gather3A_1067 = tpu.vector_load_idx %gather3A_1066[%add3A_1063, %and3A_7] : memref<800x32xf32, #tpu.memory_space<vmem>>[vector<16xi32>, vector<16xi32>], vector<16xf32>,
        %gather3A_1068 = arith.constant 0 : i32
        %gather3A_1069 = arith.constant 0 : i32
        %gather3A_1070 = tpu.memref_slice %arg6[%scan3A_984, %gather3A_1068, %gather3A_1069] : memref<2x800x32xf32, #tpu.memory_space<vmem>> -> memref<1x800x32xf32, #tpu.memory_space<vmem>>
        %gather3A_1071 = tpu.memref_squeeze %gather3A_1070 : memref<1x800x32xf32, #tpu.memory_space<vmem>> -> memref<800x32xf32, #tpu.memory_space<vmem>>
        %gather3A_1072 = tpu.vector_load_idx %gather3A_1071[%add3A_1063, %and3A_13] : memref<800x32xf32, #tpu.memory_space<vmem>>[vector<16xi32>, vector<16xi32>], vector<16xf32>,
        %gather3A_1073 = arith.constant 0 : i32
        %gather3A_1074 = arith.constant 0 : i32
        %gather3A_1075 = tpu.memref_slice %arg6[%scan3A_984, %gather3A_1073, %gather3A_1074] : memref<2x800x32xf32, #tpu.memory_space<vmem>> -> memref<1x800x32xf32, #tpu.memory_space<vmem>>
        %gather3A_1076 = tpu.memref_squeeze %gather3A_1075 : memref<1x800x32xf32, #tpu.memory_space<vmem>> -> memref<800x32xf32, #tpu.memory_space<vmem>>
        %gather3A_1077 = tpu.vector_load_idx %gather3A_1076[%add3A_1063, %and3A_19] : memref<800x32xf32, #tpu.memory_space<vmem>>[vector<16xi32>, vector<16xi32>], vector<16xf32>,
        %gather3A_1078 = arith.constant 0 : i32
        %gather3A_1079 = arith.constant 0 : i32
        %gather3A_1080 = tpu.memref_slice %arg6[%scan3A_984, %gather3A_1078, %gather3A_1079] : memref<2x800x32xf32, #tpu.memory_space<vmem>> -> memref<1x800x32xf32, #tpu.memory_space<vmem>>
        %gather3A_1081 = tpu.memref_squeeze %gather3A_1080 : memref<1x800x32xf32, #tpu.memory_space<vmem>> -> memref<800x32xf32, #tpu.memory_space<vmem>>
        %gather3A_1082 = tpu.vector_load_idx %gather3A_1081[%add3A_1063, %and3A_25] : memref<800x32xf32, #tpu.memory_space<vmem>>[vector<16xi32>, vector<16xi32>], vector<16xf32>,
        %gather3A_1083 = arith.constant 0 : i32
        %gather3A_1084 = arith.constant 0 : i32
        %gather3A_1085 = tpu.memref_slice %arg6[%scan3A_984, %gather3A_1083, %gather3A_1084] : memref<2x800x32xf32, #tpu.memory_space<vmem>> -> memref<1x800x32xf32, #tpu.memory_space<vmem>>
        %gather3A_1086 = tpu.memref_squeeze %gather3A_1085 : memref<1x800x32xf32, #tpu.memory_space<vmem>> -> memref<800x32xf32, #tpu.memory_space<vmem>>
        %gather3A_1087 = tpu.vector_load_idx %gather3A_1086[%add3A_1063, %and3A_31] : memref<800x32xf32, #tpu.memory_space<vmem>>[vector<16xi32>, vector<16xi32>], vector<16xf32>,
        %gather3A_1088 = arith.constant 0 : i32
        %gather3A_1089 = arith.constant 0 : i32
        %gather3A_1090 = tpu.memref_slice %arg6[%scan3A_984, %gather3A_1088, %gather3A_1089] : memref<2x800x32xf32, #tpu.memory_space<vmem>> -> memref<1x800x32xf32, #tpu.memory_space<vmem>>
        %gather3A_1091 = tpu.memref_squeeze %gather3A_1090 : memref<1x800x32xf32, #tpu.memory_space<vmem>> -> memref<800x32xf32, #tpu.memory_space<vmem>>
        %gather3A_1092 = tpu.vector_load_idx %gather3A_1091[%add3A_1063, %and3A_37] : memref<800x32xf32, #tpu.memory_space<vmem>>[vector<16xi32>, vector<16xi32>], vector<16xf32>,
        %gather3A_1093 = arith.constant 0 : i32
        %gather3A_1094 = arith.constant 0 : i32
        %gather3A_1095 = tpu.memref_slice %arg6[%scan3A_984, %gather3A_1093, %gather3A_1094] : memref<2x800x32xf32, #tpu.memory_space<vmem>> -> memref<1x800x32xf32, #tpu.memory_space<vmem>>
        %gather3A_1096 = tpu.memref_squeeze %gather3A_1095 : memref<1x800x32xf32, #tpu.memory_space<vmem>> -> memref<800x32xf32, #tpu.memory_space<vmem>>
        %gather3A_1097 = tpu.vector_load_idx %gather3A_1096[%add3A_1063, %and3A_43] : memref<800x32xf32, #tpu.memory_space<vmem>>[vector<16xi32>, vector<16xi32>], vector<16xf32>,
        %gather3A_1098 = arith.constant 0 : i32
        %gather3A_1099 = arith.constant 0 : i32
        %gather3A_1100 = tpu.memref_slice %arg6[%scan3A_984, %gather3A_1098, %gather3A_1099] : memref<2x800x32xf32, #tpu.memory_space<vmem>> -> memref<1x800x32xf32, #tpu.memory_space<vmem>>
        %gather3A_1101 = tpu.memref_squeeze %gather3A_1100 : memref<1x800x32xf32, #tpu.memory_space<vmem>> -> memref<800x32xf32, #tpu.memory_space<vmem>>
        %gather3A_1102 = tpu.vector_load_idx %gather3A_1101[%add3A_1063, %and3A_49] : memref<800x32xf32, #tpu.memory_space<vmem>>[vector<16xi32>, vector<16xi32>], vector<16xf32>,
        %gather3A_1103 = arith.constant 0 : i32
        %gather3A_1104 = arith.constant 0 : i32
        %gather3A_1105 = tpu.memref_slice %arg6[%scan3A_984, %gather3A_1103, %gather3A_1104] : memref<2x800x32xf32, #tpu.memory_space<vmem>> -> memref<1x800x32xf32, #tpu.memory_space<vmem>>
        %gather3A_1106 = tpu.memref_squeeze %gather3A_1105 : memref<1x800x32xf32, #tpu.memory_space<vmem>> -> memref<800x32xf32, #tpu.memory_space<vmem>>
        %gather3A_1107 = tpu.vector_load_idx %gather3A_1106[%add3A_1063, %and3A_55] : memref<800x32xf32, #tpu.memory_space<vmem>>[vector<16xi32>, vector<16xi32>], vector<16xf32>,
        %gather3A_1108 = arith.constant 0 : i32
        %gather3A_1109 = arith.constant 0 : i32
        %gather3A_1110 = tpu.memref_slice %arg6[%scan3A_984, %gather3A_1108, %gather3A_1109] : memref<2x800x32xf32, #tpu.memory_space<vmem>> -> memref<1x800x32xf32, #tpu.memory_space<vmem>>
        %gather3A_1111 = tpu.memref_squeeze %gather3A_1110 : memref<1x800x32xf32, #tpu.memory_space<vmem>> -> memref<800x32xf32, #tpu.memory_space<vmem>>
        %gather3A_1112 = tpu.vector_load_idx %gather3A_1111[%add3A_1063, %and3A_61] : memref<800x32xf32, #tpu.memory_space<vmem>>[vector<16xi32>, vector<16xi32>], vector<16xf32>,
        %gather3A_1113 = arith.constant 0 : i32
        %gather3A_1114 = arith.constant 0 : i32
        %gather3A_1115 = tpu.memref_slice %arg6[%scan3A_984, %gather3A_1113, %gather3A_1114] : memref<2x800x32xf32, #tpu.memory_space<vmem>> -> memref<1x800x32xf32, #tpu.memory_space<vmem>>
        %gather3A_1116 = tpu.memref_squeeze %gather3A_1115 : memref<1x800x32xf32, #tpu.memory_space<vmem>> -> memref<800x32xf32, #tpu.memory_space<vmem>>
        %gather3A_1117 = tpu.vector_load_idx %gather3A_1116[%add3A_1063, %and3A_67] : memref<800x32xf32, #tpu.memory_space<vmem>>[vector<16xi32>, vector<16xi32>], vector<16xf32>,
        %gather3A_1118 = arith.constant 0 : i32
        %gather3A_1119 = arith.constant 0 : i32
        %gather3A_1120 = tpu.memref_slice %arg6[%scan3A_984, %gather3A_1118, %gather3A_1119] : memref<2x800x32xf32, #tpu.memory_space<vmem>> -> memref<1x800x32xf32, #tpu.memory_space<vmem>>
        %gather3A_1121 = tpu.memref_squeeze %gather3A_1120 : memref<1x800x32xf32, #tpu.memory_space<vmem>> -> memref<800x32xf32, #tpu.memory_space<vmem>>
        %gather3A_1122 = tpu.vector_load_idx %gather3A_1121[%add3A_1063, %and3A_73] : memref<800x32xf32, #tpu.memory_space<vmem>>[vector<16xi32>, vector<16xi32>], vector<16xf32>,
        %gather3A_1123 = arith.constant 0 : i32
        %gather3A_1124 = arith.constant 0 : i32
        %gather3A_1125 = tpu.memref_slice %arg6[%scan3A_984, %gather3A_1123, %gather3A_1124] : memref<2x800x32xf32, #tpu.memory_space<vmem>> -> memref<1x800x32xf32, #tpu.memory_space<vmem>>
        %gather3A_1126 = tpu.memref_squeeze %gather3A_1125 : memref<1x800x32xf32, #tpu.memory_space<vmem>> -> memref<800x32xf32, #tpu.memory_space<vmem>>
        %gather3A_1127 = tpu.vector_load_idx %gather3A_1126[%add3A_1063, %and3A_79] : memref<800x32xf32, #tpu.memory_space<vmem>>[vector<16xi32>, vector<16xi32>], vector<16xf32>,
        %gather3A_1128 = arith.constant 0 : i32
        %gather3A_1129 = arith.constant 0 : i32
        %gather3A_1130 = tpu.memref_slice %arg6[%scan3A_984, %gather3A_1128, %gather3A_1129] : memref<2x800x32xf32, #tpu.memory_space<vmem>> -> memref<1x800x32xf32, #tpu.memory_space<vmem>>
        %gather3A_1131 = tpu.memref_squeeze %gather3A_1130 : memref<1x800x32xf32, #tpu.memory_space<vmem>> -> memref<800x32xf32, #tpu.memory_space<vmem>>
        %gather3A_1132 = tpu.vector_load_idx %gather3A_1131[%add3A_1063, %and3A_85] : memref<800x32xf32, #tpu.memory_space<vmem>>[vector<16xi32>, vector<16xi32>], vector<16xf32>,
        %gather3A_1133 = arith.constant 0 : i32
        %gather3A_1134 = arith.constant 0 : i32
        %gather3A_1135 = tpu.memref_slice %arg6[%scan3A_984, %gather3A_1133, %gather3A_1134] : memref<2x800x32xf32, #tpu.memory_space<vmem>> -> memref<1x800x32xf32, #tpu.memory_space<vmem>>
        %gather3A_1136 = tpu.memref_squeeze %gather3A_1135 : memref<1x800x32xf32, #tpu.memory_space<vmem>> -> memref<800x32xf32, #tpu.memory_space<vmem>>
        %gather3A_1137 = tpu.vector_load_idx %gather3A_1136[%add3A_1063, %and3A_91] : memref<800x32xf32, #tpu.memory_space<vmem>>[vector<16xi32>, vector<16xi32>], vector<16xf32>,
        %gather3A_1138 = arith.constant 0 : i32
        %gather3A_1139 = arith.constant 0 : i32
        %gather3A_1140 = tpu.memref_slice %arg6[%scan3A_984, %gather3A_1138, %gather3A_1139] : memref<2x800x32xf32, #tpu.memory_space<vmem>> -> memref<1x800x32xf32, #tpu.memory_space<vmem>>
        %gather3A_1141 = tpu.memref_squeeze %gather3A_1140 : memref<1x800x32xf32, #tpu.memory_space<vmem>> -> memref<800x32xf32, #tpu.memory_space<vmem>>
        %gather3A_1142 = tpu.vector_load_idx %gather3A_1141[%add3A_1063, %and3A_97] : memref<800x32xf32, #tpu.memory_space<vmem>>[vector<16xi32>, vector<16xi32>], vector<16xf32>,
        %gather3A_1143 = arith.constant 0 : i32
        %gather3A_1144 = arith.constant 0 : i32
        %gather3A_1145 = tpu.memref_slice %arg6[%scan3A_984, %gather3A_1143, %gather3A_1144] : memref<2x800x32xf32, #tpu.memory_space<vmem>> -> memref<1x800x32xf32, #tpu.memory_space<vmem>>
        %gather3A_1146 = tpu.memref_squeeze %gather3A_1145 : memref<1x800x32xf32, #tpu.memory_space<vmem>> -> memref<800x32xf32, #tpu.memory_space<vmem>>
        %gather3A_1147 = tpu.vector_load_idx %gather3A_1146[%add3A_1063, %and3A_103] : memref<800x32xf32, #tpu.memory_space<vmem>>[vector<16xi32>, vector<16xi32>], vector<16xf32>,
        %gather3A_1148 = arith.constant 0 : i32
        %gather3A_1149 = arith.constant 0 : i32
        %gather3A_1150 = tpu.memref_slice %arg6[%scan3A_984, %gather3A_1148, %gather3A_1149] : memref<2x800x32xf32, #tpu.memory_space<vmem>> -> memref<1x800x32xf32, #tpu.memory_space<vmem>>
        %gather3A_1151 = tpu.memref_squeeze %gather3A_1150 : memref<1x800x32xf32, #tpu.memory_space<vmem>> -> memref<800x32xf32, #tpu.memory_space<vmem>>
        %gather3A_1152 = tpu.vector_load_idx %gather3A_1151[%add3A_1063, %and3A_109] : memref<800x32xf32, #tpu.memory_space<vmem>>[vector<16xi32>, vector<16xi32>], vector<16xf32>,
        %gather3A_1153 = arith.constant 0 : i32
        %gather3A_1154 = arith.constant 0 : i32
        %gather3A_1155 = tpu.memref_slice %arg6[%scan3A_984, %gather3A_1153, %gather3A_1154] : memref<2x800x32xf32, #tpu.memory_space<vmem>> -> memref<1x800x32xf32, #tpu.memory_space<vmem>>
        %gather3A_1156 = tpu.memref_squeeze %gather3A_1155 : memref<1x800x32xf32, #tpu.memory_space<vmem>> -> memref<800x32xf32, #tpu.memory_space<vmem>>
        %gather3A_1157 = tpu.vector_load_idx %gather3A_1156[%add3A_1063, %and3A_115] : memref<800x32xf32, #tpu.memory_space<vmem>>[vector<16xi32>, vector<16xi32>], vector<16xf32>,
        %gather3A_1158 = arith.constant 0 : i32
        %gather3A_1159 = arith.constant 0 : i32
        %gather3A_1160 = tpu.memref_slice %arg6[%scan3A_984, %gather3A_1158, %gather3A_1159] : memref<2x800x32xf32, #tpu.memory_space<vmem>> -> memref<1x800x32xf32, #tpu.memory_space<vmem>>
        %gather3A_1161 = tpu.memref_squeeze %gather3A_1160 : memref<1x800x32xf32, #tpu.memory_space<vmem>> -> memref<800x32xf32, #tpu.memory_space<vmem>>
        %gather3A_1162 = tpu.vector_load_idx %gather3A_1161[%add3A_1063, %and3A_121] : memref<800x32xf32, #tpu.memory_space<vmem>>[vector<16xi32>, vector<16xi32>], vector<16xf32>,
        %gather3A_1163 = arith.constant 0 : i32
        %gather3A_1164 = arith.constant 0 : i32
        %gather3A_1165 = tpu.memref_slice %arg6[%scan3A_984, %gather3A_1163, %gather3A_1164] : memref<2x800x32xf32, #tpu.memory_space<vmem>> -> memref<1x800x32xf32, #tpu.memory_space<vmem>>
        %gather3A_1166 = tpu.memref_squeeze %gather3A_1165 : memref<1x800x32xf32, #tpu.memory_space<vmem>> -> memref<800x32xf32, #tpu.memory_space<vmem>>
        %gather3A_1167 = tpu.vector_load_idx %gather3A_1166[%add3A_1063, %and3A_127] : memref<800x32xf32, #tpu.memory_space<vmem>>[vector<16xi32>, vector<16xi32>], vector<16xf32>,
        %gather3A_1168 = arith.constant 0 : i32
        %gather3A_1169 = arith.constant 0 : i32
        %gather3A_1170 = tpu.memref_slice %arg6[%scan3A_984, %gather3A_1168, %gather3A_1169] : memref<2x800x32xf32, #tpu.memory_space<vmem>> -> memref<1x800x32xf32, #tpu.memory_space<vmem>>
        %gather3A_1171 = tpu.memref_squeeze %gather3A_1170 : memref<1x800x32xf32, #tpu.memory_space<vmem>> -> memref<800x32xf32, #tpu.memory_space<vmem>>
        %gather3A_1172 = tpu.vector_load_idx %gather3A_1171[%add3A_1063, %and3A_133] : memref<800x32xf32, #tpu.memory_space<vmem>>[vector<16xi32>, vector<16xi32>], vector<16xf32>,
        %gather3A_1173 = arith.constant 0 : i32
        %gather3A_1174 = arith.constant 0 : i32
        %gather3A_1175 = tpu.memref_slice %arg6[%scan3A_984, %gather3A_1173, %gather3A_1174] : memref<2x800x32xf32, #tpu.memory_space<vmem>> -> memref<1x800x32xf32, #tpu.memory_space<vmem>>
        %gather3A_1176 = tpu.memref_squeeze %gather3A_1175 : memref<1x800x32xf32, #tpu.memory_space<vmem>> -> memref<800x32xf32, #tpu.memory_space<vmem>>
        %gather3A_1177 = tpu.vector_load_idx %gather3A_1176[%add3A_1063, %and3A_139] : memref<800x32xf32, #tpu.memory_space<vmem>>[vector<16xi32>, vector<16xi32>], vector<16xf32>,
        %gather3A_1178 = arith.constant 0 : i32
        %gather3A_1179 = arith.constant 0 : i32
        %gather3A_1180 = tpu.memref_slice %arg6[%scan3A_984, %gather3A_1178, %gather3A_1179] : memref<2x800x32xf32, #tpu.memory_space<vmem>> -> memref<1x800x32xf32, #tpu.memory_space<vmem>>
        %gather3A_1181 = tpu.memref_squeeze %gather3A_1180 : memref<1x800x32xf32, #tpu.memory_space<vmem>> -> memref<800x32xf32, #tpu.memory_space<vmem>>
        %gather3A_1182 = tpu.vector_load_idx %gather3A_1181[%add3A_1063, %and3A_145] : memref<800x32xf32, #tpu.memory_space<vmem>>[vector<16xi32>, vector<16xi32>], vector<16xf32>,
        %gather3A_1183 = arith.constant 0 : i32
        %gather3A_1184 = arith.constant 0 : i32
        %gather3A_1185 = tpu.memref_slice %arg6[%scan3A_984, %gather3A_1183, %gather3A_1184] : memref<2x800x32xf32, #tpu.memory_space<vmem>> -> memref<1x800x32xf32, #tpu.memory_space<vmem>>
        %gather3A_1186 = tpu.memref_squeeze %gather3A_1185 : memref<1x800x32xf32, #tpu.memory_space<vmem>> -> memref<800x32xf32, #tpu.memory_space<vmem>>
        %gather3A_1187 = tpu.vector_load_idx %gather3A_1186[%add3A_1063, %and3A_151] : memref<800x32xf32, #tpu.memory_space<vmem>>[vector<16xi32>, vector<16xi32>], vector<16xf32>,
        %gather3A_1188 = arith.constant 0 : i32
        %gather3A_1189 = arith.constant 0 : i32
        %gather3A_1190 = tpu.memref_slice %arg6[%scan3A_984, %gather3A_1188, %gather3A_1189] : memref<2x800x32xf32, #tpu.memory_space<vmem>> -> memref<1x800x32xf32, #tpu.memory_space<vmem>>
        %gather3A_1191 = tpu.memref_squeeze %gather3A_1190 : memref<1x800x32xf32, #tpu.memory_space<vmem>> -> memref<800x32xf32, #tpu.memory_space<vmem>>
        %gather3A_1192 = tpu.vector_load_idx %gather3A_1191[%add3A_1063, %and3A_157] : memref<800x32xf32, #tpu.memory_space<vmem>>[vector<16xi32>, vector<16xi32>], vector<16xf32>,
        %gather3A_1193 = arith.constant 0 : i32
        %gather3A_1194 = arith.constant 0 : i32
        %gather3A_1195 = tpu.memref_slice %arg6[%scan3A_984, %gather3A_1193, %gather3A_1194] : memref<2x800x32xf32, #tpu.memory_space<vmem>> -> memref<1x800x32xf32, #tpu.memory_space<vmem>>
        %gather3A_1196 = tpu.memref_squeeze %gather3A_1195 : memref<1x800x32xf32, #tpu.memory_space<vmem>> -> memref<800x32xf32, #tpu.memory_space<vmem>>
        %gather3A_1197 = tpu.vector_load_idx %gather3A_1196[%add3A_1063, %and3A_163] : memref<800x32xf32, #tpu.memory_space<vmem>>[vector<16xi32>, vector<16xi32>], vector<16xf32>,
        %gather3A_1198 = arith.constant 0 : i32
        %gather3A_1199 = arith.constant 0 : i32
        %gather3A_1200 = tpu.memref_slice %arg6[%scan3A_984, %gather3A_1198, %gather3A_1199] : memref<2x800x32xf32, #tpu.memory_space<vmem>> -> memref<1x800x32xf32, #tpu.memory_space<vmem>>
        %gather3A_1201 = tpu.memref_squeeze %gather3A_1200 : memref<1x800x32xf32, #tpu.memory_space<vmem>> -> memref<800x32xf32, #tpu.memory_space<vmem>>
        %gather3A_1202 = tpu.vector_load_idx %gather3A_1201[%add3A_1063, %and3A_169] : memref<800x32xf32, #tpu.memory_space<vmem>>[vector<16xi32>, vector<16xi32>], vector<16xf32>,
        %gather3A_1203 = arith.constant 0 : i32
        %gather3A_1204 = arith.constant 0 : i32
        %gather3A_1205 = tpu.memref_slice %arg6[%scan3A_984, %gather3A_1203, %gather3A_1204] : memref<2x800x32xf32, #tpu.memory_space<vmem>> -> memref<1x800x32xf32, #tpu.memory_space<vmem>>
        %gather3A_1206 = tpu.memref_squeeze %gather3A_1205 : memref<1x800x32xf32, #tpu.memory_space<vmem>> -> memref<800x32xf32, #tpu.memory_space<vmem>>
        %gather3A_1207 = tpu.vector_load_idx %gather3A_1206[%add3A_1063, %and3A_175] : memref<800x32xf32, #tpu.memory_space<vmem>>[vector<16xi32>, vector<16xi32>], vector<16xf32>,
        %gather3A_1208 = arith.constant 0 : i32
        %gather3A_1209 = arith.constant 0 : i32
        %gather3A_1210 = tpu.memref_slice %arg6[%scan3A_984, %gather3A_1208, %gather3A_1209] : memref<2x800x32xf32, #tpu.memory_space<vmem>> -> memref<1x800x32xf32, #tpu.memory_space<vmem>>
        %gather3A_1211 = tpu.memref_squeeze %gather3A_1210 : memref<1x800x32xf32, #tpu.memory_space<vmem>> -> memref<800x32xf32, #tpu.memory_space<vmem>>
        %gather3A_1212 = tpu.vector_load_idx %gather3A_1211[%add3A_1063, %and3A_181] : memref<800x32xf32, #tpu.memory_space<vmem>>[vector<16xi32>, vector<16xi32>], vector<16xf32>,
        %gather3A_1213 = arith.constant 0 : i32
        %gather3A_1214 = arith.constant 0 : i32
        %gather3A_1215 = tpu.memref_slice %arg6[%scan3A_984, %gather3A_1213, %gather3A_1214] : memref<2x800x32xf32, #tpu.memory_space<vmem>> -> memref<1x800x32xf32, #tpu.memory_space<vmem>>
        %gather3A_1216 = tpu.memref_squeeze %gather3A_1215 : memref<1x800x32xf32, #tpu.memory_space<vmem>> -> memref<800x32xf32, #tpu.memory_space<vmem>>
        %gather3A_1217 = tpu.vector_load_idx %gather3A_1216[%add3A_1063, %and3A_187] : memref<800x32xf32, #tpu.memory_space<vmem>>[vector<16xi32>, vector<16xi32>], vector<16xf32>,
        %gather3A_1218 = arith.constant 0 : i32
        %gather3A_1219 = arith.constant 0 : i32
        %gather3A_1220 = tpu.memref_slice %arg6[%scan3A_984, %gather3A_1218, %gather3A_1219] : memref<2x800x32xf32, #tpu.memory_space<vmem>> -> memref<1x800x32xf32, #tpu.memory_space<vmem>>
        %gather3A_1221 = tpu.memref_squeeze %gather3A_1220 : memref<1x800x32xf32, #tpu.memory_space<vmem>> -> memref<800x32xf32, #tpu.memory_space<vmem>>
        %gather3A_1222 = tpu.vector_load_idx %gather3A_1221[%add3A_1063, %and3A_193] : memref<800x32xf32, #tpu.memory_space<vmem>>[vector<16xi32>, vector<16xi32>], vector<16xf32>,
        %mul3A_1223 = arith.mulf %gather3A_1067, %gather3A_1067 : vector<16xf32>
        %mul3A_1224 = arith.mulf %gather3A_1072, %gather3A_1072 : vector<16xf32>
        %mul3A_1225 = arith.mulf %gather3A_1077, %gather3A_1077 : vector<16xf32>
        %mul3A_1226 = arith.mulf %gather3A_1082, %gather3A_1082 : vector<16xf32>
        %mul3A_1227 = arith.mulf %gather3A_1087, %gather3A_1087 : vector<16xf32>
        %mul3A_1228 = arith.mulf %gather3A_1092, %gather3A_1092 : vector<16xf32>
        %mul3A_1229 = arith.mulf %gather3A_1097, %gather3A_1097 : vector<16xf32>
        %mul3A_1230 = arith.mulf %gather3A_1102, %gather3A_1102 : vector<16xf32>
        %mul3A_1231 = arith.mulf %gather3A_1107, %gather3A_1107 : vector<16xf32>
        %mul3A_1232 = arith.mulf %gather3A_1112, %gather3A_1112 : vector<16xf32>
        %mul3A_1233 = arith.mulf %gather3A_1117, %gather3A_1117 : vector<16xf32>
        %mul3A_1234 = arith.mulf %gather3A_1122, %gather3A_1122 : vector<16xf32>
        %mul3A_1235 = arith.mulf %gather3A_1127, %gather3A_1127 : vector<16xf32>
        %mul3A_1236 = arith.mulf %gather3A_1132, %gather3A_1132 : vector<16xf32>
        %mul3A_1237 = arith.mulf %gather3A_1137, %gather3A_1137 : vector<16xf32>
        %mul3A_1238 = arith.mulf %gather3A_1142, %gather3A_1142 : vector<16xf32>
        %mul3A_1239 = arith.mulf %gather3A_1147, %gather3A_1147 : vector<16xf32>
        %mul3A_1240 = arith.mulf %gather3A_1152, %gather3A_1152 : vector<16xf32>
        %mul3A_1241 = arith.mulf %gather3A_1157, %gather3A_1157 : vector<16xf32>
        %mul3A_1242 = arith.mulf %gather3A_1162, %gather3A_1162 : vector<16xf32>
        %mul3A_1243 = arith.mulf %gather3A_1167, %gather3A_1167 : vector<16xf32>
        %mul3A_1244 = arith.mulf %gather3A_1172, %gather3A_1172 : vector<16xf32>
        %mul3A_1245 = arith.mulf %gather3A_1177, %gather3A_1177 : vector<16xf32>
        %mul3A_1246 = arith.mulf %gather3A_1182, %gather3A_1182 : vector<16xf32>
        %mul3A_1247 = arith.mulf %gather3A_1187, %gather3A_1187 : vector<16xf32>
        %mul3A_1248 = arith.mulf %gather3A_1192, %gather3A_1192 : vector<16xf32>
        %mul3A_1249 = arith.mulf %gather3A_1197, %gather3A_1197 : vector<16xf32>
        %mul3A_1250 = arith.mulf %gather3A_1202, %gather3A_1202 : vector<16xf32>
        %mul3A_1251 = arith.mulf %gather3A_1207, %gather3A_1207 : vector<16xf32>
        %mul3A_1252 = arith.mulf %gather3A_1212, %gather3A_1212 : vector<16xf32>
        %mul3A_1253 = arith.mulf %gather3A_1217, %gather3A_1217 : vector<16xf32>
        %mul3A_1254 = arith.mulf %gather3A_1222, %gather3A_1222 : vector<16xf32>
        %add3A_1255 = arith.addf %mul3A_1223, %mul3A_1224 : vector<16xf32>
        %add3A_1256 = arith.addf %mul3A_1225, %mul3A_1226 : vector<16xf32>
        %add3A_1257 = arith.addf %mul3A_1227, %mul3A_1228 : vector<16xf32>
        %add3A_1258 = arith.addf %mul3A_1229, %mul3A_1230 : vector<16xf32>
        %add3A_1259 = arith.addf %mul3A_1231, %mul3A_1232 : vector<16xf32>
        %add3A_1260 = arith.addf %mul3A_1233, %mul3A_1234 : vector<16xf32>
        %add3A_1261 = arith.addf %mul3A_1235, %mul3A_1236 : vector<16xf32>
        %add3A_1262 = arith.addf %mul3A_1237, %mul3A_1238 : vector<16xf32>
        %add3A_1263 = arith.addf %mul3A_1239, %mul3A_1240 : vector<16xf32>
        %add3A_1264 = arith.addf %mul3A_1241, %mul3A_1242 : vector<16xf32>
        %add3A_1265 = arith.addf %mul3A_1243, %mul3A_1244 : vector<16xf32>
        %add3A_1266 = arith.addf %mul3A_1245, %mul3A_1246 : vector<16xf32>
        %add3A_1267 = arith.addf %mul3A_1247, %mul3A_1248 : vector<16xf32>
        %add3A_1268 = arith.addf %mul3A_1249, %mul3A_1250 : vector<16xf32>
        %add3A_1269 = arith.addf %mul3A_1251, %mul3A_1252 : vector<16xf32>
        %add3A_1270 = arith.addf %mul3A_1253, %mul3A_1254 : vector<16xf32>
        %add3A_1271 = arith.addf %add3A_1255, %add3A_1256 : vector<16xf32>
        %add3A_1272 = arith.addf %add3A_1257, %add3A_1258 : vector<16xf32>
        %add3A_1273 = arith.addf %add3A_1259, %add3A_1260 : vector<16xf32>
        %add3A_1274 = arith.addf %add3A_1261, %add3A_1262 : vector<16xf32>
        %add3A_1275 = arith.addf %add3A_1263, %add3A_1264 : vector<16xf32>
        %add3A_1276 = arith.addf %add3A_1265, %add3A_1266 : vector<16xf32>
        %add3A_1277 = arith.addf %add3A_1267, %add3A_1268 : vector<16xf32>
        %add3A_1278 = arith.addf %add3A_1269, %add3A_1270 : vector<16xf32>
        %add3A_1279 = arith.addf %add3A_1271, %add3A_1272 : vector<16xf32>
        %add3A_1280 = arith.addf %add3A_1273, %add3A_1274 : vector<16xf32>
        %add3A_1281 = arith.addf %add3A_1275, %add3A_1276 : vector<16xf32>
        %add3A_1282 = arith.addf %add3A_1277, %add3A_1278 : vector<16xf32>
        %add3A_1283 = arith.addf %add3A_1279, %add3A_1280 : vector<16xf32>
        %add3A_1284 = arith.addf %add3A_1281, %add3A_1282 : vector<16xf32>
        %add3A_1285 = arith.addf %add3A_1283, %add3A_1284 : vector<16xf32>
        %bitcast3A = vector.bitcast %add3A_1285 : vector<16xf32> to vector<16xi32>
        %shift_right_logical3A_1286 = arith.constant 1 : i32
        %shift_right_logical3A_1287 = vector.broadcast %shift_right_logical3A_1286 : i32 to vector<16xi32>
        %shift_right_logical3A_1288 = arith.shrui %bitcast3A, %shift_right_logical3A_1287 : vector<16xi32>
        %sub3A_1289 = arith.constant 1597463007 : i32
        %sub3A_1290 = vector.broadcast %sub3A_1289 : i32 to vector<16xi32>
        %sub3A_1291 = arith.subi %sub3A_1290, %shift_right_logical3A_1288 : vector<16xi32>
        %bitcast3A_1292 = vector.bitcast %sub3A_1291 : vector<16xi32> to vector<16xf32>
        %mul3A_1293 = arith.constant 5.000000e-01 : f32
        %mul3A_1294 = vector.broadcast %mul3A_1293 : f32 to vector<16xf32>
        %mul3A_1295 = arith.mulf %mul3A_1294, %add3A_1285 : vector<16xf32>
        %mul3A_1296 = arith.mulf %mul3A_1295, %bitcast3A_1292 : vector<16xf32>
        %mul3A_1297 = arith.mulf %mul3A_1296, %bitcast3A_1292 : vector<16xf32>
        %sub3A_1298 = arith.constant 1.500000e+00 : f32
        %sub3A_1299 = vector.broadcast %sub3A_1298 : f32 to vector<16xf32>
        %sub3A_1300 = arith.subf %sub3A_1299, %mul3A_1297 : vector<16xf32>
        %mul3A_1301 = arith.mulf %bitcast3A_1292, %sub3A_1300 : vector<16xf32>
        %mul3A_1302 = arith.constant 5.000000e-01 : f32
        %mul3A_1303 = vector.broadcast %mul3A_1302 : f32 to vector<16xf32>
        %mul3A_1304 = arith.mulf %mul3A_1303, %add3A_1285 : vector<16xf32>
        %mul3A_1305 = arith.mulf %mul3A_1304, %mul3A_1301 : vector<16xf32>
        %mul3A_1306 = arith.mulf %mul3A_1305, %mul3A_1301 : vector<16xf32>
        %sub3A_1307 = arith.constant 1.500000e+00 : f32
        %sub3A_1308 = vector.broadcast %sub3A_1307 : f32 to vector<16xf32>
        %sub3A_1309 = arith.subf %sub3A_1308, %mul3A_1306 : vector<16xf32>
        %mul3A_1310 = arith.mulf %mul3A_1301, %sub3A_1309 : vector<16xf32>
        %mul3A_1311 = arith.constant 5.000000e-01 : f32
        %mul3A_1312 = vector.broadcast %mul3A_1311 : f32 to vector<16xf32>
        %mul3A_1313 = arith.mulf %mul3A_1312, %add3A_1285 : vector<16xf32>
        %mul3A_1314 = arith.mulf %mul3A_1313, %mul3A_1310 : vector<16xf32>
        %mul3A_1315 = arith.mulf %mul3A_1314, %mul3A_1310 : vector<16xf32>
        %sub3A_1316 = arith.constant 1.500000e+00 : f32
        %sub3A_1317 = vector.broadcast %sub3A_1316 : f32 to vector<16xf32>
        %sub3A_1318 = arith.subf %sub3A_1317, %mul3A_1315 : vector<16xf32>
        %mul3A_1319 = arith.mulf %mul3A_1310, %sub3A_1318 : vector<16xf32>
        %mul3A_1320 = arith.mulf %gather3A_1067, %mul3A_1319 : vector<16xf32>
        %scatter3A = arith.constant 0 : i32
        %scatter3A_1321 = arith.constant 0 : i32
        %scatter3A_1322 = arith.constant 0 : i32
        %scatter3A_1323 = arith.constant 0 : i32
        %scatter3A_1324 = tpu.memref_slice %arg7[%scan3A_985, %scatter3A, %scatter3A_1321, %scatter3A_1322, %scatter3A_1323] : memref<2x50x4x8x16xf32, #tpu.memory_space<vmem>> -> memref<1x50x4x8x16xf32, #tpu.memory_space<vmem>>
        %scatter3A_1325 = tpu.memref_squeeze %scatter3A_1324 : memref<1x50x4x8x16xf32, #tpu.memory_space<vmem>> -> memref<50x4x8x16xf32, #tpu.memory_space<vmem>>
        tpu.vector_store_idx %scatter3A_1325[%broadcast_in_dim3A, %shift_right_logical3A_195, %and3A_291, %iota3A], %mul3A_1320 : memref<50x4x8x16xf32, #tpu.memory_space<vmem>>[vector<16xi32>, vector<16xi32>, vector<16xi32>, vector<16xi32>], vector<16xf32>,
        %mul3A_1326 = arith.mulf %gather3A_1072, %mul3A_1319 : vector<16xf32>
        %scatter3A_1327 = arith.constant 0 : i32
        %scatter3A_1328 = arith.constant 0 : i32
        %scatter3A_1329 = arith.constant 0 : i32
        %scatter3A_1330 = arith.constant 0 : i32
        %scatter3A_1331 = tpu.memref_slice %arg7[%scan3A_985, %scatter3A_1327, %scatter3A_1328, %scatter3A_1329, %scatter3A_1330] : memref<2x50x4x8x16xf32, #tpu.memory_space<vmem>> -> memref<1x50x4x8x16xf32, #tpu.memory_space<vmem>>
        %scatter3A_1332 = tpu.memref_squeeze %scatter3A_1331 : memref<1x50x4x8x16xf32, #tpu.memory_space<vmem>> -> memref<50x4x8x16xf32, #tpu.memory_space<vmem>>
        tpu.vector_store_idx %scatter3A_1332[%broadcast_in_dim3A, %shift_right_logical3A_198, %and3A_294, %iota3A], %mul3A_1326 : memref<50x4x8x16xf32, #tpu.memory_space<vmem>>[vector<16xi32>, vector<16xi32>, vector<16xi32>, vector<16xi32>], vector<16xf32>,
        %mul3A_1333 = arith.mulf %gather3A_1077, %mul3A_1319 : vector<16xf32>
        %scatter3A_1334 = arith.constant 0 : i32
        %scatter3A_1335 = arith.constant 0 : i32
        %scatter3A_1336 = arith.constant 0 : i32
        %scatter3A_1337 = arith.constant 0 : i32
        %scatter3A_1338 = tpu.memref_slice %arg7[%scan3A_985, %scatter3A_1334, %scatter3A_1335, %scatter3A_1336, %scatter3A_1337] : memref<2x50x4x8x16xf32, #tpu.memory_space<vmem>> -> memref<1x50x4x8x16xf32, #tpu.memory_space<vmem>>
        %scatter3A_1339 = tpu.memref_squeeze %scatter3A_1338 : memref<1x50x4x8x16xf32, #tpu.memory_space<vmem>> -> memref<50x4x8x16xf32, #tpu.memory_space<vmem>>
        tpu.vector_store_idx %scatter3A_1339[%broadcast_in_dim3A, %shift_right_logical3A_201, %and3A_297, %iota3A], %mul3A_1333 : memref<50x4x8x16xf32, #tpu.memory_space<vmem>>[vector<16xi32>, vector<16xi32>, vector<16xi32>, vector<16xi32>], vector<16xf32>,
        %mul3A_1340 = arith.mulf %gather3A_1082, %mul3A_1319 : vector<16xf32>
        %scatter3A_1341 = arith.constant 0 : i32
        %scatter3A_1342 = arith.constant 0 : i32
        %scatter3A_1343 = arith.constant 0 : i32
        %scatter3A_1344 = arith.constant 0 : i32
        %scatter3A_1345 = tpu.memref_slice %arg7[%scan3A_985, %scatter3A_1341, %scatter3A_1342, %scatter3A_1343, %scatter3A_1344] : memref<2x50x4x8x16xf32, #tpu.memory_space<vmem>> -> memref<1x50x4x8x16xf32, #tpu.memory_space<vmem>>
        %scatter3A_1346 = tpu.memref_squeeze %scatter3A_1345 : memref<1x50x4x8x16xf32, #tpu.memory_space<vmem>> -> memref<50x4x8x16xf32, #tpu.memory_space<vmem>>
        tpu.vector_store_idx %scatter3A_1346[%broadcast_in_dim3A, %shift_right_logical3A_204, %and3A_300, %iota3A], %mul3A_1340 : memref<50x4x8x16xf32, #tpu.memory_space<vmem>>[vector<16xi32>, vector<16xi32>, vector<16xi32>, vector<16xi32>], vector<16xf32>,
        %mul3A_1347 = arith.mulf %gather3A_1087, %mul3A_1319 : vector<16xf32>
        %scatter3A_1348 = arith.constant 0 : i32
        %scatter3A_1349 = arith.constant 0 : i32
        %scatter3A_1350 = arith.constant 0 : i32
        %scatter3A_1351 = arith.constant 0 : i32
        %scatter3A_1352 = tpu.memref_slice %arg7[%scan3A_985, %scatter3A_1348, %scatter3A_1349, %scatter3A_1350, %scatter3A_1351] : memref<2x50x4x8x16xf32, #tpu.memory_space<vmem>> -> memref<1x50x4x8x16xf32, #tpu.memory_space<vmem>>
        %scatter3A_1353 = tpu.memref_squeeze %scatter3A_1352 : memref<1x50x4x8x16xf32, #tpu.memory_space<vmem>> -> memref<50x4x8x16xf32, #tpu.memory_space<vmem>>
        tpu.vector_store_idx %scatter3A_1353[%broadcast_in_dim3A, %shift_right_logical3A_207, %and3A_303, %iota3A], %mul3A_1347 : memref<50x4x8x16xf32, #tpu.memory_space<vmem>>[vector<16xi32>, vector<16xi32>, vector<16xi32>, vector<16xi32>], vector<16xf32>,
        %mul3A_1354 = arith.mulf %gather3A_1092, %mul3A_1319 : vector<16xf32>
        %scatter3A_1355 = arith.constant 0 : i32
        %scatter3A_1356 = arith.constant 0 : i32
        %scatter3A_1357 = arith.constant 0 : i32
        %scatter3A_1358 = arith.constant 0 : i32
        %scatter3A_1359 = tpu.memref_slice %arg7[%scan3A_985, %scatter3A_1355, %scatter3A_1356, %scatter3A_1357, %scatter3A_1358] : memref<2x50x4x8x16xf32, #tpu.memory_space<vmem>> -> memref<1x50x4x8x16xf32, #tpu.memory_space<vmem>>
        %scatter3A_1360 = tpu.memref_squeeze %scatter3A_1359 : memref<1x50x4x8x16xf32, #tpu.memory_space<vmem>> -> memref<50x4x8x16xf32, #tpu.memory_space<vmem>>
        tpu.vector_store_idx %scatter3A_1360[%broadcast_in_dim3A, %shift_right_logical3A_210, %and3A_306, %iota3A], %mul3A_1354 : memref<50x4x8x16xf32, #tpu.memory_space<vmem>>[vector<16xi32>, vector<16xi32>, vector<16xi32>, vector<16xi32>], vector<16xf32>,
        %mul3A_1361 = arith.mulf %gather3A_1097, %mul3A_1319 : vector<16xf32>
        %scatter3A_1362 = arith.constant 0 : i32
        %scatter3A_1363 = arith.constant 0 : i32
        %scatter3A_1364 = arith.constant 0 : i32
        %scatter3A_1365 = arith.constant 0 : i32
        %scatter3A_1366 = tpu.memref_slice %arg7[%scan3A_985, %scatter3A_1362, %scatter3A_1363, %scatter3A_1364, %scatter3A_1365] : memref<2x50x4x8x16xf32, #tpu.memory_space<vmem>> -> memref<1x50x4x8x16xf32, #tpu.memory_space<vmem>>
        %scatter3A_1367 = tpu.memref_squeeze %scatter3A_1366 : memref<1x50x4x8x16xf32, #tpu.memory_space<vmem>> -> memref<50x4x8x16xf32, #tpu.memory_space<vmem>>
        tpu.vector_store_idx %scatter3A_1367[%broadcast_in_dim3A, %shift_right_logical3A_213, %and3A_309, %iota3A], %mul3A_1361 : memref<50x4x8x16xf32, #tpu.memory_space<vmem>>[vector<16xi32>, vector<16xi32>, vector<16xi32>, vector<16xi32>], vector<16xf32>,
        %mul3A_1368 = arith.mulf %gather3A_1102, %mul3A_1319 : vector<16xf32>
        %scatter3A_1369 = arith.constant 0 : i32
        %scatter3A_1370 = arith.constant 0 : i32
        %scatter3A_1371 = arith.constant 0 : i32
        %scatter3A_1372 = arith.constant 0 : i32
        %scatter3A_1373 = tpu.memref_slice %arg7[%scan3A_985, %scatter3A_1369, %scatter3A_1370, %scatter3A_1371, %scatter3A_1372] : memref<2x50x4x8x16xf32, #tpu.memory_space<vmem>> -> memref<1x50x4x8x16xf32, #tpu.memory_space<vmem>>
        %scatter3A_1374 = tpu.memref_squeeze %scatter3A_1373 : memref<1x50x4x8x16xf32, #tpu.memory_space<vmem>> -> memref<50x4x8x16xf32, #tpu.memory_space<vmem>>
        tpu.vector_store_idx %scatter3A_1374[%broadcast_in_dim3A, %shift_right_logical3A_216, %and3A_312, %iota3A], %mul3A_1368 : memref<50x4x8x16xf32, #tpu.memory_space<vmem>>[vector<16xi32>, vector<16xi32>, vector<16xi32>, vector<16xi32>], vector<16xf32>,
        %mul3A_1375 = arith.mulf %gather3A_1107, %mul3A_1319 : vector<16xf32>
        %scatter3A_1376 = arith.constant 0 : i32
        %scatter3A_1377 = arith.constant 0 : i32
        %scatter3A_1378 = arith.constant 0 : i32
        %scatter3A_1379 = arith.constant 0 : i32
        %scatter3A_1380 = tpu.memref_slice %arg7[%scan3A_985, %scatter3A_1376, %scatter3A_1377, %scatter3A_1378, %scatter3A_1379] : memref<2x50x4x8x16xf32, #tpu.memory_space<vmem>> -> memref<1x50x4x8x16xf32, #tpu.memory_space<vmem>>
        %scatter3A_1381 = tpu.memref_squeeze %scatter3A_1380 : memref<1x50x4x8x16xf32, #tpu.memory_space<vmem>> -> memref<50x4x8x16xf32, #tpu.memory_space<vmem>>
        tpu.vector_store_idx %scatter3A_1381[%broadcast_in_dim3A, %shift_right_logical3A_219, %and3A_315, %iota3A], %mul3A_1375 : memref<50x4x8x16xf32, #tpu.memory_space<vmem>>[vector<16xi32>, vector<16xi32>, vector<16xi32>, vector<16xi32>], vector<16xf32>,
        %mul3A_1382 = arith.mulf %gather3A_1112, %mul3A_1319 : vector<16xf32>
        %scatter3A_1383 = arith.constant 0 : i32
        %scatter3A_1384 = arith.constant 0 : i32
        %scatter3A_1385 = arith.constant 0 : i32
        %scatter3A_1386 = arith.constant 0 : i32
        %scatter3A_1387 = tpu.memref_slice %arg7[%scan3A_985, %scatter3A_1383, %scatter3A_1384, %scatter3A_1385, %scatter3A_1386] : memref<2x50x4x8x16xf32, #tpu.memory_space<vmem>> -> memref<1x50x4x8x16xf32, #tpu.memory_space<vmem>>
        %scatter3A_1388 = tpu.memref_squeeze %scatter3A_1387 : memref<1x50x4x8x16xf32, #tpu.memory_space<vmem>> -> memref<50x4x8x16xf32, #tpu.memory_space<vmem>>
        tpu.vector_store_idx %scatter3A_1388[%broadcast_in_dim3A, %shift_right_logical3A_222, %and3A_318, %iota3A], %mul3A_1382 : memref<50x4x8x16xf32, #tpu.memory_space<vmem>>[vector<16xi32>, vector<16xi32>, vector<16xi32>, vector<16xi32>], vector<16xf32>,
        %mul3A_1389 = arith.mulf %gather3A_1117, %mul3A_1319 : vector<16xf32>
        %scatter3A_1390 = arith.constant 0 : i32
        %scatter3A_1391 = arith.constant 0 : i32
        %scatter3A_1392 = arith.constant 0 : i32
        %scatter3A_1393 = arith.constant 0 : i32
        %scatter3A_1394 = tpu.memref_slice %arg7[%scan3A_985, %scatter3A_1390, %scatter3A_1391, %scatter3A_1392, %scatter3A_1393] : memref<2x50x4x8x16xf32, #tpu.memory_space<vmem>> -> memref<1x50x4x8x16xf32, #tpu.memory_space<vmem>>
        %scatter3A_1395 = tpu.memref_squeeze %scatter3A_1394 : memref<1x50x4x8x16xf32, #tpu.memory_space<vmem>> -> memref<50x4x8x16xf32, #tpu.memory_space<vmem>>
        tpu.vector_store_idx %scatter3A_1395[%broadcast_in_dim3A, %shift_right_logical3A_225, %and3A_321, %iota3A], %mul3A_1389 : memref<50x4x8x16xf32, #tpu.memory_space<vmem>>[vector<16xi32>, vector<16xi32>, vector<16xi32>, vector<16xi32>], vector<16xf32>,
        %mul3A_1396 = arith.mulf %gather3A_1122, %mul3A_1319 : vector<16xf32>
        %scatter3A_1397 = arith.constant 0 : i32
        %scatter3A_1398 = arith.constant 0 : i32
        %scatter3A_1399 = arith.constant 0 : i32
        %scatter3A_1400 = arith.constant 0 : i32
        %scatter3A_1401 = tpu.memref_slice %arg7[%scan3A_985, %scatter3A_1397, %scatter3A_1398, %scatter3A_1399, %scatter3A_1400] : memref<2x50x4x8x16xf32, #tpu.memory_space<vmem>> -> memref<1x50x4x8x16xf32, #tpu.memory_space<vmem>>
        %scatter3A_1402 = tpu.memref_squeeze %scatter3A_1401 : memref<1x50x4x8x16xf32, #tpu.memory_space<vmem>> -> memref<50x4x8x16xf32, #tpu.memory_space<vmem>>
        tpu.vector_store_idx %scatter3A_1402[%broadcast_in_dim3A, %shift_right_logical3A_228, %and3A_324, %iota3A], %mul3A_1396 : memref<50x4x8x16xf32, #tpu.memory_space<vmem>>[vector<16xi32>, vector<16xi32>, vector<16xi32>, vector<16xi32>], vector<16xf32>,
        %mul3A_1403 = arith.mulf %gather3A_1127, %mul3A_1319 : vector<16xf32>
        %scatter3A_1404 = arith.constant 0 : i32
        %scatter3A_1405 = arith.constant 0 : i32
        %scatter3A_1406 = arith.constant 0 : i32
        %scatter3A_1407 = arith.constant 0 : i32
        %scatter3A_1408 = tpu.memref_slice %arg7[%scan3A_985, %scatter3A_1404, %scatter3A_1405, %scatter3A_1406, %scatter3A_1407] : memref<2x50x4x8x16xf32, #tpu.memory_space<vmem>> -> memref<1x50x4x8x16xf32, #tpu.memory_space<vmem>>
        %scatter3A_1409 = tpu.memref_squeeze %scatter3A_1408 : memref<1x50x4x8x16xf32, #tpu.memory_space<vmem>> -> memref<50x4x8x16xf32, #tpu.memory_space<vmem>>
        tpu.vector_store_idx %scatter3A_1409[%broadcast_in_dim3A, %shift_right_logical3A_231, %and3A_327, %iota3A], %mul3A_1403 : memref<50x4x8x16xf32, #tpu.memory_space<vmem>>[vector<16xi32>, vector<16xi32>, vector<16xi32>, vector<16xi32>], vector<16xf32>,
        %mul3A_1410 = arith.mulf %gather3A_1132, %mul3A_1319 : vector<16xf32>
        %scatter3A_1411 = arith.constant 0 : i32
        %scatter3A_1412 = arith.constant 0 : i32
        %scatter3A_1413 = arith.constant 0 : i32
        %scatter3A_1414 = arith.constant 0 : i32
        %scatter3A_1415 = tpu.memref_slice %arg7[%scan3A_985, %scatter3A_1411, %scatter3A_1412, %scatter3A_1413, %scatter3A_1414] : memref<2x50x4x8x16xf32, #tpu.memory_space<vmem>> -> memref<1x50x4x8x16xf32, #tpu.memory_space<vmem>>
        %scatter3A_1416 = tpu.memref_squeeze %scatter3A_1415 : memref<1x50x4x8x16xf32, #tpu.memory_space<vmem>> -> memref<50x4x8x16xf32, #tpu.memory_space<vmem>>
        tpu.vector_store_idx %scatter3A_1416[%broadcast_in_dim3A, %shift_right_logical3A_234, %and3A_330, %iota3A], %mul3A_1410 : memref<50x4x8x16xf32, #tpu.memory_space<vmem>>[vector<16xi32>, vector<16xi32>, vector<16xi32>, vector<16xi32>], vector<16xf32>,
        %mul3A_1417 = arith.mulf %gather3A_1137, %mul3A_1319 : vector<16xf32>
        %scatter3A_1418 = arith.constant 0 : i32
        %scatter3A_1419 = arith.constant 0 : i32
        %scatter3A_1420 = arith.constant 0 : i32
        %scatter3A_1421 = arith.constant 0 : i32
        %scatter3A_1422 = tpu.memref_slice %arg7[%scan3A_985, %scatter3A_1418, %scatter3A_1419, %scatter3A_1420, %scatter3A_1421] : memref<2x50x4x8x16xf32, #tpu.memory_space<vmem>> -> memref<1x50x4x8x16xf32, #tpu.memory_space<vmem>>
        %scatter3A_1423 = tpu.memref_squeeze %scatter3A_1422 : memref<1x50x4x8x16xf32, #tpu.memory_space<vmem>> -> memref<50x4x8x16xf32, #tpu.memory_space<vmem>>
        tpu.vector_store_idx %scatter3A_1423[%broadcast_in_dim3A, %shift_right_logical3A_237, %and3A_333, %iota3A], %mul3A_1417 : memref<50x4x8x16xf32, #tpu.memory_space<vmem>>[vector<16xi32>, vector<16xi32>, vector<16xi32>, vector<16xi32>], vector<16xf32>,
        %mul3A_1424 = arith.mulf %gather3A_1142, %mul3A_1319 : vector<16xf32>
        %scatter3A_1425 = arith.constant 0 : i32
        %scatter3A_1426 = arith.constant 0 : i32
        %scatter3A_1427 = arith.constant 0 : i32
        %scatter3A_1428 = arith.constant 0 : i32
        %scatter3A_1429 = tpu.memref_slice %arg7[%scan3A_985, %scatter3A_1425, %scatter3A_1426, %scatter3A_1427, %scatter3A_1428] : memref<2x50x4x8x16xf32, #tpu.memory_space<vmem>> -> memref<1x50x4x8x16xf32, #tpu.memory_space<vmem>>
        %scatter3A_1430 = tpu.memref_squeeze %scatter3A_1429 : memref<1x50x4x8x16xf32, #tpu.memory_space<vmem>> -> memref<50x4x8x16xf32, #tpu.memory_space<vmem>>
        tpu.vector_store_idx %scatter3A_1430[%broadcast_in_dim3A, %shift_right_logical3A_240, %and3A_336, %iota3A], %mul3A_1424 : memref<50x4x8x16xf32, #tpu.memory_space<vmem>>[vector<16xi32>, vector<16xi32>, vector<16xi32>, vector<16xi32>], vector<16xf32>,
        %mul3A_1431 = arith.mulf %gather3A_1147, %mul3A_1319 : vector<16xf32>
        %scatter3A_1432 = arith.constant 0 : i32
        %scatter3A_1433 = arith.constant 0 : i32
        %scatter3A_1434 = arith.constant 0 : i32
        %scatter3A_1435 = arith.constant 0 : i32
        %scatter3A_1436 = tpu.memref_slice %arg7[%scan3A_985, %scatter3A_1432, %scatter3A_1433, %scatter3A_1434, %scatter3A_1435] : memref<2x50x4x8x16xf32, #tpu.memory_space<vmem>> -> memref<1x50x4x8x16xf32, #tpu.memory_space<vmem>>
        %scatter3A_1437 = tpu.memref_squeeze %scatter3A_1436 : memref<1x50x4x8x16xf32, #tpu.memory_space<vmem>> -> memref<50x4x8x16xf32, #tpu.memory_space<vmem>>
        tpu.vector_store_idx %scatter3A_1437[%broadcast_in_dim3A, %shift_right_logical3A_243, %and3A_339, %iota3A], %mul3A_1431 : memref<50x4x8x16xf32, #tpu.memory_space<vmem>>[vector<16xi32>, vector<16xi32>, vector<16xi32>, vector<16xi32>], vector<16xf32>,
        %mul3A_1438 = arith.mulf %gather3A_1152, %mul3A_1319 : vector<16xf32>
        %scatter3A_1439 = arith.constant 0 : i32
        %scatter3A_1440 = arith.constant 0 : i32
        %scatter3A_1441 = arith.constant 0 : i32
        %scatter3A_1442 = arith.constant 0 : i32
        %scatter3A_1443 = tpu.memref_slice %arg7[%scan3A_985, %scatter3A_1439, %scatter3A_1440, %scatter3A_1441, %scatter3A_1442] : memref<2x50x4x8x16xf32, #tpu.memory_space<vmem>> -> memref<1x50x4x8x16xf32, #tpu.memory_space<vmem>>
        %scatter3A_1444 = tpu.memref_squeeze %scatter3A_1443 : memref<1x50x4x8x16xf32, #tpu.memory_space<vmem>> -> memref<50x4x8x16xf32, #tpu.memory_space<vmem>>
        tpu.vector_store_idx %scatter3A_1444[%broadcast_in_dim3A, %shift_right_logical3A_246, %and3A_342, %iota3A], %mul3A_1438 : memref<50x4x8x16xf32, #tpu.memory_space<vmem>>[vector<16xi32>, vector<16xi32>, vector<16xi32>, vector<16xi32>], vector<16xf32>,
        %mul3A_1445 = arith.mulf %gather3A_1157, %mul3A_1319 : vector<16xf32>
        %scatter3A_1446 = arith.constant 0 : i32
        %scatter3A_1447 = arith.constant 0 : i32
        %scatter3A_1448 = arith.constant 0 : i32
        %scatter3A_1449 = arith.constant 0 : i32
        %scatter3A_1450 = tpu.memref_slice %arg7[%scan3A_985, %scatter3A_1446, %scatter3A_1447, %scatter3A_1448, %scatter3A_1449] : memref<2x50x4x8x16xf32, #tpu.memory_space<vmem>> -> memref<1x50x4x8x16xf32, #tpu.memory_space<vmem>>
        %scatter3A_1451 = tpu.memref_squeeze %scatter3A_1450 : memref<1x50x4x8x16xf32, #tpu.memory_space<vmem>> -> memref<50x4x8x16xf32, #tpu.memory_space<vmem>>
        tpu.vector_store_idx %scatter3A_1451[%broadcast_in_dim3A, %shift_right_logical3A_249, %and3A_345, %iota3A], %mul3A_1445 : memref<50x4x8x16xf32, #tpu.memory_space<vmem>>[vector<16xi32>, vector<16xi32>, vector<16xi32>, vector<16xi32>], vector<16xf32>,
        %mul3A_1452 = arith.mulf %gather3A_1162, %mul3A_1319 : vector<16xf32>
        %scatter3A_1453 = arith.constant 0 : i32
        %scatter3A_1454 = arith.constant 0 : i32
        %scatter3A_1455 = arith.constant 0 : i32
        %scatter3A_1456 = arith.constant 0 : i32
        %scatter3A_1457 = tpu.memref_slice %arg7[%scan3A_985, %scatter3A_1453, %scatter3A_1454, %scatter3A_1455, %scatter3A_1456] : memref<2x50x4x8x16xf32, #tpu.memory_space<vmem>> -> memref<1x50x4x8x16xf32, #tpu.memory_space<vmem>>
        %scatter3A_1458 = tpu.memref_squeeze %scatter3A_1457 : memref<1x50x4x8x16xf32, #tpu.memory_space<vmem>> -> memref<50x4x8x16xf32, #tpu.memory_space<vmem>>
        tpu.vector_store_idx %scatter3A_1458[%broadcast_in_dim3A, %shift_right_logical3A_252, %and3A_348, %iota3A], %mul3A_1452 : memref<50x4x8x16xf32, #tpu.memory_space<vmem>>[vector<16xi32>, vector<16xi32>, vector<16xi32>, vector<16xi32>], vector<16xf32>,
        %mul3A_1459 = arith.mulf %gather3A_1167, %mul3A_1319 : vector<16xf32>
        %scatter3A_1460 = arith.constant 0 : i32
        %scatter3A_1461 = arith.constant 0 : i32
        %scatter3A_1462 = arith.constant 0 : i32
        %scatter3A_1463 = arith.constant 0 : i32
        %scatter3A_1464 = tpu.memref_slice %arg7[%scan3A_985, %scatter3A_1460, %scatter3A_1461, %scatter3A_1462, %scatter3A_1463] : memref<2x50x4x8x16xf32, #tpu.memory_space<vmem>> -> memref<1x50x4x8x16xf32, #tpu.memory_space<vmem>>
        %scatter3A_1465 = tpu.memref_squeeze %scatter3A_1464 : memref<1x50x4x8x16xf32, #tpu.memory_space<vmem>> -> memref<50x4x8x16xf32, #tpu.memory_space<vmem>>
        tpu.vector_store_idx %scatter3A_1465[%broadcast_in_dim3A, %shift_right_logical3A_255, %and3A_351, %iota3A], %mul3A_1459 : memref<50x4x8x16xf32, #tpu.memory_space<vmem>>[vector<16xi32>, vector<16xi32>, vector<16xi32>, vector<16xi32>], vector<16xf32>,
        %mul3A_1466 = arith.mulf %gather3A_1172, %mul3A_1319 : vector<16xf32>
        %scatter3A_1467 = arith.constant 0 : i32
        %scatter3A_1468 = arith.constant 0 : i32
        %scatter3A_1469 = arith.constant 0 : i32
        %scatter3A_1470 = arith.constant 0 : i32
        %scatter3A_1471 = tpu.memref_slice %arg7[%scan3A_985, %scatter3A_1467, %scatter3A_1468, %scatter3A_1469, %scatter3A_1470] : memref<2x50x4x8x16xf32, #tpu.memory_space<vmem>> -> memref<1x50x4x8x16xf32, #tpu.memory_space<vmem>>
        %scatter3A_1472 = tpu.memref_squeeze %scatter3A_1471 : memref<1x50x4x8x16xf32, #tpu.memory_space<vmem>> -> memref<50x4x8x16xf32, #tpu.memory_space<vmem>>
        tpu.vector_store_idx %scatter3A_1472[%broadcast_in_dim3A, %shift_right_logical3A_258, %and3A_354, %iota3A], %mul3A_1466 : memref<50x4x8x16xf32, #tpu.memory_space<vmem>>[vector<16xi32>, vector<16xi32>, vector<16xi32>, vector<16xi32>], vector<16xf32>,
        %mul3A_1473 = arith.mulf %gather3A_1177, %mul3A_1319 : vector<16xf32>
        %scatter3A_1474 = arith.constant 0 : i32
        %scatter3A_1475 = arith.constant 0 : i32
        %scatter3A_1476 = arith.constant 0 : i32
        %scatter3A_1477 = arith.constant 0 : i32
        %scatter3A_1478 = tpu.memref_slice %arg7[%scan3A_985, %scatter3A_1474, %scatter3A_1475, %scatter3A_1476, %scatter3A_1477] : memref<2x50x4x8x16xf32, #tpu.memory_space<vmem>> -> memref<1x50x4x8x16xf32, #tpu.memory_space<vmem>>
        %scatter3A_1479 = tpu.memref_squeeze %scatter3A_1478 : memref<1x50x4x8x16xf32, #tpu.memory_space<vmem>> -> memref<50x4x8x16xf32, #tpu.memory_space<vmem>>
        tpu.vector_store_idx %scatter3A_1479[%broadcast_in_dim3A, %shift_right_logical3A_261, %and3A_357, %iota3A], %mul3A_1473 : memref<50x4x8x16xf32, #tpu.memory_space<vmem>>[vector<16xi32>, vector<16xi32>, vector<16xi32>, vector<16xi32>], vector<16xf32>,
        %mul3A_1480 = arith.mulf %gather3A_1182, %mul3A_1319 : vector<16xf32>
        %scatter3A_1481 = arith.constant 0 : i32
        %scatter3A_1482 = arith.constant 0 : i32
        %scatter3A_1483 = arith.constant 0 : i32
        %scatter3A_1484 = arith.constant 0 : i32
        %scatter3A_1485 = tpu.memref_slice %arg7[%scan3A_985, %scatter3A_1481, %scatter3A_1482, %scatter3A_1483, %scatter3A_1484] : memref<2x50x4x8x16xf32, #tpu.memory_space<vmem>> -> memref<1x50x4x8x16xf32, #tpu.memory_space<vmem>>
        %scatter3A_1486 = tpu.memref_squeeze %scatter3A_1485 : memref<1x50x4x8x16xf32, #tpu.memory_space<vmem>> -> memref<50x4x8x16xf32, #tpu.memory_space<vmem>>
        tpu.vector_store_idx %scatter3A_1486[%broadcast_in_dim3A, %shift_right_logical3A_264, %and3A_360, %iota3A], %mul3A_1480 : memref<50x4x8x16xf32, #tpu.memory_space<vmem>>[vector<16xi32>, vector<16xi32>, vector<16xi32>, vector<16xi32>], vector<16xf32>,
        %mul3A_1487 = arith.mulf %gather3A_1187, %mul3A_1319 : vector<16xf32>
        %scatter3A_1488 = arith.constant 0 : i32
        %scatter3A_1489 = arith.constant 0 : i32
        %scatter3A_1490 = arith.constant 0 : i32
        %scatter3A_1491 = arith.constant 0 : i32
        %scatter3A_1492 = tpu.memref_slice %arg7[%scan3A_985, %scatter3A_1488, %scatter3A_1489, %scatter3A_1490, %scatter3A_1491] : memref<2x50x4x8x16xf32, #tpu.memory_space<vmem>> -> memref<1x50x4x8x16xf32, #tpu.memory_space<vmem>>
        %scatter3A_1493 = tpu.memref_squeeze %scatter3A_1492 : memref<1x50x4x8x16xf32, #tpu.memory_space<vmem>> -> memref<50x4x8x16xf32, #tpu.memory_space<vmem>>
        tpu.vector_store_idx %scatter3A_1493[%broadcast_in_dim3A, %shift_right_logical3A_267, %and3A_363, %iota3A], %mul3A_1487 : memref<50x4x8x16xf32, #tpu.memory_space<vmem>>[vector<16xi32>, vector<16xi32>, vector<16xi32>, vector<16xi32>], vector<16xf32>,
        %mul3A_1494 = arith.mulf %gather3A_1192, %mul3A_1319 : vector<16xf32>
        %scatter3A_1495 = arith.constant 0 : i32
        %scatter3A_1496 = arith.constant 0 : i32
        %scatter3A_1497 = arith.constant 0 : i32
        %scatter3A_1498 = arith.constant 0 : i32
        %scatter3A_1499 = tpu.memref_slice %arg7[%scan3A_985, %scatter3A_1495, %scatter3A_1496, %scatter3A_1497, %scatter3A_1498] : memref<2x50x4x8x16xf32, #tpu.memory_space<vmem>> -> memref<1x50x4x8x16xf32, #tpu.memory_space<vmem>>
        %scatter3A_1500 = tpu.memref_squeeze %scatter3A_1499 : memref<1x50x4x8x16xf32, #tpu.memory_space<vmem>> -> memref<50x4x8x16xf32, #tpu.memory_space<vmem>>
        tpu.vector_store_idx %scatter3A_1500[%broadcast_in_dim3A, %shift_right_logical3A_270, %and3A_366, %iota3A], %mul3A_1494 : memref<50x4x8x16xf32, #tpu.memory_space<vmem>>[vector<16xi32>, vector<16xi32>, vector<16xi32>, vector<16xi32>], vector<16xf32>,
        %mul3A_1501 = arith.mulf %gather3A_1197, %mul3A_1319 : vector<16xf32>
        %scatter3A_1502 = arith.constant 0 : i32
        %scatter3A_1503 = arith.constant 0 : i32
        %scatter3A_1504 = arith.constant 0 : i32
        %scatter3A_1505 = arith.constant 0 : i32
        %scatter3A_1506 = tpu.memref_slice %arg7[%scan3A_985, %scatter3A_1502, %scatter3A_1503, %scatter3A_1504, %scatter3A_1505] : memref<2x50x4x8x16xf32, #tpu.memory_space<vmem>> -> memref<1x50x4x8x16xf32, #tpu.memory_space<vmem>>
        %scatter3A_1507 = tpu.memref_squeeze %scatter3A_1506 : memref<1x50x4x8x16xf32, #tpu.memory_space<vmem>> -> memref<50x4x8x16xf32, #tpu.memory_space<vmem>>
        tpu.vector_store_idx %scatter3A_1507[%broadcast_in_dim3A, %shift_right_logical3A_273, %and3A_369, %iota3A], %mul3A_1501 : memref<50x4x8x16xf32, #tpu.memory_space<vmem>>[vector<16xi32>, vector<16xi32>, vector<16xi32>, vector<16xi32>], vector<16xf32>,
        %mul3A_1508 = arith.mulf %gather3A_1202, %mul3A_1319 : vector<16xf32>
        %scatter3A_1509 = arith.constant 0 : i32
        %scatter3A_1510 = arith.constant 0 : i32
        %scatter3A_1511 = arith.constant 0 : i32
        %scatter3A_1512 = arith.constant 0 : i32
        %scatter3A_1513 = tpu.memref_slice %arg7[%scan3A_985, %scatter3A_1509, %scatter3A_1510, %scatter3A_1511, %scatter3A_1512] : memref<2x50x4x8x16xf32, #tpu.memory_space<vmem>> -> memref<1x50x4x8x16xf32, #tpu.memory_space<vmem>>
        %scatter3A_1514 = tpu.memref_squeeze %scatter3A_1513 : memref<1x50x4x8x16xf32, #tpu.memory_space<vmem>> -> memref<50x4x8x16xf32, #tpu.memory_space<vmem>>
        tpu.vector_store_idx %scatter3A_1514[%broadcast_in_dim3A, %shift_right_logical3A_276, %and3A_372, %iota3A], %mul3A_1508 : memref<50x4x8x16xf32, #tpu.memory_space<vmem>>[vector<16xi32>, vector<16xi32>, vector<16xi32>, vector<16xi32>], vector<16xf32>,
        %mul3A_1515 = arith.mulf %gather3A_1207, %mul3A_1319 : vector<16xf32>
        %scatter3A_1516 = arith.constant 0 : i32
        %scatter3A_1517 = arith.constant 0 : i32
        %scatter3A_1518 = arith.constant 0 : i32
        %scatter3A_1519 = arith.constant 0 : i32
        %scatter3A_1520 = tpu.memref_slice %arg7[%scan3A_985, %scatter3A_1516, %scatter3A_1517, %scatter3A_1518, %scatter3A_1519] : memref<2x50x4x8x16xf32, #tpu.memory_space<vmem>> -> memref<1x50x4x8x16xf32, #tpu.memory_space<vmem>>
        %scatter3A_1521 = tpu.memref_squeeze %scatter3A_1520 : memref<1x50x4x8x16xf32, #tpu.memory_space<vmem>> -> memref<50x4x8x16xf32, #tpu.memory_space<vmem>>
        tpu.vector_store_idx %scatter3A_1521[%broadcast_in_dim3A, %shift_right_logical3A_279, %and3A_375, %iota3A], %mul3A_1515 : memref<50x4x8x16xf32, #tpu.memory_space<vmem>>[vector<16xi32>, vector<16xi32>, vector<16xi32>, vector<16xi32>], vector<16xf32>,
        %mul3A_1522 = arith.mulf %gather3A_1212, %mul3A_1319 : vector<16xf32>
        %scatter3A_1523 = arith.constant 0 : i32
        %scatter3A_1524 = arith.constant 0 : i32
        %scatter3A_1525 = arith.constant 0 : i32
        %scatter3A_1526 = arith.constant 0 : i32
        %scatter3A_1527 = tpu.memref_slice %arg7[%scan3A_985, %scatter3A_1523, %scatter3A_1524, %scatter3A_1525, %scatter3A_1526] : memref<2x50x4x8x16xf32, #tpu.memory_space<vmem>> -> memref<1x50x4x8x16xf32, #tpu.memory_space<vmem>>
        %scatter3A_1528 = tpu.memref_squeeze %scatter3A_1527 : memref<1x50x4x8x16xf32, #tpu.memory_space<vmem>> -> memref<50x4x8x16xf32, #tpu.memory_space<vmem>>
        tpu.vector_store_idx %scatter3A_1528[%broadcast_in_dim3A, %shift_right_logical3A_282, %and3A_378, %iota3A], %mul3A_1522 : memref<50x4x8x16xf32, #tpu.memory_space<vmem>>[vector<16xi32>, vector<16xi32>, vector<16xi32>, vector<16xi32>], vector<16xf32>,
        %mul3A_1529 = arith.mulf %gather3A_1217, %mul3A_1319 : vector<16xf32>
        %scatter3A_1530 = arith.constant 0 : i32
        %scatter3A_1531 = arith.constant 0 : i32
        %scatter3A_1532 = arith.constant 0 : i32
        %scatter3A_1533 = arith.constant 0 : i32
        %scatter3A_1534 = tpu.memref_slice %arg7[%scan3A_985, %scatter3A_1530, %scatter3A_1531, %scatter3A_1532, %scatter3A_1533] : memref<2x50x4x8x16xf32, #tpu.memory_space<vmem>> -> memref<1x50x4x8x16xf32, #tpu.memory_space<vmem>>
        %scatter3A_1535 = tpu.memref_squeeze %scatter3A_1534 : memref<1x50x4x8x16xf32, #tpu.memory_space<vmem>> -> memref<50x4x8x16xf32, #tpu.memory_space<vmem>>
        tpu.vector_store_idx %scatter3A_1535[%broadcast_in_dim3A, %shift_right_logical3A_285, %and3A_381, %iota3A], %mul3A_1529 : memref<50x4x8x16xf32, #tpu.memory_space<vmem>>[vector<16xi32>, vector<16xi32>, vector<16xi32>, vector<16xi32>], vector<16xf32>,
        %mul3A_1536 = arith.mulf %gather3A_1222, %mul3A_1319 : vector<16xf32>
        %scatter3A_1537 = arith.constant 0 : i32
        %scatter3A_1538 = arith.constant 0 : i32
        %scatter3A_1539 = arith.constant 0 : i32
        %scatter3A_1540 = arith.constant 0 : i32
        %scatter3A_1541 = tpu.memref_slice %arg7[%scan3A_985, %scatter3A_1537, %scatter3A_1538, %scatter3A_1539, %scatter3A_1540] : memref<2x50x4x8x16xf32, #tpu.memory_space<vmem>> -> memref<1x50x4x8x16xf32, #tpu.memory_space<vmem>>
        %scatter3A_1542 = tpu.memref_squeeze %scatter3A_1541 : memref<1x50x4x8x16xf32, #tpu.memory_space<vmem>> -> memref<50x4x8x16xf32, #tpu.memory_space<vmem>>
        tpu.vector_store_idx %scatter3A_1542[%broadcast_in_dim3A, %shift_right_logical3A_288, %and3A_384, %iota3A], %mul3A_1536 : memref<50x4x8x16xf32, #tpu.memory_space<vmem>>[vector<16xi32>, vector<16xi32>, vector<16xi32>, vector<16xi32>], vector<16xf32>,
        %mul3A_1543 = arith.constant 2 : i32
        %mul3A_1544 = arith.muli %scan3A_1057, %mul3A_1543 : i32
        %add3A_1545 = arith.constant 1 : i32
        %add3A_1546 = arith.addi %mul3A_1544, %add3A_1545 : i32
        %add3A_1547 = vector.broadcast %add3A_1546 : i32 to vector<16xi32>
        %add3A_1548 = arith.addi %mul3A_982, %add3A_1547 : vector<16xi32>
        %broadcast_in_dim3A_1549 = vector.broadcast %add3A_1546 : i32 to vector<16xi32>
        %gather3A_1550 = arith.constant 0 : i32
        %gather3A_1551 = arith.constant 0 : i32
        %gather3A_1552 = tpu.memref_slice %arg6[%scan3A_984, %gather3A_1550, %gather3A_1551] : memref<2x800x32xf32, #tpu.memory_space<vmem>> -> memref<1x800x32xf32, #tpu.memory_space<vmem>>
        %gather3A_1553 = tpu.memref_squeeze %gather3A_1552 : memref<1x800x32xf32, #tpu.memory_space<vmem>> -> memref<800x32xf32, #tpu.memory_space<vmem>>
        %gather3A_1554 = tpu.vector_load_idx %gather3A_1553[%add3A_1548, %and3A_7] : memref<800x32xf32, #tpu.memory_space<vmem>>[vector<16xi32>, vector<16xi32>], vector<16xf32>,
        %gather3A_1555 = arith.constant 0 : i32
        %gather3A_1556 = arith.constant 0 : i32
        %gather3A_1557 = tpu.memref_slice %arg6[%scan3A_984, %gather3A_1555, %gather3A_1556] : memref<2x800x32xf32, #tpu.memory_space<vmem>> -> memref<1x800x32xf32, #tpu.memory_space<vmem>>
        %gather3A_1558 = tpu.memref_squeeze %gather3A_1557 : memref<1x800x32xf32, #tpu.memory_space<vmem>> -> memref<800x32xf32, #tpu.memory_space<vmem>>
        %gather3A_1559 = tpu.vector_load_idx %gather3A_1558[%add3A_1548, %and3A_13] : memref<800x32xf32, #tpu.memory_space<vmem>>[vector<16xi32>, vector<16xi32>], vector<16xf32>,
        %gather3A_1560 = arith.constant 0 : i32
        %gather3A_1561 = arith.constant 0 : i32
        %gather3A_1562 = tpu.memref_slice %arg6[%scan3A_984, %gather3A_1560, %gather3A_1561] : memref<2x800x32xf32, #tpu.memory_space<vmem>> -> memref<1x800x32xf32, #tpu.memory_space<vmem>>
        %gather3A_1563 = tpu.memref_squeeze %gather3A_1562 : memref<1x800x32xf32, #tpu.memory_space<vmem>> -> memref<800x32xf32, #tpu.memory_space<vmem>>
        %gather3A_1564 = tpu.vector_load_idx %gather3A_1563[%add3A_1548, %and3A_19] : memref<800x32xf32, #tpu.memory_space<vmem>>[vector<16xi32>, vector<16xi32>], vector<16xf32>,
        %gather3A_1565 = arith.constant 0 : i32
        %gather3A_1566 = arith.constant 0 : i32
        %gather3A_1567 = tpu.memref_slice %arg6[%scan3A_984, %gather3A_1565, %gather3A_1566] : memref<2x800x32xf32, #tpu.memory_space<vmem>> -> memref<1x800x32xf32, #tpu.memory_space<vmem>>
        %gather3A_1568 = tpu.memref_squeeze %gather3A_1567 : memref<1x800x32xf32, #tpu.memory_space<vmem>> -> memref<800x32xf32, #tpu.memory_space<vmem>>
        %gather3A_1569 = tpu.vector_load_idx %gather3A_1568[%add3A_1548, %and3A_25] : memref<800x32xf32, #tpu.memory_space<vmem>>[vector<16xi32>, vector<16xi32>], vector<16xf32>,
        %gather3A_1570 = arith.constant 0 : i32
        %gather3A_1571 = arith.constant 0 : i32
        %gather3A_1572 = tpu.memref_slice %arg6[%scan3A_984, %gather3A_1570, %gather3A_1571] : memref<2x800x32xf32, #tpu.memory_space<vmem>> -> memref<1x800x32xf32, #tpu.memory_space<vmem>>
        %gather3A_1573 = tpu.memref_squeeze %gather3A_1572 : memref<1x800x32xf32, #tpu.memory_space<vmem>> -> memref<800x32xf32, #tpu.memory_space<vmem>>
        %gather3A_1574 = tpu.vector_load_idx %gather3A_1573[%add3A_1548, %and3A_31] : memref<800x32xf32, #tpu.memory_space<vmem>>[vector<16xi32>, vector<16xi32>], vector<16xf32>,
        %gather3A_1575 = arith.constant 0 : i32
        %gather3A_1576 = arith.constant 0 : i32
        %gather3A_1577 = tpu.memref_slice %arg6[%scan3A_984, %gather3A_1575, %gather3A_1576] : memref<2x800x32xf32, #tpu.memory_space<vmem>> -> memref<1x800x32xf32, #tpu.memory_space<vmem>>
        %gather3A_1578 = tpu.memref_squeeze %gather3A_1577 : memref<1x800x32xf32, #tpu.memory_space<vmem>> -> memref<800x32xf32, #tpu.memory_space<vmem>>
        %gather3A_1579 = tpu.vector_load_idx %gather3A_1578[%add3A_1548, %and3A_37] : memref<800x32xf32, #tpu.memory_space<vmem>>[vector<16xi32>, vector<16xi32>], vector<16xf32>,
        %gather3A_1580 = arith.constant 0 : i32
        %gather3A_1581 = arith.constant 0 : i32
        %gather3A_1582 = tpu.memref_slice %arg6[%scan3A_984, %gather3A_1580, %gather3A_1581] : memref<2x800x32xf32, #tpu.memory_space<vmem>> -> memref<1x800x32xf32, #tpu.memory_space<vmem>>
        %gather3A_1583 = tpu.memref_squeeze %gather3A_1582 : memref<1x800x32xf32, #tpu.memory_space<vmem>> -> memref<800x32xf32, #tpu.memory_space<vmem>>
        %gather3A_1584 = tpu.vector_load_idx %gather3A_1583[%add3A_1548, %and3A_43] : memref<800x32xf32, #tpu.memory_space<vmem>>[vector<16xi32>, vector<16xi32>], vector<16xf32>,
        %gather3A_1585 = arith.constant 0 : i32
        %gather3A_1586 = arith.constant 0 : i32
        %gather3A_1587 = tpu.memref_slice %arg6[%scan3A_984, %gather3A_1585, %gather3A_1586] : memref<2x800x32xf32, #tpu.memory_space<vmem>> -> memref<1x800x32xf32, #tpu.memory_space<vmem>>
        %gather3A_1588 = tpu.memref_squeeze %gather3A_1587 : memref<1x800x32xf32, #tpu.memory_space<vmem>> -> memref<800x32xf32, #tpu.memory_space<vmem>>
        %gather3A_1589 = tpu.vector_load_idx %gather3A_1588[%add3A_1548, %and3A_49] : memref<800x32xf32, #tpu.memory_space<vmem>>[vector<16xi32>, vector<16xi32>], vector<16xf32>,
        %gather3A_1590 = arith.constant 0 : i32
        %gather3A_1591 = arith.constant 0 : i32
        %gather3A_1592 = tpu.memref_slice %arg6[%scan3A_984, %gather3A_1590, %gather3A_1591] : memref<2x800x32xf32, #tpu.memory_space<vmem>> -> memref<1x800x32xf32, #tpu.memory_space<vmem>>
        %gather3A_1593 = tpu.memref_squeeze %gather3A_1592 : memref<1x800x32xf32, #tpu.memory_space<vmem>> -> memref<800x32xf32, #tpu.memory_space<vmem>>
        %gather3A_1594 = tpu.vector_load_idx %gather3A_1593[%add3A_1548, %and3A_55] : memref<800x32xf32, #tpu.memory_space<vmem>>[vector<16xi32>, vector<16xi32>], vector<16xf32>,
        %gather3A_1595 = arith.constant 0 : i32
        %gather3A_1596 = arith.constant 0 : i32
        %gather3A_1597 = tpu.memref_slice %arg6[%scan3A_984, %gather3A_1595, %gather3A_1596] : memref<2x800x32xf32, #tpu.memory_space<vmem>> -> memref<1x800x32xf32, #tpu.memory_space<vmem>>
        %gather3A_1598 = tpu.memref_squeeze %gather3A_1597 : memref<1x800x32xf32, #tpu.memory_space<vmem>> -> memref<800x32xf32, #tpu.memory_space<vmem>>
        %gather3A_1599 = tpu.vector_load_idx %gather3A_1598[%add3A_1548, %and3A_61] : memref<800x32xf32, #tpu.memory_space<vmem>>[vector<16xi32>, vector<16xi32>], vector<16xf32>,
        %gather3A_1600 = arith.constant 0 : i32
        %gather3A_1601 = arith.constant 0 : i32
        %gather3A_1602 = tpu.memref_slice %arg6[%scan3A_984, %gather3A_1600, %gather3A_1601] : memref<2x800x32xf32, #tpu.memory_space<vmem>> -> memref<1x800x32xf32, #tpu.memory_space<vmem>>
        %gather3A_1603 = tpu.memref_squeeze %gather3A_1602 : memref<1x800x32xf32, #tpu.memory_space<vmem>> -> memref<800x32xf32, #tpu.memory_space<vmem>>
        %gather3A_1604 = tpu.vector_load_idx %gather3A_1603[%add3A_1548, %and3A_67] : memref<800x32xf32, #tpu.memory_space<vmem>>[vector<16xi32>, vector<16xi32>], vector<16xf32>,
        %gather3A_1605 = arith.constant 0 : i32
        %gather3A_1606 = arith.constant 0 : i32
        %gather3A_1607 = tpu.memref_slice %arg6[%scan3A_984, %gather3A_1605, %gather3A_1606] : memref<2x800x32xf32, #tpu.memory_space<vmem>> -> memref<1x800x32xf32, #tpu.memory_space<vmem>>
        %gather3A_1608 = tpu.memref_squeeze %gather3A_1607 : memref<1x800x32xf32, #tpu.memory_space<vmem>> -> memref<800x32xf32, #tpu.memory_space<vmem>>
        %gather3A_1609 = tpu.vector_load_idx %gather3A_1608[%add3A_1548, %and3A_73] : memref<800x32xf32, #tpu.memory_space<vmem>>[vector<16xi32>, vector<16xi32>], vector<16xf32>,
        %gather3A_1610 = arith.constant 0 : i32
        %gather3A_1611 = arith.constant 0 : i32
        %gather3A_1612 = tpu.memref_slice %arg6[%scan3A_984, %gather3A_1610, %gather3A_1611] : memref<2x800x32xf32, #tpu.memory_space<vmem>> -> memref<1x800x32xf32, #tpu.memory_space<vmem>>
        %gather3A_1613 = tpu.memref_squeeze %gather3A_1612 : memref<1x800x32xf32, #tpu.memory_space<vmem>> -> memref<800x32xf32, #tpu.memory_space<vmem>>
        %gather3A_1614 = tpu.vector_load_idx %gather3A_1613[%add3A_1548, %and3A_79] : memref<800x32xf32, #tpu.memory_space<vmem>>[vector<16xi32>, vector<16xi32>], vector<16xf32>,
        %gather3A_1615 = arith.constant 0 : i32
        %gather3A_1616 = arith.constant 0 : i32
        %gather3A_1617 = tpu.memref_slice %arg6[%scan3A_984, %gather3A_1615, %gather3A_1616] : memref<2x800x32xf32, #tpu.memory_space<vmem>> -> memref<1x800x32xf32, #tpu.memory_space<vmem>>
        %gather3A_1618 = tpu.memref_squeeze %gather3A_1617 : memref<1x800x32xf32, #tpu.memory_space<vmem>> -> memref<800x32xf32, #tpu.memory_space<vmem>>
        %gather3A_1619 = tpu.vector_load_idx %gather3A_1618[%add3A_1548, %and3A_85] : memref<800x32xf32, #tpu.memory_space<vmem>>[vector<16xi32>, vector<16xi32>], vector<16xf32>,
        %gather3A_1620 = arith.constant 0 : i32
        %gather3A_1621 = arith.constant 0 : i32
        %gather3A_1622 = tpu.memref_slice %arg6[%scan3A_984, %gather3A_1620, %gather3A_1621] : memref<2x800x32xf32, #tpu.memory_space<vmem>> -> memref<1x800x32xf32, #tpu.memory_space<vmem>>
        %gather3A_1623 = tpu.memref_squeeze %gather3A_1622 : memref<1x800x32xf32, #tpu.memory_space<vmem>> -> memref<800x32xf32, #tpu.memory_space<vmem>>
        %gather3A_1624 = tpu.vector_load_idx %gather3A_1623[%add3A_1548, %and3A_91] : memref<800x32xf32, #tpu.memory_space<vmem>>[vector<16xi32>, vector<16xi32>], vector<16xf32>,
        %gather3A_1625 = arith.constant 0 : i32
        %gather3A_1626 = arith.constant 0 : i32
        %gather3A_1627 = tpu.memref_slice %arg6[%scan3A_984, %gather3A_1625, %gather3A_1626] : memref<2x800x32xf32, #tpu.memory_space<vmem>> -> memref<1x800x32xf32, #tpu.memory_space<vmem>>
        %gather3A_1628 = tpu.memref_squeeze %gather3A_1627 : memref<1x800x32xf32, #tpu.memory_space<vmem>> -> memref<800x32xf32, #tpu.memory_space<vmem>>
        %gather3A_1629 = tpu.vector_load_idx %gather3A_1628[%add3A_1548, %and3A_97] : memref<800x32xf32, #tpu.memory_space<vmem>>[vector<16xi32>, vector<16xi32>], vector<16xf32>,
        %gather3A_1630 = arith.constant 0 : i32
        %gather3A_1631 = arith.constant 0 : i32
        %gather3A_1632 = tpu.memref_slice %arg6[%scan3A_984, %gather3A_1630, %gather3A_1631] : memref<2x800x32xf32, #tpu.memory_space<vmem>> -> memref<1x800x32xf32, #tpu.memory_space<vmem>>
        %gather3A_1633 = tpu.memref_squeeze %gather3A_1632 : memref<1x800x32xf32, #tpu.memory_space<vmem>> -> memref<800x32xf32, #tpu.memory_space<vmem>>
        %gather3A_1634 = tpu.vector_load_idx %gather3A_1633[%add3A_1548, %and3A_103] : memref<800x32xf32, #tpu.memory_space<vmem>>[vector<16xi32>, vector<16xi32>], vector<16xf32>,
        %gather3A_1635 = arith.constant 0 : i32
        %gather3A_1636 = arith.constant 0 : i32
        %gather3A_1637 = tpu.memref_slice %arg6[%scan3A_984, %gather3A_1635, %gather3A_1636] : memref<2x800x32xf32, #tpu.memory_space<vmem>> -> memref<1x800x32xf32, #tpu.memory_space<vmem>>
        %gather3A_1638 = tpu.memref_squeeze %gather3A_1637 : memref<1x800x32xf32, #tpu.memory_space<vmem>> -> memref<800x32xf32, #tpu.memory_space<vmem>>
        %gather3A_1639 = tpu.vector_load_idx %gather3A_1638[%add3A_1548, %and3A_109] : memref<800x32xf32, #tpu.memory_space<vmem>>[vector<16xi32>, vector<16xi32>], vector<16xf32>,
        %gather3A_1640 = arith.constant 0 : i32
        %gather3A_1641 = arith.constant 0 : i32
        %gather3A_1642 = tpu.memref_slice %arg6[%scan3A_984, %gather3A_1640, %gather3A_1641] : memref<2x800x32xf32, #tpu.memory_space<vmem>> -> memref<1x800x32xf32, #tpu.memory_space<vmem>>
        %gather3A_1643 = tpu.memref_squeeze %gather3A_1642 : memref<1x800x32xf32, #tpu.memory_space<vmem>> -> memref<800x32xf32, #tpu.memory_space<vmem>>
        %gather3A_1644 = tpu.vector_load_idx %gather3A_1643[%add3A_1548, %and3A_115] : memref<800x32xf32, #tpu.memory_space<vmem>>[vector<16xi32>, vector<16xi32>], vector<16xf32>,
        %gather3A_1645 = arith.constant 0 : i32
        %gather3A_1646 = arith.constant 0 : i32
        %gather3A_1647 = tpu.memref_slice %arg6[%scan3A_984, %gather3A_1645, %gather3A_1646] : memref<2x800x32xf32, #tpu.memory_space<vmem>> -> memref<1x800x32xf32, #tpu.memory_space<vmem>>
        %gather3A_1648 = tpu.memref_squeeze %gather3A_1647 : memref<1x800x32xf32, #tpu.memory_space<vmem>> -> memref<800x32xf32, #tpu.memory_space<vmem>>
        %gather3A_1649 = tpu.vector_load_idx %gather3A_1648[%add3A_1548, %and3A_121] : memref<800x32xf32, #tpu.memory_space<vmem>>[vector<16xi32>, vector<16xi32>], vector<16xf32>,
        %gather3A_1650 = arith.constant 0 : i32
        %gather3A_1651 = arith.constant 0 : i32
        %gather3A_1652 = tpu.memref_slice %arg6[%scan3A_984, %gather3A_1650, %gather3A_1651] : memref<2x800x32xf32, #tpu.memory_space<vmem>> -> memref<1x800x32xf32, #tpu.memory_space<vmem>>
        %gather3A_1653 = tpu.memref_squeeze %gather3A_1652 : memref<1x800x32xf32, #tpu.memory_space<vmem>> -> memref<800x32xf32, #tpu.memory_space<vmem>>
        %gather3A_1654 = tpu.vector_load_idx %gather3A_1653[%add3A_1548, %and3A_127] : memref<800x32xf32, #tpu.memory_space<vmem>>[vector<16xi32>, vector<16xi32>], vector<16xf32>,
        %gather3A_1655 = arith.constant 0 : i32
        %gather3A_1656 = arith.constant 0 : i32
        %gather3A_1657 = tpu.memref_slice %arg6[%scan3A_984, %gather3A_1655, %gather3A_1656] : memref<2x800x32xf32, #tpu.memory_space<vmem>> -> memref<1x800x32xf32, #tpu.memory_space<vmem>>
        %gather3A_1658 = tpu.memref_squeeze %gather3A_1657 : memref<1x800x32xf32, #tpu.memory_space<vmem>> -> memref<800x32xf32, #tpu.memory_space<vmem>>
        %gather3A_1659 = tpu.vector_load_idx %gather3A_1658[%add3A_1548, %and3A_133] : memref<800x32xf32, #tpu.memory_space<vmem>>[vector<16xi32>, vector<16xi32>], vector<16xf32>,
        %gather3A_1660 = arith.constant 0 : i32
        %gather3A_1661 = arith.constant 0 : i32
        %gather3A_1662 = tpu.memref_slice %arg6[%scan3A_984, %gather3A_1660, %gather3A_1661] : memref<2x800x32xf32, #tpu.memory_space<vmem>> -> memref<1x800x32xf32, #tpu.memory_space<vmem>>
        %gather3A_1663 = tpu.memref_squeeze %gather3A_1662 : memref<1x800x32xf32, #tpu.memory_space<vmem>> -> memref<800x32xf32, #tpu.memory_space<vmem>>
        %gather3A_1664 = tpu.vector_load_idx %gather3A_1663[%add3A_1548, %and3A_139] : memref<800x32xf32, #tpu.memory_space<vmem>>[vector<16xi32>, vector<16xi32>], vector<16xf32>,
        %gather3A_1665 = arith.constant 0 : i32
        %gather3A_1666 = arith.constant 0 : i32
        %gather3A_1667 = tpu.memref_slice %arg6[%scan3A_984, %gather3A_1665, %gather3A_1666] : memref<2x800x32xf32, #tpu.memory_space<vmem>> -> memref<1x800x32xf32, #tpu.memory_space<vmem>>
        %gather3A_1668 = tpu.memref_squeeze %gather3A_1667 : memref<1x800x32xf32, #tpu.memory_space<vmem>> -> memref<800x32xf32, #tpu.memory_space<vmem>>
        %gather3A_1669 = tpu.vector_load_idx %gather3A_1668[%add3A_1548, %and3A_145] : memref<800x32xf32, #tpu.memory_space<vmem>>[vector<16xi32>, vector<16xi32>], vector<16xf32>,
        %gather3A_1670 = arith.constant 0 : i32
        %gather3A_1671 = arith.constant 0 : i32
        %gather3A_1672 = tpu.memref_slice %arg6[%scan3A_984, %gather3A_1670, %gather3A_1671] : memref<2x800x32xf32, #tpu.memory_space<vmem>> -> memref<1x800x32xf32, #tpu.memory_space<vmem>>
        %gather3A_1673 = tpu.memref_squeeze %gather3A_1672 : memref<1x800x32xf32, #tpu.memory_space<vmem>> -> memref<800x32xf32, #tpu.memory_space<vmem>>
        %gather3A_1674 = tpu.vector_load_idx %gather3A_1673[%add3A_1548, %and3A_151] : memref<800x32xf32, #tpu.memory_space<vmem>>[vector<16xi32>, vector<16xi32>], vector<16xf32>,
        %gather3A_1675 = arith.constant 0 : i32
        %gather3A_1676 = arith.constant 0 : i32
        %gather3A_1677 = tpu.memref_slice %arg6[%scan3A_984, %gather3A_1675, %gather3A_1676] : memref<2x800x32xf32, #tpu.memory_space<vmem>> -> memref<1x800x32xf32, #tpu.memory_space<vmem>>
        %gather3A_1678 = tpu.memref_squeeze %gather3A_1677 : memref<1x800x32xf32, #tpu.memory_space<vmem>> -> memref<800x32xf32, #tpu.memory_space<vmem>>
        %gather3A_1679 = tpu.vector_load_idx %gather3A_1678[%add3A_1548, %and3A_157] : memref<800x32xf32, #tpu.memory_space<vmem>>[vector<16xi32>, vector<16xi32>], vector<16xf32>,
        %gather3A_1680 = arith.constant 0 : i32
        %gather3A_1681 = arith.constant 0 : i32
        %gather3A_1682 = tpu.memref_slice %arg6[%scan3A_984, %gather3A_1680, %gather3A_1681] : memref<2x800x32xf32, #tpu.memory_space<vmem>> -> memref<1x800x32xf32, #tpu.memory_space<vmem>>
        %gather3A_1683 = tpu.memref_squeeze %gather3A_1682 : memref<1x800x32xf32, #tpu.memory_space<vmem>> -> memref<800x32xf32, #tpu.memory_space<vmem>>
        %gather3A_1684 = tpu.vector_load_idx %gather3A_1683[%add3A_1548, %and3A_163] : memref<800x32xf32, #tpu.memory_space<vmem>>[vector<16xi32>, vector<16xi32>], vector<16xf32>,
        %gather3A_1685 = arith.constant 0 : i32
        %gather3A_1686 = arith.constant 0 : i32
        %gather3A_1687 = tpu.memref_slice %arg6[%scan3A_984, %gather3A_1685, %gather3A_1686] : memref<2x800x32xf32, #tpu.memory_space<vmem>> -> memref<1x800x32xf32, #tpu.memory_space<vmem>>
        %gather3A_1688 = tpu.memref_squeeze %gather3A_1687 : memref<1x800x32xf32, #tpu.memory_space<vmem>> -> memref<800x32xf32, #tpu.memory_space<vmem>>
        %gather3A_1689 = tpu.vector_load_idx %gather3A_1688[%add3A_1548, %and3A_169] : memref<800x32xf32, #tpu.memory_space<vmem>>[vector<16xi32>, vector<16xi32>], vector<16xf32>,
        %gather3A_1690 = arith.constant 0 : i32
        %gather3A_1691 = arith.constant 0 : i32
        %gather3A_1692 = tpu.memref_slice %arg6[%scan3A_984, %gather3A_1690, %gather3A_1691] : memref<2x800x32xf32, #tpu.memory_space<vmem>> -> memref<1x800x32xf32, #tpu.memory_space<vmem>>
        %gather3A_1693 = tpu.memref_squeeze %gather3A_1692 : memref<1x800x32xf32, #tpu.memory_space<vmem>> -> memref<800x32xf32, #tpu.memory_space<vmem>>
        %gather3A_1694 = tpu.vector_load_idx %gather3A_1693[%add3A_1548, %and3A_175] : memref<800x32xf32, #tpu.memory_space<vmem>>[vector<16xi32>, vector<16xi32>], vector<16xf32>,
        %gather3A_1695 = arith.constant 0 : i32
        %gather3A_1696 = arith.constant 0 : i32
        %gather3A_1697 = tpu.memref_slice %arg6[%scan3A_984, %gather3A_1695, %gather3A_1696] : memref<2x800x32xf32, #tpu.memory_space<vmem>> -> memref<1x800x32xf32, #tpu.memory_space<vmem>>
        %gather3A_1698 = tpu.memref_squeeze %gather3A_1697 : memref<1x800x32xf32, #tpu.memory_space<vmem>> -> memref<800x32xf32, #tpu.memory_space<vmem>>
        %gather3A_1699 = tpu.vector_load_idx %gather3A_1698[%add3A_1548, %and3A_181] : memref<800x32xf32, #tpu.memory_space<vmem>>[vector<16xi32>, vector<16xi32>], vector<16xf32>,
        %gather3A_1700 = arith.constant 0 : i32
        %gather3A_1701 = arith.constant 0 : i32
        %gather3A_1702 = tpu.memref_slice %arg6[%scan3A_984, %gather3A_1700, %gather3A_1701] : memref<2x800x32xf32, #tpu.memory_space<vmem>> -> memref<1x800x32xf32, #tpu.memory_space<vmem>>
        %gather3A_1703 = tpu.memref_squeeze %gather3A_1702 : memref<1x800x32xf32, #tpu.memory_space<vmem>> -> memref<800x32xf32, #tpu.memory_space<vmem>>
        %gather3A_1704 = tpu.vector_load_idx %gather3A_1703[%add3A_1548, %and3A_187] : memref<800x32xf32, #tpu.memory_space<vmem>>[vector<16xi32>, vector<16xi32>], vector<16xf32>,
        %gather3A_1705 = arith.constant 0 : i32
        %gather3A_1706 = arith.constant 0 : i32
        %gather3A_1707 = tpu.memref_slice %arg6[%scan3A_984, %gather3A_1705, %gather3A_1706] : memref<2x800x32xf32, #tpu.memory_space<vmem>> -> memref<1x800x32xf32, #tpu.memory_space<vmem>>
        %gather3A_1708 = tpu.memref_squeeze %gather3A_1707 : memref<1x800x32xf32, #tpu.memory_space<vmem>> -> memref<800x32xf32, #tpu.memory_space<vmem>>
        %gather3A_1709 = tpu.vector_load_idx %gather3A_1708[%add3A_1548, %and3A_193] : memref<800x32xf32, #tpu.memory_space<vmem>>[vector<16xi32>, vector<16xi32>], vector<16xf32>,
        %mul3A_1710 = arith.mulf %gather3A_1554, %gather3A_1554 : vector<16xf32>
        %mul3A_1711 = arith.mulf %gather3A_1559, %gather3A_1559 : vector<16xf32>
        %mul3A_1712 = arith.mulf %gather3A_1564, %gather3A_1564 : vector<16xf32>
        %mul3A_1713 = arith.mulf %gather3A_1569, %gather3A_1569 : vector<16xf32>
        %mul3A_1714 = arith.mulf %gather3A_1574, %gather3A_1574 : vector<16xf32>
        %mul3A_1715 = arith.mulf %gather3A_1579, %gather3A_1579 : vector<16xf32>
        %mul3A_1716 = arith.mulf %gather3A_1584, %gather3A_1584 : vector<16xf32>
        %mul3A_1717 = arith.mulf %gather3A_1589, %gather3A_1589 : vector<16xf32>
        %mul3A_1718 = arith.mulf %gather3A_1594, %gather3A_1594 : vector<16xf32>
        %mul3A_1719 = arith.mulf %gather3A_1599, %gather3A_1599 : vector<16xf32>
        %mul3A_1720 = arith.mulf %gather3A_1604, %gather3A_1604 : vector<16xf32>
        %mul3A_1721 = arith.mulf %gather3A_1609, %gather3A_1609 : vector<16xf32>
        %mul3A_1722 = arith.mulf %gather3A_1614, %gather3A_1614 : vector<16xf32>
        %mul3A_1723 = arith.mulf %gather3A_1619, %gather3A_1619 : vector<16xf32>
        %mul3A_1724 = arith.mulf %gather3A_1624, %gather3A_1624 : vector<16xf32>
        %mul3A_1725 = arith.mulf %gather3A_1629, %gather3A_1629 : vector<16xf32>
        %mul3A_1726 = arith.mulf %gather3A_1634, %gather3A_1634 : vector<16xf32>
        %mul3A_1727 = arith.mulf %gather3A_1639, %gather3A_1639 : vector<16xf32>
        %mul3A_1728 = arith.mulf %gather3A_1644, %gather3A_1644 : vector<16xf32>
        %mul3A_1729 = arith.mulf %gather3A_1649, %gather3A_1649 : vector<16xf32>
        %mul3A_1730 = arith.mulf %gather3A_1654, %gather3A_1654 : vector<16xf32>
        %mul3A_1731 = arith.mulf %gather3A_1659, %gather3A_1659 : vector<16xf32>
        %mul3A_1732 = arith.mulf %gather3A_1664, %gather3A_1664 : vector<16xf32>
        %mul3A_1733 = arith.mulf %gather3A_1669, %gather3A_1669 : vector<16xf32>
        %mul3A_1734 = arith.mulf %gather3A_1674, %gather3A_1674 : vector<16xf32>
        %mul3A_1735 = arith.mulf %gather3A_1679, %gather3A_1679 : vector<16xf32>
        %mul3A_1736 = arith.mulf %gather3A_1684, %gather3A_1684 : vector<16xf32>
        %mul3A_1737 = arith.mulf %gather3A_1689, %gather3A_1689 : vector<16xf32>
        %mul3A_1738 = arith.mulf %gather3A_1694, %gather3A_1694 : vector<16xf32>
        %mul3A_1739 = arith.mulf %gather3A_1699, %gather3A_1699 : vector<16xf32>
        %mul3A_1740 = arith.mulf %gather3A_1704, %gather3A_1704 : vector<16xf32>
        %mul3A_1741 = arith.mulf %gather3A_1709, %gather3A_1709 : vector<16xf32>
        %add3A_1742 = arith.addf %mul3A_1710, %mul3A_1711 : vector<16xf32>
        %add3A_1743 = arith.addf %mul3A_1712, %mul3A_1713 : vector<16xf32>
        %add3A_1744 = arith.addf %mul3A_1714, %mul3A_1715 : vector<16xf32>
        %add3A_1745 = arith.addf %mul3A_1716, %mul3A_1717 : vector<16xf32>
        %add3A_1746 = arith.addf %mul3A_1718, %mul3A_1719 : vector<16xf32>
        %add3A_1747 = arith.addf %mul3A_1720, %mul3A_1721 : vector<16xf32>
        %add3A_1748 = arith.addf %mul3A_1722, %mul3A_1723 : vector<16xf32>
        %add3A_1749 = arith.addf %mul3A_1724, %mul3A_1725 : vector<16xf32>
        %add3A_1750 = arith.addf %mul3A_1726, %mul3A_1727 : vector<16xf32>
        %add3A_1751 = arith.addf %mul3A_1728, %mul3A_1729 : vector<16xf32>
        %add3A_1752 = arith.addf %mul3A_1730, %mul3A_1731 : vector<16xf32>
        %add3A_1753 = arith.addf %mul3A_1732, %mul3A_1733 : vector<16xf32>
        %add3A_1754 = arith.addf %mul3A_1734, %mul3A_1735 : vector<16xf32>
        %add3A_1755 = arith.addf %mul3A_1736, %mul3A_1737 : vector<16xf32>
        %add3A_1756 = arith.addf %mul3A_1738, %mul3A_1739 : vector<16xf32>
        %add3A_1757 = arith.addf %mul3A_1740, %mul3A_1741 : vector<16xf32>
        %add3A_1758 = arith.addf %add3A_1742, %add3A_1743 : vector<16xf32>
        %add3A_1759 = arith.addf %add3A_1744, %add3A_1745 : vector<16xf32>
        %add3A_1760 = arith.addf %add3A_1746, %add3A_1747 : vector<16xf32>
        %add3A_1761 = arith.addf %add3A_1748, %add3A_1749 : vector<16xf32>
        %add3A_1762 = arith.addf %add3A_1750, %add3A_1751 : vector<16xf32>
        %add3A_1763 = arith.addf %add3A_1752, %add3A_1753 : vector<16xf32>
        %add3A_1764 = arith.addf %add3A_1754, %add3A_1755 : vector<16xf32>
        %add3A_1765 = arith.addf %add3A_1756, %add3A_1757 : vector<16xf32>
        %add3A_1766 = arith.addf %add3A_1758, %add3A_1759 : vector<16xf32>
        %add3A_1767 = arith.addf %add3A_1760, %add3A_1761 : vector<16xf32>
        %add3A_1768 = arith.addf %add3A_1762, %add3A_1763 : vector<16xf32>
        %add3A_1769 = arith.addf %add3A_1764, %add3A_1765 : vector<16xf32>
        %add3A_1770 = arith.addf %add3A_1766, %add3A_1767 : vector<16xf32>
        %add3A_1771 = arith.addf %add3A_1768, %add3A_1769 : vector<16xf32>
        %add3A_1772 = arith.addf %add3A_1770, %add3A_1771 : vector<16xf32>
        %bitcast3A_1773 = vector.bitcast %add3A_1772 : vector<16xf32> to vector<16xi32>
        %shift_right_logical3A_1774 = arith.constant 1 : i32
        %shift_right_logical3A_1775 = vector.broadcast %shift_right_logical3A_1774 : i32 to vector<16xi32>
        %shift_right_logical3A_1776 = arith.shrui %bitcast3A_1773, %shift_right_logical3A_1775 : vector<16xi32>
        %sub3A_1777 = arith.constant 1597463007 : i32
        %sub3A_1778 = vector.broadcast %sub3A_1777 : i32 to vector<16xi32>
        %sub3A_1779 = arith.subi %sub3A_1778, %shift_right_logical3A_1776 : vector<16xi32>
        %bitcast3A_1780 = vector.bitcast %sub3A_1779 : vector<16xi32> to vector<16xf32>
        %mul3A_1781 = arith.constant 5.000000e-01 : f32
        %mul3A_1782 = vector.broadcast %mul3A_1781 : f32 to vector<16xf32>
        %mul3A_1783 = arith.mulf %mul3A_1782, %add3A_1772 : vector<16xf32>
        %mul3A_1784 = arith.mulf %mul3A_1783, %bitcast3A_1780 : vector<16xf32>
        %mul3A_1785 = arith.mulf %mul3A_1784, %bitcast3A_1780 : vector<16xf32>
        %sub3A_1786 = arith.constant 1.500000e+00 : f32
        %sub3A_1787 = vector.broadcast %sub3A_1786 : f32 to vector<16xf32>
        %sub3A_1788 = arith.subf %sub3A_1787, %mul3A_1785 : vector<16xf32>
        %mul3A_1789 = arith.mulf %bitcast3A_1780, %sub3A_1788 : vector<16xf32>
        %mul3A_1790 = arith.constant 5.000000e-01 : f32
        %mul3A_1791 = vector.broadcast %mul3A_1790 : f32 to vector<16xf32>
        %mul3A_1792 = arith.mulf %mul3A_1791, %add3A_1772 : vector<16xf32>
        %mul3A_1793 = arith.mulf %mul3A_1792, %mul3A_1789 : vector<16xf32>
        %mul3A_1794 = arith.mulf %mul3A_1793, %mul3A_1789 : vector<16xf32>
        %sub3A_1795 = arith.constant 1.500000e+00 : f32
        %sub3A_1796 = vector.broadcast %sub3A_1795 : f32 to vector<16xf32>
        %sub3A_1797 = arith.subf %sub3A_1796, %mul3A_1794 : vector<16xf32>
        %mul3A_1798 = arith.mulf %mul3A_1789, %sub3A_1797 : vector<16xf32>
        %mul3A_1799 = arith.constant 5.000000e-01 : f32
        %mul3A_1800 = vector.broadcast %mul3A_1799 : f32 to vector<16xf32>
        %mul3A_1801 = arith.mulf %mul3A_1800, %add3A_1772 : vector<16xf32>
        %mul3A_1802 = arith.mulf %mul3A_1801, %mul3A_1798 : vector<16xf32>
        %mul3A_1803 = arith.mulf %mul3A_1802, %mul3A_1798 : vector<16xf32>
        %sub3A_1804 = arith.constant 1.500000e+00 : f32
        %sub3A_1805 = vector.broadcast %sub3A_1804 : f32 to vector<16xf32>
        %sub3A_1806 = arith.subf %sub3A_1805, %mul3A_1803 : vector<16xf32>
        %mul3A_1807 = arith.mulf %mul3A_1798, %sub3A_1806 : vector<16xf32>
        %mul3A_1808 = arith.mulf %gather3A_1554, %mul3A_1807 : vector<16xf32>
        %scatter3A_1809 = arith.constant 0 : i32
        %scatter3A_1810 = arith.constant 0 : i32
        %scatter3A_1811 = arith.constant 0 : i32
        %scatter3A_1812 = arith.constant 0 : i32
        %scatter3A_1813 = tpu.memref_slice %arg7[%scan3A_985, %scatter3A_1809, %scatter3A_1810, %scatter3A_1811, %scatter3A_1812] : memref<2x50x4x8x16xf32, #tpu.memory_space<vmem>> -> memref<1x50x4x8x16xf32, #tpu.memory_space<vmem>>
        %scatter3A_1814 = tpu.memref_squeeze %scatter3A_1813 : memref<1x50x4x8x16xf32, #tpu.memory_space<vmem>> -> memref<50x4x8x16xf32, #tpu.memory_space<vmem>>
        tpu.vector_store_idx %scatter3A_1814[%broadcast_in_dim3A_1549, %shift_right_logical3A_195, %and3A_291, %iota3A], %mul3A_1808 : memref<50x4x8x16xf32, #tpu.memory_space<vmem>>[vector<16xi32>, vector<16xi32>, vector<16xi32>, vector<16xi32>], vector<16xf32>,
        %mul3A_1815 = arith.mulf %gather3A_1559, %mul3A_1807 : vector<16xf32>
        %scatter3A_1816 = arith.constant 0 : i32
        %scatter3A_1817 = arith.constant 0 : i32
        %scatter3A_1818 = arith.constant 0 : i32
        %scatter3A_1819 = arith.constant 0 : i32
        %scatter3A_1820 = tpu.memref_slice %arg7[%scan3A_985, %scatter3A_1816, %scatter3A_1817, %scatter3A_1818, %scatter3A_1819] : memref<2x50x4x8x16xf32, #tpu.memory_space<vmem>> -> memref<1x50x4x8x16xf32, #tpu.memory_space<vmem>>
        %scatter3A_1821 = tpu.memref_squeeze %scatter3A_1820 : memref<1x50x4x8x16xf32, #tpu.memory_space<vmem>> -> memref<50x4x8x16xf32, #tpu.memory_space<vmem>>
        tpu.vector_store_idx %scatter3A_1821[%broadcast_in_dim3A_1549, %shift_right_logical3A_198, %and3A_294, %iota3A], %mul3A_1815 : memref<50x4x8x16xf32, #tpu.memory_space<vmem>>[vector<16xi32>, vector<16xi32>, vector<16xi32>, vector<16xi32>], vector<16xf32>,
        %mul3A_1822 = arith.mulf %gather3A_1564, %mul3A_1807 : vector<16xf32>
        %scatter3A_1823 = arith.constant 0 : i32
        %scatter3A_1824 = arith.constant 0 : i32
        %scatter3A_1825 = arith.constant 0 : i32
        %scatter3A_1826 = arith.constant 0 : i32
        %scatter3A_1827 = tpu.memref_slice %arg7[%scan3A_985, %scatter3A_1823, %scatter3A_1824, %scatter3A_1825, %scatter3A_1826] : memref<2x50x4x8x16xf32, #tpu.memory_space<vmem>> -> memref<1x50x4x8x16xf32, #tpu.memory_space<vmem>>
        %scatter3A_1828 = tpu.memref_squeeze %scatter3A_1827 : memref<1x50x4x8x16xf32, #tpu.memory_space<vmem>> -> memref<50x4x8x16xf32, #tpu.memory_space<vmem>>
        tpu.vector_store_idx %scatter3A_1828[%broadcast_in_dim3A_1549, %shift_right_logical3A_201, %and3A_297, %iota3A], %mul3A_1822 : memref<50x4x8x16xf32, #tpu.memory_space<vmem>>[vector<16xi32>, vector<16xi32>, vector<16xi32>, vector<16xi32>], vector<16xf32>,
        %mul3A_1829 = arith.mulf %gather3A_1569, %mul3A_1807 : vector<16xf32>
        %scatter3A_1830 = arith.constant 0 : i32
        %scatter3A_1831 = arith.constant 0 : i32
        %scatter3A_1832 = arith.constant 0 : i32
        %scatter3A_1833 = arith.constant 0 : i32
        %scatter3A_1834 = tpu.memref_slice %arg7[%scan3A_985, %scatter3A_1830, %scatter3A_1831, %scatter3A_1832, %scatter3A_1833] : memref<2x50x4x8x16xf32, #tpu.memory_space<vmem>> -> memref<1x50x4x8x16xf32, #tpu.memory_space<vmem>>
        %scatter3A_1835 = tpu.memref_squeeze %scatter3A_1834 : memref<1x50x4x8x16xf32, #tpu.memory_space<vmem>> -> memref<50x4x8x16xf32, #tpu.memory_space<vmem>>
        tpu.vector_store_idx %scatter3A_1835[%broadcast_in_dim3A_1549, %shift_right_logical3A_204, %and3A_300, %iota3A], %mul3A_1829 : memref<50x4x8x16xf32, #tpu.memory_space<vmem>>[vector<16xi32>, vector<16xi32>, vector<16xi32>, vector<16xi32>], vector<16xf32>,
        %mul3A_1836 = arith.mulf %gather3A_1574, %mul3A_1807 : vector<16xf32>
        %scatter3A_1837 = arith.constant 0 : i32
        %scatter3A_1838 = arith.constant 0 : i32
        %scatter3A_1839 = arith.constant 0 : i32
        %scatter3A_1840 = arith.constant 0 : i32
        %scatter3A_1841 = tpu.memref_slice %arg7[%scan3A_985, %scatter3A_1837, %scatter3A_1838, %scatter3A_1839, %scatter3A_1840] : memref<2x50x4x8x16xf32, #tpu.memory_space<vmem>> -> memref<1x50x4x8x16xf32, #tpu.memory_space<vmem>>
        %scatter3A_1842 = tpu.memref_squeeze %scatter3A_1841 : memref<1x50x4x8x16xf32, #tpu.memory_space<vmem>> -> memref<50x4x8x16xf32, #tpu.memory_space<vmem>>
        tpu.vector_store_idx %scatter3A_1842[%broadcast_in_dim3A_1549, %shift_right_logical3A_207, %and3A_303, %iota3A], %mul3A_1836 : memref<50x4x8x16xf32, #tpu.memory_space<vmem>>[vector<16xi32>, vector<16xi32>, vector<16xi32>, vector<16xi32>], vector<16xf32>,
        %mul3A_1843 = arith.mulf %gather3A_1579, %mul3A_1807 : vector<16xf32>
        %scatter3A_1844 = arith.constant 0 : i32
        %scatter3A_1845 = arith.constant 0 : i32
        %scatter3A_1846 = arith.constant 0 : i32
        %scatter3A_1847 = arith.constant 0 : i32
        %scatter3A_1848 = tpu.memref_slice %arg7[%scan3A_985, %scatter3A_1844, %scatter3A_1845, %scatter3A_1846, %scatter3A_1847] : memref<2x50x4x8x16xf32, #tpu.memory_space<vmem>> -> memref<1x50x4x8x16xf32, #tpu.memory_space<vmem>>
        %scatter3A_1849 = tpu.memref_squeeze %scatter3A_1848 : memref<1x50x4x8x16xf32, #tpu.memory_space<vmem>> -> memref<50x4x8x16xf32, #tpu.memory_space<vmem>>
        tpu.vector_store_idx %scatter3A_1849[%broadcast_in_dim3A_1549, %shift_right_logical3A_210, %and3A_306, %iota3A], %mul3A_1843 : memref<50x4x8x16xf32, #tpu.memory_space<vmem>>[vector<16xi32>, vector<16xi32>, vector<16xi32>, vector<16xi32>], vector<16xf32>,
        %mul3A_1850 = arith.mulf %gather3A_1584, %mul3A_1807 : vector<16xf32>
        %scatter3A_1851 = arith.constant 0 : i32
        %scatter3A_1852 = arith.constant 0 : i32
        %scatter3A_1853 = arith.constant 0 : i32
        %scatter3A_1854 = arith.constant 0 : i32
        %scatter3A_1855 = tpu.memref_slice %arg7[%scan3A_985, %scatter3A_1851, %scatter3A_1852, %scatter3A_1853, %scatter3A_1854] : memref<2x50x4x8x16xf32, #tpu.memory_space<vmem>> -> memref<1x50x4x8x16xf32, #tpu.memory_space<vmem>>
        %scatter3A_1856 = tpu.memref_squeeze %scatter3A_1855 : memref<1x50x4x8x16xf32, #tpu.memory_space<vmem>> -> memref<50x4x8x16xf32, #tpu.memory_space<vmem>>
        tpu.vector_store_idx %scatter3A_1856[%broadcast_in_dim3A_1549, %shift_right_logical3A_213, %and3A_309, %iota3A], %mul3A_1850 : memref<50x4x8x16xf32, #tpu.memory_space<vmem>>[vector<16xi32>, vector<16xi32>, vector<16xi32>, vector<16xi32>], vector<16xf32>,
        %mul3A_1857 = arith.mulf %gather3A_1589, %mul3A_1807 : vector<16xf32>
        %scatter3A_1858 = arith.constant 0 : i32
        %scatter3A_1859 = arith.constant 0 : i32
        %scatter3A_1860 = arith.constant 0 : i32
        %scatter3A_1861 = arith.constant 0 : i32
        %scatter3A_1862 = tpu.memref_slice %arg7[%scan3A_985, %scatter3A_1858, %scatter3A_1859, %scatter3A_1860, %scatter3A_1861] : memref<2x50x4x8x16xf32, #tpu.memory_space<vmem>> -> memref<1x50x4x8x16xf32, #tpu.memory_space<vmem>>
        %scatter3A_1863 = tpu.memref_squeeze %scatter3A_1862 : memref<1x50x4x8x16xf32, #tpu.memory_space<vmem>> -> memref<50x4x8x16xf32, #tpu.memory_space<vmem>>
        tpu.vector_store_idx %scatter3A_1863[%broadcast_in_dim3A_1549, %shift_right_logical3A_216, %and3A_312, %iota3A], %mul3A_1857 : memref<50x4x8x16xf32, #tpu.memory_space<vmem>>[vector<16xi32>, vector<16xi32>, vector<16xi32>, vector<16xi32>], vector<16xf32>,
        %mul3A_1864 = arith.mulf %gather3A_1594, %mul3A_1807 : vector<16xf32>
        %scatter3A_1865 = arith.constant 0 : i32
        %scatter3A_1866 = arith.constant 0 : i32
        %scatter3A_1867 = arith.constant 0 : i32
        %scatter3A_1868 = arith.constant 0 : i32
        %scatter3A_1869 = tpu.memref_slice %arg7[%scan3A_985, %scatter3A_1865, %scatter3A_1866, %scatter3A_1867, %scatter3A_1868] : memref<2x50x4x8x16xf32, #tpu.memory_space<vmem>> -> memref<1x50x4x8x16xf32, #tpu.memory_space<vmem>>
        %scatter3A_1870 = tpu.memref_squeeze %scatter3A_1869 : memref<1x50x4x8x16xf32, #tpu.memory_space<vmem>> -> memref<50x4x8x16xf32, #tpu.memory_space<vmem>>
        tpu.vector_store_idx %scatter3A_1870[%broadcast_in_dim3A_1549, %shift_right_logical3A_219, %and3A_315, %iota3A], %mul3A_1864 : memref<50x4x8x16xf32, #tpu.memory_space<vmem>>[vector<16xi32>, vector<16xi32>, vector<16xi32>, vector<16xi32>], vector<16xf32>,
        %mul3A_1871 = arith.mulf %gather3A_1599, %mul3A_1807 : vector<16xf32>
        %scatter3A_1872 = arith.constant 0 : i32
        %scatter3A_1873 = arith.constant 0 : i32
        %scatter3A_1874 = arith.constant 0 : i32
        %scatter3A_1875 = arith.constant 0 : i32
        %scatter3A_1876 = tpu.memref_slice %arg7[%scan3A_985, %scatter3A_1872, %scatter3A_1873, %scatter3A_1874, %scatter3A_1875] : memref<2x50x4x8x16xf32, #tpu.memory_space<vmem>> -> memref<1x50x4x8x16xf32, #tpu.memory_space<vmem>>
        %scatter3A_1877 = tpu.memref_squeeze %scatter3A_1876 : memref<1x50x4x8x16xf32, #tpu.memory_space<vmem>> -> memref<50x4x8x16xf32, #tpu.memory_space<vmem>>
        tpu.vector_store_idx %scatter3A_1877[%broadcast_in_dim3A_1549, %shift_right_logical3A_222, %and3A_318, %iota3A], %mul3A_1871 : memref<50x4x8x16xf32, #tpu.memory_space<vmem>>[vector<16xi32>, vector<16xi32>, vector<16xi32>, vector<16xi32>], vector<16xf32>,
        %mul3A_1878 = arith.mulf %gather3A_1604, %mul3A_1807 : vector<16xf32>
        %scatter3A_1879 = arith.constant 0 : i32
        %scatter3A_1880 = arith.constant 0 : i32
        %scatter3A_1881 = arith.constant 0 : i32
        %scatter3A_1882 = arith.constant 0 : i32
        %scatter3A_1883 = tpu.memref_slice %arg7[%scan3A_985, %scatter3A_1879, %scatter3A_1880, %scatter3A_1881, %scatter3A_1882] : memref<2x50x4x8x16xf32, #tpu.memory_space<vmem>> -> memref<1x50x4x8x16xf32, #tpu.memory_space<vmem>>
        %scatter3A_1884 = tpu.memref_squeeze %scatter3A_1883 : memref<1x50x4x8x16xf32, #tpu.memory_space<vmem>> -> memref<50x4x8x16xf32, #tpu.memory_space<vmem>>
        tpu.vector_store_idx %scatter3A_1884[%broadcast_in_dim3A_1549, %shift_right_logical3A_225, %and3A_321, %iota3A], %mul3A_1878 : memref<50x4x8x16xf32, #tpu.memory_space<vmem>>[vector<16xi32>, vector<16xi32>, vector<16xi32>, vector<16xi32>], vector<16xf32>,
        %mul3A_1885 = arith.mulf %gather3A_1609, %mul3A_1807 : vector<16xf32>
        %scatter3A_1886 = arith.constant 0 : i32
        %scatter3A_1887 = arith.constant 0 : i32
        %scatter3A_1888 = arith.constant 0 : i32
        %scatter3A_1889 = arith.constant 0 : i32
        %scatter3A_1890 = tpu.memref_slice %arg7[%scan3A_985, %scatter3A_1886, %scatter3A_1887, %scatter3A_1888, %scatter3A_1889] : memref<2x50x4x8x16xf32, #tpu.memory_space<vmem>> -> memref<1x50x4x8x16xf32, #tpu.memory_space<vmem>>
        %scatter3A_1891 = tpu.memref_squeeze %scatter3A_1890 : memref<1x50x4x8x16xf32, #tpu.memory_space<vmem>> -> memref<50x4x8x16xf32, #tpu.memory_space<vmem>>
        tpu.vector_store_idx %scatter3A_1891[%broadcast_in_dim3A_1549, %shift_right_logical3A_228, %and3A_324, %iota3A], %mul3A_1885 : memref<50x4x8x16xf32, #tpu.memory_space<vmem>>[vector<16xi32>, vector<16xi32>, vector<16xi32>, vector<16xi32>], vector<16xf32>,
        %mul3A_1892 = arith.mulf %gather3A_1614, %mul3A_1807 : vector<16xf32>
        %scatter3A_1893 = arith.constant 0 : i32
        %scatter3A_1894 = arith.constant 0 : i32
        %scatter3A_1895 = arith.constant 0 : i32
        %scatter3A_1896 = arith.constant 0 : i32
        %scatter3A_1897 = tpu.memref_slice %arg7[%scan3A_985, %scatter3A_1893, %scatter3A_1894, %scatter3A_1895, %scatter3A_1896] : memref<2x50x4x8x16xf32, #tpu.memory_space<vmem>> -> memref<1x50x4x8x16xf32, #tpu.memory_space<vmem>>
        %scatter3A_1898 = tpu.memref_squeeze %scatter3A_1897 : memref<1x50x4x8x16xf32, #tpu.memory_space<vmem>> -> memref<50x4x8x16xf32, #tpu.memory_space<vmem>>
        tpu.vector_store_idx %scatter3A_1898[%broadcast_in_dim3A_1549, %shift_right_logical3A_231, %and3A_327, %iota3A], %mul3A_1892 : memref<50x4x8x16xf32, #tpu.memory_space<vmem>>[vector<16xi32>, vector<16xi32>, vector<16xi32>, vector<16xi32>], vector<16xf32>,
        %mul3A_1899 = arith.mulf %gather3A_1619, %mul3A_1807 : vector<16xf32>
        %scatter3A_1900 = arith.constant 0 : i32
        %scatter3A_1901 = arith.constant 0 : i32
        %scatter3A_1902 = arith.constant 0 : i32
        %scatter3A_1903 = arith.constant 0 : i32
        %scatter3A_1904 = tpu.memref_slice %arg7[%scan3A_985, %scatter3A_1900, %scatter3A_1901, %scatter3A_1902, %scatter3A_1903] : memref<2x50x4x8x16xf32, #tpu.memory_space<vmem>> -> memref<1x50x4x8x16xf32, #tpu.memory_space<vmem>>
        %scatter3A_1905 = tpu.memref_squeeze %scatter3A_1904 : memref<1x50x4x8x16xf32, #tpu.memory_space<vmem>> -> memref<50x4x8x16xf32, #tpu.memory_space<vmem>>
        tpu.vector_store_idx %scatter3A_1905[%broadcast_in_dim3A_1549, %shift_right_logical3A_234, %and3A_330, %iota3A], %mul3A_1899 : memref<50x4x8x16xf32, #tpu.memory_space<vmem>>[vector<16xi32>, vector<16xi32>, vector<16xi32>, vector<16xi32>], vector<16xf32>,
        %mul3A_1906 = arith.mulf %gather3A_1624, %mul3A_1807 : vector<16xf32>
        %scatter3A_1907 = arith.constant 0 : i32
        %scatter3A_1908 = arith.constant 0 : i32
        %scatter3A_1909 = arith.constant 0 : i32
        %scatter3A_1910 = arith.constant 0 : i32
        %scatter3A_1911 = tpu.memref_slice %arg7[%scan3A_985, %scatter3A_1907, %scatter3A_1908, %scatter3A_1909, %scatter3A_1910] : memref<2x50x4x8x16xf32, #tpu.memory_space<vmem>> -> memref<1x50x4x8x16xf32, #tpu.memory_space<vmem>>
        %scatter3A_1912 = tpu.memref_squeeze %scatter3A_1911 : memref<1x50x4x8x16xf32, #tpu.memory_space<vmem>> -> memref<50x4x8x16xf32, #tpu.memory_space<vmem>>
        tpu.vector_store_idx %scatter3A_1912[%broadcast_in_dim3A_1549, %shift_right_logical3A_237, %and3A_333, %iota3A], %mul3A_1906 : memref<50x4x8x16xf32, #tpu.memory_space<vmem>>[vector<16xi32>, vector<16xi32>, vector<16xi32>, vector<16xi32>], vector<16xf32>,
        %mul3A_1913 = arith.mulf %gather3A_1629, %mul3A_1807 : vector<16xf32>
        %scatter3A_1914 = arith.constant 0 : i32
        %scatter3A_1915 = arith.constant 0 : i32
        %scatter3A_1916 = arith.constant 0 : i32
        %scatter3A_1917 = arith.constant 0 : i32
        %scatter3A_1918 = tpu.memref_slice %arg7[%scan3A_985, %scatter3A_1914, %scatter3A_1915, %scatter3A_1916, %scatter3A_1917] : memref<2x50x4x8x16xf32, #tpu.memory_space<vmem>> -> memref<1x50x4x8x16xf32, #tpu.memory_space<vmem>>
        %scatter3A_1919 = tpu.memref_squeeze %scatter3A_1918 : memref<1x50x4x8x16xf32, #tpu.memory_space<vmem>> -> memref<50x4x8x16xf32, #tpu.memory_space<vmem>>
        tpu.vector_store_idx %scatter3A_1919[%broadcast_in_dim3A_1549, %shift_right_logical3A_240, %and3A_336, %iota3A], %mul3A_1913 : memref<50x4x8x16xf32, #tpu.memory_space<vmem>>[vector<16xi32>, vector<16xi32>, vector<16xi32>, vector<16xi32>], vector<16xf32>,
        %mul3A_1920 = arith.mulf %gather3A_1634, %mul3A_1807 : vector<16xf32>
        %scatter3A_1921 = arith.constant 0 : i32
        %scatter3A_1922 = arith.constant 0 : i32
        %scatter3A_1923 = arith.constant 0 : i32
        %scatter3A_1924 = arith.constant 0 : i32
        %scatter3A_1925 = tpu.memref_slice %arg7[%scan3A_985, %scatter3A_1921, %scatter3A_1922, %scatter3A_1923, %scatter3A_1924] : memref<2x50x4x8x16xf32, #tpu.memory_space<vmem>> -> memref<1x50x4x8x16xf32, #tpu.memory_space<vmem>>
        %scatter3A_1926 = tpu.memref_squeeze %scatter3A_1925 : memref<1x50x4x8x16xf32, #tpu.memory_space<vmem>> -> memref<50x4x8x16xf32, #tpu.memory_space<vmem>>
        tpu.vector_store_idx %scatter3A_1926[%broadcast_in_dim3A_1549, %shift_right_logical3A_243, %and3A_339, %iota3A], %mul3A_1920 : memref<50x4x8x16xf32, #tpu.memory_space<vmem>>[vector<16xi32>, vector<16xi32>, vector<16xi32>, vector<16xi32>], vector<16xf32>,
        %mul3A_1927 = arith.mulf %gather3A_1639, %mul3A_1807 : vector<16xf32>
        %scatter3A_1928 = arith.constant 0 : i32
        %scatter3A_1929 = arith.constant 0 : i32
        %scatter3A_1930 = arith.constant 0 : i32
        %scatter3A_1931 = arith.constant 0 : i32
        %scatter3A_1932 = tpu.memref_slice %arg7[%scan3A_985, %scatter3A_1928, %scatter3A_1929, %scatter3A_1930, %scatter3A_1931] : memref<2x50x4x8x16xf32, #tpu.memory_space<vmem>> -> memref<1x50x4x8x16xf32, #tpu.memory_space<vmem>>
        %scatter3A_1933 = tpu.memref_squeeze %scatter3A_1932 : memref<1x50x4x8x16xf32, #tpu.memory_space<vmem>> -> memref<50x4x8x16xf32, #tpu.memory_space<vmem>>
        tpu.vector_store_idx %scatter3A_1933[%broadcast_in_dim3A_1549, %shift_right_logical3A_246, %and3A_342, %iota3A], %mul3A_1927 : memref<50x4x8x16xf32, #tpu.memory_space<vmem>>[vector<16xi32>, vector<16xi32>, vector<16xi32>, vector<16xi32>], vector<16xf32>,
        %mul3A_1934 = arith.mulf %gather3A_1644, %mul3A_1807 : vector<16xf32>
        %scatter3A_1935 = arith.constant 0 : i32
        %scatter3A_1936 = arith.constant 0 : i32
        %scatter3A_1937 = arith.constant 0 : i32
        %scatter3A_1938 = arith.constant 0 : i32
        %scatter3A_1939 = tpu.memref_slice %arg7[%scan3A_985, %scatter3A_1935, %scatter3A_1936, %scatter3A_1937, %scatter3A_1938] : memref<2x50x4x8x16xf32, #tpu.memory_space<vmem>> -> memref<1x50x4x8x16xf32, #tpu.memory_space<vmem>>
        %scatter3A_1940 = tpu.memref_squeeze %scatter3A_1939 : memref<1x50x4x8x16xf32, #tpu.memory_space<vmem>> -> memref<50x4x8x16xf32, #tpu.memory_space<vmem>>
        tpu.vector_store_idx %scatter3A_1940[%broadcast_in_dim3A_1549, %shift_right_logical3A_249, %and3A_345, %iota3A], %mul3A_1934 : memref<50x4x8x16xf32, #tpu.memory_space<vmem>>[vector<16xi32>, vector<16xi32>, vector<16xi32>, vector<16xi32>], vector<16xf32>,
        %mul3A_1941 = arith.mulf %gather3A_1649, %mul3A_1807 : vector<16xf32>
        %scatter3A_1942 = arith.constant 0 : i32
        %scatter3A_1943 = arith.constant 0 : i32
        %scatter3A_1944 = arith.constant 0 : i32
        %scatter3A_1945 = arith.constant 0 : i32
        %scatter3A_1946 = tpu.memref_slice %arg7[%scan3A_985, %scatter3A_1942, %scatter3A_1943, %scatter3A_1944, %scatter3A_1945] : memref<2x50x4x8x16xf32, #tpu.memory_space<vmem>> -> memref<1x50x4x8x16xf32, #tpu.memory_space<vmem>>
        %scatter3A_1947 = tpu.memref_squeeze %scatter3A_1946 : memref<1x50x4x8x16xf32, #tpu.memory_space<vmem>> -> memref<50x4x8x16xf32, #tpu.memory_space<vmem>>
        tpu.vector_store_idx %scatter3A_1947[%broadcast_in_dim3A_1549, %shift_right_logical3A_252, %and3A_348, %iota3A], %mul3A_1941 : memref<50x4x8x16xf32, #tpu.memory_space<vmem>>[vector<16xi32>, vector<16xi32>, vector<16xi32>, vector<16xi32>], vector<16xf32>,
        %mul3A_1948 = arith.mulf %gather3A_1654, %mul3A_1807 : vector<16xf32>
        %scatter3A_1949 = arith.constant 0 : i32
        %scatter3A_1950 = arith.constant 0 : i32
        %scatter3A_1951 = arith.constant 0 : i32
        %scatter3A_1952 = arith.constant 0 : i32
        %scatter3A_1953 = tpu.memref_slice %arg7[%scan3A_985, %scatter3A_1949, %scatter3A_1950, %scatter3A_1951, %scatter3A_1952] : memref<2x50x4x8x16xf32, #tpu.memory_space<vmem>> -> memref<1x50x4x8x16xf32, #tpu.memory_space<vmem>>
        %scatter3A_1954 = tpu.memref_squeeze %scatter3A_1953 : memref<1x50x4x8x16xf32, #tpu.memory_space<vmem>> -> memref<50x4x8x16xf32, #tpu.memory_space<vmem>>
        tpu.vector_store_idx %scatter3A_1954[%broadcast_in_dim3A_1549, %shift_right_logical3A_255, %and3A_351, %iota3A], %mul3A_1948 : memref<50x4x8x16xf32, #tpu.memory_space<vmem>>[vector<16xi32>, vector<16xi32>, vector<16xi32>, vector<16xi32>], vector<16xf32>,
        %mul3A_1955 = arith.mulf %gather3A_1659, %mul3A_1807 : vector<16xf32>
        %scatter3A_1956 = arith.constant 0 : i32
        %scatter3A_1957 = arith.constant 0 : i32
        %scatter3A_1958 = arith.constant 0 : i32
        %scatter3A_1959 = arith.constant 0 : i32
        %scatter3A_1960 = tpu.memref_slice %arg7[%scan3A_985, %scatter3A_1956, %scatter3A_1957, %scatter3A_1958, %scatter3A_1959] : memref<2x50x4x8x16xf32, #tpu.memory_space<vmem>> -> memref<1x50x4x8x16xf32, #tpu.memory_space<vmem>>
        %scatter3A_1961 = tpu.memref_squeeze %scatter3A_1960 : memref<1x50x4x8x16xf32, #tpu.memory_space<vmem>> -> memref<50x4x8x16xf32, #tpu.memory_space<vmem>>
        tpu.vector_store_idx %scatter3A_1961[%broadcast_in_dim3A_1549, %shift_right_logical3A_258, %and3A_354, %iota3A], %mul3A_1955 : memref<50x4x8x16xf32, #tpu.memory_space<vmem>>[vector<16xi32>, vector<16xi32>, vector<16xi32>, vector<16xi32>], vector<16xf32>,
        %mul3A_1962 = arith.mulf %gather3A_1664, %mul3A_1807 : vector<16xf32>
        %scatter3A_1963 = arith.constant 0 : i32
        %scatter3A_1964 = arith.constant 0 : i32
        %scatter3A_1965 = arith.constant 0 : i32
        %scatter3A_1966 = arith.constant 0 : i32
        %scatter3A_1967 = tpu.memref_slice %arg7[%scan3A_985, %scatter3A_1963, %scatter3A_1964, %scatter3A_1965, %scatter3A_1966] : memref<2x50x4x8x16xf32, #tpu.memory_space<vmem>> -> memref<1x50x4x8x16xf32, #tpu.memory_space<vmem>>
        %scatter3A_1968 = tpu.memref_squeeze %scatter3A_1967 : memref<1x50x4x8x16xf32, #tpu.memory_space<vmem>> -> memref<50x4x8x16xf32, #tpu.memory_space<vmem>>
        tpu.vector_store_idx %scatter3A_1968[%broadcast_in_dim3A_1549, %shift_right_logical3A_261, %and3A_357, %iota3A], %mul3A_1962 : memref<50x4x8x16xf32, #tpu.memory_space<vmem>>[vector<16xi32>, vector<16xi32>, vector<16xi32>, vector<16xi32>], vector<16xf32>,
        %mul3A_1969 = arith.mulf %gather3A_1669, %mul3A_1807 : vector<16xf32>
        %scatter3A_1970 = arith.constant 0 : i32
        %scatter3A_1971 = arith.constant 0 : i32
        %scatter3A_1972 = arith.constant 0 : i32
        %scatter3A_1973 = arith.constant 0 : i32
        %scatter3A_1974 = tpu.memref_slice %arg7[%scan3A_985, %scatter3A_1970, %scatter3A_1971, %scatter3A_1972, %scatter3A_1973] : memref<2x50x4x8x16xf32, #tpu.memory_space<vmem>> -> memref<1x50x4x8x16xf32, #tpu.memory_space<vmem>>
        %scatter3A_1975 = tpu.memref_squeeze %scatter3A_1974 : memref<1x50x4x8x16xf32, #tpu.memory_space<vmem>> -> memref<50x4x8x16xf32, #tpu.memory_space<vmem>>
        tpu.vector_store_idx %scatter3A_1975[%broadcast_in_dim3A_1549, %shift_right_logical3A_264, %and3A_360, %iota3A], %mul3A_1969 : memref<50x4x8x16xf32, #tpu.memory_space<vmem>>[vector<16xi32>, vector<16xi32>, vector<16xi32>, vector<16xi32>], vector<16xf32>,
        %mul3A_1976 = arith.mulf %gather3A_1674, %mul3A_1807 : vector<16xf32>
        %scatter3A_1977 = arith.constant 0 : i32
        %scatter3A_1978 = arith.constant 0 : i32
        %scatter3A_1979 = arith.constant 0 : i32
        %scatter3A_1980 = arith.constant 0 : i32
        %scatter3A_1981 = tpu.memref_slice %arg7[%scan3A_985, %scatter3A_1977, %scatter3A_1978, %scatter3A_1979, %scatter3A_1980] : memref<2x50x4x8x16xf32, #tpu.memory_space<vmem>> -> memref<1x50x4x8x16xf32, #tpu.memory_space<vmem>>
        %scatter3A_1982 = tpu.memref_squeeze %scatter3A_1981 : memref<1x50x4x8x16xf32, #tpu.memory_space<vmem>> -> memref<50x4x8x16xf32, #tpu.memory_space<vmem>>
        tpu.vector_store_idx %scatter3A_1982[%broadcast_in_dim3A_1549, %shift_right_logical3A_267, %and3A_363, %iota3A], %mul3A_1976 : memref<50x4x8x16xf32, #tpu.memory_space<vmem>>[vector<16xi32>, vector<16xi32>, vector<16xi32>, vector<16xi32>], vector<16xf32>,
        %mul3A_1983 = arith.mulf %gather3A_1679, %mul3A_1807 : vector<16xf32>
        %scatter3A_1984 = arith.constant 0 : i32
        %scatter3A_1985 = arith.constant 0 : i32
        %scatter3A_1986 = arith.constant 0 : i32
        %scatter3A_1987 = arith.constant 0 : i32
        %scatter3A_1988 = tpu.memref_slice %arg7[%scan3A_985, %scatter3A_1984, %scatter3A_1985, %scatter3A_1986, %scatter3A_1987] : memref<2x50x4x8x16xf32, #tpu.memory_space<vmem>> -> memref<1x50x4x8x16xf32, #tpu.memory_space<vmem>>
        %scatter3A_1989 = tpu.memref_squeeze %scatter3A_1988 : memref<1x50x4x8x16xf32, #tpu.memory_space<vmem>> -> memref<50x4x8x16xf32, #tpu.memory_space<vmem>>
        tpu.vector_store_idx %scatter3A_1989[%broadcast_in_dim3A_1549, %shift_right_logical3A_270, %and3A_366, %iota3A], %mul3A_1983 : memref<50x4x8x16xf32, #tpu.memory_space<vmem>>[vector<16xi32>, vector<16xi32>, vector<16xi32>, vector<16xi32>], vector<16xf32>,
        %mul3A_1990 = arith.mulf %gather3A_1684, %mul3A_1807 : vector<16xf32>
        %scatter3A_1991 = arith.constant 0 : i32
        %scatter3A_1992 = arith.constant 0 : i32
        %scatter3A_1993 = arith.constant 0 : i32
        %scatter3A_1994 = arith.constant 0 : i32
        %scatter3A_1995 = tpu.memref_slice %arg7[%scan3A_985, %scatter3A_1991, %scatter3A_1992, %scatter3A_1993, %scatter3A_1994] : memref<2x50x4x8x16xf32, #tpu.memory_space<vmem>> -> memref<1x50x4x8x16xf32, #tpu.memory_space<vmem>>
        %scatter3A_1996 = tpu.memref_squeeze %scatter3A_1995 : memref<1x50x4x8x16xf32, #tpu.memory_space<vmem>> -> memref<50x4x8x16xf32, #tpu.memory_space<vmem>>
        tpu.vector_store_idx %scatter3A_1996[%broadcast_in_dim3A_1549, %shift_right_logical3A_273, %and3A_369, %iota3A], %mul3A_1990 : memref<50x4x8x16xf32, #tpu.memory_space<vmem>>[vector<16xi32>, vector<16xi32>, vector<16xi32>, vector<16xi32>], vector<16xf32>,
        %mul3A_1997 = arith.mulf %gather3A_1689, %mul3A_1807 : vector<16xf32>
        %scatter3A_1998 = arith.constant 0 : i32
        %scatter3A_1999 = arith.constant 0 : i32
        %scatter3A_2000 = arith.constant 0 : i32
        %scatter3A_2001 = arith.constant 0 : i32
        %scatter3A_2002 = tpu.memref_slice %arg7[%scan3A_985, %scatter3A_1998, %scatter3A_1999, %scatter3A_2000, %scatter3A_2001] : memref<2x50x4x8x16xf32, #tpu.memory_space<vmem>> -> memref<1x50x4x8x16xf32, #tpu.memory_space<vmem>>
        %scatter3A_2003 = tpu.memref_squeeze %scatter3A_2002 : memref<1x50x4x8x16xf32, #tpu.memory_space<vmem>> -> memref<50x4x8x16xf32, #tpu.memory_space<vmem>>
        tpu.vector_store_idx %scatter3A_2003[%broadcast_in_dim3A_1549, %shift_right_logical3A_276, %and3A_372, %iota3A], %mul3A_1997 : memref<50x4x8x16xf32, #tpu.memory_space<vmem>>[vector<16xi32>, vector<16xi32>, vector<16xi32>, vector<16xi32>], vector<16xf32>,
        %mul3A_2004 = arith.mulf %gather3A_1694, %mul3A_1807 : vector<16xf32>
        %scatter3A_2005 = arith.constant 0 : i32
        %scatter3A_2006 = arith.constant 0 : i32
        %scatter3A_2007 = arith.constant 0 : i32
        %scatter3A_2008 = arith.constant 0 : i32
        %scatter3A_2009 = tpu.memref_slice %arg7[%scan3A_985, %scatter3A_2005, %scatter3A_2006, %scatter3A_2007, %scatter3A_2008] : memref<2x50x4x8x16xf32, #tpu.memory_space<vmem>> -> memref<1x50x4x8x16xf32, #tpu.memory_space<vmem>>
        %scatter3A_2010 = tpu.memref_squeeze %scatter3A_2009 : memref<1x50x4x8x16xf32, #tpu.memory_space<vmem>> -> memref<50x4x8x16xf32, #tpu.memory_space<vmem>>
        tpu.vector_store_idx %scatter3A_2010[%broadcast_in_dim3A_1549, %shift_right_logical3A_279, %and3A_375, %iota3A], %mul3A_2004 : memref<50x4x8x16xf32, #tpu.memory_space<vmem>>[vector<16xi32>, vector<16xi32>, vector<16xi32>, vector<16xi32>], vector<16xf32>,
        %mul3A_2011 = arith.mulf %gather3A_1699, %mul3A_1807 : vector<16xf32>
        %scatter3A_2012 = arith.constant 0 : i32
        %scatter3A_2013 = arith.constant 0 : i32
        %scatter3A_2014 = arith.constant 0 : i32
        %scatter3A_2015 = arith.constant 0 : i32
        %scatter3A_2016 = tpu.memref_slice %arg7[%scan3A_985, %scatter3A_2012, %scatter3A_2013, %scatter3A_2014, %scatter3A_2015] : memref<2x50x4x8x16xf32, #tpu.memory_space<vmem>> -> memref<1x50x4x8x16xf32, #tpu.memory_space<vmem>>
        %scatter3A_2017 = tpu.memref_squeeze %scatter3A_2016 : memref<1x50x4x8x16xf32, #tpu.memory_space<vmem>> -> memref<50x4x8x16xf32, #tpu.memory_space<vmem>>
        tpu.vector_store_idx %scatter3A_2017[%broadcast_in_dim3A_1549, %shift_right_logical3A_282, %and3A_378, %iota3A], %mul3A_2011 : memref<50x4x8x16xf32, #tpu.memory_space<vmem>>[vector<16xi32>, vector<16xi32>, vector<16xi32>, vector<16xi32>], vector<16xf32>,
        %mul3A_2018 = arith.mulf %gather3A_1704, %mul3A_1807 : vector<16xf32>
        %scatter3A_2019 = arith.constant 0 : i32
        %scatter3A_2020 = arith.constant 0 : i32
        %scatter3A_2021 = arith.constant 0 : i32
        %scatter3A_2022 = arith.constant 0 : i32
        %scatter3A_2023 = tpu.memref_slice %arg7[%scan3A_985, %scatter3A_2019, %scatter3A_2020, %scatter3A_2021, %scatter3A_2022] : memref<2x50x4x8x16xf32, #tpu.memory_space<vmem>> -> memref<1x50x4x8x16xf32, #tpu.memory_space<vmem>>
        %scatter3A_2024 = tpu.memref_squeeze %scatter3A_2023 : memref<1x50x4x8x16xf32, #tpu.memory_space<vmem>> -> memref<50x4x8x16xf32, #tpu.memory_space<vmem>>
        tpu.vector_store_idx %scatter3A_2024[%broadcast_in_dim3A_1549, %shift_right_logical3A_285, %and3A_381, %iota3A], %mul3A_2018 : memref<50x4x8x16xf32, #tpu.memory_space<vmem>>[vector<16xi32>, vector<16xi32>, vector<16xi32>, vector<16xi32>], vector<16xf32>,
        %mul3A_2025 = arith.mulf %gather3A_1709, %mul3A_1807 : vector<16xf32>
        %scatter3A_2026 = arith.constant 0 : i32
        %scatter3A_2027 = arith.constant 0 : i32
        %scatter3A_2028 = arith.constant 0 : i32
        %scatter3A_2029 = arith.constant 0 : i32
        %scatter3A_2030 = tpu.memref_slice %arg7[%scan3A_985, %scatter3A_2026, %scatter3A_2027, %scatter3A_2028, %scatter3A_2029] : memref<2x50x4x8x16xf32, #tpu.memory_space<vmem>> -> memref<1x50x4x8x16xf32, #tpu.memory_space<vmem>>
        %scatter3A_2031 = tpu.memref_squeeze %scatter3A_2030 : memref<1x50x4x8x16xf32, #tpu.memory_space<vmem>> -> memref<50x4x8x16xf32, #tpu.memory_space<vmem>>
        tpu.vector_store_idx %scatter3A_2031[%broadcast_in_dim3A_1549, %shift_right_logical3A_288, %and3A_384, %iota3A], %mul3A_2025 : memref<50x4x8x16xf32, #tpu.memory_space<vmem>>[vector<16xi32>, vector<16xi32>, vector<16xi32>, vector<16xi32>], vector<16xf32>,
      }
      %scan3A_990 = arith.constant 25 : i32
      %mul3A_991 = arith.constant 16 : i32
      %mul3A_992 = arith.muli %add3A_847, %mul3A_991 : i32
      %add3A_993 = arith.addi %mul3A_2, %mul3A_992 : i32
      %jit3A_994 = arith.constant 128 : i32
      %div3A_995 = arith.divsi %add3A_993, %jit3A_994 : i32
      %sign3A_996 = arith.constant 0 : i32
      %sign3A_997 = arith.cmpi sgt, %add3A_993, %sign3A_996 : i32
      %sign3A_998 = arith.extui %sign3A_997 : i1 to i32
      %sign3A_999 = arith.constant 0 : i32
      %sign3A_1000 = arith.cmpi slt, %add3A_993, %sign3A_999 : i32
      %sign3A_1001 = arith.extui %sign3A_1000 : i1 to i32
      %sign3A_1002 = arith.subi %sign3A_998, %sign3A_1001 : i32
      %sign3A_1003 = arith.constant 0 : i32
      %sign3A_1004 = arith.cmpi sgt, %jit3A_994, %sign3A_1003 : i32
      %sign3A_1005 = arith.extui %sign3A_1004 : i1 to i32
      %sign3A_1006 = arith.constant 0 : i32
      %sign3A_1007 = arith.cmpi slt, %jit3A_994, %sign3A_1006 : i32
      %sign3A_1008 = arith.extui %sign3A_1007 : i1 to i32
      %sign3A_1009 = arith.subi %sign3A_1005, %sign3A_1008 : i32
      %ne3A_1010 = arith.cmpi ne, %sign3A_1002, %sign3A_1009 : i32
      %rem3A_1011 = arith.remsi %add3A_993, %jit3A_994 : i32
      %ne3A_1012 = arith.constant 0 : i32
      %ne3A_1013 = arith.cmpi ne, %rem3A_1011, %ne3A_1012 : i32
      %and3A_1014 = arith.andi %ne3A_1010, %ne3A_1013 : i1
      %sub3A_1015 = arith.constant 1 : i32
      %sub3A_1016 = arith.subi %div3A_995, %sub3A_1015 : i32
      %select_n3A_1017 = arith.select %and3A_1014, %sub3A_1016, %div3A_995 : i32
      %jit3A_1018 = arith.constant 128 : i32
      %eq3A_1019 = arith.constant 0 : i32
      %eq3A_1020 = arith.cmpi eq, %jit3A_1018, %eq3A_1019 : i32
      %jit3A_1021 = arith.constant 1 : i32
      %select_n3A_1022 = arith.select %eq3A_1020, %jit3A_1021, %jit3A_1018 : i32
      %rem3A_1023 = arith.remsi %add3A_993, %select_n3A_1022 : i32
      %ne3A_1024 = arith.constant 0 : i32
      %ne3A_1025 = arith.cmpi ne, %rem3A_1023, %ne3A_1024 : i32
      %lt3A_1026 = arith.constant 0 : i32
      %lt3A_1027 = arith.cmpi slt, %rem3A_1023, %lt3A_1026 : i32
      %lt3A_1028 = arith.constant 0 : i32
      %lt3A_1029 = arith.cmpi slt, %select_n3A_1022, %lt3A_1028 : i32
      %ne3A_1030 = arith.xori %lt3A_1027, %lt3A_1029 : i1
      %and3A_1031 = arith.andi %ne3A_1030, %ne3A_1025 : i1
      %add3A_1032 = arith.addi %rem3A_1023, %select_n3A_1022 : i32
      %select_n3A_1033 = arith.select %and3A_1031, %add3A_1032, %rem3A_1023 : i32
      %dma_start3A_1034 = arith.constant 1 : i32
      %dma_start3A_1035 = arith.constant 0 : i32
      %dma_start3A_1036 = arith.constant 0 : i32
      %dma_start3A_1037 = arith.constant 0 : i32
      %dma_start3A_1038 = arith.constant 0 : i32
      %dma_start3A_1039 = tpu.memref_slice %arg7[%dma_start3A_1034, %dma_start3A_1035, %dma_start3A_1036, %dma_start3A_1037, %dma_start3A_1038] : memref<2x50x4x8x16xf32, #tpu.memory_space<vmem>> -> memref<1x50x4x8x16xf32, #tpu.memory_space<vmem>>
      %dma_start3A_1040 = tpu.memref_squeeze %dma_start3A_1039 : memref<1x50x4x8x16xf32, #tpu.memory_space<vmem>> -> memref<50x4x8x16xf32, #tpu.memory_space<vmem>>
      %dma_start3A_1041 = arith.constant 0 : i32
      %dma_start3A_1042 = arith.constant 0 : i32
      %dma_start3A_1043 = arith.constant 0 : i32
      %dma_start3A_1044 = tpu.memref_slice %arg4[%dma_start3A_1041, %dma_start3A_1042, %select_n3A_1017, %dma_start3A_1043, %select_n3A_1033] : memref<50x4x128x8x128xf32, #tpu.memory_space<hbm>> -> memref<50x4x1x8x16xf32, #tpu.memory_space<hbm>>
      %dma_start3A_1045 = tpu.memref_squeeze %dma_start3A_1044 : memref<50x4x1x8x16xf32, #tpu.memory_space<hbm>> -> memref<50x4x8x16xf32, #tpu.memory_space<hbm>>
      %dma_start3A_1046 = arith.constant 0 : i32
      %dma_start3A_1047 = arith.constant 0 : i32
      %dma_start3A_1048 = arith.constant 0 : i32
      %dma_start3A_1049 = tpu.memref_slice %arg4[%dma_start3A_1046, %dma_start3A_1047, %select_n3A_1017, %dma_start3A_1048, %select_n3A_1033] : memref<50x4x128x8x128xf32, #tpu.memory_space<hbm>> -> memref<50x4x1x8x16xf32, #tpu.memory_space<hbm>>
      %dma_start3A_1050 = tpu.memref_squeeze %dma_start3A_1049 : memref<50x4x1x8x16xf32, #tpu.memory_space<hbm>> -> memref<50x4x8x16xf32, #tpu.memory_space<hbm>>
      %dma_start3A_1051 = arith.constant 0 : i32
      %dma_start3A_1052 = arith.constant 0 : i32
      %dma_start3A_1053 = arith.constant 0 : i32
      %dma_start3A_1054 = arith.constant 0 : i32
      %dma_start3A_1055 = tpu.memref_slice %arg7[%dma_start3A_1034, %dma_start3A_1051, %dma_start3A_1052, %dma_start3A_1053, %dma_start3A_1054] : memref<2x50x4x8x16xf32, #tpu.memory_space<vmem>> -> memref<1x50x4x8x16xf32, #tpu.memory_space<vmem>>
      %dma_start3A_1056 = tpu.memref_squeeze %dma_start3A_1055 : memref<1x50x4x8x16xf32, #tpu.memory_space<vmem>> -> memref<50x4x8x16xf32, #tpu.memory_space<vmem>>
      tpu.enqueue_dma source(%dma_start3A_1056 : memref<50x4x8x16xf32, #tpu.memory_space<vmem>>) target(%dma_start3A_1050 : memref<50x4x8x16xf32, #tpu.memory_space<hbm>>) target_semaphore(%arg11 : memref<!tpu.dma_semaphore, #tpu.memory_space<semaphore_mem>>)
    }
    %scan3A_512 = arith.constant 16 : i32
    %add3A_513 = arith.constant 480 : i32
    %add3A_514 = arith.addi %mul3A_2, %add3A_513 : i32
    %jit3A = arith.constant 128 : i32
    %div3A = arith.divsi %add3A_514, %jit3A : i32
    %sign3A = arith.constant 0 : i32
    %sign3A_515 = arith.cmpi sgt, %add3A_514, %sign3A : i32
    %sign3A_516 = arith.extui %sign3A_515 : i1 to i32
    %sign3A_517 = arith.constant 0 : i32
    %sign3A_518 = arith.cmpi slt, %add3A_514, %sign3A_517 : i32
    %sign3A_519 = arith.extui %sign3A_518 : i1 to i32
    %sign3A_520 = arith.subi %sign3A_516, %sign3A_519 : i32
    %sign3A_521 = arith.constant 0 : i32
    %sign3A_522 = arith.cmpi sgt, %jit3A, %sign3A_521 : i32
    %sign3A_523 = arith.extui %sign3A_522 : i1 to i32
    %sign3A_524 = arith.constant 0 : i32
    %sign3A_525 = arith.cmpi slt, %jit3A, %sign3A_524 : i32
    %sign3A_526 = arith.extui %sign3A_525 : i1 to i32
    %sign3A_527 = arith.subi %sign3A_523, %sign3A_526 : i32
    %ne3A = arith.cmpi ne, %sign3A_520, %sign3A_527 : i32
    %rem3A = arith.remsi %add3A_514, %jit3A : i32
    %ne3A_528 = arith.constant 0 : i32
    %ne3A_529 = arith.cmpi ne, %rem3A, %ne3A_528 : i32
    %and3A_530 = arith.andi %ne3A, %ne3A_529 : i1
    %sub3A = arith.constant 1 : i32
    %sub3A_531 = arith.subi %div3A, %sub3A : i32
    %select_n3A = arith.select %and3A_530, %sub3A_531, %div3A : i32
    %jit3A_532 = arith.constant 128 : i32
    %eq3A = arith.constant 0 : i32
    %eq3A_533 = arith.cmpi eq, %jit3A_532, %eq3A : i32
    %jit3A_534 = arith.constant 1 : i32
    %select_n3A_535 = arith.select %eq3A_533, %jit3A_534, %jit3A_532 : i32
    %rem3A_536 = arith.remsi %add3A_514, %select_n3A_535 : i32
    %ne3A_537 = arith.constant 0 : i32
    %ne3A_538 = arith.cmpi ne, %rem3A_536, %ne3A_537 : i32
    %lt3A = arith.constant 0 : i32
    %lt3A_539 = arith.cmpi slt, %rem3A_536, %lt3A : i32
    %lt3A_540 = arith.constant 0 : i32
    %lt3A_541 = arith.cmpi slt, %select_n3A_535, %lt3A_540 : i32
    %ne3A_542 = arith.xori %lt3A_539, %lt3A_541 : i1
    %and3A_543 = arith.andi %ne3A_542, %ne3A_538 : i1
    %add3A_544 = arith.addi %rem3A_536, %select_n3A_535 : i32
    %select_n3A_545 = arith.select %and3A_543, %add3A_544, %rem3A_536 : i32
    %dma_wait3A = arith.constant 0 : i32
    %dma_wait3A_546 = arith.constant 0 : i32
    %dma_wait3A_547 = arith.constant 0 : i32
    %dma_wait3A_548 = arith.constant 0 : i32
    %dma_wait3A_549 = arith.constant 0 : i32
    %dma_wait3A_550 = tpu.memref_slice %arg7[%dma_wait3A, %dma_wait3A_546, %dma_wait3A_547, %dma_wait3A_548, %dma_wait3A_549] : memref<2x50x4x8x16xf32, #tpu.memory_space<vmem>> -> memref<1x50x4x8x16xf32, #tpu.memory_space<vmem>>
    %dma_wait3A_551 = tpu.memref_squeeze %dma_wait3A_550 : memref<1x50x4x8x16xf32, #tpu.memory_space<vmem>> -> memref<50x4x8x16xf32, #tpu.memory_space<vmem>>
    %dma_wait3A_552 = arith.constant 0 : i32
    %dma_wait3A_553 = arith.constant 0 : i32
    %dma_wait3A_554 = arith.constant 0 : i32
    %dma_wait3A_555 = tpu.memref_slice %arg4[%dma_wait3A_552, %dma_wait3A_553, %select_n3A, %dma_wait3A_554, %select_n3A_545] : memref<50x4x128x8x128xf32, #tpu.memory_space<hbm>> -> memref<50x4x1x8x16xf32, #tpu.memory_space<hbm>>
    %dma_wait3A_556 = tpu.memref_squeeze %dma_wait3A_555 : memref<50x4x1x8x16xf32, #tpu.memory_space<hbm>> -> memref<50x4x8x16xf32, #tpu.memory_space<hbm>>
    %dma_wait3A_557 = arith.constant 0 : i32
    %dma_wait3A_558 = arith.constant 0 : i32
    %dma_wait3A_559 = arith.constant 0 : i32
    %dma_wait3A_560 = tpu.memref_slice %arg4[%dma_wait3A_557, %dma_wait3A_558, %select_n3A, %dma_wait3A_559, %select_n3A_545] : memref<50x4x128x8x128xf32, #tpu.memory_space<hbm>> -> memref<50x4x1x8x16xf32, #tpu.memory_space<hbm>>
    %dma_wait3A_561 = tpu.memref_squeeze %dma_wait3A_560 : memref<50x4x1x8x16xf32, #tpu.memory_space<hbm>> -> memref<50x4x8x16xf32, #tpu.memory_space<hbm>>
    %dma_wait3A_562 = arith.constant 0 : i32
    %dma_wait3A_563 = arith.constant 0 : i32
    %dma_wait3A_564 = arith.constant 0 : i32
    %dma_wait3A_565 = arith.constant 0 : i32
    %dma_wait3A_566 = tpu.memref_slice %arg7[%dma_wait3A, %dma_wait3A_562, %dma_wait3A_563, %dma_wait3A_564, %dma_wait3A_565] : memref<2x50x4x8x16xf32, #tpu.memory_space<vmem>> -> memref<1x50x4x8x16xf32, #tpu.memory_space<vmem>>
    %dma_wait3A_567 = tpu.memref_squeeze %dma_wait3A_566 : memref<1x50x4x8x16xf32, #tpu.memory_space<vmem>> -> memref<50x4x8x16xf32, #tpu.memory_space<vmem>>
    tpu.wait_dma2 semaphore(%arg10 : memref<!tpu.dma_semaphore, #tpu.memory_space<semaphore_mem>>) src(%dma_wait3A_567 : memref<50x4x8x16xf32, #tpu.memory_space<vmem>>) dst(%dma_wait3A_561 : memref<50x4x8x16xf32, #tpu.memory_space<hbm>>)
    %add3A_568 = arith.constant 496 : i32
    %add3A_569 = arith.addi %mul3A_2, %add3A_568 : i32
    %jit3A_570 = arith.constant 128 : i32
    %div3A_571 = arith.divsi %add3A_569, %jit3A_570 : i32
    %sign3A_572 = arith.constant 0 : i32
    %sign3A_573 = arith.cmpi sgt, %add3A_569, %sign3A_572 : i32
    %sign3A_574 = arith.extui %sign3A_573 : i1 to i32
    %sign3A_575 = arith.constant 0 : i32
    %sign3A_576 = arith.cmpi slt, %add3A_569, %sign3A_575 : i32
    %sign3A_577 = arith.extui %sign3A_576 : i1 to i32
    %sign3A_578 = arith.subi %sign3A_574, %sign3A_577 : i32
    %sign3A_579 = arith.constant 0 : i32
    %sign3A_580 = arith.cmpi sgt, %jit3A_570, %sign3A_579 : i32
    %sign3A_581 = arith.extui %sign3A_580 : i1 to i32
    %sign3A_582 = arith.constant 0 : i32
    %sign3A_583 = arith.cmpi slt, %jit3A_570, %sign3A_582 : i32
    %sign3A_584 = arith.extui %sign3A_583 : i1 to i32
    %sign3A_585 = arith.subi %sign3A_581, %sign3A_584 : i32
    %ne3A_586 = arith.cmpi ne, %sign3A_578, %sign3A_585 : i32
    %rem3A_587 = arith.remsi %add3A_569, %jit3A_570 : i32
    %ne3A_588 = arith.constant 0 : i32
    %ne3A_589 = arith.cmpi ne, %rem3A_587, %ne3A_588 : i32
    %and3A_590 = arith.andi %ne3A_586, %ne3A_589 : i1
    %sub3A_591 = arith.constant 1 : i32
    %sub3A_592 = arith.subi %div3A_571, %sub3A_591 : i32
    %select_n3A_593 = arith.select %and3A_590, %sub3A_592, %div3A_571 : i32
    %jit3A_594 = arith.constant 128 : i32
    %eq3A_595 = arith.constant 0 : i32
    %eq3A_596 = arith.cmpi eq, %jit3A_594, %eq3A_595 : i32
    %jit3A_597 = arith.constant 1 : i32
    %select_n3A_598 = arith.select %eq3A_596, %jit3A_597, %jit3A_594 : i32
    %rem3A_599 = arith.remsi %add3A_569, %select_n3A_598 : i32
    %ne3A_600 = arith.constant 0 : i32
    %ne3A_601 = arith.cmpi ne, %rem3A_599, %ne3A_600 : i32
    %lt3A_602 = arith.constant 0 : i32
    %lt3A_603 = arith.cmpi slt, %rem3A_599, %lt3A_602 : i32
    %lt3A_604 = arith.constant 0 : i32
    %lt3A_605 = arith.cmpi slt, %select_n3A_598, %lt3A_604 : i32
    %ne3A_606 = arith.xori %lt3A_603, %lt3A_605 : i1
    %and3A_607 = arith.andi %ne3A_606, %ne3A_601 : i1
    %add3A_608 = arith.addi %rem3A_599, %select_n3A_598 : i32
    %select_n3A_609 = arith.select %and3A_607, %add3A_608, %rem3A_599 : i32
    %dma_wait3A_610 = arith.constant 1 : i32
    %dma_wait3A_611 = arith.constant 0 : i32
    %dma_wait3A_612 = arith.constant 0 : i32
    %dma_wait3A_613 = arith.constant 0 : i32
    %dma_wait3A_614 = arith.constant 0 : i32
    %dma_wait3A_615 = tpu.memref_slice %arg7[%dma_wait3A_610, %dma_wait3A_611, %dma_wait3A_612, %dma_wait3A_613, %dma_wait3A_614] : memref<2x50x4x8x16xf32, #tpu.memory_space<vmem>> -> memref<1x50x4x8x16xf32, #tpu.memory_space<vmem>>
    %dma_wait3A_616 = tpu.memref_squeeze %dma_wait3A_615 : memref<1x50x4x8x16xf32, #tpu.memory_space<vmem>> -> memref<50x4x8x16xf32, #tpu.memory_space<vmem>>
    %dma_wait3A_617 = arith.constant 0 : i32
    %dma_wait3A_618 = arith.constant 0 : i32
    %dma_wait3A_619 = arith.constant 0 : i32
    %dma_wait3A_620 = tpu.memref_slice %arg4[%dma_wait3A_617, %dma_wait3A_618, %select_n3A_593, %dma_wait3A_619, %select_n3A_609] : memref<50x4x128x8x128xf32, #tpu.memory_space<hbm>> -> memref<50x4x1x8x16xf32, #tpu.memory_space<hbm>>
    %dma_wait3A_621 = tpu.memref_squeeze %dma_wait3A_620 : memref<50x4x1x8x16xf32, #tpu.memory_space<hbm>> -> memref<50x4x8x16xf32, #tpu.memory_space<hbm>>
    %dma_wait3A_622 = arith.constant 0 : i32
    %dma_wait3A_623 = arith.constant 0 : i32
    %dma_wait3A_624 = arith.constant 0 : i32
    %dma_wait3A_625 = tpu.memref_slice %arg4[%dma_wait3A_622, %dma_wait3A_623, %select_n3A_593, %dma_wait3A_624, %select_n3A_609] : memref<50x4x128x8x128xf32, #tpu.memory_space<hbm>> -> memref<50x4x1x8x16xf32, #tpu.memory_space<hbm>>
    %dma_wait3A_626 = tpu.memref_squeeze %dma_wait3A_625 : memref<50x4x1x8x16xf32, #tpu.memory_space<hbm>> -> memref<50x4x8x16xf32, #tpu.memory_space<hbm>>
    %dma_wait3A_627 = arith.constant 0 : i32
    %dma_wait3A_628 = arith.constant 0 : i32
    %dma_wait3A_629 = arith.constant 0 : i32
    %dma_wait3A_630 = arith.constant 0 : i32
    %dma_wait3A_631 = tpu.memref_slice %arg7[%dma_wait3A_610, %dma_wait3A_627, %dma_wait3A_628, %dma_wait3A_629, %dma_wait3A_630] : memref<2x50x4x8x16xf32, #tpu.memory_space<vmem>> -> memref<1x50x4x8x16xf32, #tpu.memory_space<vmem>>
    %dma_wait3A_632 = tpu.memref_squeeze %dma_wait3A_631 : memref<1x50x4x8x16xf32, #tpu.memory_space<vmem>> -> memref<50x4x8x16xf32, #tpu.memory_space<vmem>>
    tpu.wait_dma2 semaphore(%arg11 : memref<!tpu.dma_semaphore, #tpu.memory_space<semaphore_mem>>) src(%dma_wait3A_632 : memref<50x4x8x16xf32, #tpu.memory_space<vmem>>) dst(%dma_wait3A_626 : memref<50x4x8x16xf32, #tpu.memory_space<hbm>>)
    return
  }
}

</mosaic_0001>

<sc_bundles>
// kernel: kernel.3.cloned.1.call-start
scs
__scs_entry_jumppad:
0x0: {  	(pc) =	sbr.rel $0x88, $3  }
0x1: {  	(tag) =	ssettag $0x0;
	lr =	simm.s32 $0x1  }
0x2: {  	[smem:$0x3F9F] =	sst lr;
	_ =	strace $0xD0000000  }
0x3: {  	_ = 	snop  }
0x4: {  	_ = 	snop  }
0x5: {  	_ = 	snop  }
0x6: {  	_ = 	snop  }
0x7: {  	_ = 	snop  }
__scs_overlays_trampoline_lowered:
0x8: {  	[smem:$0x3FAE] =	sst s0  }
0x9: {  	[smem:$0x3FAF] =	sst s1  }
0xa: {  	[smem:$0x3FB0] =	sst s2  }
0xb: {  	[smem:$0x3FB1] =	sst s3  }
0xc: {  	[smem:$0x3FB2] =	sst s4  }
0xd: {  	[smem:$0x3FB3] =	sst s5  }
0xe: {  	[smem:$0x3FB4] =	sst s6  }
0xf: {  	[smem:$0x3FB5] =	sst s7  }
0x10: {  	[smem:$0x3FB6] =	sst s8  }
0x11: {  	[smem:$0x3FB7] =	sst s9;
	s0 =	simm.s32 @!p0 $0x0  }
0x12: {  	s1 =	sld [smem:$0x3F9D];
	s0 =	simm.s32 @p0 $0x1  }
0x13: {  	[smem:$0x3FB8] =	sst s0;
	s0 =	simm.s32 @!p1 $0x0  }
0x14: {  	s2 =	sld [smem:$0x3F9C];
	s0 =	simm.s32 @p1 $0x1  }
0x15: {  	[smem:$0x3FB9] =	sst s0;
	s0 =	simm.s32 @!p2 $0x0  }
0x16: {  	s3 =	sld [smem:$0x3FDB];
	s0 =	simm.s32 @p2 $0x1  }
0x17: {  	s4 =	simm.s32 $0x1BF5;
	[smem:$0x3FBB] =	sst s0  }
0x18: {  	s0 =	sld [smem:$0x3F9E];
	_ =	swait.ge [sflag:s4], $0x0  }
0x19: {  	s7 =	sld [smem:$0x3F9F]  }
0x1a: {  	s8 =	sadd.s32 $0xFFFFE003, lr  }
0x1b: {  	s9 =	sadd.s32 $0xFFFFFEF7, lr;
	s5 =	simm.s32 $0xFFFFFFFF;
	p2 =	slt.u32 s8, $0xFFFFF086  }
0x1c: {  	p1 =	slt.u32 s9, $0xF7A;
	s5 =	simm.s32 @!p2 $0x0  }
0x1d: {  	s5 =	simm.s32 @p1 $0x1;
	p0 =	seq.s32 s7, s2  }
0x1e: {  	s7 =	smul.u32 @!p0 $0xF7A, s2;
	p2 =	seq.s32 @!p0 s5, $0x0  }
0x1f: {  	s9 =	smul.u32 $0xF7A, s1;
	s8 =	simm.s32 @!p0 $0x1BF5;
	p2 =	por !p2, p0  }
0x20: {  	[sflag:s8] =	ssyncset.s32 @!p0 $0xFFFFF086;
	s6 =	sadd.s32 @!p0 s3, s7;
	s7 =	simm.s32 @!p0 $0x108  }
0x21: {  	s3 =	sadd.s32 s3, s9;
	s6 =	sadd.s32 @!p0 $0x88, s6;
	s7 =	simm.s32 @p2 $0x1082  }
0x22: {  	[simem:s7], [sflag:s8] =	dma.local @!p0 [hbm:s6], $0xF7A  }
0x23: {  	s9 =	sor.u32 $0xD0000000, s2;
	s6 =	simm.s32 $0x108;
	_ =	swait.ge @!p0 [sflag:s8], $0x0  }
0x24: {  	s3 =	sadd.s32 $0x88, s3;
	s6 =	simm.s32 @!p1 $0x1082;
	[sflag:s4] =	ssyncset.s32 $0xFFFFF086  }
0x25: {  	[simem:s6], [sflag:s4] =	dma.local [hbm:s3], $0xF7A  }
0x26: {  	[smem:$0x3F9F] =	sst s1;
	(tag) =	ssettag s2;
	_ =	strace s9  }
0x27: {  	s1 =	sld [smem:$0x3FAF]  }
0x28: {  	s2 =	sld [smem:$0x3FB0]  }
0x29: {  	s4 =	sld [smem:$0x3FB2]  }
0x2a: {  	p0 =	seq.s32 s5, $0x0;
	s5 =	sld [smem:$0x3FB3]  }
0x2b: {  	s6 =	sld [smem:$0x3FB4]  }
0x2c: {  	s7 =	sld [smem:$0x3FB5]  }
0x2d: {  	s3 =	simm.s32 $0x108;
	s8 =	sld [smem:$0x3FB6]  }
0x2e: {  	s3 =	simm.s32 @!p0 $0x1082;
	s9 =	sld [smem:$0x3FB7]  }
0x2f: {  	lr =	sadd.s32 s0, s3;
	s0 =	sld [smem:$0x3FAE]  }
0x30: {  	s3 =	sld [smem:$0x3FB1]  }
0x31: {  	[smem:$0x3FBA] =	sst s10  }
0x32: {  	s10 =	sld [smem:$0x3FB8];
	_ =	sdelay $0x3  }
0x33: {  	p0 =	seq.s32 s10, $0x1;
	s10 =	sld [smem:$0x3FBA];
	_ =	sdelay $0x3  }
0x34: {  	[smem:$0x3FBA] =	sst s10  }
0x35: {  	s10 =	sld [smem:$0x3FB9];
	_ =	sdelay $0x3  }
0x36: {  	p1 =	seq.s32 s10, $0x1;
	s10 =	sld [smem:$0x3FBA];
	_ =	sdelay $0x3  }
0x37: {  	[smem:$0x3FBA] =	sst s10  }
0x38: {  	s10 =	sld [smem:$0x3FBB]  }
0x39: {  	_ = 	snop;
	(pc) =	sbr.ind lr, $3  }
0x3a: {  	_ = 	snop  }
0x3b: {  	_ = 	snop  }
0x3c: {  	p2 =	seq.s32 s10, $0x1;
	s10 =	sld [smem:$0x3FBA]  }
0x3d: {  	_ =	shalt  }
0x3e: {  	_ =	shalt  }
0x3f: {  	_ =	shalt  }
0x40: {  	_ =	shalt  }
0x41: {  	_ =	shalt  }
0x42: {  	_ =	shalt  }
0x43: {  	_ =	shalt  }
0x44: {  	_ =	shalt  }
0x45: {  	_ =	shalt  }
0x46: {  	_ =	shalt  }
0x47: {  	_ =	shalt  }
0x48: {  	_ =	shalt  }
0x49: {  	_ =	shalt  }
0x4a: {  	_ =	shalt  }
0x4b: {  	_ =	shalt  }
0x4c: {  	_ =	shalt  }
0x4d: {  	_ =	shalt  }
0x4e: {  	_ =	shalt  }
0x4f: {  	_ =	shalt  }
0x50: {  	_ =	shalt  }
0x51: {  	_ =	shalt  }
0x52: {  	_ =	shalt  }
0x53: {  	_ =	shalt  }
0x54: {  	_ =	shalt  }
0x55: {  	_ =	shalt  }
0x56: {  	_ =	shalt  }
0x57: {  	_ =	shalt  }
0x58: {  	_ =	shalt  }
0x59: {  	_ =	shalt  }
0x5a: {  	_ =	shalt  }
0x5b: {  	_ =	shalt  }
0x5c: {  	_ =	shalt  }
0x5d: {  	_ =	shalt  }
0x5e: {  	_ =	shalt  }
0x5f: {  	_ =	shalt  }
0x60: {  	_ =	shalt  }
0x61: {  	_ =	shalt  }
0x62: {  	_ =	shalt  }
0x63: {  	_ =	shalt  }
0x64: {  	_ =	shalt  }
0x65: {  	_ =	shalt  }
0x66: {  	_ =	shalt  }
0x67: {  	_ =	shalt  }
0x68: {  	_ =	shalt  }
0x69: {  	_ =	shalt  }
0x6a: {  	_ =	shalt  }
0x6b: {  	_ =	shalt  }
0x6c: {  	_ =	shalt  }
0x6d: {  	_ =	shalt  }
0x6e: {  	_ =	shalt  }
0x6f: {  	_ =	shalt  }
0x70: {  	_ =	shalt  }
0x71: {  	_ =	shalt  }
0x72: {  	_ =	shalt  }
0x73: {  	_ =	shalt  }
0x74: {  	_ =	shalt  }
0x75: {  	_ =	shalt  }
0x76: {  	_ =	shalt  }
0x77: {  	_ =	shalt  }
0x78: {  	_ =	shalt  }
0x79: {  	_ =	shalt  }
0x7a: {  	_ =	shalt  }
0x7b: {  	_ =	shalt  }
0x7c: {  	_ =	shalt  }
0x7d: {  	_ =	shalt  }
0x7e: {  	_ =	shalt  }
0x7f: {  	_ =	shalt  }
0x80: {  	_ =	shalt  }
0x81: {  	_ =	shalt  }
0x82: {  	_ =	shalt  }
0x83: {  	_ =	shalt  }
0x84: {  	_ =	shalt  }
0x85: {  	_ =	shalt  }
0x86: {  	_ =	shalt  }
0x87: {  	_ =	shalt  }
.Lfunc_end0:
.L_simem_size_0:
called_computation_lowered:
.L_overlay_start_0:
0x88: {  	s2 =	sld [smem:$0x3FD9]  }
0x89: {  	s3 =	sld [smem:$0x3FFE];
	_ =	sdelay $0x1  }
0x8a: {  	s1 =	srdreg.scid  }
0x8b: {  	s0 =	sand.u32 $0x1, s1  }
0x8c: {  	s17 =	sshll.u32 s0, $0xA;
	s2 =	sadd.s32 s3, s2  }
0x8d: {  	s2 =	sadd.s32 s2, s17  }
0x8e: {  	[smem:$0x3FC6] =	sst s2  }
0x8f: {  	_ = 	snop  }
0x90: {  	s2 =	sld [smem:$0x3FD0];
	(tm) =	ssettm $0x1  }
0x91: {  	s18 =	sld [smem:$0x3FFB];
	_ =	sdelay $0x3  }
0x92: {  	_ =	strace s18  }
0x93: {  	s3 =	sld [smem:$0x3FFC];
	_ =	sdelay $0x3  }
0x94: {  	_ =	strace s3  }
0x95: {  	s3 =	sld [smem:$0x3FFD];
	_ =	sdelay $0x3  }
0x96: {  	_ =	strace s3  }
0x97: {  	_ =	strace $0x8FFFFFFF  }
0x98: {  	s19 =	sld [smem:$0x3FDB];
	_ =	sdelay $0x1  }
0x99: {  	s4 =	simm.s32 $_scs_section_size  }
0x9a: {  	s5 =	simm.s32 $_size__tile_overlayer_lowered;
	s6 =	simm.s32 $_tile_overlayer_lowered  }
0x9b: {  	s22 =	simm.s32 $0x1BFF;
	s21 =	sshll.u32 s6, $0x1;
	s3 =	sadd.s32 s4, s19  }
0x9c: {  	s7 =	simm.s32 $0x0;
	s20 =	sshll.u32 s5, $0x1;
	s5 =	sadd.s32 s21, s3  }
0x9d: {  	[timem:s7], [sflag:s22] =	dma.local [hbm:s5], s20  }
0x9e: {  	_ =	swait.ge [sflag:s22], s20  }
0x9f: {  	s4 =	ssub.s32 $0x0, s20;
	[sflag:s22] =	ssyncset.done $0x0  }
0xa0: {  	[sflag:s22] =	ssyncadd.s32 s4;
	_ =	sdelay $0x1  }
0xa1: {  	s23 =	simm.s32 $0x1B8B  }
0xa2: {  	_ =	swait.ge [sflag:s23], $0x1  }
0xa3: {  	[sflag:s23] =	ssyncset.done $0x0  }
0xa4: {  	s25 =	simm.s32 $0x1B8E;
	s24 =	sld [smem:$0x3FFE];
	[sflag:s23] =	ssyncadd.s32 $0xFFFFFFFF  }
0xa5: {  	s26 =	simm.s32 $execute0_lowered;
	[smem:$0x3FD2] =	sst s25  }
0xa6: {  	s5 =	sshll.u32 s26, $0x1;
	_ =	strace $0x80000046;
	[dreg:$0x1] =	wrdreg $0xFFFFFFFF  }
0xa7: {  	s28 =	simm.s32 $_size_execute0_lowered;
	s3 =	sadd.s32 s3, s5;
	[dreg:$0x0] =	wrdreg $0x0  }
0xa8: {  	s5 =	sshll.u32 s28, $0x1;
	[dreg:$0x2] =	wrdreg s3  }
0xa9: {  	[dreg:$0x3] =	wrdreg s5  }
0xaa: {  	[dreg:$0x4] =	wrdreg $0xC0  }
0xab: {  	_ =	task [dreg:s7], $0x5FFFF  }
0xac: {  	[dreg:$0x1] =	wrdreg $0xFFFFFFFF  }
0xad: {  	[dreg:$0x0] =	wrdreg $0x60  }
0xae: {  	[dreg:$0x2] =	wrdreg s24  }
0xaf: {  	[dreg:$0x3] =	wrdreg s2  }
0xb0: {  	[dreg:$0x4] =	wrdreg $0x9  }
0xb1: {  	_ =	task.clear_ibuf [dreg:s7], $0x5FFFF;
	_ =	strace $0x90000046  }
0xb2: {  	s29 =	simm.s32 $0x9;
	_ =	strace $0x80000048  }
0xb3: {  	_ =	swait.ge [sflag:s29], $0x1  }
0xb4: {  	[sflag:s29] =	ssyncadd.s32 $0xFFFFFFFF  }
0xb5: {  	_ =	strace $0x90000048  }
0xb6: {  	_ =	sfence  }
0xb7: {  	s30 =	sld [smem:$0x0];
	_ =	sdelay $0x2  }
0xb8: {  	s31 =	sshll.u32 s1, $0xD;
	s1 =	sshrl.u32 s1, $0x2  }
0xb9: {  	s3 =	sand.u32 $0x4000, s31;
	s1 =	sadd.s32 s1, s30  }
0xba: {  	s0 =	sor.u32 s3, s0;
	s1 =	sshll.u32 s1, $0x11  }
0xbb: {  	s0 =	sor.u32 s1, s0  }
0xbc: {  	s0 =	sadd.s32 $0x8F2B, s0  }
0xbd: {  	[sflag:s0] =	ssyncadd.remote.s32 $0x1  }
0xbe: {  	_ =	sfence.sel $0xFFFF  }
0xbf: {  	[dreg:$0x0] =	wrdreg $0xFFFFFFFF;
	(pc) =	sbr.abs _section_cstart, $3  }
0xc0: {  	[dreg:$0x1] =	wrdreg $0xFFFFFFFF  }
0xc1: {  	_ =	task.clear_ibuf [dreg:s7], $0x2FFFF;
	_ =	strace $0x9FFFFFFF  }
0xc2: {  	(tm) =	ssettm $0x7FFFFFFF  }
0xc3: {  	_ =	shalt  }
tec
execute0_lowered:
.L_overlay_start_1:
0x0: {  	(tag) =	ssettag $0x1  }
0x1: {  	v19 =	vlaneseq.u32;
	v48 =	vimm.s32 $0x14131211  }
0x2: {  	v1 =	vimm.s32 $0x18171615;
	vm0 =	vcmask $0x1F10;
	v2 =	vimm.s32 $0x1C1B1A19  }
0x3: {  	v3 =	vimm.s32 $0x1F1E1D;
	v4 =	vimm.s32 $0x15141312;
	v5 =	vimm.s32 $0x19181716  }
0x4: {  	v6 =	vimm.s32 $0x1D1C1B1A;
	v7 =	vimm.s32 $0x1001F1E;
	v9 =	vimm.s32 $0x16151413  }
0x5: {  	v11 =	vimm.s32 $0x1A191817;
	v12 =	vimm.s32 $0x1E1D1C1B;
	v13 =	vimm.s32 $0x201001F  }
0x6: {  	v50 =	vimm.s32 $0x3020100;
	v52 =	vimm.s32 $0x1F1E1D1C;
	v14 =	vimm.s32 $0x17161514  }
0x7: {  	v15 =	vimm.s32 $0x1B1A1918;
	v16 =	vimm.s32 $0x4030201;
	v17 =	vimm.s32 $0x5040302  }
0x8: {  	v18 =	vimm.s32 $0x6050403;
	v59 =	vimm.s32 $0x76543210;
	v60 =	vimm.s32 $0x87654321  }
0x9: {  	v61 =	vimm.s32 $0x98765432;
	v62 =	vimm.s32 $0xA9876543;
	v63 =	vimm.s32 $0x32107654  }
0xa: {  	vm1 =	vcmask $0x2F10;
	vm2 =	vcmask $0x3F30;
	vm7 =	vcmask $0x300  }
0xb: {  	vm10 =	vcmask $0x704;
	vm11 =	vcmask $0xB08;
	vm9 =	vcmask $0xF0C  }
0xc: {  	vm8 =	vcmask $0x1310;
	vm6 =	vcmask $0x1714;
	vm5 =	vcmask $0x1B18  }
0xd: {  	vm3 =	vcmask $0x1F1C;
	vm15 =	vcmask $0x1F14;
	vm4 =	vcmask $0x2B28  }
0xe: {  	vm14 =	vcmask $0x3B2C;
	vm13 =	vcmask $0x3728;
	vm12 =	vcmask $0x1304  }
0xf: {  	v20 =	vmul.u32 $0x640, v19;
	v0 =	vadd.s32 $0x1, v19;
	v21 =	vadd.s32 $0x2, v19  }
0x10: {  	v22 =	vadd.s32 $0x3, v19;
	v23 =	vadd.s32 $0x4, v19;
	v24 =	vadd.s32 $0x5, v19  }
0x11: {  	v25 =	vadd.s32 $0x6, v19;
	v27 =	vadd.s32 $0x8, v19;
	v34 =	vadd.s32 $0x9, v19  }
0x12: {  	v35 =	vadd.s32 $0xA, v19;
	v36 =	vadd.s32 $0xB, v19;
	v37 =	vadd.s32 $0xC, v19  }
0x13: {  	v38 =	vadd.s32 $0xD, v19;
	v39 =	vadd.s32 $0xE, v19;
	v40 =	vadd.s32 $0xF, v19  }
0x14: {  	v1 =	vunpack.c.0.s8.s32 v1;
	v2 =	vunpack.c.0.s8.s32 v2;
	v3 =	vunpack.c.0.s8.s32 v3  }
0x15: {  	v4 =	vunpack.c.0.s8.s32 v4;
	v5 =	vunpack.c.0.s8.s32 v5;
	v6 =	vunpack.c.0.s8.s32 v6  }
0x16: {  	v7 =	vunpack.c.0.s8.s32 v7;
	v9 =	vunpack.c.0.s8.s32 v9;
	v11 =	vunpack.c.0.s8.s32 v11  }
0x17: {  	v12 =	vunpack.c.0.s8.s32 v12;
	v13 =	vunpack.c.0.s8.s32 v13;
	v41 =	vor.u32 $0x10, v19  }
0x18: {  	v51 =	vunpack.c.0.s8.s32 v50;
	v14 =	vunpack.c.0.s8.s32 v14;
	v15 =	vunpack.c.0.s8.s32 v15  }
0x19: {  	v16 =	vunpack.c.0.s8.s32 v16;
	v17 =	vunpack.c.0.s8.s32 v17;
	v54 =	vunpack.c.0.s8.s32 v18  }
0x1a: {  	[tilespmem:$0x1FC00] =	vst v0;
	v0 =	vunpack.c.0.s8.s32 v48;
	v8 =	vsel vm0, v3, v2;
	v4 =	vsel vm0, v5, v4  }
0x1b: {  	v10 =	vsel vm0, v7, v6;
	v49 =	vsel vm0, v11, v9;
	v9 =	vunpack.c.0.s8.s32 v52  }
0x1c: {  	v14 =	vsel vm0, v15, v14;
	v53 =	vsel vm0, v16, v3;
	v55 =	vsel vm0, v17, v7  }
0x1d: {  	v5 =	vsel vm0, v6, v5;
	v56 =	vsel vm0, v54, v13;
	v57 =	vsel vm0, v12, v11  }
0x1e: {  	v6 =	vunpack.c.l.s4.s8 v60;
	v11 =	vunpack.c.l.s4.s8 v61;
	v54 =	vimm.s32 $0xB0A0908  }
0x1f: {  	v0 =	vsel vm0, v1, v0;
	v43 =	vcombine.low v4, v10;
	v4 =	vsel vm0, v13, v12  }
0x20: {  	v1 =	vsel vm0, v2, v1;
	v18 =	vcombine.low v5, v55;
	v5 =	vunpack.c.l.s4.s8 v59  }
0x21: {  	v12 =	vunpack.c.l.s4.s8 v62;
	v55 =	vimm.s32 $0x54329876;
	v59 =	vimm.s32 $0xC0B0A09  }
0x22: {  	v62 =	vimm.s32 $0xD0C0B0A;
	v42 =	vcombine.low v0, v8;
	v44 =	vcombine.low v49, v4  }
0x23: {  	v0 =	vsel vm0, v51, v9;
	v16 =	vcombine.low v1, v53;
	v58 =	vsel vm0, v9, v15  }
0x24: {  	v6 =	vunpack.c.0.s8.s32 v6;
	v11 =	vunpack.c.0.s8.s32 v11;
	v15 =	vcombine.low v57, v56  }
0x25: {  	v53 =	vimm.s32 $0x43218765;
	v56 =	vimm.s32 $0x6543A987;
	v51 =	vmul.u32 $0x11, v19  }
0x26: {  	v45 =	vcombine.low v14, v0;
	v5 =	vunpack.c.0.s8.s32 v5;
	v14 =	vunpack.c.l.s4.s8 v63  }
0x27: {  	v30 =	vunpack.c.0.s8.s32 v12;
	v2 =	vunpack.c.l.s4.s8 v53;
	v57 =	vunpack.c.l.s4.s8 v56  }
0x28: {  	v63 =	vimm.s32 $0xE0D0C0B;
	v12 =	vimm.s32 $0xF;
	v56 =	vimm.s32 $0x1C8  }
0x29: {  	v31 =	vand.u32 $0xF, v6;
	v32 =	vand.u32 $0xF, v11;
	v6 =	vunpack.c.l.s4.s8 v55  }
0x2a: {  	v11 =	vadd.s32 $0x90, v51;
	v46 =	vcombine.low v58, v5;
	v33 =	vunpack.c.0.s8.s32 v14  }
0x2b: {  	v47 =	vcombine.low v8, v31;
	v48 =	vcombine.low v10, v32;
	v0 =	vand.u32 $0xF, v30  }
0x2c: {  	v5 =	vunpack.c.0.s8.s32 v54;
	v2 =	vunpack.c.0.s8.s32 v2;
	v8 =	vadd.s32 $0x60, v51  }
0x2d: {  	v10 =	vadd.s32 $0x80, v51;
	v14 =	vimm.s32 $0x1B8;
	v30 =	vimm.s32 $0x2F1E0D00  }
0x2e: {  	[tilespmem:$0x1FC80] =	vst v11;
	v11 =	vimm.s32 $0x6F5E4D00;
	v49 =	vcombine.low v4, v0;
	v60 =	vunpack.c.0.s8.s32 v6  }
0x2f: {  	v0 =	vunpack.c.0.s8.s32 v57;
	v4 =	vunpack.c.0.s8.s32 v62;
	[tilespmem:$0x1FC50] =	vst v8;
	v57 =	vsel vm10, $0x1D9, v56  }
0x30: {  	[tilespmem:$0x1FC70] =	vst v10;
	v62 =	vimm.s32 $0x5F;
	v8 =	vimm.s32 $0x1B0A3D2C;
	v10 =	vimm.s32 $0x2B1A093C  }
0x31: {  	v52 =	vand.u32 $0xF, v33;
	v58 =	vand.u32 $0xF, v2;
	v2 =	vunpack.c.0.s8.s32 v59  }
0x32: {  	v59 =	vimm.s32 $0x4F;
	v1 =	vsel vm1, v52, v9;
	v61 =	vand.u32 $0xF, v60  }
0x33: {  	v0 =	vand.u32 $0xF, v0;
	v9 =	vadd.s32 $0x70, v51;
	v60 =	vimm.s32 $0x140  }
0x34: {  	v50 =	vsel vm2, v5, v1;
	v1 =	vsel vm1, v58, v3;
	v5 =	vunpack.c.0.s8.s32 v63  }
0x35: {  	v3 =	vsel vm1, v61, v7;
	v0 =	vsel vm1, v0, v13;
	v7 =	vadd.s32 $0x50, v51  }
0x36: {  	v13 =	vimm.s32 $0x130;
	vm1 =	vcmask $0x2724;
	v58 =	vimm.s32 $0x3F2E1D0C  }
0x37: {  	[tilespmem:$0x1FC60] =	vst v9;
	v63 =	vimm.s32 $0xB3E2D1C;
	v9 =	vimm.s32 $0x170;
	v52 =	vsel vm2, v2, v1  }
0x38: {  	v53 =	vsel vm2, v4, v3;
	v4 =	vadd.s32 $0x20, v51;
	v1 =	vsel vm7, $0x110, v12  }
0x39: {  	v2 =	vsel vm10, $0x1C9, v14;
	v3 =	vunpack.c.0.s8.s32 v30;
	v14 =	vimm.s32 $0x8F  }
0x3a: {  	v54 =	vsel vm2, v5, v0;
	v5 =	vadd.s32 $0x30, v51;
	v0 =	vsel vm10, $0x141, v13  }
0x3b: {  	[tilespmem:$0x1FC10] =	vst v4;
	vm2 =	vcmask $0x2320;
	v2 =	vsel vm11, $0x1DA, v2;
	v4 =	vsel vm10, $0x151, v60  }
0x3c: {  	v0 =	vsel vm11, $0x152, v0;
	v2 =	vsel vm9, $0x1EB, v2;
	v61 =	vsel vm11, $0x162, v4  }
0x3d: {  	v4 =	vsel vm7, $0x160, v62;
	v0 =	vsel vm9, $0x163, v0;
	v2 =	vsel vm8, $0x1FC, v2  }
0x3e: {  	v0 =	vsel vm8, $0x174, v0;
	v2 =	vsel vm15, v3, v2;
	v3 =	vsel vm7, $0x150, v59  }
0x3f: {  	[tilespmem:$0x1FC20] =	vst v5;
	v5 =	vunpack.c.0.s8.s32 v63;
	v0 =	vsel vm6, $0x185, v0;
	v3 =	vsel vm10, $0x161, v3  }
0x40: {  	v4 =	vsel vm10, $0x171, v4;
	v0 =	vsel vm5, $0x196, v0;
	v3 =	vsel vm11, $0x172, v3  }
0x41: {  	v4 =	vsel vm11, $0x182, v4;
	v0 =	vsel vm3, $0x1A7, v0;
	v3 =	vsel vm9, $0x183, v3  }
0x42: {  	v28 =	vcombine.low v0, v2;
	v0 =	vsel vm11, $0x1EA, v57;
	v2 =	vunpack.c.0.s8.s32 v58  }
0x43: {  	v4 =	vsel vm9, $0x193, v4;
	v3 =	vsel vm8, $0x194, v3;
	v0 =	vsel vm9, $0x1FB, v0  }
0x44: {  	v3 =	vsel vm6, $0x1A5, v3;
	v0 =	vsel vm0, v2, v0;
	v2 =	vsel vm9, $0x173, v61  }
0x45: {  	v4 =	vsel vm8, $0x1A4, v4;
	v3 =	vsel vm5, $0x1B6, v3;
	v2 =	vsel vm8, $0x184, v2  }
0x46: {  	v4 =	vsel vm6, $0x1B5, v4;
	v3 =	vsel vm3, $0x1C7, v3;
	v2 =	vsel vm6, $0x195, v2  }
0x47: {  	v4 =	vsel vm5, $0x1C6, v4;
	v3 =	vsel vm2, $0x1D8, v3;
	v2 =	vsel vm5, $0x1A6, v2  }
0x48: {  	[tilespmem:$0x1FC40] =	vst v7;
	v7 =	vsel vm3, $0x1D7, v4;
	v3 =	vsel vm1, $0x1E9, v3;
	v2 =	vsel vm3, $0x1B7, v2  }
0x49: {  	v4 =	vunpack.c.0.s8.s32 v10;
	v3 =	vsel vm4, $0x1FA, v3;
	v29 =	vcombine.low v2, v0  }
0x4a: {  	v17 =	vsel vm14, v5, v3;
	v0 =	vsel vm2, $0x1E8, v7;
	v3 =	vsel vm10, $0x181, v9  }
0x4b: {  	v2 =	vunpack.c.0.s8.s32 v8;
	v5 =	vunpack.c.0.s8.s32 v11;
	v3 =	vsel vm11, $0x192, v3  }
0x4c: {  	v12 =	vnsel vm12, $0x1F8, v4;
	v0 =	vsel vm1, $0x1F9, v0;
	v3 =	vsel vm9, $0x1A3, v3  }
0x4d: {  	v0 =	vsel vm13, v2, v0;
	v2 =	vsel vm15, v5, v12;
	v5 =	vsel vm7, $0x190, v14  }
0x4e: {  	v6 =	vadd.s32 $0x40, v51;
	v3 =	vsel vm8, $0x1B4, v3;
	v5 =	vsel vm10, $0x1A1, v5  }
0x4f: {  	v13 =	vimm.s32 $0x180;
	v3 =	vsel vm6, $0x1C5, v3;
	v5 =	vsel vm11, $0x1B2, v5  }
0x50: {  	v60 =	vimm.s32 $0x73A2918;
	v3 =	vsel vm5, $0x1D6, v3;
	v5 =	vsel vm9, $0x1C3, v5  }
0x51: {  	v4 =	vsel vm10, $0x191, v13;
	v3 =	vsel vm3, $0x1E7, v3;
	v58 =	vsel vm8, $0x1D4, v5  }
0x52: {  	v13 =	vcombine.low v3, v2;
	v3 =	vsel vm6, $0x1E5, v58;
	v58 =	vimm.s32 $0x1C0  }
0x53: {  	s0 =	rddreg [dreg:$0x0];
	s4 =	simm.s32 $0x0;
	[tilespmem:$0x1FC30] =	vst v6;
	v5 =	vunpack.c.0.s8.s32 v60;
	v60 =	vsel vm10, $0x1D1, v58;
	v58 =	vadd.s32 $0xD0, v51  }
0x54: {  	[smem:$0x7FF] =	sst s4;
	v55 =	vadd.s32 $0x10, v51;
	v32 =	vadd.s32 $0xA0, v51;
	v56 =	vimm.s32 $0x7F6E5D4C;
	[tilespmem:$0x1FC90] =	vst v58  }
0x55: {  	s1 =	rddreg [dreg:$0x1];
	v26 =	vadd.s32 $0x7, v19;
	v31 =	vadd.s32 $0xC0, v51;
	v30 =	vimm.s32 $0x3B2A1908;
	_ =	strace $0x80000047;
	[tilespmem:$0x1FD10] =	vst v27  }
0x56: {  	v33 =	vadd.s32 $0xB0, v51;
	v6 =	vunpack.c.0.s8.s32 v30;
	v4 =	vsel vm11, $0x1A2, v4;
	[tilespmem:$0x1FD20] =	vst v26  }
0x57: {  	v30 =	vimm.s32 $0xBFAE9D8C;
	v1 =	vsel vm10, $0x121, v1;
	v4 =	vsel vm9, $0x1B3, v4;
	[tilespmem:$0x1FD30] =	vst v25  }
0x58: {  	v62 =	vimm.s32 $0x9F;
	v4 =	vsel vm8, $0x1C4, v4;
	v7 =	vunpack.c.0.s8.s32 v56;
	[tilespmem:$0x1FD40] =	vst v24  }
0x59: {  	v61 =	vimm.s32 $0x4B7E6D5C;
	v4 =	vsel vm6, $0x1D5, v4;
	v8 =	vunpack.c.0.s8.s32 v30;
	[tilespmem:$0x1FD50] =	vst v23  }
0x5a: {  	v9 =	vimm.s32 $0xDF;
	v57 =	vsel vm5, $0x1E6, v4;
	v59 =	vsel vm0, v7, v6;
	[tilespmem:$0x1FD60] =	vst v22  }
0x5b: {  	v6 =	vunpack.c.0.s8.s32 v61;
	v7 =	vsel vm7, $0x1A0, v62;
	vm15 =	vcmask $0x2B1C;
	[tilespmem:$0x1FD70] =	vst v20  }
0x5c: {  	v14 =	vimm.s32 $0x7B6A5948;
	v61 =	vimm.s32 $0x37261504;
	v7 =	vsel vm10, $0x1B1, v7;
	[tilespmem:$0x1FD80] =	vst v34  }
0x5d: {  	v62 =	vimm.s32 $0xCF;
	v12 =	vsel vm11, $0x1C2, v7;
	v7 =	vunpack.c.0.s8.s32 v14;
	[tilespmem:$0x1FD90] =	vst v35  }
0x5e: {  	v63 =	vand.u32 $0xFF, v6;
	v14 =	vimm.s32 $0x5B4A7D6C;
	v6 =	vsel vm9, $0x1D3, v12;
	[tilespmem:$0x1FDA0] =	vst v36  }
0x5f: {  	v6 =	vsel vm8, $0x1E4, v6;
	v56 =	vand.u32 $0xFF, v7;
	v7 =	vsel vm7, $0x1D0, v62;
	[tilespmem:$0x1FDB0] =	vst v21  }
0x60: {  	v62 =	vimm.s32 $0xAF;
	v2 =	vsel vm3, $0x1F7, v57;
	v57 =	vand.u32 $0xFF, v8;
	[tilespmem:$0x1FDC0] =	vst v37  }
0x61: {  	v7 =	vsel vm10, $0x1E1, v7;
	v3 =	vsel vm5, $0x1F6, v3;
	v11 =	vcombine.low v2, v59;
	[tilespmem:$0x1FDD0] =	vst v16  }
0x62: {  	v2 =	vsel vm6, $0x1F5, v6;
	v59 =	vimm.s32 $0x17063928;
	v12 =	vsel vm11, $0x1F2, v7;
	[tilespmem:$0x1FDE0] =	vst v18  }
0x63: {  	v7 =	vunpack.c.0.s8.s32 v14;
	v14 =	vimm.s32 $0x27160538;
	v3 =	vsel vm15, v5, v3;
	[tilespmem:$0x1FDF0] =	vst v38  }
0x64: {  	v4 =	vsel vm11, $0x1E2, v60;
	v5 =	vunpack.c.0.s8.s32 v61;
	v6 =	vunpack.c.0.s8.s32 v59;
	[tilespmem:$0x1FE00] =	vst v39  }
0x65: {  	v59 =	vsel vm11, $0x132, v1;
	v61 =	vimm.s32 $0x1F;
	v58 =	vimm.s32 $0x9B8ABDAC;
	[tilespmem:$0x1FE10] =	vst v40  }
0x66: {  	v30 =	vsel vm14, v63, v3;
	v3 =	vsel vm0, v57, v56;
	v63 =	vimm.s32 $0x3362514;
	[tilespmem:$0x1FE20] =	vst v41  }
0x67: {  	v4 =	vsel vm9, $0x1F3, v4;
	v56 =	vimm.s32 $0x477A6958;
	v60 =	vand.u32 $0xFF, v7;
	[tilespmem:$0x1FE30] =	vst v42  }
0x68: {  	[tilespmem:$0x1FE40] =	vst v43;
	v8 =	vunpack.c.0.s8.s32 v63;
	v4 =	vsel vm0, v5, v4;
	vm0 =	vcmask $0x1B0C  }
0x69: {  	[tilespmem:$0x1FE50] =	vst v44;
	v57 =	vunpack.c.0.s8.s32 v56;
	v63 =	vimm.s32 $0x8BBEAD9C;
	v56 =	vimm.s32 $0x57467968  }
0x6a: {  	[tilespmem:$0x1FE60] =	vst v45;
	v7 =	vunpack.c.0.s8.s32 v63;
	v5 =	vsel vm0, v8, v12;
	vm0 =	vcmask $0x2718  }
0x6b: {  	[tilespmem:$0x1FE70] =	vst v46;
	v8 =	vsel vm9, $0x143, v59;
	v12 =	vimm.s32 $0x13023524;
	v59 =	vadd.s32 $0xE0, v51  }
0x6c: {  	[tilespmem:$0x1FE80] =	vst v47;
	v2 =	vsel vm0, v6, v2;
	v6 =	vand.u32 $0xFF, v57;
	v7 =	vand.u32 $0xFF, v7  }
0x6d: {  	[tilespmem:$0x1FE90] =	vst v48;
	v8 =	vsel vm8, $0x154, v8;
	v57 =	vimm.s32 $0x6B5A497C;
	v1 =	vsel vm13, v60, v2  }
0x6e: {  	[tilespmem:$0x1FEA0] =	vst v32;
	v5 =	vsel vm15, v6, v5;
	v2 =	vsel vm7, $0x120, v61;
	v6 =	vsel vm7, $0x1B0, v62  }
0x6f: {  	[tilespmem:$0x1FEB0] =	vst v33;
	vm15 =	vcmask $0x2314;
	v8 =	vsel vm6, $0x165, v8;
	v61 =	vimm.s32 $0x23120134  }
0x70: {  	[tilespmem:$0x1FEC0] =	vst v31;
	v62 =	vimm.s32 $0xEF;
	v2 =	vsel vm10, $0x131, v2;
	v6 =	vsel vm10, $0x1C1, v6  }
0x71: {  	[tilespmem:$0x1FED0] =	vst v28;
	v10 =	vsel vm14, v7, v5;
	v5 =	vsel vm7, $0x1E0, v9;
	v7 =	vunpack.c.0.s8.s32 v12  }
0x72: {  	[tilespmem:$0x1FEE0] =	vst v29;
	vm14 =	vcmask $0x1708;
	v9 =	vunpack.c.0.s8.s32 v14;
	v8 =	vsel vm5, $0x176, v8  }
0x73: {  	[tilespmem:$0x1FEF0] =	vst v17;
	v12 =	vimm.s32 $0x67564578;
	v2 =	vsel vm11, $0x142, v2;
	v6 =	vsel vm11, $0x1D2, v6  }
0x74: {  	[tilespmem:$0x1FF00] =	vst v13;
	v5 =	vsel vm10, $0x1F1, v5;
	vm11 =	vcmask $0x3324;
	v8 =	vsel vm3, $0x187, v8  }
0x75: {  	[tilespmem:$0x1FF10] =	vst v11;
	v6 =	vsel vm9, $0x1E3, v6;
	v5 =	vsel vm14, v7, v5;
	v7 =	vunpack.c.0.s8.s32 v56  }
0x76: {  	[tilespmem:$0x1FF80] =	vst v49;
	v63 =	vsel vm2, $0x198, v8;
	v2 =	vsel vm9, $0x153, v2;
	v6 =	vsel vm8, $0x1F4, v6  }
0x77: {  	[tilespmem:$0x1FF90] =	vst v50;
	vm14 =	vcmask $0x3734;
	v2 =	vsel vm8, $0x164, v2;
	v6 =	vsel vm15, v9, v6  }
0x78: {  	[tilespmem:$0x1FFA0] =	vst v51;
	v9 =	vunpack.c.0.s8.s32 v57;
	v7 =	vand.u32 $0xFF, v7;
	v2 =	vsel vm6, $0x175, v2  }
0x79: {  	[tilespmem:$0x1FFB0] =	vst v52;
	v5 =	vsel vm0, v7, v5;
	v7 =	vunpack.c.0.s8.s32 v58;
	v2 =	vsel vm5, $0x186, v2  }
0x7a: {  	[tilespmem:$0x1FFC0] =	vst v53;
	v56 =	vadd.s32 $0xF0, v51;
	v9 =	vand.u32 $0xFF, v9;
	v2 =	vsel vm3, $0x197, v2  }
0x7b: {  	[tilespmem:$0x1FFD0] =	vst v54;
	v6 =	vsel vm11, v9, v6;
	v9 =	vcombine.low v4, v3;
	v60 =	vand.u32 $0xFF, v7  }
0x7c: {  	[tilespmem:$0x1FFE0] =	vst v55;
	v4 =	vunpack.c.0.s8.s32 v61;
	v7 =	vsel vm1, $0x1A9, v63;
	v2 =	vsel vm2, $0x1A8, v2  }
0x7d: {  	[tilespmem:$0x1FFF0] =	vst v15;
	v63 =	vor.u32 $0x100, v51;
	v3 =	vsel vm13, v60, v5;
	v5 =	vsel vm7, $0x1F0, v62  }
0x7e: {  	s2 =	srdreg.scid;
	[tilespmem:$0x1FF20] =	vst v30;
	v7 =	vsel vm4, $0x1BA, v7;
	v2 =	vsel vm1, $0x1B9, v2;
	v4 =	vsel vm12, v4, v5  }
0x7f: {  	s3 =	stileid.u32;
	s11 =	simm.s32 $0x50;
	s12 =	simm.s32 $0x640;
	[tilespmem:$0x1FCA0] =	vst v59;
	v5 =	vunpack.c.0.s8.s32 v12;
	vm12 =	vcmask $0x2F2C;
	v2 =	vsel vm4, $0x1CA, v2  }
0x80: {  	s10 =	simm.s32 $0x5;
	s28 =	simm.s32 $0x5A0;
	s29 =	simm.s32 $0xBA40;
	[tilespmem:$0x1FF30] =	vst v10;
	vm13 =	vcmask $0x3330;
	v7 =	vsel vm12, $0x1CB, v7;
	v2 =	vsel vm12, $0x1DB, v2  }
0x81: {  	s31 =	simm.s32 $0x1;
	s30 =	simm.s32 $0x5F0;
	s9 =	simm.s32 $0xCE40;
	[tilespmem:$0x1FCB0] =	vst v56;
	v5 =	vand.u32 $0xFF, v5;
	v7 =	vsel vm13, $0x1DC, v7;
	v2 =	vsel vm13, $0x1EC, v2  }
0x82: {  	s13 =	simm.s32 $0x80;
	s14 =	simm.s32 $0x2;
	s15 =	simm.s32 $0x13240;
	[tilespmem:$0x1FD00] =	vst v63;
	v4 =	vsel vm15, v5, v4;
	v7 =	vsel vm14, $0x1ED, v7;
	vm15 =	vcmask $0x3B38  }
0x83: {  	s16 =	simm.s32 $0x4;
	s18 =	simm.s32 $0x0;
	s24 =	simm.s32 $0x0;
	v14 =	vimm.s32 $0xAB9A89BC;
	[tilespmem:$0x1FF40] =	vst v9;
	v2 =	vsel vm14, $0x1FD, v2;
	v57 =	vsel vm15, $0x1FE, v7  }
0x84: {  	s2 =	sand.u32 $0x1, s2;
	s3 =	sshll.u32 s3, $0x1;
	s4 =	sadd.s32 $0x600, s0;
	v5 =	vunpack.c.0.s8.s32 v14;
	v2 =	vsel vm15, $0xE, v2;
	[tilespmem:$0x1FCC0] =	vst v57  }
0x85: {  	s5 =	sadd.s32 $0xF42A00, s0;
	s3 =	sor.u32 s2, s3;
	s2 =	ssub.s32 $0x2, s2;
	v0 =	vsel vm15, $0x4E, v0;
	[tilespmem:$0x1FCD0] =	vst v2  }
0x86: {  	s7 =	smul.u32 $0xC80, s3;
	s25 =	sshrl.u32 s2, $0x1;
	s6 =	sshll.u32 s3, $0x9;
	v58 =	vsel vm14, $0x8D, v6;
	v1 =	vsel vm15, $0x8E, v1;
	v5 =	vand.u32 $0xFF, v5;
	[tilespmem:$0x1FCE0] =	vst v0  }
0x87: {  	s3 =	simm.s32 $0x10;
	s0 =	ssub.s32 s2, s25;
	s8 =	sor.u32 $0x20, s6;
	v59 =	vsel vm15, $0x9E, v58;
	[tilespmem:$0x1FCF0] =	vst v1;
	v4 =	vsel vm11, v5, v4  }
0x88: {  	s2 =	simm.s32 $0x6A40;
	s25 =	simm.s32 $0x550;
	s26 =	sadd.s32 s4, s7;
	v61 =	vsel vm15, $0xCE, v3;
	[tilespmem:$0x1FF50] =	vst v59;
	v60 =	vsel vm14, $0xCD, v4  }
0x89: {  	s0 =	smax.u32 s0, $0x1;
	s7 =	simm.s32 $0xC440;
	[dreg:$0x3] =	wrdreg s26;
	[tilespmem:$0x1FF60] =	vst v61;
	v62 =	vsel vm15, $0xDE, v60  }
0x8a: {  	[dreg:$0x4] =	wrdreg s0;
	s0 =	simm.s32 $0x320;
	s26 =	simm.s32 $0xB040;
	[tilespmem:$0x1FF70] =	vst v62  }
.LBB2_1:
0x8b: {  	[dreg:$0x5] =	wrdreg s18  }
0x8c: {  	s17 =	simm.s32 $0x0;
	s23 =	rddreg [dreg:$0x3]  }
0x8d: {  	[tilespmem:s17], [sflag:$0x5] =	stream.linear.gather [hbm4b:s23+s17], $0x320, $0x38;
	[tilespmem:$0x19640] =	vst v63  }
0x8e: {  	_ =	swait.ge [sflag:s10], $0x320  }
0x8f: {  	[sflag:s10] =	ssyncset.done $0x0  }
0x90: {  	[sflag:s10] =	ssyncadd.s32 $0xFFFFFCE0  }
0x91: {  	[tilespmem:s12], [sflag:$0x1] =	stream.indirect.gather [hbm4b:s5+s11], $0x20, s17, s11, $0xb8;
	[tilespmem:$0x19640] =	vst v63  }
0x92: {  	s19 =	simm.s32 $0x1040  }
0x93: {  	[tilespmem:s19], [sflag:$0x1] =	stream.indirect.gather [hbm4b:s5+s11], $0x20, s11, s11, $0xb8;
	[tilespmem:$0x19640] =	vst v63  }
0x94: {  	s20 =	simm.s32 $0xA0;
	s21 =	simm.s32 $0x1A40  }
0x95: {  	[tilespmem:s21], [sflag:$0x1] =	stream.indirect.gather [hbm4b:s5+s11], $0x20, s20, s11, $0xb8;
	[tilespmem:$0x19640] =	vst v63  }
0x96: {  	s22 =	simm.s32 $0xF0;
	s23 =	simm.s32 $0x2440  }
0x97: {  	[tilespmem:s23], [sflag:$0x1] =	stream.indirect.gather [hbm4b:s5+s11], $0x20, s22, s11, $0xb8;
	[tilespmem:$0x19640] =	vst v63  }
0x98: {  	s18 =	simm.s32 $0x140;
	s19 =	simm.s32 $0x2E40  }
0x99: {  	[tilespmem:s19], [sflag:$0x1] =	stream.indirect.gather [hbm4b:s5+s11], $0x20, s18, s11, $0xb8;
	[tilespmem:$0x19640] =	vst v63  }
0x9a: {  	s20 =	simm.s32 $0x190;
	s21 =	simm.s32 $0x3840  }
0x9b: {  	[tilespmem:s21], [sflag:$0x1] =	stream.indirect.gather [hbm4b:s5+s11], $0x20, s20, s11, $0xb8;
	[tilespmem:$0x19640] =	vst v63  }
0x9c: {  	s22 =	simm.s32 $0x1E0;
	s23 =	simm.s32 $0x4240  }
0x9d: {  	[tilespmem:s23], [sflag:$0x1] =	stream.indirect.gather [hbm4b:s5+s11], $0x20, s22, s11, $0xb8;
	[tilespmem:$0x19640] =	vst v63  }
0x9e: {  	s18 =	simm.s32 $0x230;
	s19 =	simm.s32 $0x4C40  }
0x9f: {  	[tilespmem:s19], [sflag:$0x1] =	stream.indirect.gather [hbm4b:s5+s11], $0x20, s18, s11, $0xb8;
	[tilespmem:$0x19640] =	vst v63  }
0xa0: {  	s20 =	simm.s32 $0x280;
	s21 =	simm.s32 $0x5640  }
0xa1: {  	[tilespmem:s21], [sflag:$0x1] =	stream.indirect.gather [hbm4b:s5+s11], $0x20, s20, s11, $0xb8;
	[tilespmem:$0x19640] =	vst v63  }
0xa2: {  	s17 =	simm.s32 $0x0;
	s22 =	simm.s32 $0x2D0;
	s23 =	simm.s32 $0x6040  }
0xa3: {  	[tilespmem:s23], [sflag:$0x1] =	stream.indirect.gather [hbm4b:s5+s11], $0x20, s22, s11, $0xb8;
	[tilespmem:$0x19640] =	vst v63  }
.LBB2_2:
0xa4: {  	_ =	swait.ge [sflag:s31], $0xA00  }
0xa5: {  	[sflag:s31] =	ssyncset.done $0x0  }
0xa6: {  	[sflag:s31] =	ssyncadd.s32 $0xFFFFF600  }
0xa7: {  	_ =	swait.ge [sflag:s31], $0xA00  }
0xa8: {  	[sflag:s31] =	ssyncset.done $0x0  }
0xa9: {  	[sflag:s31] =	ssyncadd.s32 $0xFFFFF600  }
0xaa: {  	_ =	swait.ge [sflag:s31], $0xA00  }
0xab: {  	[sflag:s31] =	ssyncset.done $0x0  }
0xac: {  	[sflag:s31] =	ssyncadd.s32 $0xFFFFF600  }
0xad: {  	_ =	swait.ge [sflag:s31], $0xA00  }
0xae: {  	[sflag:s31] =	ssyncset.done $0x0  }
0xaf: {  	[sflag:s31] =	ssyncadd.s32 $0xFFFFF600  }
0xb0: {  	_ =	swait.ge [sflag:s31], $0xA00  }
0xb1: {  	[sflag:s31] =	ssyncset.done $0x0  }
0xb2: {  	[sflag:s31] =	ssyncadd.s32 $0xFFFFF600  }
0xb3: {  	_ =	swait.ge [sflag:s31], $0xA00  }
0xb4: {  	[sflag:s31] =	ssyncset.done $0x0  }
0xb5: {  	[sflag:s31] =	ssyncadd.s32 $0xFFFFF600  }
0xb6: {  	_ =	swait.ge [sflag:s31], $0xA00  }
0xb7: {  	[sflag:s31] =	ssyncset.done $0x0  }
0xb8: {  	[sflag:s31] =	ssyncadd.s32 $0xFFFFF600  }
0xb9: {  	_ =	swait.ge [sflag:s31], $0xA00  }
0xba: {  	[sflag:s31] =	ssyncset.done $0x0  }
0xbb: {  	s20 =	sshll.u32 s17, $0x5;
	[sflag:s31] =	ssyncadd.s32 $0xFFFFF600  }
0xbc: {  	s18 =	sor.u32 $0x10, s20;
	_ =	swait.ge [sflag:s31], $0xA00  }
0xbd: {  	s19 =	sor.u32 s6, s18;
	[sflag:s31] =	ssyncset.done $0x0  }
0xbe: {  	s21 =	smul.u32 $0x32, s19;
	[sflag:s31] =	ssyncadd.s32 $0xFFFFF600  }
0xbf: {  	_ =	swait.ge [sflag:s31], $0xA00  }
0xc0: {  	s21 =	sshrl.u32 s21, $0x3;
	[sflag:s31] =	ssyncset.done $0x0  }
0xc1: {  	s21 =	sadd.s32 s4, s21;
	[sflag:s31] =	ssyncadd.s32 $0xFFFFF600  }
0xc2: {  	[tilespmem:s0], [sflag:$0x5] =	stream.linear.gather [hbm4b:s21+s24], $0x320, $0x38;
	[tilespmem:$0x19640] =	vst v63  }
0xc3: {  	_ =	swait.ge [sflag:s10], $0x320  }
0xc4: {  	[sflag:s10] =	ssyncset.done $0x0  }
0xc5: {  	[sflag:s10] =	ssyncadd.s32 $0xFFFFFCE0  }
0xc6: {  	[tilespmem:s2], [sflag:$0x2] =	stream.indirect.gather [hbm4b:s5+s11], $0x20, s0, s11, $0xb8;
	[tilespmem:$0x19640] =	vst v63  }
0xc7: {  	s23 =	simm.s32 $0x370;
	s22 =	simm.s32 $0x7440  }
0xc8: {  	[tilespmem:s22], [sflag:$0x2] =	stream.indirect.gather [hbm4b:s5+s11], $0x20, s23, s11, $0xb8;
	[tilespmem:$0x19640] =	vst v63  }
0xc9: {  	s22 =	simm.s32 $0x3C0;
	s23 =	simm.s32 $0x7E40  }
0xca: {  	[tilespmem:s23], [sflag:$0x2] =	stream.indirect.gather [hbm4b:s5+s11], $0x20, s22, s11, $0xb8;
	[tilespmem:$0x19640] =	vst v63  }
0xcb: {  	s22 =	simm.s32 $0x410;
	s23 =	simm.s32 $0x8840  }
0xcc: {  	[tilespmem:s23], [sflag:$0x2] =	stream.indirect.gather [hbm4b:s5+s11], $0x20, s22, s11, $0xb8;
	[tilespmem:$0x19640] =	vst v63  }
0xcd: {  	s22 =	simm.s32 $0x460;
	s23 =	simm.s32 $0x9240  }
0xce: {  	[tilespmem:s23], [sflag:$0x2] =	stream.indirect.gather [hbm4b:s5+s11], $0x20, s22, s11, $0xb8;
	[tilespmem:$0x19640] =	vst v63  }
0xcf: {  	s22 =	simm.s32 $0x4B0;
	s23 =	simm.s32 $0x9C40  }
0xd0: {  	[tilespmem:s23], [sflag:$0x2] =	stream.indirect.gather [hbm4b:s5+s11], $0x20, s22, s11, $0xb8;
	[tilespmem:$0x19640] =	vst v63  }
0xd1: {  	s22 =	simm.s32 $0x500;
	s23 =	simm.s32 $0xA640  }
0xd2: {  	[tilespmem:s23], [sflag:$0x2] =	stream.indirect.gather [hbm4b:s5+s11], $0x20, s22, s11, $0xb8;
	[tilespmem:$0x19640] =	vst v63  }
0xd3: {  	_ = 	snop  }
0xd4: {  	[tilespmem:s26], [sflag:$0x2] =	stream.indirect.gather [hbm4b:s5+s11], $0x20, s25, s11, $0xb8;
	[tilespmem:$0x19640] =	vst v63  }
0xd5: {  	p0 =	seq.s32 s17, $0x0  }
0xd6: {  	[tilespmem:s29], [sflag:$0x2] =	stream.indirect.gather [hbm4b:s5+s11], $0x20, s28, s11, $0xb8;
	[tilespmem:$0x19640] =	vst v63  }
0xd7: {  	s21 =	simm.s32 @!p0 $0x3  }
0xd8: {  	[tilespmem:s7], [sflag:$0x2] =	stream.indirect.gather [hbm4b:s5+s11], $0x20, s30, s11, $0xb8;
	[tilespmem:$0x19640] =	vst v63  }
0xd9: {  	_ =	swait.ge @!p0 [sflag:s21], $0x6400  }
0xda: {  	[sflag:s21] =	ssyncset.done @!p0 $0x0  }
0xdb: {  	[sflag:s21] =	ssyncadd.s32 @!p0 $0xFFFF9C00;
	s21 =	simm.s32 $0x1  }
.LBB2_3:
0xdc: {  	v0 =	vld [tilespmem:$0x1FC00];
	s22 =	sadd.s32 $0xFFFFFFFF, s21  }
0xdd: {  	v28 =	vmov s22  }
0xde: {  	v1 =	vshll.u32 v28, $0x5  }
0xdf: {  	v12 =	vadd.s32 v20, v1  }
0xe0: {  	v1 =	vor.u32 v19, v12  }
0xe1: {  	v2 =	vor.u32 v0, v12  }
0xe2: {  	v3 =	vor.u32 v21, v12  }
0xe3: {  	v4 =	vor.u32 v22, v12  }
0xe4: {  	v57 =	vld [tilespmem:$0x1FFF0];
	v5 =	vor.u32 v23, v12  }
0xe5: {  	v10 =	vor.u32 v24, v12;
	v32 =	vld.idx.msk [tilespmem:v1+s12+$0x0], $0xffff  }
0xe6: {  	v11 =	vor.u32 v25, v12;
	v33 =	vld.idx.msk [tilespmem:v2+s12+$0x0], $0xffff  }
0xe7: {  	v13 =	vor.u32 v26, v12;
	v31 =	vld.idx.msk [tilespmem:v3+s12+$0x0], $0xffff  }
0xe8: {  	v14 =	vor.u32 v27, v12;
	v30 =	vld.idx.msk [tilespmem:v4+s12+$0x0], $0xffff  }
0xe9: {  	v34 =	vor.u32 v34, v12;
	v29 =	vld.idx.msk [tilespmem:v5+s12+$0x0], $0xffff  }
0xea: {  	v35 =	vor.u32 v35, v12;
	v27 =	vld.idx.msk [tilespmem:v10+s12+$0x0], $0xffff  }
0xeb: {  	v36 =	vor.u32 v36, v12;
	v26 =	vld.idx.msk [tilespmem:v11+s12+$0x0], $0xffff  }
0xec: {  	v37 =	vor.u32 v37, v12;
	v25 =	vld.idx.msk [tilespmem:v13+s12+$0x0], $0xffff  }
0xed: {  	v38 =	vor.u32 v38, v12;
	v24 =	vld.idx.msk [tilespmem:v14+s12+$0x0], $0xffff  }
0xee: {  	v39 =	vor.u32 v39, v12;
	v23 =	vld.idx.msk [tilespmem:v34+s12+$0x0], $0xffff  }
0xef: {  	v40 =	vor.u32 v40, v12;
	v22 =	vld.idx.msk [tilespmem:v35+s12+$0x0], $0xffff  }
0xf0: {  	v51 =	vor.u32 v41, v12;
	v20 =	vld.idx.msk [tilespmem:v36+s12+$0x0], $0xffff  }
0xf1: {  	v55 =	vor.u32 v42, v12;
	v17 =	vld.idx.msk [tilespmem:v37+s12+$0x0], $0xffff  }
0xf2: {  	v7 =	vor.u32 v43, v12;
	v13 =	vld.idx.msk [tilespmem:v38+s12+$0x0], $0xffff  }
0xf3: {  	v56 =	vor.u32 v44, v12;
	v10 =	vld.idx.msk [tilespmem:v39+s12+$0x0], $0xffff  }
0xf4: {  	v9 =	vor.u32 v45, v12;
	v8 =	vld.idx.msk [tilespmem:v40+s12+$0x0], $0xffff  }
0xf5: {  	v15 =	vor.u32 v57, v12;
	v6 =	vld.idx.msk [tilespmem:v51+s12+$0x0], $0xffff  }
0xf6: {  	v21 =	vor.u32 v48, v12;
	v4 =	vld.idx.msk [tilespmem:v55+s12+$0x0], $0xffff  }
0xf7: {  	v11 =	vor.u32 v16, v12;
	v2 =	vld.idx.msk [tilespmem:v7+s12+$0x0], $0xffff;
	v19 =	vmul.f32 v32, v32;
	v34 =	vmul.f32 v33, v33  }
0xf8: {  	v14 =	vor.u32 v18, v12;
	v1 =	vld.idx.msk [tilespmem:v56+s12+$0x0], $0xffff;
	v35 =	vmul.f32 v31, v31;
	v36 =	vmul.f32 v30, v30  }
0xf9: {  	v16 =	vor.u32 v46, v12;
	v3 =	vld.idx.msk [tilespmem:v9+s12+$0x0], $0xffff;
	v37 =	vmul.f32 v29, v29;
	v38 =	vmul.f32 v27, v27  }
0xfa: {  	v18 =	vor.u32 v47, v12;
	v9 =	vld.idx.msk [tilespmem:v15+s12+$0x0], $0xffff;
	v39 =	vmul.f32 v26, v26;
	v59 =	vmul.f32 v25, v25  }
0xfb: {  	v58 =	vor.u32 v49, v12;
	v21 =	vld.idx.msk [tilespmem:v21+s12+$0x0], $0xffff;
	v41 =	vmul.f32 v24, v24;
	v60 =	vmul.f32 v23, v23  }
0xfc: {  	v15 =	vor.u32 v50, v12;
	v5 =	vld.idx.msk [tilespmem:v11+s12+$0x0], $0xffff;
	v43 =	vmul.f32 v22, v22;
	v44 =	vmul.f32 v20, v20  }
0xfd: {  	v62 =	vor.u32 v54, v12;
	v7 =	vld.idx.msk [tilespmem:v14+s12+$0x0], $0xffff;
	v46 =	vmul.f32 v17, v17;
	v47 =	vmul.f32 v13, v13  }
0xfe: {  	v11 =	vld.idx.msk [tilespmem:v16+s12+$0x0], $0xffff;
	v16 =	vor.u32 v52, v12;
	v49 =	vmul.f32 v10, v10;
	v63 =	vmul.f32 v8, v8  }
0xff: {  	v61 =	vor.u32 v53, v12;
	v18 =	vld.idx.msk [tilespmem:v18+s12+$0x0], $0xffff;
	v51 =	vmul.f32 v6, v6;
	v0 =	vmul.f32 v4, v4  }
0x100: {  	v14 =	vld.idx.msk [tilespmem:v58+s12+$0x0], $0xffff;
	v53 =	vmul.f32 v2, v2;
	v57 =	vmul.f32 v1, v1;
	v34 =	vadd.f32 v34, v19  }
0x101: {  	v15 =	vld.idx.msk [tilespmem:v15+s12+$0x0], $0xffff;
	v55 =	vmul.f32 v3, v3;
	v35 =	vadd.f32 v36, v35;
	v37 =	vadd.f32 v38, v37  }
0x102: {  	v19 =	vld.idx.msk [tilespmem:v62+s12+$0x0], $0xffff;
	v39 =	vadd.f32 v59, v39;
	v59 =	vmul.f32 v9, v9;
	v41 =	vadd.f32 v60, v41  }
0x103: {  	v43 =	vadd.f32 v44, v43;
	v45 =	vadd.f32 v47, v46;
	v62 =	vmul.f32 v21, v21;
	v12 =	vld.idx.msk [tilespmem:v16+s12+$0x0], $0xffff  }
0x104: {  	v47 =	vadd.f32 v63, v49;
	v49 =	vadd.f32 v0, v51;
	v16 =	vld.idx.msk [tilespmem:v61+s12+$0x0], $0xffff;
	v58 =	vmul.f32 v5, v5  }
0x105: {  	v56 =	vadd.f32 v57, v53;
	v38 =	vmul.f32 v7, v7;
	v60 =	vmul.f32 v11, v11  }
0x106: {  	v34 =	vadd.f32 v35, v34;
	v61 =	vmul.f32 v18, v18;
	v63 =	vmul.f32 v14, v14  }
0x107: {  	v0 =	vmul.f32 v15, v15;
	v36 =	vadd.f32 v58, v55;
	v38 =	vadd.f32 v59, v38  }
0x108: {  	v59 =	vmul.f32 v19, v19;
	v42 =	vadd.f32 v61, v60;
	v60 =	vadd.f32 v63, v62  }
0x109: {  	v62 =	vadd.f32 v39, v37;
	v57 =	vmul.f32 v12, v12;
	v58 =	vmul.f32 v16, v16  }
0x10a: {  	v63 =	vadd.f32 v43, v41;
	v36 =	vadd.f32 v38, v36  }
0x10b: {  	v61 =	vadd.f32 v57, v0;
	v40 =	vadd.f32 v59, v58  }
0x10c: {  	v0 =	vadd.f32 v47, v45;
	v45 =	vadd.f32 v56, v49  }
0x10d: {  	v47 =	vadd.f32 v60, v42;
	v40 =	vadd.f32 v40, v61  }
0x10e: {  	v34 =	vadd.f32 v62, v34;
	v48 =	vadd.f32 v0, v63  }
0x10f: {  	v36 =	vadd.f32 v36, v45;
	v49 =	vadd.f32 v40, v47;
	_ =	sdelay $0x1  }
0x110: {  	v34 =	vadd.f32 v48, v34;
	v50 =	vadd.f32 v49, v36;
	_ =	sdelay $0x1  }
0x111: {  	v34 =	vadd.f32 v50, v34;
	_ =	sdelay $0x1  }
0x112: {  	v35 =	vshrl.u32 v34, $0x1;
	v34 =	vmul.f32 $5.000000000e-01, v34  }
0x113: {  	v35 =	vsub.s32 $0x5F3759DF, v35  }
0x114: {  	v51 =	vmul.f32 v35, v34;
	_ =	sdelay $0x1  }
0x115: {  	v36 =	vmul.f32 v35, v51;
	_ =	sdelay $0x1  }
0x116: {  	v36 =	vsub.f32 $1.500000000e+00, v36;
	_ =	sdelay $0x1  }
0x117: {  	v35 =	vmul.f32 v35, v36;
	_ =	sdelay $0x1  }
0x118: {  	v36 =	vmul.f32 v35, v34;
	_ =	sdelay $0x1  }
0x119: {  	v36 =	vmul.f32 v36, v35  }
0x11a: {  	v52 =	vld [tilespmem:$0x1FFA0]  }
0x11b: {  	v36 =	vsub.f32 $1.500000000e+00, v36;
	_ =	sdelay $0x1  }
0x11c: {  	v35 =	vmul.f32 v36, v35  }
0x11d: {  	v28 =	vshll.u32 v28, $0x9;
	v54 =	vld [tilespmem:$0x1FFE0]  }
0x11e: {  	v53 =	vor.u32 v52, v28;
	v52 =	vld [tilespmem:$0x1FEF0];
	v34 =	vmul.f32 v35, v34  }
0x11f: {  	v62 =	vld [tilespmem:$0x1FC30]  }
0x120: {  	v0 =	vld [tilespmem:$0x1FC10];
	v34 =	vmul.f32 v34, v35  }
0x121: {  	v59 =	vld [tilespmem:$0x1FC20]  }
0x122: {  	v38 =	vld [tilespmem:$0x1FF50];
	v34 =	vsub.f32 $1.500000000e+00, v34  }
0x123: {  	v60 =	vld [tilespmem:$0x1FC40]  }
0x124: {  	v55 =	vor.u32 v54, v28;
	v57 =	vld [tilespmem:$0x1FC50];
	v34 =	vmul.f32 v34, v35  }
0x125: {  	v58 =	vld [tilespmem:$0x1FC60];
	v42 =	vor.u32 v0, v28  }
0x126: {  	v56 =	vld [tilespmem:$0x1FC70];
	v43 =	vor.u32 v59, v28;
	v32 =	vmul.f32 v34, v32  }
0x127: {  	v44 =	vor.u32 v62, v28;
	v63 =	vld [tilespmem:$0x1FC90];
	v33 =	vmul.f32 v34, v33  }
0x128: {  	v61 =	vld [tilespmem:$0x1FCA0];
	v45 =	vor.u32 v60, v28;
	v31 =	vmul.f32 v34, v31;
	[tilespmem:v53+s9+$0x0] =	vst.idx.msk $0xffff, v32  }
0x129: {  	v40 =	vld [tilespmem:$0x1FF40];
	v46 =	vor.u32 v57, v28;
	v30 =	vmul.f32 v34, v30;
	[tilespmem:v55+s9+$0x0] =	vst.idx.msk $0xffff, v33  }
0x12a: {  	v47 =	vor.u32 v58, v28;
	v49 =	vld [tilespmem:$0x1FCD0];
	v29 =	vmul.f32 v34, v29;
	[tilespmem:v42+s9+$0x0] =	vst.idx.msk $0xffff, v31  }
0x12b: {  	v50 =	vld [tilespmem:$0x1FED0];
	v27 =	vmul.f32 v34, v27;
	[tilespmem:v43+s9+$0x0] =	vst.idx.msk $0xffff, v30  }
0x12c: {  	v26 =	vmul.f32 v34, v26;
	[tilespmem:v44+s9+$0x0] =	vst.idx.msk $0xffff, v29;
	v29 =	vld [tilespmem:$0x1FC80]  }
0x12d: {  	v25 =	vmul.f32 v34, v25;
	[tilespmem:v45+s9+$0x0] =	vst.idx.msk $0xffff, v27;
	v27 =	vld [tilespmem:$0x1FEA0]  }
0x12e: {  	[tilespmem:v46+s9+$0x0] =	vst.idx.msk $0xffff, v26;
	v26 =	vld [tilespmem:$0x1FEB0]  }
0x12f: {  	[tilespmem:v47+s9+$0x0] =	vst.idx.msk $0xffff, v25;
	v25 =	vld [tilespmem:$0x1FEC0]  }
0x130: {  	v48 =	vor.u32 v56, v28;
	v41 =	vor.u32 v40, v28;
	v40 =	vld [tilespmem:$0x1FE40]  }
0x131: {  	v51 =	vld [tilespmem:$0x1FEE0];
	v29 =	vor.u32 v29, v28  }
0x132: {  	v35 =	vld [tilespmem:$0x1FCF0];
	v27 =	vor.u32 v27, v28  }
0x133: {  	v24 =	vmul.f32 v34, v24;
	v36 =	vmul.f32 v34, v11;
	v11 =	vld [tilespmem:$0x1FD10];
	v26 =	vor.u32 v26, v28  }
0x134: {  	v23 =	vmul.f32 v34, v23;
	v53 =	vld [tilespmem:$0x1FCE0];
	v25 =	vor.u32 v25, v28  }
0x135: {  	v22 =	vmul.f32 v34, v22;
	v32 =	vld [tilespmem:$0x1FF20];
	[tilespmem:v48+s9+$0x0] =	vst.idx.msk $0xffff, v24  }
0x136: {  	v20 =	vmul.f32 v34, v20;
	v55 =	vld [tilespmem:$0x1FF00];
	[tilespmem:v29+s9+$0x0] =	vst.idx.msk $0xffff, v23  }
0x137: {  	v17 =	vmul.f32 v34, v17;
	[tilespmem:v27+s9+$0x0] =	vst.idx.msk $0xffff, v22;
	v22 =	vld [tilespmem:$0x1FCB0]  }
0x138: {  	v13 =	vmul.f32 v34, v13;
	[tilespmem:v26+s9+$0x0] =	vst.idx.msk $0xffff, v20;
	v20 =	vld [tilespmem:$0x1FD00]  }
0x139: {  	v10 =	vmul.f32 v34, v10;
	v8 =	vmul.f32 v34, v8;
	[tilespmem:v25+s9+$0x0] =	vst.idx.msk $0xffff, v17;
	v17 =	vld [tilespmem:$0x1FCC0]  }
0x13a: {  	v6 =	vmul.f32 v34, v6;
	v4 =	vmul.f32 v34, v4;
	v42 =	vld [tilespmem:$0x1FF30];
	v24 =	vor.u32 v63, v28  }
0x13b: {  	v2 =	vmul.f32 v34, v2;
	v1 =	vmul.f32 v34, v1;
	v30 =	vld [tilespmem:$0x1FF10];
	v23 =	vor.u32 v61, v28  }
0x13c: {  	v54 =	vmul.f32 v34, v3;
	v37 =	vmul.f32 v34, v18;
	v47 =	vld [tilespmem:$0x1FF70];
	v22 =	vor.u32 v22, v28  }
0x13d: {  	v39 =	vmul.f32 v34, v21;
	v43 =	vmul.f32 v34, v14;
	v14 =	vld [tilespmem:$0x1FDA0];
	v20 =	vor.u32 v20, v28  }
0x13e: {  	v33 =	vmul.f32 v34, v9;
	v31 =	vmul.f32 v34, v7;
	v44 =	vld [tilespmem:$0x1FF60];
	v17 =	vor.u32 v17, v28  }
0x13f: {  	v3 =	vor.u32 v55, v28;
	v55 =	vld [tilespmem:$0x1FD60];
	[tilespmem:v24+s9+$0x0] =	vst.idx.msk $0xffff, v13;
	v13 =	vor.u32 v49, v28  }
0x140: {  	v46 =	vmul.f32 v34, v15;
	v48 =	vld [tilespmem:$0x1FD70];
	[tilespmem:v23+s9+$0x0] =	vst.idx.msk $0xffff, v10;
	v10 =	vor.u32 v50, v28  }
0x141: {  	v9 =	vor.u32 v47, v28;
	v47 =	vld [tilespmem:$0x1FFF0];
	v49 =	vmul.f32 v34, v12;
	[tilespmem:v22+s9+$0x0] =	vst.idx.msk $0xffff, v8  }
0x142: {  	v12 =	vld [tilespmem:$0x1FD80];
	v8 =	vor.u32 v51, v28;
	[tilespmem:v20+s9+$0x0] =	vst.idx.msk $0xffff, v6;
	v6 =	vor.u32 v52, v28  }
0x143: {  	v51 =	vld [tilespmem:$0x1FC00];
	v52 =	vmul.f32 v34, v16;
	[tilespmem:v17+s9+$0x0] =	vst.idx.msk $0xffff, v4;
	v4 =	vor.u32 v53, v28  }
0x144: {  	v53 =	vmul.f32 v34, v19;
	[tilespmem:v13+s9+$0x0] =	vst.idx.msk $0xffff, v2;
	v13 =	vmul.f32 v34, v5;
	v34 =	vld [tilespmem:$0x1FDC0]  }
0x145: {  	[tilespmem:v10+s9+$0x0] =	vst.idx.msk $0xffff, v1;
	v10 =	vld [tilespmem:$0x1FD20]  }
0x146: {  	v1 =	vor.u32 v42, v28;
	v42 =	vld [tilespmem:$0x1FE50]  }
0x147: {  	v5 =	vor.u32 v30, v28;
	[tilespmem:v8+s9+$0x0] =	vst.idx.msk $0xffff, v54;
	v54 =	vld [tilespmem:$0x1FDB0]  }
0x148: {  	v7 =	vor.u32 v32, v28;
	v8 =	vld [tilespmem:$0x1FD40]  }
0x149: {  	[tilespmem:v6+s9+$0x0] =	vst.idx.msk $0xffff, v13;
	v13 =	vld [tilespmem:$0x1FD90]  }
0x14a: {  	v6 =	vor.u32 v35, v28;
	v35 =	vld [tilespmem:$0x1FDF0];
	[tilespmem:v4+s9+$0x0] =	vst.idx.msk $0xffff, v31  }
0x14b: {  	v4 =	vmov s21;
	[tilespmem:v3+s9+$0x0] =	vst.idx.msk $0xffff, v33;
	v3 =	vor.u32 v38, v28;
	v38 =	vld [tilespmem:$0x1FE20]  }
0x14c: {  	v45 =	vshll.u32 v4, $0x5;
	[tilespmem:v5+s9+$0x0] =	vst.idx.msk $0xffff, v36;
	v36 =	vld [tilespmem:$0x1FE00]  }
0x14d: {  	v18 =	vadd.s32 v48, v45;
	[tilespmem:v7+s9+$0x0] =	vst.idx.msk $0xffff, v37;
	v37 =	vld [tilespmem:$0x1FE10]  }
0x14e: {  	v7 =	vor.u32 v51, v18;
	v51 =	vld [tilespmem:$0x1FE80]  }
0x14f: {  	v2 =	vor.u32 v54, v18;
	v54 =	vld [tilespmem:$0x1FF90]  }
0x150: {  	v5 =	vor.u32 v55, v18;
	v55 =	vld [tilespmem:$0x1FFB0]  }
0x151: {  	[tilespmem:v6+s9+$0x0] =	vst.idx.msk $0xffff, v39;
	v6 =	vor.u32 v44, v28;
	v39 =	vld [tilespmem:$0x1FE30]  }
0x152: {  	v44 =	vld [tilespmem:$0x1FDD0]  }
0x153: {  	v50 =	vlaneseq.u32;
	[tilespmem:v3+s9+$0x0] =	vst.idx.msk $0xffff, v43;
	v43 =	vld [tilespmem:$0x1FE60]  }
0x154: {  	v3 =	vor.u32 v50, v18;
	[tilespmem:v41+s9+$0x0] =	vst.idx.msk $0xffff, v46;
	v46 =	vld [tilespmem:$0x1FDE0]  }
0x155: {  	[tilespmem:v1+s9+$0x0] =	vst.idx.msk $0xffff, v49;
	v49 =	vld [tilespmem:$0x1FE70]  }
0x156: {  	[tilespmem:v6+s9+$0x0] =	vst.idx.msk $0xffff, v52;
	v6 =	vld [tilespmem:$0x1FD50]  }
0x157: {  	v52 =	vld [tilespmem:$0x1FE90]  }
0x158: {  	[tilespmem:v9+s9+$0x0] =	vst.idx.msk $0xffff, v53;
	v9 =	vld [tilespmem:$0x1FD30]  }
0x159: {  	v32 =	vld.idx.msk [tilespmem:v3+s12+$0x0], $0xffff;
	v3 =	vor.u32 v8, v18  }
0x15a: {  	v31 =	vld.idx.msk [tilespmem:v2+s12+$0x0], $0xffff;
	v2 =	vor.u32 v10, v18  }
0x15b: {  	v30 =	vld.idx.msk [tilespmem:v5+s12+$0x0], $0xffff;
	v5 =	vor.u32 v11, v18  }
0x15c: {  	v53 =	vld [tilespmem:$0x1FF80];
	v10 =	vor.u32 v46, v18  }
0x15d: {  	v48 =	vor.u32 v47, v18;
	v33 =	vld.idx.msk [tilespmem:v7+s12+$0x0], $0xffff  }
0x15e: {  	v1 =	vor.u32 v6, v18;
	v28 =	vld.idx.msk [tilespmem:v3+s12+$0x0], $0xffff  }
0x15f: {  	v50 =	vor.u32 v49, v18;
	v25 =	vld.idx.msk [tilespmem:v2+s12+$0x0], $0xffff  }
0x160: {  	v6 =	vor.u32 v9, v18;
	v24 =	vld.idx.msk [tilespmem:v5+s12+$0x0], $0xffff  }
0x161: {  	v16 =	vor.u32 v51, v18;
	v8 =	vld.idx.msk [tilespmem:v10+s12+$0x0], $0xffff  }
0x162: {  	v10 =	vld.idx.msk [tilespmem:v48+s12+$0x0], $0xffff  }
0x163: {  	v3 =	vor.u32 v13, v18;
	v29 =	vld.idx.msk [tilespmem:v1+s12+$0x0], $0xffff  }
0x164: {  	v2 =	vor.u32 v34, v18;
	v1 =	vor.u32 v12, v18;
	v12 =	vld.idx.msk [tilespmem:v50+s12+$0x0], $0xffff  }
0x165: {  	v5 =	vor.u32 v35, v18;
	v27 =	vld.idx.msk [tilespmem:v6+s12+$0x0], $0xffff  }
0x166: {  	v6 =	vor.u32 v14, v18;
	v14 =	vld.idx.msk [tilespmem:v16+s12+$0x0], $0xffff  }
0x167: {  	v16 =	vld [tilespmem:$0x1FFC0]  }
0x168: {  	v19 =	vor.u32 v52, v18;
	v21 =	vld.idx.msk [tilespmem:v3+s12+$0x0], $0xffff  }
0x169: {  	v15 =	vld.idx.msk [tilespmem:v2+s12+$0x0], $0xffff  }
0x16a: {  	v3 =	vor.u32 v37, v18;
	v13 =	vld.idx.msk [tilespmem:v5+s12+$0x0], $0xffff  }
0x16b: {  	v2 =	vor.u32 v39, v18;
	v22 =	vld.idx.msk [tilespmem:v1+s12+$0x0], $0xffff  }
0x16c: {  	v41 =	vor.u32 v40, v18;
	v17 =	vld.idx.msk [tilespmem:v6+s12+$0x0], $0xffff  }
0x16d: {  	v1 =	vor.u32 v36, v18;
	v46 =	vor.u32 v16, v18;
	v16 =	vld.idx.msk [tilespmem:v19+s12+$0x0], $0xffff  }
0x16e: {  	v23 =	vmul.f32 v32, v32;
	v6 =	vor.u32 v38, v18;
	v19 =	vld [tilespmem:$0x1FFD0]  }
0x16f: {  	v45 =	vor.u32 v44, v18;
	v26 =	vmul.f32 v33, v33;
	v34 =	vmul.f32 v31, v31;
	v9 =	vld.idx.msk [tilespmem:v3+s12+$0x0], $0xffff  }
0x170: {  	v20 =	vor.u32 v53, v18;
	v35 =	vmul.f32 v30, v30;
	v37 =	vmul.f32 v28, v28;
	v5 =	vld.idx.msk [tilespmem:v2+s12+$0x0], $0xffff  }
0x171: {  	v40 =	vor.u32 v54, v18;
	v39 =	vmul.f32 v25, v25;
	v36 =	vmul.f32 v29, v29;
	v2 =	vld.idx.msk [tilespmem:v41+s12+$0x0], $0xffff  }
0x172: {  	v38 =	vmul.f32 v27, v27;
	v3 =	vor.u32 v43, v18;
	v41 =	vmul.f32 v24, v24;
	v11 =	vld.idx.msk [tilespmem:v1+s12+$0x0], $0xffff  }
0x173: {  	v43 =	vor.u32 v55, v18;
	v44 =	vmul.f32 v21, v21;
	v47 =	vmul.f32 v15, v15;
	v7 =	vld.idx.msk [tilespmem:v6+s12+$0x0], $0xffff  }
0x174: {  	v36 =	vadd.f32 v37, v36;
	v37 =	vmul.f32 v8, v8;
	v38 =	vadd.f32 v39, v38;
	v6 =	vld.idx.msk [tilespmem:v45+s12+$0x0], $0xffff  }
0x175: {  	v39 =	vmul.f32 v10, v10;
	v1 =	vor.u32 v42, v18;
	v49 =	vor.u32 v19, v18;
	v18 =	vld.idx.msk [tilespmem:v20+s12+$0x0], $0xffff  }
0x176: {  	v34 =	vadd.f32 v35, v34;
	v48 =	vmul.f32 v13, v13;
	v42 =	vmul.f32 v22, v22;
	v19 =	vld.idx.msk [tilespmem:v40+s12+$0x0], $0xffff  }
0x177: {  	v37 =	vadd.f32 v39, v37;
	v45 =	vmul.f32 v17, v17;
	v3 =	vld.idx.msk [tilespmem:v3+s12+$0x0], $0xffff;
	v51 =	vmul.f32 v9, v9  }
0x178: {  	v36 =	vadd.f32 v38, v36;
	v53 =	vmul.f32 v5, v5;
	v40 =	vmul.f32 v2, v2;
	v20 =	vld.idx.msk [tilespmem:v43+s12+$0x0], $0xffff  }
0x179: {  	v43 =	vadd.f32 v26, v23;
	v23 =	vld.idx.msk [tilespmem:v46+s12+$0x0], $0xffff;
	v41 =	vadd.f32 v42, v41;
	v42 =	vmul.f32 v12, v12  }
0x17a: {  	v46 =	vadd.f32 v48, v47;
	v44 =	vadd.f32 v45, v44;
	v45 =	vmul.f32 v14, v14;
	v1 =	vld.idx.msk [tilespmem:v1+s12+$0x0], $0xffff  }
0x17b: {  	v47 =	vmul.f32 v16, v16;
	v34 =	vadd.f32 v34, v43;
	v50 =	vmul.f32 v11, v11;
	v26 =	vld.idx.msk [tilespmem:v49+s12+$0x0], $0xffff  }
0x17c: {  	v42 =	vadd.f32 v45, v42;
	v52 =	vmul.f32 v7, v7;
	v35 =	vmul.f32 v6, v6  }
0x17d: {  	v38 =	vadd.f32 v44, v41;
	v49 =	vmul.f32 v18, v18;
	v55 =	vmul.f32 v3, v3  }
0x17e: {  	v48 =	vadd.f32 v51, v50;
	v51 =	vmul.f32 v19, v19;
	v50 =	vadd.f32 v53, v52  }
0x17f: {  	v52 =	vmul.f32 v20, v20;
	v53 =	vmul.f32 v23, v23;
	v45 =	vadd.f32 v49, v47  }
0x180: {  	v35 =	vadd.f32 v35, v55;
	v54 =	vmul.f32 v1, v1;
	v39 =	vmul.f32 v26, v26  }
0x181: {  	v41 =	vadd.f32 v48, v46;
	v47 =	vadd.f32 v52, v51  }
0x182: {  	v40 =	vadd.f32 v54, v40;
	v39 =	vadd.f32 v39, v53  }
0x183: {  	v35 =	vadd.f32 v37, v35;
	v37 =	vadd.f32 v45, v42  }
0x184: {  	v40 =	vadd.f32 v40, v50;
	v39 =	vadd.f32 v39, v47  }
0x185: {  	v34 =	vadd.f32 v36, v34;
	v36 =	vadd.f32 v41, v38  }
0x186: {  	v35 =	vadd.f32 v35, v40;
	v37 =	vadd.f32 v39, v37;
	_ =	sdelay $0x1  }
0x187: {  	v34 =	vadd.f32 v36, v34;
	v35 =	vadd.f32 v37, v35;
	_ =	sdelay $0x1  }
0x188: {  	v34 =	vadd.f32 v35, v34;
	_ =	sdelay $0x1  }
0x189: {  	v35 =	vshrl.u32 v34, $0x1;
	v34 =	vmul.f32 $5.000000000e-01, v34  }
0x18a: {  	v35 =	vsub.s32 $0x5F3759DF, v35  }
0x18b: {  	v36 =	vmul.f32 v35, v34;
	_ =	sdelay $0x1  }
0x18c: {  	v36 =	vmul.f32 v35, v36;
	_ =	sdelay $0x1  }
0x18d: {  	v36 =	vsub.f32 $1.500000000e+00, v36;
	_ =	sdelay $0x1  }
0x18e: {  	v35 =	vmul.f32 v35, v36;
	_ =	sdelay $0x1  }
0x18f: {  	v36 =	vmul.f32 v35, v34;
	_ =	sdelay $0x1  }
0x190: {  	v36 =	vmul.f32 v36, v35;
	_ =	sdelay $0x1  }
0x191: {  	v36 =	vsub.f32 $1.500000000e+00, v36;
	_ =	sdelay $0x1  }
0x192: {  	v35 =	vmul.f32 v36, v35;
	_ =	sdelay $0x1  }
0x193: {  	v51 =	vld [tilespmem:$0x1FFA0];
	v34 =	vmul.f32 v35, v34  }
0x194: {  	v55 =	vld [tilespmem:$0x1FFE0]  }
0x195: {  	v34 =	vmul.f32 v34, v35  }
0x196: {  	v43 =	vld [tilespmem:$0x1FE40]  }
0x197: {  	v4 =	vshll.u32 v4, $0x9;
	v44 =	vld [tilespmem:$0x1FE50];
	v34 =	vsub.f32 $1.500000000e+00, v34  }
0x198: {  	v49 =	vld [tilespmem:$0x1FF80];
	v36 =	vor.u32 v51, v4  }
0x199: {  	v48 =	vld [tilespmem:$0x1FE90];
	v34 =	vmul.f32 v34, v35;
	v35 =	vor.u32 v55, v4  }
0x19a: {  	v46 =	vld [tilespmem:$0x1FE70];
	v37 =	vor.u32 v0, v4  }
0x19b: {  	v52 =	vld [tilespmem:$0x1FFB0];
	v0 =	vor.u32 v59, v4;
	v32 =	vmul.f32 v34, v32  }
0x19c: {  	v45 =	vld [tilespmem:$0x1FE60];
	v51 =	vor.u32 v62, v4;
	v33 =	vmul.f32 v34, v33  }
0x19d: {  	v42 =	vld [tilespmem:$0x1FE30];
	v55 =	vor.u32 v60, v4;
	v31 =	vmul.f32 v34, v31;
	[tilespmem:v36+s9+$0x0] =	vst.idx.msk $0xffff, v32  }
0x19e: {  	v41 =	vld [tilespmem:$0x1FE20];
	v30 =	vmul.f32 v34, v30;
	[tilespmem:v35+s9+$0x0] =	vst.idx.msk $0xffff, v33  }
0x19f: {  	v62 =	vld [tilespmem:$0x1FC80];
	v29 =	vmul.f32 v34, v29;
	[tilespmem:v37+s9+$0x0] =	vst.idx.msk $0xffff, v31  }
0x1a0: {  	v28 =	vmul.f32 v34, v28;
	[tilespmem:v0+s9+$0x0] =	vst.idx.msk $0xffff, v30;
	v0 =	vld [tilespmem:$0x1FEA0]  }
0x1a1: {  	v57 =	vor.u32 v57, v4;
	[tilespmem:v51+s9+$0x0] =	vst.idx.msk $0xffff, v29;
	v51 =	vld [tilespmem:$0x1FEB0]  }
0x1a2: {  	v59 =	vor.u32 v58, v4;
	[tilespmem:v55+s9+$0x0] =	vst.idx.msk $0xffff, v28;
	v55 =	vld [tilespmem:$0x1FEC0]  }
0x1a3: {  	v38 =	vld [tilespmem:$0x1FDF0];
	v60 =	vor.u32 v56, v4  }
0x1a4: {  	v54 =	vld [tilespmem:$0x1FFD0];
	v27 =	vmul.f32 v34, v27;
	v29 =	vor.u32 v62, v4  }
0x1a5: {  	v56 =	vld [tilespmem:$0x1FCB0];
	v25 =	vmul.f32 v34, v25;
	v28 =	vor.u32 v0, v4  }
0x1a6: {  	v24 =	vmul.f32 v34, v24;
	[tilespmem:v57+s9+$0x0] =	vst.idx.msk $0xffff, v27;
	v57 =	vld [tilespmem:$0x1FD00];
	v27 =	vor.u32 v51, v4  }
0x1a7: {  	v58 =	vld [tilespmem:$0x1FCC0];
	v22 =	vmul.f32 v34, v22;
	[tilespmem:v59+s9+$0x0] =	vst.idx.msk $0xffff, v25;
	v25 =	vor.u32 v55, v4  }
0x1a8: {  	v53 =	vld [tilespmem:$0x1FFC0];
	v21 =	vmul.f32 v34, v21;
	[tilespmem:v60+s9+$0x0] =	vst.idx.msk $0xffff, v24;
	v24 =	vor.u32 v63, v4  }
0x1a9: {  	v50 =	vld [tilespmem:$0x1FF90];
	v17 =	vmul.f32 v34, v17;
	[tilespmem:v29+s9+$0x0] =	vst.idx.msk $0xffff, v22;
	v22 =	vor.u32 v61, v4  }
0x1aa: {  	v47 =	vld [tilespmem:$0x1FE80];
	v15 =	vmul.f32 v34, v15;
	[tilespmem:v28+s9+$0x0] =	vst.idx.msk $0xffff, v21;
	v21 =	vor.u32 v56, v4  }
0x1ab: {  	v40 =	vld [tilespmem:$0x1FE10];
	v13 =	vmul.f32 v34, v13;
	[tilespmem:v27+s9+$0x0] =	vst.idx.msk $0xffff, v17;
	v17 =	vor.u32 v57, v4  }
0x1ac: {  	v11 =	vmul.f32 v34, v11;
	v31 =	vld [tilespmem:$0x1FF00];
	[tilespmem:v25+s9+$0x0] =	vst.idx.msk $0xffff, v15;
	v15 =	vor.u32 v58, v4  }
0x1ad: {  	v9 =	vmul.f32 v34, v9;
	v59 =	vld [tilespmem:$0x1FCD0];
	[tilespmem:v24+s9+$0x0] =	vst.idx.msk $0xffff, v13  }
0x1ae: {  	v7 =	vmul.f32 v34, v7;
	v28 =	vld [tilespmem:$0x1FED0];
	[tilespmem:v22+s9+$0x0] =	vst.idx.msk $0xffff, v11  }
0x1af: {  	v5 =	vmul.f32 v34, v5;
	v29 =	vld [tilespmem:$0x1FEE0];
	[tilespmem:v21+s9+$0x0] =	vst.idx.msk $0xffff, v9  }
0x1b0: {  	[tilespmem:v17+s9+$0x0] =	vst.idx.msk $0xffff, v7;
	v17 =	vld [tilespmem:$0x1FEF0]  }
0x1b1: {  	[tilespmem:v15+s9+$0x0] =	vst.idx.msk $0xffff, v5;
	v5 =	vld [tilespmem:$0x1FCE0]  }
0x1b2: {  	v30 =	vld [tilespmem:$0x1FF20];
	v60 =	vor.u32 v59, v4  }
0x1b3: {  	v51 =	vld [tilespmem:$0x1FF10];
	v61 =	vor.u32 v28, v4  }
0x1b4: {  	v39 =	vld [tilespmem:$0x1FE00];
	v62 =	vor.u32 v29, v4  }
0x1b5: {  	v2 =	vmul.f32 v34, v2;
	v36 =	vld [tilespmem:$0x1FDA0];
	v63 =	vor.u32 v17, v4  }
0x1b6: {  	v1 =	vmul.f32 v34, v1;
	v32 =	vmul.f32 v34, v3;
	v35 =	vld [tilespmem:$0x1FD90];
	v5 =	vor.u32 v5, v4  }
0x1b7: {  	v37 =	vld [tilespmem:$0x1FDC0];
	v33 =	vor.u32 v31, v4;
	v55 =	vmul.f32 v34, v6;
	[tilespmem:v60+s9+$0x0] =	vst.idx.msk $0xffff, v2  }
0x1b8: {  	v59 =	vor.u32 v30, v4;
	v30 =	vld [tilespmem:$0x1FF50];
	v56 =	vor.u32 v51, v4;
	[tilespmem:v61+s9+$0x0] =	vst.idx.msk $0xffff, v1  }
0x1b9: {  	v58 =	vmul.f32 v34, v8;
	[tilespmem:v62+s9+$0x0] =	vst.idx.msk $0xffff, v32;
	v62 =	vld [tilespmem:$0x1FCF0]  }
0x1ba: {  	v27 =	vld [tilespmem:$0x1FD10];
	v60 =	vmul.f32 v34, v10;
	[tilespmem:v63+s9+$0x0] =	vst.idx.msk $0xffff, v55  }
0x1bb: {  	v57 =	vld [tilespmem:$0x1FF40];
	v11 =	vmul.f32 v34, v12;
	[tilespmem:v5+s9+$0x0] =	vst.idx.msk $0xffff, v58  }
0x1bc: {  	v61 =	vld [tilespmem:$0x1FF30];
	v32 =	vmul.f32 v34, v14;
	[tilespmem:v33+s9+$0x0] =	vst.idx.msk $0xffff, v60  }
0x1bd: {  	v33 =	vld [tilespmem:$0x1FF60];
	[tilespmem:v56+s9+$0x0] =	vst.idx.msk $0xffff, v11  }
0x1be: {  	v63 =	vor.u32 v62, v4;
	[tilespmem:v59+s9+$0x0] =	vst.idx.msk $0xffff, v32;
	v59 =	vld [tilespmem:$0x1FF70]  }
0x1bf: {  	v25 =	vld [tilespmem:$0x1FD30];
	v31 =	vor.u32 v30, v4  }
0x1c0: {  	v24 =	vld [tilespmem:$0x1FD40];
	v51 =	vor.u32 v57, v4  }
0x1c1: {  	v22 =	vld [tilespmem:$0x1FD60];
	v55 =	vmul.f32 v34, v16;
	v56 =	vor.u32 v61, v4  }
0x1c2: {  	v21 =	vld [tilespmem:$0x1FDB0];
	v57 =	vmul.f32 v34, v18;
	v58 =	vor.u32 v33, v4  }
0x1c3: {  	p0 =	sne.s32 s21, $0x31;
	v18 =	vld [tilespmem:$0x1FDE0];
	v60 =	vmul.f32 v34, v19;
	[tilespmem:v63+s9+$0x0] =	vst.idx.msk $0xffff, v55;
	v4 =	vor.u32 v59, v4  }
.Ltmp0:
0x1c4: {  	v16 =	vld [tilespmem:$0x1FDD0];
	v61 =	vmul.f32 v34, v20;
	[tilespmem:v31+s9+$0x0] =	vst.idx.msk $0xffff, v57;
	(pc) =	sbr.rel @p0 .LBB2_3-.Ltmp0, $4  }
0x1c5: {  	v62 =	vmul.f32 v34, v23;
	v23 =	vld [tilespmem:$0x1FD50];
	[tilespmem:v51+s9+$0x0] =	vst.idx.msk $0xffff, v60  }
0x1c6: {  	v20 =	vld [tilespmem:$0x1FD70];
	v63 =	vmul.f32 v34, v26;
	[tilespmem:v56+s9+$0x0] =	vst.idx.msk $0xffff, v61  }
0x1c7: {  	v34 =	vld [tilespmem:$0x1FD80];
	[tilespmem:v58+s9+$0x0] =	vst.idx.msk $0xffff, v62  }
0x1c8: {  	s21 =	sadd.s32 $0x2, s21;
	v19 =	vlaneseq.u32;
	v26 =	vld [tilespmem:$0x1FD20];
	[tilespmem:v4+s9+$0x0] =	vst.idx.msk $0xffff, v63  }
0x1c9: {  	s21 =	sor.u32 s6, s20;
	s22 =	sand.u32 $0x60, s20  }
0x1ca: {  	p0 =	seq.s32 s21, $0x0;
	p1 =	sne.s32 s22, $0x0  }
0x1cb: {  	p0 =	por !p0, !p1  }
0x1cc: {  	s23 =	simm.s32 $0x1;
	p0 =	por !p0, !p0  }
0x1cd: {  	s21 =	sshrl.u32 s21, $0x7;
	s23 =	simm.s32 @!p0 $0x0  }
0x1ce: {  	s21 =	ssub.s32 s21, s23  }
0x1cf: {  	s21 =	sshll.u32 s21, $0xA  }
0x1d0: {  	s21 =	sor.u32 s22, s21  }
0x1d1: {  	s21 =	sshrl.u32 s21, $0x3  }
0x1d2: {  	s23 =	simm.s32 $0xCE40;
	s22 =	simm.s32 $0x200;
	s21 =	sadd.s32 s1, s21  }
0x1d3: {  	[hbm4b:s21+s3] =	stream.strided.scatter [tilespmem:s23], [sflag:$0x3], $0x80, s13, s3, $0x38;
	[tilespmem:$0x19640] =	vst v63  }
.LBB2_5:
0x1d4: {  	p0 =	sne.s32 s22, $0x18E00  }
.Ltmp1:
0x1d5: {  	_ = 	snop;
	(pc) =	sbr.rel @p0 .LBB2_5-.Ltmp1, $4  }
0x1d6: {  	_ = 	snop  }
0x1d7: {  	s23 =	sshra.s32 s22, $0x2;
	s22 =	sadd.s32 $0x200, s22  }
0x1d8: {  	s21 =	sadd.s32 $0x4000, s21;
	s23 =	sadd.s32 $0xCE40, s23  }
0x1d9: {  	[hbm4b:s21+s3] =	stream.strided.scatter [tilespmem:s23], [sflag:$0x3], $0x80, s13, s3, $0x38;
	[tilespmem:$0x19640] =	vst v63  }
0x1da: {  	_ =	swait.ge [sflag:s14], $0xA00  }
0x1db: {  	[sflag:s14] =	ssyncset.done $0x0  }
0x1dc: {  	[sflag:s14] =	ssyncadd.s32 $0xFFFFF600  }
0x1dd: {  	_ =	swait.ge [sflag:s14], $0xA00  }
0x1de: {  	[sflag:s14] =	ssyncset.done $0x0  }
0x1df: {  	[sflag:s14] =	ssyncadd.s32 $0xFFFFF600  }
0x1e0: {  	_ =	swait.ge [sflag:s14], $0xA00  }
0x1e1: {  	[sflag:s14] =	ssyncset.done $0x0  }
0x1e2: {  	[sflag:s14] =	ssyncadd.s32 $0xFFFFF600  }
0x1e3: {  	_ =	swait.ge [sflag:s14], $0xA00  }
0x1e4: {  	[sflag:s14] =	ssyncset.done $0x0  }
0x1e5: {  	[sflag:s14] =	ssyncadd.s32 $0xFFFFF600  }
0x1e6: {  	_ =	swait.ge [sflag:s14], $0xA00  }
0x1e7: {  	[sflag:s14] =	ssyncset.done $0x0  }
0x1e8: {  	[sflag:s14] =	ssyncadd.s32 $0xFFFFF600  }
0x1e9: {  	_ =	swait.ge [sflag:s14], $0xA00  }
0x1ea: {  	[sflag:s14] =	ssyncset.done $0x0  }
0x1eb: {  	[sflag:s14] =	ssyncadd.s32 $0xFFFFF600  }
0x1ec: {  	_ =	swait.ge [sflag:s14], $0xA00  }
0x1ed: {  	[sflag:s14] =	ssyncset.done $0x0  }
0x1ee: {  	[sflag:s14] =	ssyncadd.s32 $0xFFFFF600  }
0x1ef: {  	_ =	swait.ge [sflag:s14], $0xA00  }
0x1f0: {  	[sflag:s14] =	ssyncset.done $0x0  }
0x1f1: {  	[sflag:s14] =	ssyncadd.s32 $0xFFFFF600  }
0x1f2: {  	p0 =	seq.s32 s17, $0xF;
	_ =	swait.ge [sflag:s14], $0xA00  }
0x1f3: {  	s20 =	sadd.s32 @!p0 s20, s8;
	[sflag:s14] =	ssyncset.done $0x0  }
0x1f4: {  	s20 =	smul.u32 @!p0 $0x32, s20;
	[sflag:s14] =	ssyncadd.s32 $0xFFFFF600  }
0x1f5: {  	_ =	swait.ge [sflag:s14], $0xA00  }
0x1f6: {  	s20 =	sshrl.u32 @!p0 s20, $0x3;
	[sflag:s14] =	ssyncset.done $0x0  }
0x1f7: {  	s21 =	simm.s32 @!p0 $0x0;
	s20 =	sadd.s32 @!p0 s4, s20;
	[sflag:s14] =	ssyncadd.s32 $0xFFFFF600  }
0x1f8: {  	[tilespmem:s21], [sflag:$0x5] =	stream.linear.gather @!p0 [hbm4b:s20+s21], $0x320, $0x38;
	[tilespmem:$0x19640] =	vst v63  }
0x1f9: {  	s20 =	simm.s32 @!p0 $0x5  }
0x1fa: {  	_ =	swait.ge @!p0 [sflag:s20], $0x320  }
0x1fb: {  	[sflag:s20] =	ssyncset.done @!p0 $0x0  }
0x1fc: {  	s22 =	simm.s32 @!p0 $0x640;
	[sflag:s20] =	ssyncadd.s32 @!p0 $0xFFFFFCE0;
	s20 =	simm.s32 @!p0 $0x50  }
0x1fd: {  	[tilespmem:s22], [sflag:$0x1] =	stream.indirect.gather @!p0 [hbm4b:s5+s20], $0x20, s21, s20, $0xb8;
	[tilespmem:$0x19640] =	vst v63  }
0x1fe: {  	s21 =	simm.s32 @!p0 $0x1040  }
0x1ff: {  	[tilespmem:s21], [sflag:$0x1] =	stream.indirect.gather @!p0 [hbm4b:s5+s20], $0x20, s20, s20, $0xb8;
	[tilespmem:$0x19640] =	vst v63  }
0x200: {  	s22 =	simm.s32 @!p0 $0x1A40;
	s21 =	simm.s32 @!p0 $0xA0  }
0x201: {  	[tilespmem:s22], [sflag:$0x1] =	stream.indirect.gather @!p0 [hbm4b:s5+s20], $0x20, s21, s20, $0xb8;
	[tilespmem:$0x19640] =	vst v63  }
0x202: {  	s21 =	simm.s32 @!p0 $0xF0;
	s22 =	simm.s32 @!p0 $0x2440  }
0x203: {  	[tilespmem:s22], [sflag:$0x1] =	stream.indirect.gather @!p0 [hbm4b:s5+s20], $0x20, s21, s20, $0xb8;
	[tilespmem:$0x19640] =	vst v63  }
0x204: {  	s21 =	simm.s32 @!p0 $0x140;
	s22 =	simm.s32 @!p0 $0x2E40  }
0x205: {  	[tilespmem:s22], [sflag:$0x1] =	stream.indirect.gather @!p0 [hbm4b:s5+s20], $0x20, s21, s20, $0xb8;
	[tilespmem:$0x19640] =	vst v63  }
0x206: {  	s21 =	simm.s32 @!p0 $0x190;
	s22 =	simm.s32 @!p0 $0x3840  }
0x207: {  	[tilespmem:s22], [sflag:$0x1] =	stream.indirect.gather @!p0 [hbm4b:s5+s20], $0x20, s21, s20, $0xb8;
	[tilespmem:$0x19640] =	vst v63  }
0x208: {  	s21 =	simm.s32 @!p0 $0x1E0;
	s22 =	simm.s32 @!p0 $0x4240  }
0x209: {  	[tilespmem:s22], [sflag:$0x1] =	stream.indirect.gather @!p0 [hbm4b:s5+s20], $0x20, s21, s20, $0xb8;
	[tilespmem:$0x19640] =	vst v63  }
0x20a: {  	s21 =	simm.s32 @!p0 $0x230;
	s22 =	simm.s32 @!p0 $0x4C40  }
0x20b: {  	[tilespmem:s22], [sflag:$0x1] =	stream.indirect.gather @!p0 [hbm4b:s5+s20], $0x20, s21, s20, $0xb8;
	[tilespmem:$0x19640] =	vst v63  }
0x20c: {  	s21 =	simm.s32 @!p0 $0x280;
	s22 =	simm.s32 @!p0 $0x5640  }
0x20d: {  	[tilespmem:s22], [sflag:$0x1] =	stream.indirect.gather @!p0 [hbm4b:s5+s20], $0x20, s21, s20, $0xb8;
	[tilespmem:$0x19640] =	vst v63  }
0x20e: {  	p1 =	seq.s32 @!p0 s17, $0x0;
	s21 =	simm.s32 @!p0 $0x2D0;
	s22 =	simm.s32 @!p0 $0x6040  }
0x20f: {  	[tilespmem:s22], [sflag:$0x1] =	stream.indirect.gather @!p0 [hbm4b:s5+s20], $0x20, s21, s20, $0xb8;
	[tilespmem:$0x19640] =	vst v63  }
0x210: {  	p0 =	por p0, !p1  }
0x211: {  	_ =	swait.ge @p0 [sflag:s16], $0x6400  }
0x212: {  	[sflag:s16] =	ssyncset.done @p0 $0x0  }
0x213: {  	s20 =	simm.s32 $0x1;
	[sflag:s16] =	ssyncadd.s32 @p0 $0xFFFF9C00  }
.LBB2_7:
0x214: {  	s21 =	sadd.s32 $0xFFFFFFFF, s20;
	v0 =	vld [tilespmem:$0x1FC00]  }
0x215: {  	v28 =	vmov s21  }
0x216: {  	v1 =	vshll.u32 v28, $0x5  }
0x217: {  	v12 =	vadd.s32 v20, v1  }
0x218: {  	v1 =	vor.u32 v19, v12  }
0x219: {  	v2 =	vor.u32 v0, v12  }
0x21a: {  	v3 =	vor.u32 v21, v12  }
0x21b: {  	v4 =	vor.u32 v22, v12  }
0x21c: {  	v56 =	vld [tilespmem:$0x1FFF0];
	v5 =	vor.u32 v23, v12  }
0x21d: {  	v10 =	vor.u32 v24, v12;
	v32 =	vld.idx.msk [tilespmem:v1+s2+$0x0], $0xffff  }
0x21e: {  	v11 =	vor.u32 v25, v12;
	v33 =	vld.idx.msk [tilespmem:v2+s2+$0x0], $0xffff  }
0x21f: {  	v13 =	vor.u32 v26, v12;
	v31 =	vld.idx.msk [tilespmem:v3+s2+$0x0], $0xffff  }
0x220: {  	v14 =	vor.u32 v27, v12;
	v30 =	vld.idx.msk [tilespmem:v4+s2+$0x0], $0xffff  }
0x221: {  	v34 =	vor.u32 v34, v12;
	v29 =	vld.idx.msk [tilespmem:v5+s2+$0x0], $0xffff  }
0x222: {  	v35 =	vor.u32 v35, v12;
	v27 =	vld.idx.msk [tilespmem:v10+s2+$0x0], $0xffff  }
0x223: {  	v36 =	vor.u32 v36, v12;
	v26 =	vld.idx.msk [tilespmem:v11+s2+$0x0], $0xffff  }
0x224: {  	v37 =	vor.u32 v37, v12;
	v25 =	vld.idx.msk [tilespmem:v13+s2+$0x0], $0xffff  }
0x225: {  	v38 =	vor.u32 v38, v12;
	v24 =	vld.idx.msk [tilespmem:v14+s2+$0x0], $0xffff  }
0x226: {  	v39 =	vor.u32 v39, v12;
	v23 =	vld.idx.msk [tilespmem:v34+s2+$0x0], $0xffff  }
0x227: {  	v40 =	vor.u32 v40, v12;
	v22 =	vld.idx.msk [tilespmem:v35+s2+$0x0], $0xffff  }
0x228: {  	v41 =	vor.u32 v41, v12;
	v20 =	vld.idx.msk [tilespmem:v36+s2+$0x0], $0xffff  }
0x229: {  	v51 =	vor.u32 v42, v12;
	v17 =	vld.idx.msk [tilespmem:v37+s2+$0x0], $0xffff  }
0x22a: {  	v7 =	vor.u32 v43, v12;
	v13 =	vld.idx.msk [tilespmem:v38+s2+$0x0], $0xffff  }
0x22b: {  	v55 =	vor.u32 v44, v12;
	v10 =	vld.idx.msk [tilespmem:v39+s2+$0x0], $0xffff  }
0x22c: {  	v9 =	vor.u32 v45, v12;
	v8 =	vld.idx.msk [tilespmem:v40+s2+$0x0], $0xffff  }
0x22d: {  	v15 =	vor.u32 v56, v12;
	v6 =	vld.idx.msk [tilespmem:v41+s2+$0x0], $0xffff  }
0x22e: {  	v21 =	vor.u32 v48, v12;
	v4 =	vld.idx.msk [tilespmem:v51+s2+$0x0], $0xffff  }
0x22f: {  	v11 =	vor.u32 v16, v12;
	v2 =	vld.idx.msk [tilespmem:v7+s2+$0x0], $0xffff;
	v19 =	vmul.f32 v32, v32;
	v34 =	vmul.f32 v33, v33  }
0x230: {  	v14 =	vor.u32 v18, v12;
	v1 =	vld.idx.msk [tilespmem:v55+s2+$0x0], $0xffff;
	v35 =	vmul.f32 v31, v31;
	v36 =	vmul.f32 v30, v30  }
0x231: {  	v16 =	vor.u32 v46, v12;
	v3 =	vld.idx.msk [tilespmem:v9+s2+$0x0], $0xffff;
	v37 =	vmul.f32 v29, v29;
	v38 =	vmul.f32 v27, v27  }
0x232: {  	v18 =	vor.u32 v47, v12;
	v9 =	vld.idx.msk [tilespmem:v15+s2+$0x0], $0xffff;
	v39 =	vmul.f32 v26, v26;
	v58 =	vmul.f32 v25, v25  }
0x233: {  	v57 =	vor.u32 v49, v12;
	v21 =	vld.idx.msk [tilespmem:v21+s2+$0x0], $0xffff;
	v41 =	vmul.f32 v24, v24;
	v59 =	vmul.f32 v23, v23  }
0x234: {  	v15 =	vor.u32 v50, v12;
	v5 =	vld.idx.msk [tilespmem:v11+s2+$0x0], $0xffff;
	v43 =	vmul.f32 v22, v22;
	v44 =	vmul.f32 v20, v20  }
0x235: {  	v61 =	vor.u32 v54, v12;
	v7 =	vld.idx.msk [tilespmem:v14+s2+$0x0], $0xffff;
	v46 =	vmul.f32 v17, v17;
	v47 =	vmul.f32 v13, v13  }
0x236: {  	v11 =	vld.idx.msk [tilespmem:v16+s2+$0x0], $0xffff;
	v16 =	vor.u32 v52, v12;
	v49 =	vmul.f32 v10, v10;
	v62 =	vmul.f32 v8, v8  }
0x237: {  	v60 =	vor.u32 v53, v12;
	v18 =	vld.idx.msk [tilespmem:v18+s2+$0x0], $0xffff;
	v51 =	vmul.f32 v6, v6;
	v63 =	vmul.f32 v4, v4  }
0x238: {  	v14 =	vld.idx.msk [tilespmem:v57+s2+$0x0], $0xffff;
	v53 =	vmul.f32 v2, v2;
	v34 =	vadd.f32 v34, v19;
	v35 =	vadd.f32 v36, v35  }
0x239: {  	v15 =	vld.idx.msk [tilespmem:v15+s2+$0x0], $0xffff;
	v0 =	vmul.f32 v1, v1;
	v37 =	vadd.f32 v38, v37;
	v39 =	vadd.f32 v58, v39  }
0x23a: {  	v55 =	vmul.f32 v3, v3;
	v19 =	vld.idx.msk [tilespmem:v61+s2+$0x0], $0xffff;
	v41 =	vadd.f32 v59, v41;
	v43 =	vadd.f32 v44, v43  }
0x23b: {  	v58 =	vmul.f32 v9, v9;
	v45 =	vadd.f32 v47, v46;
	v47 =	vadd.f32 v62, v49;
	v12 =	vld.idx.msk [tilespmem:v16+s2+$0x0], $0xffff  }
0x23c: {  	v61 =	vmul.f32 v21, v21;
	v49 =	vadd.f32 v63, v51;
	v0 =	vadd.f32 v0, v53;
	v16 =	vld.idx.msk [tilespmem:v60+s2+$0x0], $0xffff  }
0x23d: {  	v34 =	vadd.f32 v35, v34;
	v57 =	vmul.f32 v5, v5;
	v38 =	vmul.f32 v7, v7  }
0x23e: {  	v0 =	vadd.f32 v0, v49;
	v59 =	vmul.f32 v11, v11;
	v60 =	vmul.f32 v18, v18  }
0x23f: {  	v62 =	vmul.f32 v14, v14;
	v63 =	vmul.f32 v15, v15;
	v36 =	vadd.f32 v57, v55  }
0x240: {  	v38 =	vadd.f32 v58, v38;
	v58 =	vmul.f32 v19, v19;
	v42 =	vadd.f32 v60, v59  }
0x241: {  	v59 =	vadd.f32 v62, v61;
	v56 =	vmul.f32 v12, v12;
	v57 =	vmul.f32 v16, v16  }
0x242: {  	v61 =	vadd.f32 v39, v37;
	v62 =	vadd.f32 v43, v41  }
0x243: {  	v60 =	vadd.f32 v56, v63;
	v40 =	vadd.f32 v58, v57  }
0x244: {  	v36 =	vadd.f32 v38, v36;
	v44 =	vadd.f32 v59, v42  }
0x245: {  	v63 =	vadd.f32 v47, v45;
	v40 =	vadd.f32 v40, v60  }
0x246: {  	v34 =	vadd.f32 v61, v34;
	v36 =	vadd.f32 v36, v0  }
0x247: {  	v45 =	vadd.f32 v63, v62;
	v46 =	vadd.f32 v40, v44;
	_ =	sdelay $0x1  }
0x248: {  	v34 =	vadd.f32 v45, v34;
	v47 =	vadd.f32 v46, v36;
	_ =	sdelay $0x1  }
0x249: {  	v34 =	vadd.f32 v47, v34;
	_ =	sdelay $0x1  }
0x24a: {  	v35 =	vshrl.u32 v34, $0x1;
	v34 =	vmul.f32 $5.000000000e-01, v34  }
0x24b: {  	v35 =	vsub.s32 $0x5F3759DF, v35  }
0x24c: {  	v48 =	vmul.f32 v35, v34;
	_ =	sdelay $0x1  }
0x24d: {  	v36 =	vmul.f32 v35, v48;
	_ =	sdelay $0x1  }
0x24e: {  	v36 =	vsub.f32 $1.500000000e+00, v36;
	_ =	sdelay $0x1  }
0x24f: {  	v35 =	vmul.f32 v35, v36;
	_ =	sdelay $0x1  }
0x250: {  	v36 =	vmul.f32 v35, v34  }
0x251: {  	v51 =	vld [tilespmem:$0x1FFE0]  }
0x252: {  	v49 =	vld [tilespmem:$0x1FFA0];
	v36 =	vmul.f32 v36, v35  }
0x253: {  	v39 =	vld [tilespmem:$0x1FC90]  }
0x254: {  	v41 =	vld [tilespmem:$0x1FCB0];
	v36 =	vsub.f32 $1.500000000e+00, v36  }
0x255: {  	v43 =	vld [tilespmem:$0x1FCC0]  }
0x256: {  	v59 =	vld [tilespmem:$0x1FC20];
	v35 =	vmul.f32 v36, v35  }
0x257: {  	v61 =	vld [tilespmem:$0x1FC70]  }
0x258: {  	v28 =	vshll.u32 v28, $0x9;
	v42 =	vld [tilespmem:$0x1FD00];
	v34 =	vmul.f32 v35, v34  }
0x259: {  	v50 =	vor.u32 v49, v28;
	v49 =	vld [tilespmem:$0x1FCE0]  }
0x25a: {  	v63 =	vld [tilespmem:$0x1FC10];
	v34 =	vmul.f32 v34, v35  }
0x25b: {  	v58 =	vld [tilespmem:$0x1FC60]  }
0x25c: {  	v62 =	vld [tilespmem:$0x1FC30];
	v34 =	vsub.f32 $1.500000000e+00, v34  }
0x25d: {  	v60 =	vld [tilespmem:$0x1FC40]  }
0x25e: {  	v52 =	vor.u32 v51, v28;
	v57 =	vld [tilespmem:$0x1FC50];
	v34 =	vmul.f32 v34, v35  }
0x25f: {  	v44 =	vld [tilespmem:$0x1FCD0];
	v53 =	vor.u32 v63, v28  }
0x260: {  	v56 =	vld [tilespmem:$0x1FC80];
	v54 =	vor.u32 v59, v28;
	v32 =	vmul.f32 v34, v32  }
0x261: {  	v40 =	vld [tilespmem:$0x1FCA0];
	v37 =	vor.u32 v58, v28;
	v55 =	vor.u32 v62, v28;
	v33 =	vmul.f32 v34, v33  }
0x262: {  	v46 =	vld [tilespmem:$0x1FED0];
	v0 =	vor.u32 v60, v28;
	v31 =	vmul.f32 v34, v31;
	[tilespmem:v50+s15+$0x0] =	vst.idx.msk $0xffff, v32  }
0x263: {  	v47 =	vld [tilespmem:$0x1FEE0];
	v36 =	vor.u32 v57, v28;
	v30 =	vmul.f32 v34, v30;
	[tilespmem:v52+s15+$0x0] =	vst.idx.msk $0xffff, v33  }
0x264: {  	v45 =	vor.u32 v44, v28;
	v44 =	vld [tilespmem:$0x1FF70];
	v29 =	vmul.f32 v34, v29;
	[tilespmem:v53+s15+$0x0] =	vst.idx.msk $0xffff, v31  }
0x265: {  	v48 =	vld [tilespmem:$0x1FEF0];
	v27 =	vmul.f32 v34, v27;
	[tilespmem:v54+s15+$0x0] =	vst.idx.msk $0xffff, v30  }
0x266: {  	v35 =	vld [tilespmem:$0x1FF50];
	v26 =	vmul.f32 v34, v26;
	[tilespmem:v55+s15+$0x0] =	vst.idx.msk $0xffff, v29  }
0x267: {  	v25 =	vmul.f32 v34, v25;
	[tilespmem:v0+s15+$0x0] =	vst.idx.msk $0xffff, v27;
	v27 =	vld [tilespmem:$0x1FEA0]  }
0x268: {  	[tilespmem:v36+s15+$0x0] =	vst.idx.msk $0xffff, v26;
	v26 =	vld [tilespmem:$0x1FEB0]  }
0x269: {  	v38 =	vor.u32 v61, v28;
	[tilespmem:v37+s15+$0x0] =	vst.idx.msk $0xffff, v25;
	v25 =	vld [tilespmem:$0x1FEC0]  }
0x26a: {  	v24 =	vmul.f32 v34, v24;
	v23 =	vmul.f32 v34, v23;
	v50 =	vor.u32 v49, v28;
	v49 =	vld [tilespmem:$0x1FC00]  }
0x26b: {  	v22 =	vmul.f32 v34, v22;
	v32 =	vmul.f32 v34, v11;
	v11 =	vld [tilespmem:$0x1FD90];
	v29 =	vor.u32 v56, v28  }
0x26c: {  	v20 =	vmul.f32 v34, v20;
	v17 =	vmul.f32 v34, v17;
	v52 =	vld [tilespmem:$0x1FF00];
	v27 =	vor.u32 v27, v28  }
0x26d: {  	v13 =	vmul.f32 v34, v13;
	v10 =	vmul.f32 v34, v10;
	v54 =	vld [tilespmem:$0x1FF10];
	v26 =	vor.u32 v26, v28  }
0x26e: {  	v8 =	vmul.f32 v34, v8;
	v6 =	vmul.f32 v34, v6;
	v30 =	vld [tilespmem:$0x1FCF0];
	v25 =	vor.u32 v25, v28  }
0x26f: {  	v4 =	vmul.f32 v34, v4;
	v0 =	vld [tilespmem:$0x1FD30];
	[tilespmem:v38+s15+$0x0] =	vst.idx.msk $0xffff, v24;
	v24 =	vor.u32 v39, v28  }
0x270: {  	v51 =	vmul.f32 v34, v3;
	v37 =	vld [tilespmem:$0x1FF40];
	[tilespmem:v29+s15+$0x0] =	vst.idx.msk $0xffff, v23;
	v23 =	vor.u32 v40, v28  }
0x271: {  	v3 =	vor.u32 v52, v28;
	v52 =	vld [tilespmem:$0x1FDB0];
	[tilespmem:v27+s15+$0x0] =	vst.idx.msk $0xffff, v22;
	v22 =	vor.u32 v41, v28  }
0x272: {  	v53 =	vmul.f32 v34, v5;
	v39 =	vld [tilespmem:$0x1FF30];
	[tilespmem:v26+s15+$0x0] =	vst.idx.msk $0xffff, v20;
	v20 =	vor.u32 v42, v28  }
0x273: {  	v5 =	vor.u32 v54, v28;
	v54 =	vld [tilespmem:$0x1FD50];
	[tilespmem:v25+s15+$0x0] =	vst.idx.msk $0xffff, v17;
	v17 =	vor.u32 v43, v28  }
0x274: {  	v2 =	vmul.f32 v34, v2;
	v40 =	vmul.f32 v34, v14;
	v14 =	vld [tilespmem:$0x1FDF0];
	[tilespmem:v24+s15+$0x0] =	vst.idx.msk $0xffff, v13  }
0x275: {  	v38 =	vor.u32 v37, v28;
	v37 =	vld [tilespmem:$0x1FE30];
	[tilespmem:v23+s15+$0x0] =	vst.idx.msk $0xffff, v10;
	v10 =	vor.u32 v46, v28  }
0x276: {  	v41 =	vld [tilespmem:$0x1FF60];
	v13 =	vmul.f32 v34, v9;
	[tilespmem:v22+s15+$0x0] =	vst.idx.msk $0xffff, v8;
	v8 =	vor.u32 v47, v28  }
0x277: {  	v9 =	vor.u32 v44, v28;
	v44 =	vld [tilespmem:$0x1FDE0];
	[tilespmem:v20+s15+$0x0] =	vst.idx.msk $0xffff, v6;
	v6 =	vor.u32 v48, v28  }
0x278: {  	v1 =	vmul.f32 v34, v1;
	v46 =	vmul.f32 v34, v12;
	v12 =	vld [tilespmem:$0x1FDA0];
	[tilespmem:v17+s15+$0x0] =	vst.idx.msk $0xffff, v4  }
0x279: {  	[tilespmem:v45+s15+$0x0] =	vst.idx.msk $0xffff, v2;
	v45 =	vld [tilespmem:$0x1FD70]  }
0x27a: {  	[tilespmem:v10+s15+$0x0] =	vst.idx.msk $0xffff, v1;
	v10 =	vld [tilespmem:$0x1FF20]  }
0x27b: {  	[tilespmem:v8+s15+$0x0] =	vst.idx.msk $0xffff, v51;
	v8 =	vld [tilespmem:$0x1FD20]  }
0x27c: {  	v55 =	vmul.f32 v34, v7;
	[tilespmem:v6+s15+$0x0] =	vst.idx.msk $0xffff, v53;
	v53 =	vld [tilespmem:$0x1FD60]  }
0x27d: {  	v33 =	vmul.f32 v34, v18;
	v6 =	vor.u32 v41, v28;
	v41 =	vld [tilespmem:$0x1FE60]  }
0x27e: {  	v36 =	vmul.f32 v34, v21;
	v43 =	vmul.f32 v34, v15;
	[tilespmem:v50+s15+$0x0] =	vst.idx.msk $0xffff, v55;
	v55 =	vld [tilespmem:$0x1FD40]  }
0x27f: {  	v51 =	vmul.f32 v34, v19;
	v50 =	vmul.f32 v34, v16;
	v34 =	vld [tilespmem:$0x1FE00]  }
0x280: {  	v4 =	vmov s20;
	[tilespmem:v3+s15+$0x0] =	vst.idx.msk $0xffff, v13;
	v13 =	vld [tilespmem:$0x1FDC0]  }
0x281: {  	v42 =	vshll.u32 v4, $0x5;
	v3 =	vor.u32 v35, v28;
	v35 =	vld [tilespmem:$0x1FE10]  }
0x282: {  	v18 =	vadd.s32 v45, v42;
	v42 =	vld [tilespmem:$0x1FDD0]  }
0x283: {  	v45 =	vld [tilespmem:$0x1FFF0];
	v7 =	vor.u32 v10, v28  }
0x284: {  	v31 =	vor.u32 v30, v28;
	v47 =	vlaneseq.u32;
	v10 =	vld [tilespmem:$0x1FD80]  }
0x285: {  	v48 =	vor.u32 v47, v18;
	v47 =	vld [tilespmem:$0x1FE70]  }
0x286: {  	v2 =	vor.u32 v52, v18;
	v52 =	vld [tilespmem:$0x1FF90]  }
0x287: {  	[tilespmem:v5+s15+$0x0] =	vst.idx.msk $0xffff, v32;
	v5 =	vor.u32 v53, v18;
	v53 =	vld [tilespmem:$0x1FFB0]  }
0x288: {  	v1 =	vor.u32 v39, v28;
	[tilespmem:v7+s15+$0x0] =	vst.idx.msk $0xffff, v33;
	v7 =	vor.u32 v49, v18;
	v49 =	vld [tilespmem:$0x1FE80]  }
0x289: {  	[tilespmem:v31+s15+$0x0] =	vst.idx.msk $0xffff, v36;
	v36 =	vld [tilespmem:$0x1FE20]  }
0x28a: {  	[tilespmem:v3+s15+$0x0] =	vst.idx.msk $0xffff, v40;
	v40 =	vld [tilespmem:$0x1FE50]  }
0x28b: {  	v3 =	vor.u32 v55, v18;
	v55 =	vld [tilespmem:$0x1FFD0]  }
0x28c: {  	[tilespmem:v38+s15+$0x0] =	vst.idx.msk $0xffff, v43;
	v38 =	vld [tilespmem:$0x1FE40]  }
0x28d: {  	[tilespmem:v1+s15+$0x0] =	vst.idx.msk $0xffff, v46;
	v1 =	vor.u32 v54, v18;
	v54 =	vld [tilespmem:$0x1FFC0]  }
0x28e: {  	[tilespmem:v6+s15+$0x0] =	vst.idx.msk $0xffff, v50;
	v50 =	vld [tilespmem:$0x1FE90]  }
0x28f: {  	[tilespmem:v9+s15+$0x0] =	vst.idx.msk $0xffff, v51;
	v9 =	vld [tilespmem:$0x1FD10]  }
0x290: {  	v51 =	vld [tilespmem:$0x1FF80]  }
0x291: {  	v32 =	vld.idx.msk [tilespmem:v48+s2+$0x0], $0xffff  }
0x292: {  	v6 =	vor.u32 v0, v18;
	v33 =	vld.idx.msk [tilespmem:v7+s2+$0x0], $0xffff  }
0x293: {  	v31 =	vld.idx.msk [tilespmem:v2+s2+$0x0], $0xffff;
	v2 =	vor.u32 v8, v18  }
0x294: {  	v28 =	vld.idx.msk [tilespmem:v3+s2+$0x0], $0xffff;
	v3 =	vor.u32 v11, v18  }
0x295: {  	v30 =	vld.idx.msk [tilespmem:v5+s2+$0x0], $0xffff;
	v48 =	vor.u32 v47, v18  }
0x296: {  	v29 =	vld.idx.msk [tilespmem:v1+s2+$0x0], $0xffff;
	v1 =	vor.u32 v10, v18  }
0x297: {  	v10 =	vor.u32 v44, v18;
	v27 =	vld.idx.msk [tilespmem:v6+s2+$0x0], $0xffff  }
0x298: {  	v46 =	vor.u32 v45, v18;
	v25 =	vld.idx.msk [tilespmem:v2+s2+$0x0], $0xffff  }
0x299: {  	v6 =	vor.u32 v12, v18;
	v21 =	vld.idx.msk [tilespmem:v3+s2+$0x0], $0xffff  }
0x29a: {  	v5 =	vor.u32 v9, v18;
	v12 =	vld.idx.msk [tilespmem:v48+s2+$0x0], $0xffff  }
0x29b: {  	v16 =	vor.u32 v49, v18;
	v22 =	vld.idx.msk [tilespmem:v1+s2+$0x0], $0xffff  }
0x29c: {  	v19 =	vor.u32 v50, v18;
	v8 =	vld.idx.msk [tilespmem:v10+s2+$0x0], $0xffff  }
0x29d: {  	v2 =	vor.u32 v13, v18;
	v10 =	vld.idx.msk [tilespmem:v46+s2+$0x0], $0xffff  }
0x29e: {  	v3 =	vor.u32 v35, v18;
	v17 =	vld.idx.msk [tilespmem:v6+s2+$0x0], $0xffff  }
0x29f: {  	v1 =	vor.u32 v34, v18;
	v24 =	vld.idx.msk [tilespmem:v5+s2+$0x0], $0xffff  }
0x2a0: {  	v6 =	vor.u32 v36, v18;
	v5 =	vor.u32 v14, v18;
	v14 =	vld.idx.msk [tilespmem:v16+s2+$0x0], $0xffff  }
0x2a1: {  	v43 =	vor.u32 v42, v18;
	v16 =	vld.idx.msk [tilespmem:v19+s2+$0x0], $0xffff  }
0x2a2: {  	v20 =	vor.u32 v51, v18;
	v15 =	vld.idx.msk [tilespmem:v2+s2+$0x0], $0xffff  }
0x2a3: {  	v0 =	vor.u32 v55, v18;
	v39 =	vor.u32 v38, v18;
	v23 =	vmul.f32 v32, v32;
	v9 =	vld.idx.msk [tilespmem:v3+s2+$0x0], $0xffff  }
0x2a4: {  	v26 =	vmul.f32 v33, v33;
	v35 =	vmul.f32 v30, v30;
	v2 =	vor.u32 v37, v18;
	v11 =	vld.idx.msk [tilespmem:v1+s2+$0x0], $0xffff  }
0x2a5: {  	v34 =	vmul.f32 v31, v31;
	v46 =	vor.u32 v54, v18;
	v36 =	vmul.f32 v29, v29;
	v7 =	vld.idx.msk [tilespmem:v6+s2+$0x0], $0xffff  }
0x2a6: {  	v38 =	vmul.f32 v27, v27;
	v3 =	vor.u32 v41, v18;
	v37 =	vmul.f32 v28, v28;
	v6 =	vld.idx.msk [tilespmem:v43+s2+$0x0], $0xffff  }
0x2a7: {  	v1 =	vor.u32 v40, v18;
	v40 =	vor.u32 v52, v18;
	v43 =	vor.u32 v53, v18;
	v18 =	vld.idx.msk [tilespmem:v20+s2+$0x0], $0xffff  }
0x2a8: {  	v44 =	vmul.f32 v21, v21;
	v42 =	vmul.f32 v22, v22;
	v13 =	vld.idx.msk [tilespmem:v5+s2+$0x0], $0xffff  }
0x2a9: {  	v36 =	vadd.f32 v37, v36;
	v37 =	vmul.f32 v8, v8;
	v45 =	vmul.f32 v17, v17;
	v5 =	vld.idx.msk [tilespmem:v2+s2+$0x0], $0xffff  }
0x2aa: {  	v34 =	vadd.f32 v35, v34;
	v41 =	vmul.f32 v24, v24;
	v2 =	vld.idx.msk [tilespmem:v39+s2+$0x0], $0xffff;
	v39 =	vmul.f32 v25, v25  }
0x2ab: {  	v3 =	vld.idx.msk [tilespmem:v3+s2+$0x0], $0xffff;
	v47 =	vmul.f32 v15, v15;
	v51 =	vmul.f32 v9, v9;
	v44 =	vadd.f32 v45, v44  }
0x2ac: {  	v45 =	vmul.f32 v14, v14;
	v41 =	vadd.f32 v42, v41;
	v42 =	vmul.f32 v12, v12;
	v1 =	vld.idx.msk [tilespmem:v1+s2+$0x0], $0xffff  }
0x2ad: {  	v50 =	vmul.f32 v11, v11;
	v38 =	vadd.f32 v39, v38;
	v52 =	vmul.f32 v7, v7;
	v20 =	vld.idx.msk [tilespmem:v43+s2+$0x0], $0xffff  }
0x2ae: {  	v43 =	vadd.f32 v26, v23;
	v35 =	vmul.f32 v6, v6;
	v26 =	vld.idx.msk [tilespmem:v0+s2+$0x0], $0xffff;
	v0 =	vmul.f32 v10, v10  }
0x2af: {  	v19 =	vld.idx.msk [tilespmem:v40+s2+$0x0], $0xffff;
	v49 =	vmul.f32 v18, v18;
	v42 =	vadd.f32 v45, v42;
	v48 =	vmul.f32 v13, v13  }
0x2b0: {  	v23 =	vld.idx.msk [tilespmem:v46+s2+$0x0], $0xffff;
	v36 =	vadd.f32 v38, v36;
	v38 =	vadd.f32 v44, v41;
	v53 =	vmul.f32 v5, v5  }
0x2b1: {  	v40 =	vmul.f32 v2, v2;
	v55 =	vmul.f32 v3, v3;
	v37 =	vadd.f32 v0, v37  }
0x2b2: {  	v34 =	vadd.f32 v34, v43;
	v46 =	vadd.f32 v48, v47;
	v47 =	vmul.f32 v16, v16  }
0x2b3: {  	v48 =	vadd.f32 v51, v50;
	v54 =	vmul.f32 v1, v1;
	v50 =	vadd.f32 v53, v52  }
0x2b4: {  	v51 =	vmul.f32 v19, v19;
	v35 =	vadd.f32 v35, v55;
	v52 =	vmul.f32 v20, v20  }
0x2b5: {  	v53 =	vmul.f32 v23, v23;
	v0 =	vmul.f32 v26, v26;
	v45 =	vadd.f32 v49, v47  }
0x2b6: {  	v40 =	vadd.f32 v54, v40;
	v35 =	vadd.f32 v37, v35  }
0x2b7: {  	v47 =	vadd.f32 v52, v51;
	v39 =	vadd.f32 v0, v53  }
0x2b8: {  	v0 =	vadd.f32 v48, v46;
	v37 =	vadd.f32 v45, v42  }
0x2b9: {  	v40 =	vadd.f32 v40, v50;
	v39 =	vadd.f32 v39, v47  }
0x2ba: {  	v34 =	vadd.f32 v36, v34;
	v0 =	vadd.f32 v0, v38  }
0x2bb: {  	v35 =	vadd.f32 v35, v40;
	v37 =	vadd.f32 v39, v37;
	_ =	sdelay $0x1  }
0x2bc: {  	v34 =	vadd.f32 v0, v34;
	v35 =	vadd.f32 v37, v35;
	_ =	sdelay $0x1  }
0x2bd: {  	v34 =	vadd.f32 v35, v34;
	_ =	sdelay $0x1  }
0x2be: {  	v35 =	vshrl.u32 v34, $0x1;
	v34 =	vmul.f32 $5.000000000e-01, v34  }
0x2bf: {  	v35 =	vsub.s32 $0x5F3759DF, v35  }
0x2c0: {  	v0 =	vmul.f32 v35, v34;
	_ =	sdelay $0x1  }
0x2c1: {  	v36 =	vmul.f32 v35, v0;
	_ =	sdelay $0x1  }
0x2c2: {  	v36 =	vsub.f32 $1.500000000e+00, v36;
	_ =	sdelay $0x1  }
0x2c3: {  	v35 =	vmul.f32 v35, v36;
	_ =	sdelay $0x1  }
0x2c4: {  	v36 =	vmul.f32 v35, v34;
	_ =	sdelay $0x1  }
0x2c5: {  	v36 =	vmul.f32 v36, v35;
	_ =	sdelay $0x1  }
0x2c6: {  	v36 =	vsub.f32 $1.500000000e+00, v36;
	_ =	sdelay $0x1  }
0x2c7: {  	v35 =	vmul.f32 v36, v35  }
0x2c8: {  	v44 =	vld [tilespmem:$0x1FE50]  }
0x2c9: {  	v51 =	vld [tilespmem:$0x1FFA0];
	v34 =	vmul.f32 v35, v34  }
0x2ca: {  	v55 =	vld [tilespmem:$0x1FFE0]  }
0x2cb: {  	v41 =	vld [tilespmem:$0x1FE20];
	v34 =	vmul.f32 v34, v35  }
0x2cc: {  	v43 =	vld [tilespmem:$0x1FE40]  }
0x2cd: {  	v4 =	vshll.u32 v4, $0x9;
	v49 =	vld [tilespmem:$0x1FF80];
	v34 =	vsub.f32 $1.500000000e+00, v34  }
0x2ce: {  	v54 =	vld [tilespmem:$0x1FFD0];
	v36 =	vor.u32 v51, v4  }
0x2cf: {  	v52 =	vld [tilespmem:$0x1FFB0];
	v34 =	vmul.f32 v34, v35;
	v35 =	vor.u32 v55, v4  }
0x2d0: {  	v63 =	vor.u32 v63, v4;
	v53 =	vld [tilespmem:$0x1FFC0]  }
0x2d1: {  	v48 =	vld [tilespmem:$0x1FE90];
	v0 =	vor.u32 v59, v4;
	v32 =	vmul.f32 v34, v32  }
0x2d2: {  	v46 =	vld [tilespmem:$0x1FE70];
	v33 =	vmul.f32 v34, v33  }
0x2d3: {  	v45 =	vld [tilespmem:$0x1FE60];
	v51 =	vor.u32 v62, v4;
	v31 =	vmul.f32 v34, v31;
	[tilespmem:v36+s15+$0x0] =	vst.idx.msk $0xffff, v32  }
0x2d4: {  	v42 =	vld [tilespmem:$0x1FE30];
	v55 =	vor.u32 v60, v4;
	v30 =	vmul.f32 v34, v30;
	[tilespmem:v35+s15+$0x0] =	vst.idx.msk $0xffff, v33  }
0x2d5: {  	[tilespmem:v63+s15+$0x0] =	vst.idx.msk $0xffff, v31;
	v63 =	vld [tilespmem:$0x1FEA0]  }
0x2d6: {  	v59 =	vor.u32 v57, v4;
	v29 =	vmul.f32 v34, v29;
	[tilespmem:v0+s15+$0x0] =	vst.idx.msk $0xffff, v30;
	v0 =	vld [tilespmem:$0x1FEB0]  }
0x2d7: {  	v60 =	vor.u32 v58, v4;
	v28 =	vmul.f32 v34, v28;
	v33 =	vld [tilespmem:$0x1FEC0]  }
0x2d8: {  	v62 =	vor.u32 v61, v4;
	[tilespmem:v51+s15+$0x0] =	vst.idx.msk $0xffff, v29;
	v51 =	vld [tilespmem:$0x1FC90]  }
0x2d9: {  	v27 =	vmul.f32 v34, v27;
	v29 =	vor.u32 v56, v4;
	[tilespmem:v55+s15+$0x0] =	vst.idx.msk $0xffff, v28;
	v55 =	vld [tilespmem:$0x1FCA0]  }
0x2da: {  	v25 =	vmul.f32 v34, v25;
	v56 =	vld [tilespmem:$0x1FCB0];
	v28 =	vor.u32 v63, v4  }
0x2db: {  	v57 =	vld [tilespmem:$0x1FD00];
	v24 =	vmul.f32 v34, v24;
	[tilespmem:v59+s15+$0x0] =	vst.idx.msk $0xffff, v27;
	v27 =	vor.u32 v0, v4  }
0x2dc: {  	v58 =	vld [tilespmem:$0x1FCC0];
	v22 =	vmul.f32 v34, v22;
	[tilespmem:v60+s15+$0x0] =	vst.idx.msk $0xffff, v25;
	v25 =	vor.u32 v33, v4  }
0x2dd: {  	v50 =	vld [tilespmem:$0x1FF90];
	v21 =	vmul.f32 v34, v21;
	[tilespmem:v62+s15+$0x0] =	vst.idx.msk $0xffff, v24;
	v24 =	vor.u32 v51, v4  }
0x2de: {  	v47 =	vld [tilespmem:$0x1FE80];
	v17 =	vmul.f32 v34, v17;
	[tilespmem:v29+s15+$0x0] =	vst.idx.msk $0xffff, v22;
	v22 =	vor.u32 v55, v4  }
0x2df: {  	v38 =	vld [tilespmem:$0x1FDF0];
	v15 =	vmul.f32 v34, v15;
	[tilespmem:v28+s15+$0x0] =	vst.idx.msk $0xffff, v21;
	v21 =	vor.u32 v56, v4  }
0x2e0: {  	v40 =	vld [tilespmem:$0x1FE10];
	v13 =	vmul.f32 v34, v13;
	[tilespmem:v27+s15+$0x0] =	vst.idx.msk $0xffff, v17;
	v17 =	vor.u32 v57, v4  }
0x2e1: {  	v11 =	vmul.f32 v34, v11;
	v31 =	vld [tilespmem:$0x1FF00];
	[tilespmem:v25+s15+$0x0] =	vst.idx.msk $0xffff, v15;
	v15 =	vor.u32 v58, v4  }
0x2e2: {  	v9 =	vmul.f32 v34, v9;
	v59 =	vld [tilespmem:$0x1FCD0];
	[tilespmem:v24+s15+$0x0] =	vst.idx.msk $0xffff, v13  }
0x2e3: {  	v7 =	vmul.f32 v34, v7;
	v28 =	vld [tilespmem:$0x1FED0];
	[tilespmem:v22+s15+$0x0] =	vst.idx.msk $0xffff, v11  }
0x2e4: {  	v5 =	vmul.f32 v34, v5;
	v29 =	vld [tilespmem:$0x1FEE0];
	[tilespmem:v21+s15+$0x0] =	vst.idx.msk $0xffff, v9  }
0x2e5: {  	[tilespmem:v17+s15+$0x0] =	vst.idx.msk $0xffff, v7;
	v17 =	vld [tilespmem:$0x1FEF0]  }
0x2e6: {  	[tilespmem:v15+s15+$0x0] =	vst.idx.msk $0xffff, v5;
	v5 =	vld [tilespmem:$0x1FCE0]  }
0x2e7: {  	v30 =	vld [tilespmem:$0x1FF20];
	v60 =	vor.u32 v59, v4  }
0x2e8: {  	v51 =	vld [tilespmem:$0x1FF10];
	v61 =	vor.u32 v28, v4  }
0x2e9: {  	v39 =	vld [tilespmem:$0x1FE00];
	v62 =	vor.u32 v29, v4  }
0x2ea: {  	v37 =	vld [tilespmem:$0x1FDC0];
	v2 =	vmul.f32 v34, v2;
	v63 =	vor.u32 v17, v4  }
0x2eb: {  	v1 =	vmul.f32 v34, v1;
	v36 =	vld [tilespmem:$0x1FDA0];
	v32 =	vmul.f32 v34, v3;
	v5 =	vor.u32 v5, v4  }
0x2ec: {  	v35 =	vld [tilespmem:$0x1FD90];
	v33 =	vor.u32 v31, v4;
	v55 =	vmul.f32 v34, v6;
	[tilespmem:v60+s15+$0x0] =	vst.idx.msk $0xffff, v2  }
0x2ed: {  	v59 =	vor.u32 v30, v4;
	v30 =	vld [tilespmem:$0x1FF50];
	v56 =	vor.u32 v51, v4;
	[tilespmem:v61+s15+$0x0] =	vst.idx.msk $0xffff, v1  }
0x2ee: {  	v58 =	vmul.f32 v34, v8;
	[tilespmem:v62+s15+$0x0] =	vst.idx.msk $0xffff, v32;
	v62 =	vld [tilespmem:$0x1FCF0]  }
0x2ef: {  	v27 =	vld [tilespmem:$0x1FD10];
	v60 =	vmul.f32 v34, v10;
	[tilespmem:v63+s15+$0x0] =	vst.idx.msk $0xffff, v55  }
0x2f0: {  	v57 =	vld [tilespmem:$0x1FF40];
	v11 =	vmul.f32 v34, v12;
	[tilespmem:v5+s15+$0x0] =	vst.idx.msk $0xffff, v58  }
0x2f1: {  	v61 =	vld [tilespmem:$0x1FF30];
	v32 =	vmul.f32 v34, v14;
	[tilespmem:v33+s15+$0x0] =	vst.idx.msk $0xffff, v60  }
0x2f2: {  	v33 =	vld [tilespmem:$0x1FF60];
	[tilespmem:v56+s15+$0x0] =	vst.idx.msk $0xffff, v11  }
0x2f3: {  	v63 =	vor.u32 v62, v4;
	[tilespmem:v59+s15+$0x0] =	vst.idx.msk $0xffff, v32;
	v59 =	vld [tilespmem:$0x1FF70]  }
0x2f4: {  	v25 =	vld [tilespmem:$0x1FD30];
	v31 =	vor.u32 v30, v4  }
0x2f5: {  	v24 =	vld [tilespmem:$0x1FD40];
	v51 =	vor.u32 v57, v4  }
0x2f6: {  	v22 =	vld [tilespmem:$0x1FD60];
	v55 =	vmul.f32 v34, v16;
	v56 =	vor.u32 v61, v4  }
0x2f7: {  	v21 =	vld [tilespmem:$0x1FDB0];
	v57 =	vmul.f32 v34, v18;
	v58 =	vor.u32 v33, v4  }
0x2f8: {  	p0 =	sne.s32 s20, $0x31;
	v18 =	vld [tilespmem:$0x1FDE0];
	v60 =	vmul.f32 v34, v19;
	[tilespmem:v63+s15+$0x0] =	vst.idx.msk $0xffff, v55;
	v4 =	vor.u32 v59, v4  }
.Ltmp2:
0x2f9: {  	v16 =	vld [tilespmem:$0x1FDD0];
	v61 =	vmul.f32 v34, v20;
	[tilespmem:v31+s15+$0x0] =	vst.idx.msk $0xffff, v57;
	(pc) =	sbr.rel @p0 .LBB2_7-.Ltmp2, $4  }
0x2fa: {  	v62 =	vmul.f32 v34, v23;
	v23 =	vld [tilespmem:$0x1FD50];
	[tilespmem:v51+s15+$0x0] =	vst.idx.msk $0xffff, v60  }
0x2fb: {  	v20 =	vld [tilespmem:$0x1FD70];
	v63 =	vmul.f32 v34, v26;
	[tilespmem:v56+s15+$0x0] =	vst.idx.msk $0xffff, v61  }
0x2fc: {  	v34 =	vld [tilespmem:$0x1FD80];
	[tilespmem:v58+s15+$0x0] =	vst.idx.msk $0xffff, v62  }
0x2fd: {  	s20 =	sadd.s32 $0x2, s20;
	v19 =	vlaneseq.u32;
	v26 =	vld [tilespmem:$0x1FD20];
	[tilespmem:v4+s15+$0x0] =	vst.idx.msk $0xffff, v63  }
0x2fe: {  	s19 =	sshll.u32 s19, $0x3  }
0x2ff: {  	s18 =	sand.u32 $0x70, s18;
	s19 =	sand.u32 $0x7FFFFC00, s19  }
0x300: {  	s18 =	sor.u32 s18, s19  }
0x301: {  	s18 =	sshrl.u32 s18, $0x3  }
0x302: {  	s23 =	simm.s32 $0x13240;
	s19 =	simm.s32 $0x200;
	s18 =	sadd.s32 s1, s18  }
0x303: {  	[hbm4b:s18+s3] =	stream.strided.scatter [tilespmem:s23], [sflag:$0x4], $0x80, s13, s3, $0x38;
	[tilespmem:$0x19640] =	vst v63  }
.LBB2_9:
0x304: {  	p0 =	sne.s32 s19, $0x18E00  }
.Ltmp3:
0x305: {  	_ = 	snop;
	(pc) =	sbr.rel @p0 .LBB2_9-.Ltmp3, $4  }
0x306: {  	_ = 	snop  }
0x307: {  	s20 =	sshra.s32 s19, $0x2;
	s19 =	sadd.s32 $0x200, s19  }
0x308: {  	s18 =	sadd.s32 $0x4000, s18;
	s20 =	sadd.s32 $0x13240, s20  }
0x309: {  	[hbm4b:s18+s3] =	stream.strided.scatter [tilespmem:s20], [sflag:$0x4], $0x80, s13, s3, $0x38;
	[tilespmem:$0x19640] =	vst v63  }
0x30a: {  	s17 =	sadd.s32 $0x1, s17  }
0x30b: {  	p0 =	sne.s32 s17, $0x10  }
.Ltmp4:
0x30c: {  	_ = 	snop;
	(pc) =	sbr.rel @p0 .LBB2_2-.Ltmp4, $1  }
0x30d: {  	_ =	sdelay $0x3  }
0x30e: {  	s17 =	simm.s32 $0x3  }
0x30f: {  	_ =	swait.ge [sflag:s17], $0x6400  }
0x310: {  	[sflag:s17] =	ssyncset.done $0x0  }
0x311: {  	[sflag:s17] =	ssyncadd.s32 $0xFFFF9C00  }
0x312: {  	_ =	swait.ge [sflag:s16], $0x6400  }
0x313: {  	s18 =	rddreg [dreg:$0x5]  }
0x314: {  	s23 =	rddreg [dreg:$0x4];
	s18 =	sadd.s32 $0x1, s18  }
0x315: {  	p0 =	sne.s32 s18, s23  }
.Ltmp5:
0x316: {  	_ = 	snop;
	(pc) =	sbr.rel @p0 .LBB2_1-.Ltmp5, $3  }
0x317: {  	_ =	sdelay $0x1  }
0x318: {  	[sflag:s16] =	ssyncset.done $0x0  }
0x319: {  	[sflag:s16] =	ssyncadd.s32 $0xFFFF9C00  }
0x31a: {  	_ =	sfence.sel $0x180000  }
0x31b: {  	[bflag:$0x0] =	sbarrier.arrive $0xFFFF  }
0x31c: {  	_ =	strace $0x90000047  }
0x31d: {  	s0 =	stileid.u32;
	[bflag:$0x2] =	sbarrier.arrive $0xFFFF  }
0x31e: {  	p0 =	sne.s32 s0, $0x0;
	s0 =	rddreg [dreg:$0x2]  }
0x31f: {  	s0 =	sadd.s32 @!p0 $0x100000, s0  }
0x320: {  	[sflag:s0] =	ssyncadd.tile.s32 @!p0 $0x1;
	_ =	shalt  }
.Lfunc_end2:
_tile_overlayer_lowered:
.L_overlay_start_2:
0x321: {  	(tag) =	ssettag $0x2  }
0x322: {  	s0 =	rddreg [dreg:$0x0];
	s2 =	stileid.u32  }
0x323: {  	s1 =	rddreg [dreg:$0x1];
	p0 =	sne.s32 s2, $0x0  }
0x324: {  	s3 =	rddreg [dreg:$0x2];
	[bflag:$0x3] =	sbarrier.arrive $0xFFFF;
	s2 =	simm.s32 @!p0 $0x1C05  }
0x325: {  	[timem:s3], [sflag:s2] =	dma.local @!p0 [hbm:s0], s1  }
0x326: {  	s0 =	simm.s32 @!p0 $0x5  }
0x327: {  	_ =	swait.ge @!p0 [sflag:s0], s1  }
0x328: {  	s1 =	ssub.s32 @!p0 $0x0, s1;
	[sflag:s0] =	ssyncset.done @!p0 $0x0  }
0x329: {  	[sflag:s0] =	ssyncadd.s32 @!p0 s1  }
0x32a: {  	[bflag:$0x3] =	sbarrier.arrive $0xFFFF  }
0x32b: {  	_ =	shalt  }

</sc_bundles>
